<compile_context>
chip_gen: v7x
topology: tpu7x:2x2x1
jax: 0.10.2.dev20260603
libtpu: 0.0.44.dev20260713+nightly
codegen_flags: <defaults>
</compile_context>

<pallas_src>
import functools

import jax
import jax.numpy as jnp
from jax import lax
from jax.experimental import pallas as pl
from jax.experimental.pallas import tpu as pltpu
from jax.experimental.pallas import tpu_sc as plsc

N = 10000
E = 320000
F = 128
NPAD = 10240
D = 8
G4 = 32
NC = 2
NS = 16
NW = NC * NS
EPW = E // NW
CH = 80
NBUF = 5
NCHT = EPW // CH
NGRP = NCHT // NBUF
RPT = NPAD // NS

_f32 = jnp.float32
_NT = (((1,), (1,)), ((), ()))


@functools.lru_cache(maxsize=1)
def _make_agg():
    mesh = plsc.VectorSubcoreMesh(core_axis_name="c", subcore_axis_name="s",
                                  num_cores=NC, num_subcores=NS)

    @functools.partial(
        pl.kernel,
        out_type=jax.ShapeDtypeStruct((NC, D, NPAD), _f32),
        mesh=mesh,
        compiler_params=pltpu.CompilerParams(use_tc_tiling_on_sc=False,
                                             needs_layout_passes=False),
        scratch_types=[
            pltpu.VMEM((NCHT, CH), jnp.int32),
            pltpu.VMEM((NCHT, CH), jnp.int32),
            pltpu.VMEM((2 * NBUF, CH, D), _f32),
            pltpu.VMEM_SHARED((NPAD, D), _f32),
            pltpu.VMEM_SHARED((NPAD, D), _f32),
            pltpu.VMEM((D, RPT), _f32),
            pltpu.VMEM((RPT, D), _f32),
            pltpu.SemaphoreType.DMA,
            pltpu.SemaphoreType.DMA,
        ],
    )
    def _agg(ut_hbm, e_hbm, pt_hbm,
             src_v, dst_v, rows_v, table_sh, u_sh, fm_v, nm_v, gsem, ssem):
        c = lax.axis_index("c")
        s = lax.axis_index("s")
        wid = s * NC + c
        lanes = lax.iota(jnp.int32, 16)
        pltpu.async_copy(e_hbm.at[0, wid], src_v, ssem)
        pltpu.async_copy(e_hbm.at[1, wid], dst_v, ssem)
        for f in range(D):
            pltpu.async_copy(ut_hbm.at[f, pl.ds(s * RPT, RPT)], fm_v.at[f],
                             gsem)
        for f in range(D):
            pltpu.make_async_copy(ut_hbm.at[f, pl.ds(s * RPT, RPT)],
                                  fm_v.at[f], gsem).wait()
        pltpu.make_async_copy(e_hbm.at[0, wid], src_v, ssem).wait()
        pltpu.make_async_copy(e_hbm.at[1, wid], dst_v, ssem).wait()

        def t_fwd(grp, carry):
            base = grp * 16
            ridx = base + lanes
            for f in range(D):
                vals = fm_v[f, pl.ds(base, 16)]
                plsc.store_scatter(nm_v, [ridx, jnp.full((16,), f, jnp.int32)],
                                   vals)
            return carry

        lax.fori_loop(0, RPT // 16, t_fwd, 0)
        pltpu.sync_copy(nm_v, u_sh.at[pl.ds(s * RPT, RPT)])
        pltpu.sync_copy(nm_v, table_sh.at[pl.ds(s * RPT, RPT)])
        plsc.subcore_barrier()
        u_hbm = u_sh

        def group(g, carry):
            slot_g = lax.rem(g, 2) * NBUF
            slot_p = lax.rem(g + 1, 2) * NBUF
            @pl.when(g >= 2)
            def _():
                for b in range(NBUF):
                    ch = (g - 2) * NBUF + b
                    pltpu.make_async_copy(rows_v.at[slot_g + b],
                                          table_sh.at[dst_v.at[ch]],
                                          ssem).wait()
            @pl.when(g < NGRP)
            def _():
                for b in range(NBUF):
                    ch = g * NBUF + b
                    pltpu.async_copy(u_hbm.at[src_v.at[ch]],
                                     rows_v.at[slot_g + b], gsem)
            @pl.when((g >= 1) & (g <= NGRP))
            def _():
                for b in range(NBUF):
                    ch = (g - 1) * NBUF + b
                    pltpu.make_async_copy(u_hbm.at[src_v.at[ch]],
                                          rows_v.at[slot_p + b], gsem).wait()
                for b in range(NBUF):
                    ch = (g - 1) * NBUF + b
                    pltpu.async_copy(rows_v.at[slot_p + b],
                                     table_sh.at[dst_v.at[ch]], ssem,
                                     add=True)
            return carry

        lax.fori_loop(0, NGRP + 2, group, 0)
        plsc.subcore_barrier()
        pltpu.sync_copy(table_sh.at[pl.ds(s * RPT, RPT)], nm_v)

        def t_bwd(grp, carry):
            base = grp * 16
            ridx = base + lanes
            for f in range(D):
                vals = plsc.load_gather(
                    nm_v, [ridx, jnp.full((16,), f, jnp.int32)])
                fm_v[f, pl.ds(base, 16)] = vals
            return carry

        lax.fori_loop(0, RPT // 16, t_bwd, 0)
        for f in range(D):
            pltpu.async_copy(fm_v.at[f], pt_hbm.at[c, f, pl.ds(s * RPT, RPT)],
                             gsem)
        for f in range(D):
            pltpu.make_async_copy(fm_v.at[f],
                                  pt_hbm.at[c, f, pl.ds(s * RPT, RPT)],
                                  gsem).wait()

    return _agg


def _proj_body(x_ref, w_ref, o_ref):
    o_ref[...] = lax.dot_general(w_ref[...], x_ref[...], _NT,
                                 preferred_element_type=_f32)


_proj = pl.pallas_call(
    _proj_body, out_shape=jax.ShapeDtypeStruct((D, N), _f32))


def _gin_body(u_ref, p0_ref, p1_ref, ba_ref, wb_ref, bb_ref, wna_ref,
              h_ref, v_ref):
    pre = p0_ref[...] + p1_ref[...] - u_ref[...] + ba_ref[...]
    t = jnp.maximum(pre, 0.0)
    h = jnp.dot(wb_ref[...], t, preferred_element_type=_f32) + bb_ref[...]
    h = jnp.maximum(h, 0.0)
    h_ref[...] = h
    v_ref[...] = jnp.dot(wna_ref[...], h, preferred_element_type=_f32)


_gin = pl.pallas_call(
    _gin_body,
    out_shape=(jax.ShapeDtypeStruct((D, NPAD), _f32),
               jax.ShapeDtypeStruct((D, NPAD), _f32)))


def _readout_body(v2_ref, p0_ref, p1_ref, b2a_ref, w2b_ref, b2b_ref,
                  h1_ref, h2_ref,
                  wih_f_ref, whh_f_ref, bias_f_ref,
                  wih_b_ref, whh_b_ref, bias_b_ref,
                  wattf_ref, wattb_ref, batt_ref,
                  wlin_ref, blin_ref, wfc1_ref, bfc1_ref,
                  wfc2_ref, bfc2_ref, o_ref):
    pre = p0_ref[...] + p1_ref[...] - v2_ref[...] + b2a_ref[...]
    t = jnp.maximum(pre, 0.0)
    h3 = jnp.dot(w2b_ref[...], t, preferred_element_type=_f32) + b2b_ref[...]
    h3 = jnp.maximum(h3, 0.0)
    x1, x2, x3 = h1_ref[...], h2_ref[...], h3

    def cell(x_t, h, c, wih, whh, bias):
        g = (jnp.dot(wih, x_t, preferred_element_type=_f32)
             + jnp.dot(whh, h, preferred_element_type=_f32) + bias)
        i = jax.nn.sigmoid(g[0:8])
        f = jax.nn.sigmoid(g[8:16])
        gg = jnp.tanh(g[16:24])
        o = jax.nn.sigmoid(g[24:32])
        c = f * c + i * gg
        return o * jnp.tanh(c), c

    z = jnp.zeros((D, NPAD), _f32)
    wf, hf, bf = wih_f_ref[...], whh_f_ref[...], bias_f_ref[...]
    wb, hb, bb = wih_b_ref[...], whh_b_ref[...], bias_b_ref[...]
    of1, cf = cell(x1, z, z, wf, hf, bf)
    of2, cf = cell(x2, of1, cf, wf, hf, bf)
    of3, cf = cell(x3, of2, cf, wf, hf, bf)
    q1, cb = cell(x3, z, z, wb, hb, bb)
    q2, cb = cell(x2, q1, cb, wb, hb, bb)
    q3, cb = cell(x1, q2, cb, wb, hb, bb)

    wattf, wattb = wattf_ref[...], wattb_ref[...]

    def att(of_t, ob_t):
        return (jnp.sum(of_t * wattf, axis=0, keepdims=True)
                + jnp.sum(ob_t * wattb, axis=0, keepdims=True)
                + batt_ref[...])

    a1, a2, a3 = att(of1, q3), att(of2, q2), att(of3, q1)
    m = jnp.maximum(a1, jnp.maximum(a2, a3))
    e1, e2, e3 = jnp.exp(a1 - m), jnp.exp(a2 - m), jnp.exp(a3 - m)
    ssum = e1 + e2 + e3
    jk = (e1 * x1 + e2 * x2 + e3 * x3) / ssum
    gl = (jnp.dot(wlin_ref[...], jk, preferred_element_type=_f32)
          + blin_ref[...])
    f1 = jnp.sum(gl * wfc1_ref[...], axis=0, keepdims=True) + bfc1_ref[...]
    f1 = jnp.where(f1 >= 0, f1, 0.01 * f1)
    val = jnp.sum(f1 * wfc2_ref[...]) + bfc2_ref[0, 0]
    o_ref[...] = val.reshape(1, 1)


_readout = pl.pallas_call(
    _readout_body, out_shape=jax.ShapeDtypeStruct((1, 1), _f32))


def _padm(w, r, c):
    return jnp.zeros((r, c), _f32).at[: w.shape[0], : w.shape[1]].set(w)


def _padb(b, n=D):
    return jnp.zeros((n, 1), _f32).at[: b.shape[0], 0].set(b)


def _pack_lstm(wih, whh, bih, bhh):
    wi = jnp.zeros((G4, D), _f32)
    wh = jnp.zeros((G4, D), _f32)
    bias = jnp.zeros((G4, 1), _f32)
    bsum = bih + bhh
    for k in range(4):
        wi = wi.at[k * 8 : k * 8 + 7, : wih.shape[1]].set(wih[k * 7 : (k + 1) * 7])
        wh = wh.at[k * 8 : k * 8 + 7, : whh.shape[1]].set(whh[k * 7 : (k + 1) * 7])
        bias = bias.at[k * 8 : k * 8 + 7, 0].set(bsum[k * 7 : (k + 1) * 7])
    return wi, wh, bias


def kernel(x, edge_index, W0a, b0a, W0b, b0b, W1a, b1a, W1b, b1b, W2a, b2a,
           W2b, b2b, lstm_Wih_f, lstm_Whh_f, lstm_bih_f, lstm_bhh_f,
           lstm_Wih_b, lstm_Whh_b, lstm_bih_b, lstm_bhh_b,
           Watt, batt, Wlin, blin, Wfc1, bfc1, Wfc2, bfc2):
    er = edge_index.reshape(2, NW, NCHT, CH)

    w0a_p = _padm(W0a, D, F)
    w0b_p = _padm(W0b, D, D)
    w1a_p = _padm(W1a, D, D)
    w1b_p = _padm(W1b, D, D)
    w2a_p = _padm(W2a, D, D)
    w2b_p = _padm(W2b, D, D)
    b0a_p, b0b_p = _padb(b0a), _padb(b0b)
    b1a_p, b1b_p = _padb(b1a), _padb(b1b)
    b2a_p, b2b_p = _padb(b2a), _padb(b2b)
    wih_f, whh_f, bias_f = _pack_lstm(lstm_Wih_f, lstm_Whh_f,
                                      lstm_bih_f, lstm_bhh_f)
    wih_b, whh_b, bias_b = _pack_lstm(lstm_Wih_b, lstm_Whh_b,
                                      lstm_bih_b, lstm_bhh_b)
    wattf = _padb(Watt[0, :7])
    wattb = _padb(Watt[0, 7:14])
    batt_p = batt.reshape(1, 1)
    wlin_p = _padm(Wlin, D, D)
    blin_p = _padb(blin)
    wfc1_p = _padb(Wfc1[0])
    bfc1_p = bfc1.reshape(1, 1)
    wfc2_p = jnp.zeros((1, NPAD), _f32).at[0, :N].set(Wfc2[0])
    bfc2_p = bfc2.reshape(1, 1)

    agg = _make_agg()
    u0T = jnp.pad(_proj(x, w0a_p), ((0, 0), (0, NPAD - N)))
    p0 = agg(u0T, er)
    h1T, v1T = _gin(u0T, p0[0], p0[1], b0a_p, w0b_p, b0b_p, w1a_p)
    p1 = agg(v1T, er)
    h2T, v2T = _gin(v1T, p1[0], p1[1], b1a_p, w1b_p, b1b_p, w2a_p)
    p2 = agg(v2T, er)
    res = _readout(v2T, p2[0], p2[1], b2a_p, w2b_p, b2b_p, h1T, h2T,
                   wih_f, whh_f, bias_f, wih_b, whh_b, bias_b,
                   wattf, wattb, batt_p, wlin_p, blin_p, wfc1_p, bfc1_p,
                   wfc2_p, bfc2_p)
    return res[0]

# --- scband reference (transcript-rebuilt; emitter-appended) ---
"""Pipeline reference for scband-gino-32658931319022 (READ-ONLY COPY).

The authoritative reference and input builder live on the scoring server;
editing this copy changes nothing except your own understanding.
"""

import jax, jax.numpy as jnp
import numpy as np

N_NODES = 10000
N_EDGES = 320000
NUM_FEATURES = 128
HIDDEN = 5
OUT_CH = 5
NUM_LAYERS = 3
LSTM_H = (NUM_LAYERS * HIDDEN) // 2  # 7, bidirectional JK-LSTM hidden size (PyG JumpingKnowledge)


def setup_inputs(seed: int = 0) -> dict:
    key = jax.random.key(seed)
    ks = iter(jax.random.split(key, 64))
    def p(shape, scale=0.1):
        return jax.random.normal(next(ks), shape, dtype=jnp.float32) * scale
    d = {}
    d["x"] = jax.random.normal(next(ks), (N_NODES, NUM_FEATURES), dtype=jnp.float32)
    d["edge_index"] = jax.random.randint(next(ks), (2, N_EDGES), 0, N_NODES, dtype=jnp.int32)
    for l in range(NUM_LAYERS):
        in_d = NUM_FEATURES if l == 0 else HIDDEN
        d[f"W{l}a"] = p((HIDDEN, in_d)); d[f"b{l}a"] = p((HIDDEN,))
        d[f"W{l}b"] = p((HIDDEN, HIDDEN)); d[f"b{l}b"] = p((HIDDEN,))
    for dr in ("f", "b"):
        d[f"lstm_Wih_{dr}"] = p((4 * LSTM_H, HIDDEN))
        d[f"lstm_Whh_{dr}"] = p((4 * LSTM_H, LSTM_H))
        d[f"lstm_bih_{dr}"] = p((4 * LSTM_H,))
        d[f"lstm_bhh_{dr}"] = p((4 * LSTM_H,))
    d["Watt"] = p((1, 2 * LSTM_H)); d["batt"] = p((1,))
    d["Wlin"] = p((OUT_CH, HIDDEN)); d["blin"] = p((OUT_CH,))
    d["Wfc1"] = p((1, OUT_CH)); d["bfc1"] = p((1,))
    d["Wfc2"] = p((1, N_NODES)); d["bfc2"] = p((1,))
    return d


def _gin_conv(x, edge_index, Wa, ba, Wb, bb):
    # GINConv with eps=0: mlp((1+eps)*x + sum_{j in N(i)} x_j)
    src, dst = edge_index[0], edge_index[1]
    agg = jnp.zeros(x.shape, dtype=x.dtype).at[dst].add(x[src])
    h = x + agg
    h = h @ Wa.T + ba
    h = jax.nn.relu(h)
    h = h @ Wb.T + bb
    return h


def _lstm_dir(X, Wih, Whh, bih, bhh):
    # PyTorch LSTM gate order: i, f, g, o
    Nn, T, _ = X.shape
    H = Whh.shape[1]
    h = jnp.zeros((Nn, H), X.dtype)
    c = jnp.zeros((Nn, H), X.dtype)
    outs = []
    for t in range(T):
        g = X[:, t] @ Wih.T + bih + h @ Whh.T + bhh
        i, f, gg, o = jnp.split(g, 4, axis=-1)
        i = jax.nn.sigmoid(i); f = jax.nn.sigmoid(f)
        gg = jnp.tanh(gg); o = jax.nn.sigmoid(o)
        c = f * c + i * gg
        h = o * jnp.tanh(c)
        outs.append(h)
    return jnp.stack(outs, axis=1)


def reference(x, edge_index, W0a, b0a, W0b, b0b, W1a, b1a, W1b, b1b, W2a, b2a, W2b, b2b,
              lstm_Wih_f, lstm_Whh_f, lstm_bih_f, lstm_bhh_f,
              lstm_Wih_b, lstm_Whh_b, lstm_bih_b, lstm_bhh_b,
              Watt, batt, Wlin, blin, Wfc1, bfc1, Wfc2, bfc2):
    xs = []
    h = x
    for (Wa, ba, Wb, bb) in ((W0a, b0a, W0b, b0b), (W1a, b1a, W1b, b1b), (W2a, b2a, W2b, b2b)):
        h = _gin_conv(h, edge_index, Wa, ba, Wb, bb)
        h = jax.nn.relu(h)  # BasicGNN applies act on every layer when jk is set; dropout omitted (eval)
        xs.append(h)
    X = jnp.stack(xs, axis=1)  # [N, L, HIDDEN]
    out_f = _lstm_dir(X, lstm_Wih_f, lstm_Whh_f, lstm_bih_f, lstm_bhh_f)
    out_b = _lstm_dir(X[:, ::-1], lstm_Wih_b, lstm_Whh_b, lstm_bih_b, lstm_bhh_b)[:, ::-1]
    out = jnp.concatenate([out_f, out_b], axis=-1)  # [N, L, 2*LSTM_H]
    alpha = (out @ Watt.T + batt)[..., 0]  # [N, L]
    alpha = jax.nn.softmax(alpha, axis=-1)
    jk = (X * alpha[..., None]).sum(axis=1)  # [N, HIDDEN]
    g = jk @ Wlin.T + blin  # [N, OUT_CH]
    f1 = (g @ Wfc1.T + bfc1)[:, 0]  # [N]
    f1 = jnp.where(f1 >= 0, f1, 0.01 * f1)  # LeakyReLU
    return f1 @ Wfc2.T + bfc2  # [1]

if __name__ == "__main__":
    import jax
    _d = setup_inputs()
    print(jax.jit(kernel)(*tuple(_d.values())))

</pallas_src>

<mosaic_0001>
#map = affine_map<(d0, d1) -> (0, 0)>
#map1 = affine_map<(d0, d1) -> (0, 0, 0, 0)>
#map2 = affine_map<(d0, d1) -> (0, 0, 0)>
module attributes {stable_mosaic.version = 14 : i64} {
  func.func @_agg(%arg0: i32, %arg1: i32, %arg2: memref<8x10240xf32, #tpu.memory_space<hbm>>, %arg3: memref<2x32x125x80xi32, #tpu.memory_space<hbm>>, %arg4: memref<2x8x10240xf32, #tpu.memory_space<hbm>>, %arg5: memref<125x80xi32, #tpu.memory_space<vmem>>, %arg6: memref<125x80xi32, #tpu.memory_space<vmem>>, %arg7: memref<10x80x8xf32, #tpu.memory_space<vmem>>, %arg8: memref<10240x8xf32, #tpu.memory_space<vmem_shared>>, %arg9: memref<10240x8xf32, #tpu.memory_space<vmem_shared>>, %arg10: memref<8x640xf32, #tpu.memory_space<vmem>>, %arg11: memref<640x8xf32, #tpu.memory_space<vmem>>, %arg12: memref<!tpu.dma_semaphore, #tpu.memory_space<semaphore_mem>>, %arg13: memref<!tpu.dma_semaphore, #tpu.memory_space<semaphore_mem>>) attributes {dimension_semantics = [#tpu.dimension_semantics<core_parallel>, #tpu.dimension_semantics<subcore_parallel>], iteration_bounds = array<i64: 2, 16>, scalar_prefetch = 0 : i64, scratch_operands = 9 : i64, tpu.core_type = #tpu.core_type<sc_vector_subcore>, window_params = [{transform_indices = #map}, {transform_indices = #map1}, {transform_indices = #map2}]} {
    %mul3A = arith.constant 2 : i32
    %mul3A_0 = arith.muli %arg1, %mul3A : i32
    %add3A = arith.addi %mul3A_0, %arg0 : i32
    %iota3A = tpu.iota {dimensions = array<i32: 0>} : vector<16xi32>
    %dma_start3A = arith.constant 0 : i32
    %dma_start3A_1 = arith.constant 0 : i32
    %dma_start3A_2 = arith.constant 0 : i32
    %dma_start3A_3 = tpu.memref_slice %arg3[%dma_start3A, %add3A, %dma_start3A_1, %dma_start3A_2] : memref<2x32x125x80xi32, #tpu.memory_space<hbm>> -> memref<1x1x125x80xi32, #tpu.memory_space<hbm>>
    %dma_start3A_4 = tpu.memref_squeeze %dma_start3A_3 : memref<1x1x125x80xi32, #tpu.memory_space<hbm>> -> memref<125x80xi32, #tpu.memory_space<hbm>>
    %dma_start3A_5 = arith.constant 0 : i32
    %dma_start3A_6 = arith.constant 0 : i32
    %dma_start3A_7 = tpu.memref_slice %arg3[%dma_start3A, %add3A, %dma_start3A_5, %dma_start3A_6] : memref<2x32x125x80xi32, #tpu.memory_space<hbm>> -> memref<1x1x125x80xi32, #tpu.memory_space<hbm>>
    %dma_start3A_8 = tpu.memref_squeeze %dma_start3A_7 : memref<1x1x125x80xi32, #tpu.memory_space<hbm>> -> memref<125x80xi32, #tpu.memory_space<hbm>>
    tpu.enqueue_dma source(%dma_start3A_8 : memref<125x80xi32, #tpu.memory_space<hbm>>) target(%arg5 : memref<125x80xi32, #tpu.memory_space<vmem>>) target_semaphore(%arg13 : memref<!tpu.dma_semaphore, #tpu.memory_space<semaphore_mem>>)
    %dma_start3A_9 = arith.constant 1 : i32
    %dma_start3A_10 = arith.constant 0 : i32
    %dma_start3A_11 = arith.constant 0 : i32
    %dma_start3A_12 = tpu.memref_slice %arg3[%dma_start3A_9, %add3A, %dma_start3A_10, %dma_start3A_11] : memref<2x32x125x80xi32, #tpu.memory_space<hbm>> -> memref<1x1x125x80xi32, #tpu.memory_space<hbm>>
    %dma_start3A_13 = tpu.memref_squeeze %dma_start3A_12 : memref<1x1x125x80xi32, #tpu.memory_space<hbm>> -> memref<125x80xi32, #tpu.memory_space<hbm>>
    %dma_start3A_14 = arith.constant 0 : i32
    %dma_start3A_15 = arith.constant 0 : i32
    %dma_start3A_16 = tpu.memref_slice %arg3[%dma_start3A_9, %add3A, %dma_start3A_14, %dma_start3A_15] : memref<2x32x125x80xi32, #tpu.memory_space<hbm>> -> memref<1x1x125x80xi32, #tpu.memory_space<hbm>>
    %dma_start3A_17 = tpu.memref_squeeze %dma_start3A_16 : memref<1x1x125x80xi32, #tpu.memory_space<hbm>> -> memref<125x80xi32, #tpu.memory_space<hbm>>
    tpu.enqueue_dma source(%dma_start3A_17 : memref<125x80xi32, #tpu.memory_space<hbm>>) target(%arg6 : memref<125x80xi32, #tpu.memory_space<vmem>>) target_semaphore(%arg13 : memref<!tpu.dma_semaphore, #tpu.memory_space<semaphore_mem>>)
    %mul3A_18 = arith.constant 640 : i32
    %mul3A_19 = arith.muli %arg1, %mul3A_18 : i32
    %dma_start3A_20 = arith.constant 0 : i32
    %dma_start3A_21 = arith.constant 0 : i32
    %dma_start3A_22 = arith.constant 0 : i32
    %dma_start3A_23 = tpu.memref_slice %arg10[%dma_start3A_21, %dma_start3A_22] : memref<8x640xf32, #tpu.memory_space<vmem>> -> memref<1x640xf32, #tpu.memory_space<vmem>>
    %dma_start3A_24 = tpu.memref_squeeze %dma_start3A_23 : memref<1x640xf32, #tpu.memory_space<vmem>> -> memref<640xf32, #tpu.memory_space<vmem>>
    %dma_start3A_25 = tpu.memref_slice %arg2[%dma_start3A_20, %mul3A_19] : memref<8x10240xf32, #tpu.memory_space<hbm>> -> memref<1x640xf32, #tpu.memory_space<hbm>>
    %dma_start3A_26 = tpu.memref_squeeze %dma_start3A_25 : memref<1x640xf32, #tpu.memory_space<hbm>> -> memref<640xf32, #tpu.memory_space<hbm>>
    %dma_start3A_27 = arith.constant 0 : i32
    %dma_start3A_28 = tpu.memref_slice %arg10[%dma_start3A_21, %dma_start3A_27] : memref<8x640xf32, #tpu.memory_space<vmem>> -> memref<1x640xf32, #tpu.memory_space<vmem>>
    %dma_start3A_29 = tpu.memref_squeeze %dma_start3A_28 : memref<1x640xf32, #tpu.memory_space<vmem>> -> memref<640xf32, #tpu.memory_space<vmem>>
    %dma_start3A_30 = tpu.memref_slice %arg2[%dma_start3A_20, %mul3A_19] : memref<8x10240xf32, #tpu.memory_space<hbm>> -> memref<1x640xf32, #tpu.memory_space<hbm>>
    %dma_start3A_31 = tpu.memref_squeeze %dma_start3A_30 : memref<1x640xf32, #tpu.memory_space<hbm>> -> memref<640xf32, #tpu.memory_space<hbm>>
    tpu.enqueue_dma source(%dma_start3A_31 : memref<640xf32, #tpu.memory_space<hbm>>) target(%dma_start3A_29 : memref<640xf32, #tpu.memory_space<vmem>>) target_semaphore(%arg12 : memref<!tpu.dma_semaphore, #tpu.memory_space<semaphore_mem>>)
    %mul3A_32 = arith.constant 640 : i32
    %mul3A_33 = arith.muli %arg1, %mul3A_32 : i32
    %dma_start3A_34 = arith.constant 1 : i32
    %dma_start3A_35 = arith.constant 1 : i32
    %dma_start3A_36 = arith.constant 0 : i32
    %dma_start3A_37 = tpu.memref_slice %arg10[%dma_start3A_35, %dma_start3A_36] : memref<8x640xf32, #tpu.memory_space<vmem>> -> memref<1x640xf32, #tpu.memory_space<vmem>>
    %dma_start3A_38 = tpu.memref_squeeze %dma_start3A_37 : memref<1x640xf32, #tpu.memory_space<vmem>> -> memref<640xf32, #tpu.memory_space<vmem>>
    %dma_start3A_39 = tpu.memref_slice %arg2[%dma_start3A_34, %mul3A_33] : memref<8x10240xf32, #tpu.memory_space<hbm>> -> memref<1x640xf32, #tpu.memory_space<hbm>>
    %dma_start3A_40 = tpu.memref_squeeze %dma_start3A_39 : memref<1x640xf32, #tpu.memory_space<hbm>> -> memref<640xf32, #tpu.memory_space<hbm>>
    %dma_start3A_41 = arith.constant 0 : i32
    %dma_start3A_42 = tpu.memref_slice %arg10[%dma_start3A_35, %dma_start3A_41] : memref<8x640xf32, #tpu.memory_space<vmem>> -> memref<1x640xf32, #tpu.memory_space<vmem>>
    %dma_start3A_43 = tpu.memref_squeeze %dma_start3A_42 : memref<1x640xf32, #tpu.memory_space<vmem>> -> memref<640xf32, #tpu.memory_space<vmem>>
    %dma_start3A_44 = tpu.memref_slice %arg2[%dma_start3A_34, %mul3A_33] : memref<8x10240xf32, #tpu.memory_space<hbm>> -> memref<1x640xf32, #tpu.memory_space<hbm>>
    %dma_start3A_45 = tpu.memref_squeeze %dma_start3A_44 : memref<1x640xf32, #tpu.memory_space<hbm>> -> memref<640xf32, #tpu.memory_space<hbm>>
    tpu.enqueue_dma source(%dma_start3A_45 : memref<640xf32, #tpu.memory_space<hbm>>) target(%dma_start3A_43 : memref<640xf32, #tpu.memory_space<vmem>>) target_semaphore(%arg12 : memref<!tpu.dma_semaphore, #tpu.memory_space<semaphore_mem>>)
    %mul3A_46 = arith.constant 640 : i32
    %mul3A_47 = arith.muli %arg1, %mul3A_46 : i32
    %dma_start3A_48 = arith.constant 2 : i32
    %dma_start3A_49 = arith.constant 2 : i32
    %dma_start3A_50 = arith.constant 0 : i32
    %dma_start3A_51 = tpu.memref_slice %arg10[%dma_start3A_49, %dma_start3A_50] : memref<8x640xf32, #tpu.memory_space<vmem>> -> memref<1x640xf32, #tpu.memory_space<vmem>>
    %dma_start3A_52 = tpu.memref_squeeze %dma_start3A_51 : memref<1x640xf32, #tpu.memory_space<vmem>> -> memref<640xf32, #tpu.memory_space<vmem>>
    %dma_start3A_53 = tpu.memref_slice %arg2[%dma_start3A_48, %mul3A_47] : memref<8x10240xf32, #tpu.memory_space<hbm>> -> memref<1x640xf32, #tpu.memory_space<hbm>>
    %dma_start3A_54 = tpu.memref_squeeze %dma_start3A_53 : memref<1x640xf32, #tpu.memory_space<hbm>> -> memref<640xf32, #tpu.memory_space<hbm>>
    %dma_start3A_55 = arith.constant 0 : i32
    %dma_start3A_56 = tpu.memref_slice %arg10[%dma_start3A_49, %dma_start3A_55] : memref<8x640xf32, #tpu.memory_space<vmem>> -> memref<1x640xf32, #tpu.memory_space<vmem>>
    %dma_start3A_57 = tpu.memref_squeeze %dma_start3A_56 : memref<1x640xf32, #tpu.memory_space<vmem>> -> memref<640xf32, #tpu.memory_space<vmem>>
    %dma_start3A_58 = tpu.memref_slice %arg2[%dma_start3A_48, %mul3A_47] : memref<8x10240xf32, #tpu.memory_space<hbm>> -> memref<1x640xf32, #tpu.memory_space<hbm>>
    %dma_start3A_59 = tpu.memref_squeeze %dma_start3A_58 : memref<1x640xf32, #tpu.memory_space<hbm>> -> memref<640xf32, #tpu.memory_space<hbm>>
    tpu.enqueue_dma source(%dma_start3A_59 : memref<640xf32, #tpu.memory_space<hbm>>) target(%dma_start3A_57 : memref<640xf32, #tpu.memory_space<vmem>>) target_semaphore(%arg12 : memref<!tpu.dma_semaphore, #tpu.memory_space<semaphore_mem>>)
    %mul3A_60 = arith.constant 640 : i32
    %mul3A_61 = arith.muli %arg1, %mul3A_60 : i32
    %dma_start3A_62 = arith.constant 3 : i32
    %dma_start3A_63 = arith.constant 3 : i32
    %dma_start3A_64 = arith.constant 0 : i32
    %dma_start3A_65 = tpu.memref_slice %arg10[%dma_start3A_63, %dma_start3A_64] : memref<8x640xf32, #tpu.memory_space<vmem>> -> memref<1x640xf32, #tpu.memory_space<vmem>>
    %dma_start3A_66 = tpu.memref_squeeze %dma_start3A_65 : memref<1x640xf32, #tpu.memory_space<vmem>> -> memref<640xf32, #tpu.memory_space<vmem>>
    %dma_start3A_67 = tpu.memref_slice %arg2[%dma_start3A_62, %mul3A_61] : memref<8x10240xf32, #tpu.memory_space<hbm>> -> memref<1x640xf32, #tpu.memory_space<hbm>>
    %dma_start3A_68 = tpu.memref_squeeze %dma_start3A_67 : memref<1x640xf32, #tpu.memory_space<hbm>> -> memref<640xf32, #tpu.memory_space<hbm>>
    %dma_start3A_69 = arith.constant 0 : i32
    %dma_start3A_70 = tpu.memref_slice %arg10[%dma_start3A_63, %dma_start3A_69] : memref<8x640xf32, #tpu.memory_space<vmem>> -> memref<1x640xf32, #tpu.memory_space<vmem>>
    %dma_start3A_71 = tpu.memref_squeeze %dma_start3A_70 : memref<1x640xf32, #tpu.memory_space<vmem>> -> memref<640xf32, #tpu.memory_space<vmem>>
    %dma_start3A_72 = tpu.memref_slice %arg2[%dma_start3A_62, %mul3A_61] : memref<8x10240xf32, #tpu.memory_space<hbm>> -> memref<1x640xf32, #tpu.memory_space<hbm>>
    %dma_start3A_73 = tpu.memref_squeeze %dma_start3A_72 : memref<1x640xf32, #tpu.memory_space<hbm>> -> memref<640xf32, #tpu.memory_space<hbm>>
    tpu.enqueue_dma source(%dma_start3A_73 : memref<640xf32, #tpu.memory_space<hbm>>) target(%dma_start3A_71 : memref<640xf32, #tpu.memory_space<vmem>>) target_semaphore(%arg12 : memref<!tpu.dma_semaphore, #tpu.memory_space<semaphore_mem>>)
    %mul3A_74 = arith.constant 640 : i32
    %mul3A_75 = arith.muli %arg1, %mul3A_74 : i32
    %dma_start3A_76 = arith.constant 4 : i32
    %dma_start3A_77 = arith.constant 4 : i32
    %dma_start3A_78 = arith.constant 0 : i32
    %dma_start3A_79 = tpu.memref_slice %arg10[%dma_start3A_77, %dma_start3A_78] : memref<8x640xf32, #tpu.memory_space<vmem>> -> memref<1x640xf32, #tpu.memory_space<vmem>>
    %dma_start3A_80 = tpu.memref_squeeze %dma_start3A_79 : memref<1x640xf32, #tpu.memory_space<vmem>> -> memref<640xf32, #tpu.memory_space<vmem>>
    %dma_start3A_81 = tpu.memref_slice %arg2[%dma_start3A_76, %mul3A_75] : memref<8x10240xf32, #tpu.memory_space<hbm>> -> memref<1x640xf32, #tpu.memory_space<hbm>>
    %dma_start3A_82 = tpu.memref_squeeze %dma_start3A_81 : memref<1x640xf32, #tpu.memory_space<hbm>> -> memref<640xf32, #tpu.memory_space<hbm>>
    %dma_start3A_83 = arith.constant 0 : i32
    %dma_start3A_84 = tpu.memref_slice %arg10[%dma_start3A_77, %dma_start3A_83] : memref<8x640xf32, #tpu.memory_space<vmem>> -> memref<1x640xf32, #tpu.memory_space<vmem>>
    %dma_start3A_85 = tpu.memref_squeeze %dma_start3A_84 : memref<1x640xf32, #tpu.memory_space<vmem>> -> memref<640xf32, #tpu.memory_space<vmem>>
    %dma_start3A_86 = tpu.memref_slice %arg2[%dma_start3A_76, %mul3A_75] : memref<8x10240xf32, #tpu.memory_space<hbm>> -> memref<1x640xf32, #tpu.memory_space<hbm>>
    %dma_start3A_87 = tpu.memref_squeeze %dma_start3A_86 : memref<1x640xf32, #tpu.memory_space<hbm>> -> memref<640xf32, #tpu.memory_space<hbm>>
    tpu.enqueue_dma source(%dma_start3A_87 : memref<640xf32, #tpu.memory_space<hbm>>) target(%dma_start3A_85 : memref<640xf32, #tpu.memory_space<vmem>>) target_semaphore(%arg12 : memref<!tpu.dma_semaphore, #tpu.memory_space<semaphore_mem>>)
    %mul3A_88 = arith.constant 640 : i32
    %mul3A_89 = arith.muli %arg1, %mul3A_88 : i32
    %dma_start3A_90 = arith.constant 5 : i32
    %dma_start3A_91 = arith.constant 5 : i32
    %dma_start3A_92 = arith.constant 0 : i32
    %dma_start3A_93 = tpu.memref_slice %arg10[%dma_start3A_91, %dma_start3A_92] : memref<8x640xf32, #tpu.memory_space<vmem>> -> memref<1x640xf32, #tpu.memory_space<vmem>>
    %dma_start3A_94 = tpu.memref_squeeze %dma_start3A_93 : memref<1x640xf32, #tpu.memory_space<vmem>> -> memref<640xf32, #tpu.memory_space<vmem>>
    %dma_start3A_95 = tpu.memref_slice %arg2[%dma_start3A_90, %mul3A_89] : memref<8x10240xf32, #tpu.memory_space<hbm>> -> memref<1x640xf32, #tpu.memory_space<hbm>>
    %dma_start3A_96 = tpu.memref_squeeze %dma_start3A_95 : memref<1x640xf32, #tpu.memory_space<hbm>> -> memref<640xf32, #tpu.memory_space<hbm>>
    %dma_start3A_97 = arith.constant 0 : i32
    %dma_start3A_98 = tpu.memref_slice %arg10[%dma_start3A_91, %dma_start3A_97] : memref<8x640xf32, #tpu.memory_space<vmem>> -> memref<1x640xf32, #tpu.memory_space<vmem>>
    %dma_start3A_99 = tpu.memref_squeeze %dma_start3A_98 : memref<1x640xf32, #tpu.memory_space<vmem>> -> memref<640xf32, #tpu.memory_space<vmem>>
    %dma_start3A_100 = tpu.memref_slice %arg2[%dma_start3A_90, %mul3A_89] : memref<8x10240xf32, #tpu.memory_space<hbm>> -> memref<1x640xf32, #tpu.memory_space<hbm>>
    %dma_start3A_101 = tpu.memref_squeeze %dma_start3A_100 : memref<1x640xf32, #tpu.memory_space<hbm>> -> memref<640xf32, #tpu.memory_space<hbm>>
    tpu.enqueue_dma source(%dma_start3A_101 : memref<640xf32, #tpu.memory_space<hbm>>) target(%dma_start3A_99 : memref<640xf32, #tpu.memory_space<vmem>>) target_semaphore(%arg12 : memref<!tpu.dma_semaphore, #tpu.memory_space<semaphore_mem>>)
    %mul3A_102 = arith.constant 640 : i32
    %mul3A_103 = arith.muli %arg1, %mul3A_102 : i32
    %dma_start3A_104 = arith.constant 6 : i32
    %dma_start3A_105 = arith.constant 6 : i32
    %dma_start3A_106 = arith.constant 0 : i32
    %dma_start3A_107 = tpu.memref_slice %arg10[%dma_start3A_105, %dma_start3A_106] : memref<8x640xf32, #tpu.memory_space<vmem>> -> memref<1x640xf32, #tpu.memory_space<vmem>>
    %dma_start3A_108 = tpu.memref_squeeze %dma_start3A_107 : memref<1x640xf32, #tpu.memory_space<vmem>> -> memref<640xf32, #tpu.memory_space<vmem>>
    %dma_start3A_109 = tpu.memref_slice %arg2[%dma_start3A_104, %mul3A_103] : memref<8x10240xf32, #tpu.memory_space<hbm>> -> memref<1x640xf32, #tpu.memory_space<hbm>>
    %dma_start3A_110 = tpu.memref_squeeze %dma_start3A_109 : memref<1x640xf32, #tpu.memory_space<hbm>> -> memref<640xf32, #tpu.memory_space<hbm>>
    %dma_start3A_111 = arith.constant 0 : i32
    %dma_start3A_112 = tpu.memref_slice %arg10[%dma_start3A_105, %dma_start3A_111] : memref<8x640xf32, #tpu.memory_space<vmem>> -> memref<1x640xf32, #tpu.memory_space<vmem>>
    %dma_start3A_113 = tpu.memref_squeeze %dma_start3A_112 : memref<1x640xf32, #tpu.memory_space<vmem>> -> memref<640xf32, #tpu.memory_space<vmem>>
    %dma_start3A_114 = tpu.memref_slice %arg2[%dma_start3A_104, %mul3A_103] : memref<8x10240xf32, #tpu.memory_space<hbm>> -> memref<1x640xf32, #tpu.memory_space<hbm>>
    %dma_start3A_115 = tpu.memref_squeeze %dma_start3A_114 : memref<1x640xf32, #tpu.memory_space<hbm>> -> memref<640xf32, #tpu.memory_space<hbm>>
    tpu.enqueue_dma source(%dma_start3A_115 : memref<640xf32, #tpu.memory_space<hbm>>) target(%dma_start3A_113 : memref<640xf32, #tpu.memory_space<vmem>>) target_semaphore(%arg12 : memref<!tpu.dma_semaphore, #tpu.memory_space<semaphore_mem>>)
    %mul3A_116 = arith.constant 640 : i32
    %mul3A_117 = arith.muli %arg1, %mul3A_116 : i32
    %dma_start3A_118 = arith.constant 7 : i32
    %dma_start3A_119 = arith.constant 7 : i32
    %dma_start3A_120 = arith.constant 0 : i32
    %dma_start3A_121 = tpu.memref_slice %arg10[%dma_start3A_119, %dma_start3A_120] : memref<8x640xf32, #tpu.memory_space<vmem>> -> memref<1x640xf32, #tpu.memory_space<vmem>>
    %dma_start3A_122 = tpu.memref_squeeze %dma_start3A_121 : memref<1x640xf32, #tpu.memory_space<vmem>> -> memref<640xf32, #tpu.memory_space<vmem>>
    %dma_start3A_123 = tpu.memref_slice %arg2[%dma_start3A_118, %mul3A_117] : memref<8x10240xf32, #tpu.memory_space<hbm>> -> memref<1x640xf32, #tpu.memory_space<hbm>>
    %dma_start3A_124 = tpu.memref_squeeze %dma_start3A_123 : memref<1x640xf32, #tpu.memory_space<hbm>> -> memref<640xf32, #tpu.memory_space<hbm>>
    %dma_start3A_125 = arith.constant 0 : i32
    %dma_start3A_126 = tpu.memref_slice %arg10[%dma_start3A_119, %dma_start3A_125] : memref<8x640xf32, #tpu.memory_space<vmem>> -> memref<1x640xf32, #tpu.memory_space<vmem>>
    %dma_start3A_127 = tpu.memref_squeeze %dma_start3A_126 : memref<1x640xf32, #tpu.memory_space<vmem>> -> memref<640xf32, #tpu.memory_space<vmem>>
    %dma_start3A_128 = tpu.memref_slice %arg2[%dma_start3A_118, %mul3A_117] : memref<8x10240xf32, #tpu.memory_space<hbm>> -> memref<1x640xf32, #tpu.memory_space<hbm>>
    %dma_start3A_129 = tpu.memref_squeeze %dma_start3A_128 : memref<1x640xf32, #tpu.memory_space<hbm>> -> memref<640xf32, #tpu.memory_space<hbm>>
    tpu.enqueue_dma source(%dma_start3A_129 : memref<640xf32, #tpu.memory_space<hbm>>) target(%dma_start3A_127 : memref<640xf32, #tpu.memory_space<vmem>>) target_semaphore(%arg12 : memref<!tpu.dma_semaphore, #tpu.memory_space<semaphore_mem>>)
    %mul3A_130 = arith.constant 640 : i32
    %mul3A_131 = arith.muli %arg1, %mul3A_130 : i32
    %dma_wait3A = arith.constant 0 : i32
    %dma_wait3A_132 = arith.constant 0 : i32
    %dma_wait3A_133 = arith.constant 0 : i32
    %dma_wait3A_134 = tpu.memref_slice %arg10[%dma_wait3A_132, %dma_wait3A_133] : memref<8x640xf32, #tpu.memory_space<vmem>> -> memref<1x640xf32, #tpu.memory_space<vmem>>
    %dma_wait3A_135 = tpu.memref_squeeze %dma_wait3A_134 : memref<1x640xf32, #tpu.memory_space<vmem>> -> memref<640xf32, #tpu.memory_space<vmem>>
    %dma_wait3A_136 = tpu.memref_slice %arg2[%dma_wait3A, %mul3A_131] : memref<8x10240xf32, #tpu.memory_space<hbm>> -> memref<1x640xf32, #tpu.memory_space<hbm>>
    %dma_wait3A_137 = tpu.memref_squeeze %dma_wait3A_136 : memref<1x640xf32, #tpu.memory_space<hbm>> -> memref<640xf32, #tpu.memory_space<hbm>>
    %dma_wait3A_138 = arith.constant 0 : i32
    %dma_wait3A_139 = tpu.memref_slice %arg10[%dma_wait3A_132, %dma_wait3A_138] : memref<8x640xf32, #tpu.memory_space<vmem>> -> memref<1x640xf32, #tpu.memory_space<vmem>>
    %dma_wait3A_140 = tpu.memref_squeeze %dma_wait3A_139 : memref<1x640xf32, #tpu.memory_space<vmem>> -> memref<640xf32, #tpu.memory_space<vmem>>
    %dma_wait3A_141 = tpu.memref_slice %arg2[%dma_wait3A, %mul3A_131] : memref<8x10240xf32, #tpu.memory_space<hbm>> -> memref<1x640xf32, #tpu.memory_space<hbm>>
    %dma_wait3A_142 = tpu.memref_squeeze %dma_wait3A_141 : memref<1x640xf32, #tpu.memory_space<hbm>> -> memref<640xf32, #tpu.memory_space<hbm>>
    tpu.wait_dma2 semaphore(%arg12 : memref<!tpu.dma_semaphore, #tpu.memory_space<semaphore_mem>>) src(%dma_wait3A_142 : memref<640xf32, #tpu.memory_space<hbm>>) dst(%dma_wait3A_140 : memref<640xf32, #tpu.memory_space<vmem>>)
    %mul3A_143 = arith.constant 640 : i32
    %mul3A_144 = arith.muli %arg1, %mul3A_143 : i32
    %dma_wait3A_145 = arith.constant 1 : i32
    %dma_wait3A_146 = arith.constant 1 : i32
    %dma_wait3A_147 = arith.constant 0 : i32
    %dma_wait3A_148 = tpu.memref_slice %arg10[%dma_wait3A_146, %dma_wait3A_147] : memref<8x640xf32, #tpu.memory_space<vmem>> -> memref<1x640xf32, #tpu.memory_space<vmem>>
    %dma_wait3A_149 = tpu.memref_squeeze %dma_wait3A_148 : memref<1x640xf32, #tpu.memory_space<vmem>> -> memref<640xf32, #tpu.memory_space<vmem>>
    %dma_wait3A_150 = tpu.memref_slice %arg2[%dma_wait3A_145, %mul3A_144] : memref<8x10240xf32, #tpu.memory_space<hbm>> -> memref<1x640xf32, #tpu.memory_space<hbm>>
    %dma_wait3A_151 = tpu.memref_squeeze %dma_wait3A_150 : memref<1x640xf32, #tpu.memory_space<hbm>> -> memref<640xf32, #tpu.memory_space<hbm>>
    %dma_wait3A_152 = arith.constant 0 : i32
    %dma_wait3A_153 = tpu.memref_slice %arg10[%dma_wait3A_146, %dma_wait3A_152] : memref<8x640xf32, #tpu.memory_space<vmem>> -> memref<1x640xf32, #tpu.memory_space<vmem>>
    %dma_wait3A_154 = tpu.memref_squeeze %dma_wait3A_153 : memref<1x640xf32, #tpu.memory_space<vmem>> -> memref<640xf32, #tpu.memory_space<vmem>>
    %dma_wait3A_155 = tpu.memref_slice %arg2[%dma_wait3A_145, %mul3A_144] : memref<8x10240xf32, #tpu.memory_space<hbm>> -> memref<1x640xf32, #tpu.memory_space<hbm>>
    %dma_wait3A_156 = tpu.memref_squeeze %dma_wait3A_155 : memref<1x640xf32, #tpu.memory_space<hbm>> -> memref<640xf32, #tpu.memory_space<hbm>>
    tpu.wait_dma2 semaphore(%arg12 : memref<!tpu.dma_semaphore, #tpu.memory_space<semaphore_mem>>) src(%dma_wait3A_156 : memref<640xf32, #tpu.memory_space<hbm>>) dst(%dma_wait3A_154 : memref<640xf32, #tpu.memory_space<vmem>>)
    %mul3A_157 = arith.constant 640 : i32
    %mul3A_158 = arith.muli %arg1, %mul3A_157 : i32
    %dma_wait3A_159 = arith.constant 2 : i32
    %dma_wait3A_160 = arith.constant 2 : i32
    %dma_wait3A_161 = arith.constant 0 : i32
    %dma_wait3A_162 = tpu.memref_slice %arg10[%dma_wait3A_160, %dma_wait3A_161] : memref<8x640xf32, #tpu.memory_space<vmem>> -> memref<1x640xf32, #tpu.memory_space<vmem>>
    %dma_wait3A_163 = tpu.memref_squeeze %dma_wait3A_162 : memref<1x640xf32, #tpu.memory_space<vmem>> -> memref<640xf32, #tpu.memory_space<vmem>>
    %dma_wait3A_164 = tpu.memref_slice %arg2[%dma_wait3A_159, %mul3A_158] : memref<8x10240xf32, #tpu.memory_space<hbm>> -> memref<1x640xf32, #tpu.memory_space<hbm>>
    %dma_wait3A_165 = tpu.memref_squeeze %dma_wait3A_164 : memref<1x640xf32, #tpu.memory_space<hbm>> -> memref<640xf32, #tpu.memory_space<hbm>>
    %dma_wait3A_166 = arith.constant 0 : i32
    %dma_wait3A_167 = tpu.memref_slice %arg10[%dma_wait3A_160, %dma_wait3A_166] : memref<8x640xf32, #tpu.memory_space<vmem>> -> memref<1x640xf32, #tpu.memory_space<vmem>>
    %dma_wait3A_168 = tpu.memref_squeeze %dma_wait3A_167 : memref<1x640xf32, #tpu.memory_space<vmem>> -> memref<640xf32, #tpu.memory_space<vmem>>
    %dma_wait3A_169 = tpu.memref_slice %arg2[%dma_wait3A_159, %mul3A_158] : memref<8x10240xf32, #tpu.memory_space<hbm>> -> memref<1x640xf32, #tpu.memory_space<hbm>>
    %dma_wait3A_170 = tpu.memref_squeeze %dma_wait3A_169 : memref<1x640xf32, #tpu.memory_space<hbm>> -> memref<640xf32, #tpu.memory_space<hbm>>
    tpu.wait_dma2 semaphore(%arg12 : memref<!tpu.dma_semaphore, #tpu.memory_space<semaphore_mem>>) src(%dma_wait3A_170 : memref<640xf32, #tpu.memory_space<hbm>>) dst(%dma_wait3A_168 : memref<640xf32, #tpu.memory_space<vmem>>)
    %mul3A_171 = arith.constant 640 : i32
    %mul3A_172 = arith.muli %arg1, %mul3A_171 : i32
    %dma_wait3A_173 = arith.constant 3 : i32
    %dma_wait3A_174 = arith.constant 3 : i32
    %dma_wait3A_175 = arith.constant 0 : i32
    %dma_wait3A_176 = tpu.memref_slice %arg10[%dma_wait3A_174, %dma_wait3A_175] : memref<8x640xf32, #tpu.memory_space<vmem>> -> memref<1x640xf32, #tpu.memory_space<vmem>>
    %dma_wait3A_177 = tpu.memref_squeeze %dma_wait3A_176 : memref<1x640xf32, #tpu.memory_space<vmem>> -> memref<640xf32, #tpu.memory_space<vmem>>
    %dma_wait3A_178 = tpu.memref_slice %arg2[%dma_wait3A_173, %mul3A_172] : memref<8x10240xf32, #tpu.memory_space<hbm>> -> memref<1x640xf32, #tpu.memory_space<hbm>>
    %dma_wait3A_179 = tpu.memref_squeeze %dma_wait3A_178 : memref<1x640xf32, #tpu.memory_space<hbm>> -> memref<640xf32, #tpu.memory_space<hbm>>
    %dma_wait3A_180 = arith.constant 0 : i32
    %dma_wait3A_181 = tpu.memref_slice %arg10[%dma_wait3A_174, %dma_wait3A_180] : memref<8x640xf32, #tpu.memory_space<vmem>> -> memref<1x640xf32, #tpu.memory_space<vmem>>
    %dma_wait3A_182 = tpu.memref_squeeze %dma_wait3A_181 : memref<1x640xf32, #tpu.memory_space<vmem>> -> memref<640xf32, #tpu.memory_space<vmem>>
    %dma_wait3A_183 = tpu.memref_slice %arg2[%dma_wait3A_173, %mul3A_172] : memref<8x10240xf32, #tpu.memory_space<hbm>> -> memref<1x640xf32, #tpu.memory_space<hbm>>
    %dma_wait3A_184 = tpu.memref_squeeze %dma_wait3A_183 : memref<1x640xf32, #tpu.memory_space<hbm>> -> memref<640xf32, #tpu.memory_space<hbm>>
    tpu.wait_dma2 semaphore(%arg12 : memref<!tpu.dma_semaphore, #tpu.memory_space<semaphore_mem>>) src(%dma_wait3A_184 : memref<640xf32, #tpu.memory_space<hbm>>) dst(%dma_wait3A_182 : memref<640xf32, #tpu.memory_space<vmem>>)
    %mul3A_185 = arith.constant 640 : i32
    %mul3A_186 = arith.muli %arg1, %mul3A_185 : i32
    %dma_wait3A_187 = arith.constant 4 : i32
    %dma_wait3A_188 = arith.constant 4 : i32
    %dma_wait3A_189 = arith.constant 0 : i32
    %dma_wait3A_190 = tpu.memref_slice %arg10[%dma_wait3A_188, %dma_wait3A_189] : memref<8x640xf32, #tpu.memory_space<vmem>> -> memref<1x640xf32, #tpu.memory_space<vmem>>
    %dma_wait3A_191 = tpu.memref_squeeze %dma_wait3A_190 : memref<1x640xf32, #tpu.memory_space<vmem>> -> memref<640xf32, #tpu.memory_space<vmem>>
    %dma_wait3A_192 = tpu.memref_slice %arg2[%dma_wait3A_187, %mul3A_186] : memref<8x10240xf32, #tpu.memory_space<hbm>> -> memref<1x640xf32, #tpu.memory_space<hbm>>
    %dma_wait3A_193 = tpu.memref_squeeze %dma_wait3A_192 : memref<1x640xf32, #tpu.memory_space<hbm>> -> memref<640xf32, #tpu.memory_space<hbm>>
    %dma_wait3A_194 = arith.constant 0 : i32
    %dma_wait3A_195 = tpu.memref_slice %arg10[%dma_wait3A_188, %dma_wait3A_194] : memref<8x640xf32, #tpu.memory_space<vmem>> -> memref<1x640xf32, #tpu.memory_space<vmem>>
    %dma_wait3A_196 = tpu.memref_squeeze %dma_wait3A_195 : memref<1x640xf32, #tpu.memory_space<vmem>> -> memref<640xf32, #tpu.memory_space<vmem>>
    %dma_wait3A_197 = tpu.memref_slice %arg2[%dma_wait3A_187, %mul3A_186] : memref<8x10240xf32, #tpu.memory_space<hbm>> -> memref<1x640xf32, #tpu.memory_space<hbm>>
    %dma_wait3A_198 = tpu.memref_squeeze %dma_wait3A_197 : memref<1x640xf32, #tpu.memory_space<hbm>> -> memref<640xf32, #tpu.memory_space<hbm>>
    tpu.wait_dma2 semaphore(%arg12 : memref<!tpu.dma_semaphore, #tpu.memory_space<semaphore_mem>>) src(%dma_wait3A_198 : memref<640xf32, #tpu.memory_space<hbm>>) dst(%dma_wait3A_196 : memref<640xf32, #tpu.memory_space<vmem>>)
    %mul3A_199 = arith.constant 640 : i32
    %mul3A_200 = arith.muli %arg1, %mul3A_199 : i32
    %dma_wait3A_201 = arith.constant 5 : i32
    %dma_wait3A_202 = arith.constant 5 : i32
    %dma_wait3A_203 = arith.constant 0 : i32
    %dma_wait3A_204 = tpu.memref_slice %arg10[%dma_wait3A_202, %dma_wait3A_203] : memref<8x640xf32, #tpu.memory_space<vmem>> -> memref<1x640xf32, #tpu.memory_space<vmem>>
    %dma_wait3A_205 = tpu.memref_squeeze %dma_wait3A_204 : memref<1x640xf32, #tpu.memory_space<vmem>> -> memref<640xf32, #tpu.memory_space<vmem>>
    %dma_wait3A_206 = tpu.memref_slice %arg2[%dma_wait3A_201, %mul3A_200] : memref<8x10240xf32, #tpu.memory_space<hbm>> -> memref<1x640xf32, #tpu.memory_space<hbm>>
    %dma_wait3A_207 = tpu.memref_squeeze %dma_wait3A_206 : memref<1x640xf32, #tpu.memory_space<hbm>> -> memref<640xf32, #tpu.memory_space<hbm>>
    %dma_wait3A_208 = arith.constant 0 : i32
    %dma_wait3A_209 = tpu.memref_slice %arg10[%dma_wait3A_202, %dma_wait3A_208] : memref<8x640xf32, #tpu.memory_space<vmem>> -> memref<1x640xf32, #tpu.memory_space<vmem>>
    %dma_wait3A_210 = tpu.memref_squeeze %dma_wait3A_209 : memref<1x640xf32, #tpu.memory_space<vmem>> -> memref<640xf32, #tpu.memory_space<vmem>>
    %dma_wait3A_211 = tpu.memref_slice %arg2[%dma_wait3A_201, %mul3A_200] : memref<8x10240xf32, #tpu.memory_space<hbm>> -> memref<1x640xf32, #tpu.memory_space<hbm>>
    %dma_wait3A_212 = tpu.memref_squeeze %dma_wait3A_211 : memref<1x640xf32, #tpu.memory_space<hbm>> -> memref<640xf32, #tpu.memory_space<hbm>>
    tpu.wait_dma2 semaphore(%arg12 : memref<!tpu.dma_semaphore, #tpu.memory_space<semaphore_mem>>) src(%dma_wait3A_212 : memref<640xf32, #tpu.memory_space<hbm>>) dst(%dma_wait3A_210 : memref<640xf32, #tpu.memory_space<vmem>>)
    %mul3A_213 = arith.constant 640 : i32
    %mul3A_214 = arith.muli %arg1, %mul3A_213 : i32
    %dma_wait3A_215 = arith.constant 6 : i32
    %dma_wait3A_216 = arith.constant 6 : i32
    %dma_wait3A_217 = arith.constant 0 : i32
    %dma_wait3A_218 = tpu.memref_slice %arg10[%dma_wait3A_216, %dma_wait3A_217] : memref<8x640xf32, #tpu.memory_space<vmem>> -> memref<1x640xf32, #tpu.memory_space<vmem>>
    %dma_wait3A_219 = tpu.memref_squeeze %dma_wait3A_218 : memref<1x640xf32, #tpu.memory_space<vmem>> -> memref<640xf32, #tpu.memory_space<vmem>>
    %dma_wait3A_220 = tpu.memref_slice %arg2[%dma_wait3A_215, %mul3A_214] : memref<8x10240xf32, #tpu.memory_space<hbm>> -> memref<1x640xf32, #tpu.memory_space<hbm>>
    %dma_wait3A_221 = tpu.memref_squeeze %dma_wait3A_220 : memref<1x640xf32, #tpu.memory_space<hbm>> -> memref<640xf32, #tpu.memory_space<hbm>>
    %dma_wait3A_222 = arith.constant 0 : i32
    %dma_wait3A_223 = tpu.memref_slice %arg10[%dma_wait3A_216, %dma_wait3A_222] : memref<8x640xf32, #tpu.memory_space<vmem>> -> memref<1x640xf32, #tpu.memory_space<vmem>>
    %dma_wait3A_224 = tpu.memref_squeeze %dma_wait3A_223 : memref<1x640xf32, #tpu.memory_space<vmem>> -> memref<640xf32, #tpu.memory_space<vmem>>
    %dma_wait3A_225 = tpu.memref_slice %arg2[%dma_wait3A_215, %mul3A_214] : memref<8x10240xf32, #tpu.memory_space<hbm>> -> memref<1x640xf32, #tpu.memory_space<hbm>>
    %dma_wait3A_226 = tpu.memref_squeeze %dma_wait3A_225 : memref<1x640xf32, #tpu.memory_space<hbm>> -> memref<640xf32, #tpu.memory_space<hbm>>
    tpu.wait_dma2 semaphore(%arg12 : memref<!tpu.dma_semaphore, #tpu.memory_space<semaphore_mem>>) src(%dma_wait3A_226 : memref<640xf32, #tpu.memory_space<hbm>>) dst(%dma_wait3A_224 : memref<640xf32, #tpu.memory_space<vmem>>)
    %mul3A_227 = arith.constant 640 : i32
    %mul3A_228 = arith.muli %arg1, %mul3A_227 : i32
    %dma_wait3A_229 = arith.constant 7 : i32
    %dma_wait3A_230 = arith.constant 7 : i32
    %dma_wait3A_231 = arith.constant 0 : i32
    %dma_wait3A_232 = tpu.memref_slice %arg10[%dma_wait3A_230, %dma_wait3A_231] : memref<8x640xf32, #tpu.memory_space<vmem>> -> memref<1x640xf32, #tpu.memory_space<vmem>>
    %dma_wait3A_233 = tpu.memref_squeeze %dma_wait3A_232 : memref<1x640xf32, #tpu.memory_space<vmem>> -> memref<640xf32, #tpu.memory_space<vmem>>
    %dma_wait3A_234 = tpu.memref_slice %arg2[%dma_wait3A_229, %mul3A_228] : memref<8x10240xf32, #tpu.memory_space<hbm>> -> memref<1x640xf32, #tpu.memory_space<hbm>>
    %dma_wait3A_235 = tpu.memref_squeeze %dma_wait3A_234 : memref<1x640xf32, #tpu.memory_space<hbm>> -> memref<640xf32, #tpu.memory_space<hbm>>
    %dma_wait3A_236 = arith.constant 0 : i32
    %dma_wait3A_237 = tpu.memref_slice %arg10[%dma_wait3A_230, %dma_wait3A_236] : memref<8x640xf32, #tpu.memory_space<vmem>> -> memref<1x640xf32, #tpu.memory_space<vmem>>
    %dma_wait3A_238 = tpu.memref_squeeze %dma_wait3A_237 : memref<1x640xf32, #tpu.memory_space<vmem>> -> memref<640xf32, #tpu.memory_space<vmem>>
    %dma_wait3A_239 = tpu.memref_slice %arg2[%dma_wait3A_229, %mul3A_228] : memref<8x10240xf32, #tpu.memory_space<hbm>> -> memref<1x640xf32, #tpu.memory_space<hbm>>
    %dma_wait3A_240 = tpu.memref_squeeze %dma_wait3A_239 : memref<1x640xf32, #tpu.memory_space<hbm>> -> memref<640xf32, #tpu.memory_space<hbm>>
    tpu.wait_dma2 semaphore(%arg12 : memref<!tpu.dma_semaphore, #tpu.memory_space<semaphore_mem>>) src(%dma_wait3A_240 : memref<640xf32, #tpu.memory_space<hbm>>) dst(%dma_wait3A_238 : memref<640xf32, #tpu.memory_space<vmem>>)
    %dma_wait3A_241 = arith.constant 0 : i32
    %dma_wait3A_242 = arith.constant 0 : i32
    %dma_wait3A_243 = arith.constant 0 : i32
    %dma_wait3A_244 = tpu.memref_slice %arg3[%dma_wait3A_241, %add3A, %dma_wait3A_242, %dma_wait3A_243] : memref<2x32x125x80xi32, #tpu.memory_space<hbm>> -> memref<1x1x125x80xi32, #tpu.memory_space<hbm>>
    %dma_wait3A_245 = tpu.memref_squeeze %dma_wait3A_244 : memref<1x1x125x80xi32, #tpu.memory_space<hbm>> -> memref<125x80xi32, #tpu.memory_space<hbm>>
    %dma_wait3A_246 = arith.constant 0 : i32
    %dma_wait3A_247 = arith.constant 0 : i32
    %dma_wait3A_248 = tpu.memref_slice %arg3[%dma_wait3A_241, %add3A, %dma_wait3A_246, %dma_wait3A_247] : memref<2x32x125x80xi32, #tpu.memory_space<hbm>> -> memref<1x1x125x80xi32, #tpu.memory_space<hbm>>
    %dma_wait3A_249 = tpu.memref_squeeze %dma_wait3A_248 : memref<1x1x125x80xi32, #tpu.memory_space<hbm>> -> memref<125x80xi32, #tpu.memory_space<hbm>>
    tpu.wait_dma2 semaphore(%arg13 : memref<!tpu.dma_semaphore, #tpu.memory_space<semaphore_mem>>) src(%dma_wait3A_249 : memref<125x80xi32, #tpu.memory_space<hbm>>) dst(%arg5 : memref<125x80xi32, #tpu.memory_space<vmem>>)
    %dma_wait3A_250 = arith.constant 1 : i32
    %dma_wait3A_251 = arith.constant 0 : i32
    %dma_wait3A_252 = arith.constant 0 : i32
    %dma_wait3A_253 = tpu.memref_slice %arg3[%dma_wait3A_250, %add3A, %dma_wait3A_251, %dma_wait3A_252] : memref<2x32x125x80xi32, #tpu.memory_space<hbm>> -> memref<1x1x125x80xi32, #tpu.memory_space<hbm>>
    %dma_wait3A_254 = tpu.memref_squeeze %dma_wait3A_253 : memref<1x1x125x80xi32, #tpu.memory_space<hbm>> -> memref<125x80xi32, #tpu.memory_space<hbm>>
    %dma_wait3A_255 = arith.constant 0 : i32
    %dma_wait3A_256 = arith.constant 0 : i32
    %dma_wait3A_257 = tpu.memref_slice %arg3[%dma_wait3A_250, %add3A, %dma_wait3A_255, %dma_wait3A_256] : memref<2x32x125x80xi32, #tpu.memory_space<hbm>> -> memref<1x1x125x80xi32, #tpu.memory_space<hbm>>
    %dma_wait3A_258 = tpu.memref_squeeze %dma_wait3A_257 : memref<1x1x125x80xi32, #tpu.memory_space<hbm>> -> memref<125x80xi32, #tpu.memory_space<hbm>>
    tpu.wait_dma2 semaphore(%arg13 : memref<!tpu.dma_semaphore, #tpu.memory_space<semaphore_mem>>) src(%dma_wait3A_258 : memref<125x80xi32, #tpu.memory_space<hbm>>) dst(%arg6 : memref<125x80xi32, #tpu.memory_space<vmem>>)
    %scan3A = arith.constant 0 : i32
    %scan3A_259 = arith.constant 0 : i32
    %scan3A_260 = arith.constant 40 : i32
    %scan3A_261 = arith.addi %scan3A_259, %scan3A_260 : i32
    %scan3A_262 = arith.constant 1 : i32
    scf.for %scan3A_507 = %scan3A_259 to %scan3A_261 step %scan3A_262  : i32 {
      %mul3A_508 = arith.constant 16 : i32
      %mul3A_509 = arith.muli %scan3A_507, %mul3A_508 : i32
      %add3A_510 = vector.broadcast %mul3A_509 : i32 to vector<16xi32>
      %add3A_511 = arith.addi %add3A_510, %iota3A : vector<16xi32>
      %get3A = arith.constant 0 : i32
      %get3A_512 = arith.index_cast %get3A : i32 to index
      %get3A_513 = arith.index_cast %mul3A_509 : i32 to index
      %get3A_514 = tpu.vector_load %arg10[%get3A_512, %get3A_513] {strides = array<i32>} : memref<8x640xf32, #tpu.memory_space<vmem>>, vector<16xf32>,
      %broadcast_in_dim3A = arith.constant 0 : i32
      %broadcast_in_dim3A_515 = vector.broadcast %broadcast_in_dim3A : i32 to vector<16xi32>
      tpu.vector_store_idx %arg11[%add3A_511, %broadcast_in_dim3A_515], %get3A_514 : memref<640x8xf32, #tpu.memory_space<vmem>>[vector<16xi32>, vector<16xi32>], vector<16xf32>,
      %get3A_516 = arith.constant 1 : i32
      %get3A_517 = arith.index_cast %get3A_516 : i32 to index
      %get3A_518 = arith.index_cast %mul3A_509 : i32 to index
      %get3A_519 = tpu.vector_load %arg10[%get3A_517, %get3A_518] {strides = array<i32>} : memref<8x640xf32, #tpu.memory_space<vmem>>, vector<16xf32>,
      %broadcast_in_dim3A_520 = arith.constant 1 : i32
      %broadcast_in_dim3A_521 = vector.broadcast %broadcast_in_dim3A_520 : i32 to vector<16xi32>
      tpu.vector_store_idx %arg11[%add3A_511, %broadcast_in_dim3A_521], %get3A_519 : memref<640x8xf32, #tpu.memory_space<vmem>>[vector<16xi32>, vector<16xi32>], vector<16xf32>,
      %get3A_522 = arith.constant 2 : i32
      %get3A_523 = arith.index_cast %get3A_522 : i32 to index
      %get3A_524 = arith.index_cast %mul3A_509 : i32 to index
      %get3A_525 = tpu.vector_load %arg10[%get3A_523, %get3A_524] {strides = array<i32>} : memref<8x640xf32, #tpu.memory_space<vmem>>, vector<16xf32>,
      %broadcast_in_dim3A_526 = arith.constant 2 : i32
      %broadcast_in_dim3A_527 = vector.broadcast %broadcast_in_dim3A_526 : i32 to vector<16xi32>
      tpu.vector_store_idx %arg11[%add3A_511, %broadcast_in_dim3A_527], %get3A_525 : memref<640x8xf32, #tpu.memory_space<vmem>>[vector<16xi32>, vector<16xi32>], vector<16xf32>,
      %get3A_528 = arith.constant 3 : i32
      %get3A_529 = arith.index_cast %get3A_528 : i32 to index
      %get3A_530 = arith.index_cast %mul3A_509 : i32 to index
      %get3A_531 = tpu.vector_load %arg10[%get3A_529, %get3A_530] {strides = array<i32>} : memref<8x640xf32, #tpu.memory_space<vmem>>, vector<16xf32>,
      %broadcast_in_dim3A_532 = arith.constant 3 : i32
      %broadcast_in_dim3A_533 = vector.broadcast %broadcast_in_dim3A_532 : i32 to vector<16xi32>
      tpu.vector_store_idx %arg11[%add3A_511, %broadcast_in_dim3A_533], %get3A_531 : memref<640x8xf32, #tpu.memory_space<vmem>>[vector<16xi32>, vector<16xi32>], vector<16xf32>,
      %get3A_534 = arith.constant 4 : i32
      %get3A_535 = arith.index_cast %get3A_534 : i32 to index
      %get3A_536 = arith.index_cast %mul3A_509 : i32 to index
      %get3A_537 = tpu.vector_load %arg10[%get3A_535, %get3A_536] {strides = array<i32>} : memref<8x640xf32, #tpu.memory_space<vmem>>, vector<16xf32>,
      %broadcast_in_dim3A_538 = arith.constant 4 : i32
      %broadcast_in_dim3A_539 = vector.broadcast %broadcast_in_dim3A_538 : i32 to vector<16xi32>
      tpu.vector_store_idx %arg11[%add3A_511, %broadcast_in_dim3A_539], %get3A_537 : memref<640x8xf32, #tpu.memory_space<vmem>>[vector<16xi32>, vector<16xi32>], vector<16xf32>,
      %get3A_540 = arith.constant 5 : i32
      %get3A_541 = arith.index_cast %get3A_540 : i32 to index
      %get3A_542 = arith.index_cast %mul3A_509 : i32 to index
      %get3A_543 = tpu.vector_load %arg10[%get3A_541, %get3A_542] {strides = array<i32>} : memref<8x640xf32, #tpu.memory_space<vmem>>, vector<16xf32>,
      %broadcast_in_dim3A_544 = arith.constant 5 : i32
      %broadcast_in_dim3A_545 = vector.broadcast %broadcast_in_dim3A_544 : i32 to vector<16xi32>
      tpu.vector_store_idx %arg11[%add3A_511, %broadcast_in_dim3A_545], %get3A_543 : memref<640x8xf32, #tpu.memory_space<vmem>>[vector<16xi32>, vector<16xi32>], vector<16xf32>,
      %get3A_546 = arith.constant 6 : i32
      %get3A_547 = arith.index_cast %get3A_546 : i32 to index
      %get3A_548 = arith.index_cast %mul3A_509 : i32 to index
      %get3A_549 = tpu.vector_load %arg10[%get3A_547, %get3A_548] {strides = array<i32>} : memref<8x640xf32, #tpu.memory_space<vmem>>, vector<16xf32>,
      %broadcast_in_dim3A_550 = arith.constant 6 : i32
      %broadcast_in_dim3A_551 = vector.broadcast %broadcast_in_dim3A_550 : i32 to vector<16xi32>
      tpu.vector_store_idx %arg11[%add3A_511, %broadcast_in_dim3A_551], %get3A_549 : memref<640x8xf32, #tpu.memory_space<vmem>>[vector<16xi32>, vector<16xi32>], vector<16xf32>,
      %get3A_552 = arith.constant 7 : i32
      %get3A_553 = arith.index_cast %get3A_552 : i32 to index
      %get3A_554 = arith.index_cast %mul3A_509 : i32 to index
      %get3A_555 = tpu.vector_load %arg10[%get3A_553, %get3A_554] {strides = array<i32>} : memref<8x640xf32, #tpu.memory_space<vmem>>, vector<16xf32>,
      %broadcast_in_dim3A_556 = arith.constant 7 : i32
      %broadcast_in_dim3A_557 = vector.broadcast %broadcast_in_dim3A_556 : i32 to vector<16xi32>
      tpu.vector_store_idx %arg11[%add3A_511, %broadcast_in_dim3A_557], %get3A_555 : memref<640x8xf32, #tpu.memory_space<vmem>>[vector<16xi32>, vector<16xi32>], vector<16xf32>,
    }
    %scan3A_263 = arith.constant 40 : i32
    %mul3A_264 = arith.constant 640 : i32
    %mul3A_265 = arith.muli %arg1, %mul3A_264 : i32
    "tpu.region"() ({
      %run_scoped3A = tpu.sem_alloc : memref<!tpu.dma_semaphore, #tpu.memory_space<semaphore_mem>>
      %dma_start3A_507 = arith.constant 0 : i32
      %dma_start3A_508 = tpu.memref_slice %arg9[%mul3A_265, %dma_start3A_507] : memref<10240x8xf32, #tpu.memory_space<vmem_shared>> -> memref<640x8xf32, #tpu.memory_space<vmem_shared>>
      %dma_start3A_509 = arith.constant 0 : i32
      %dma_start3A_510 = tpu.memref_slice %arg9[%mul3A_265, %dma_start3A_509] : memref<10240x8xf32, #tpu.memory_space<vmem_shared>> -> memref<640x8xf32, #tpu.memory_space<vmem_shared>>
      tpu.enqueue_dma source(%arg11 : memref<640x8xf32, #tpu.memory_space<vmem>>) target(%dma_start3A_510 : memref<640x8xf32, #tpu.memory_space<vmem_shared>>) target_semaphore(%run_scoped3A : memref<!tpu.dma_semaphore, #tpu.memory_space<semaphore_mem>>)
      %dma_wait3A_511 = arith.constant 0 : i32
      %dma_wait3A_512 = tpu.memref_slice %arg9[%mul3A_265, %dma_wait3A_511] : memref<10240x8xf32, #tpu.memory_space<vmem_shared>> -> memref<640x8xf32, #tpu.memory_space<vmem_shared>>
      %dma_wait3A_513 = arith.constant 0 : i32
      %dma_wait3A_514 = tpu.memref_slice %arg9[%mul3A_265, %dma_wait3A_513] : memref<10240x8xf32, #tpu.memory_space<vmem_shared>> -> memref<640x8xf32, #tpu.memory_space<vmem_shared>>
      tpu.wait_dma2 semaphore(%run_scoped3A : memref<!tpu.dma_semaphore, #tpu.memory_space<semaphore_mem>>) src(%arg11 : memref<640x8xf32, #tpu.memory_space<vmem>>) dst(%dma_wait3A_514 : memref<640x8xf32, #tpu.memory_space<vmem_shared>>)
      tpu.yield
    }) : () -> ()
    %mul3A_266 = arith.constant 640 : i32
    %mul3A_267 = arith.muli %arg1, %mul3A_266 : i32
    "tpu.region"() ({
      %run_scoped3A = tpu.sem_alloc : memref<!tpu.dma_semaphore, #tpu.memory_space<semaphore_mem>>
      %dma_start3A_507 = arith.constant 0 : i32
      %dma_start3A_508 = tpu.memref_slice %arg8[%mul3A_267, %dma_start3A_507] : memref<10240x8xf32, #tpu.memory_space<vmem_shared>> -> memref<640x8xf32, #tpu.memory_space<vmem_shared>>
      %dma_start3A_509 = arith.constant 0 : i32
      %dma_start3A_510 = tpu.memref_slice %arg8[%mul3A_267, %dma_start3A_509] : memref<10240x8xf32, #tpu.memory_space<vmem_shared>> -> memref<640x8xf32, #tpu.memory_space<vmem_shared>>
      tpu.enqueue_dma source(%arg11 : memref<640x8xf32, #tpu.memory_space<vmem>>) target(%dma_start3A_510 : memref<640x8xf32, #tpu.memory_space<vmem_shared>>) target_semaphore(%run_scoped3A : memref<!tpu.dma_semaphore, #tpu.memory_space<semaphore_mem>>)
      %dma_wait3A_511 = arith.constant 0 : i32
      %dma_wait3A_512 = tpu.memref_slice %arg8[%mul3A_267, %dma_wait3A_511] : memref<10240x8xf32, #tpu.memory_space<vmem_shared>> -> memref<640x8xf32, #tpu.memory_space<vmem_shared>>
      %dma_wait3A_513 = arith.constant 0 : i32
      %dma_wait3A_514 = tpu.memref_slice %arg8[%mul3A_267, %dma_wait3A_513] : memref<10240x8xf32, #tpu.memory_space<vmem_shared>> -> memref<640x8xf32, #tpu.memory_space<vmem_shared>>
      tpu.wait_dma2 semaphore(%run_scoped3A : memref<!tpu.dma_semaphore, #tpu.memory_space<semaphore_mem>>) src(%arg11 : memref<640x8xf32, #tpu.memory_space<vmem>>) dst(%dma_wait3A_514 : memref<640x8xf32, #tpu.memory_space<vmem_shared>>)
      tpu.yield
    }) : () -> ()
    %barrier3A = arith.constant 0 : index
    tpu.barrier barrier_id(%barrier3A)
    %scan3A_268 = arith.constant 0 : i32
    %scan3A_269 = arith.constant 0 : i32
    %scan3A_270 = arith.constant 27 : i32
    %scan3A_271 = arith.addi %scan3A_269, %scan3A_270 : i32
    %scan3A_272 = arith.constant 1 : i32
    scf.for %scan3A_507 = %scan3A_269 to %scan3A_271 step %scan3A_272  : i32 {
      %rem3A = arith.constant 2 : i32
      %rem3A_508 = arith.remsi %scan3A_507, %rem3A : i32
      %mul3A_509 = arith.constant 5 : i32
      %mul3A_510 = arith.muli %rem3A_508, %mul3A_509 : i32
      %add3A_511 = arith.constant 1 : i32
      %add3A_512 = arith.addi %scan3A_507, %add3A_511 : i32
      %rem3A_513 = arith.constant 2 : i32
      %rem3A_514 = arith.remsi %add3A_512, %rem3A_513 : i32
      %mul3A_515 = arith.constant 5 : i32
      %mul3A_516 = arith.muli %rem3A_514, %mul3A_515 : i32
      %ge3A = arith.constant 2 : i32
      %ge3A_517 = arith.cmpi sge, %scan3A_507, %ge3A : i32
      %convert_element_type3A = arith.extui %ge3A_517 : i1 to i32
      %cond3A = arith.constant 0 : i32
      %cond3A_518 = arith.cmpi ne, %convert_element_type3A, %cond3A : i32
      scf.if %cond3A_518 {
        %sub3A = arith.constant 2 : i32
        %sub3A_529 = arith.subi %scan3A_507, %sub3A : i32
        %mul3A_530 = arith.constant 5 : i32
        %mul3A_531 = arith.muli %sub3A_529, %mul3A_530 : i32
        %add3A_532 = arith.constant 0 : i32
        %add3A_533 = arith.addi %mul3A_531, %add3A_532 : i32
        %add3A_534 = arith.constant 0 : i32
        %add3A_535 = arith.addi %mul3A_510, %add3A_534 : i32
        %dma_wait3A_536 = arith.constant 0 : i32
        %dma_wait3A_537 = arith.constant 0 : i32
        %dma_wait3A_538 = tpu.memref_slice %arg7[%add3A_535, %dma_wait3A_536, %dma_wait3A_537] : memref<10x80x8xf32, #tpu.memory_space<vmem>> -> memref<1x80x8xf32, #tpu.memory_space<vmem>>
        %dma_wait3A_539 = tpu.memref_squeeze %dma_wait3A_538 : memref<1x80x8xf32, #tpu.memory_space<vmem>> -> memref<80x8xf32, #tpu.memory_space<vmem>>
        %dma_wait3A_540 = arith.constant 0 : i32
        %dma_wait3A_541 = tpu.memref_slice %arg6[%add3A_533, %dma_wait3A_540] : memref<125x80xi32, #tpu.memory_space<vmem>> -> memref<1x80xi32, #tpu.memory_space<vmem>>
        %dma_wait3A_542 = tpu.memref_squeeze %dma_wait3A_541 : memref<1x80xi32, #tpu.memory_space<vmem>> -> memref<80xi32, #tpu.memory_space<vmem>>
        %dma_wait3A_543 = arith.constant 0 : i32
        %dma_wait3A_544 = arith.constant 0 : i32
        %dma_wait3A_545 = tpu.memref_slice %arg8[%dma_wait3A_543, %dma_wait3A_544] : memref<10240x8xf32, #tpu.memory_space<vmem_shared>> -> memref<10240x8xf32, #tpu.memory_space<vmem_shared>>
        tpu.wait_indirect_dma semaphore(%arg13 : memref<!tpu.dma_semaphore, #tpu.memory_space<semaphore_mem>>) src(%dma_wait3A_539 : memref<80x8xf32, #tpu.memory_space<vmem>>) dst(%dma_wait3A_545 : memref<10240x8xf32, #tpu.memory_space<vmem_shared>>)
        %sub3A_546 = arith.constant 2 : i32
        %sub3A_547 = arith.subi %scan3A_507, %sub3A_546 : i32
        %mul3A_548 = arith.constant 5 : i32
        %mul3A_549 = arith.muli %sub3A_547, %mul3A_548 : i32
        %add3A_550 = arith.constant 1 : i32
        %add3A_551 = arith.addi %mul3A_549, %add3A_550 : i32
        %add3A_552 = arith.constant 1 : i32
        %add3A_553 = arith.addi %mul3A_510, %add3A_552 : i32
        %dma_wait3A_554 = arith.constant 0 : i32
        %dma_wait3A_555 = arith.constant 0 : i32
        %dma_wait3A_556 = tpu.memref_slice %arg7[%add3A_553, %dma_wait3A_554, %dma_wait3A_555] : memref<10x80x8xf32, #tpu.memory_space<vmem>> -> memref<1x80x8xf32, #tpu.memory_space<vmem>>
        %dma_wait3A_557 = tpu.memref_squeeze %dma_wait3A_556 : memref<1x80x8xf32, #tpu.memory_space<vmem>> -> memref<80x8xf32, #tpu.memory_space<vmem>>
        %dma_wait3A_558 = arith.constant 0 : i32
        %dma_wait3A_559 = tpu.memref_slice %arg6[%add3A_551, %dma_wait3A_558] : memref<125x80xi32, #tpu.memory_space<vmem>> -> memref<1x80xi32, #tpu.memory_space<vmem>>
        %dma_wait3A_560 = tpu.memref_squeeze %dma_wait3A_559 : memref<1x80xi32, #tpu.memory_space<vmem>> -> memref<80xi32, #tpu.memory_space<vmem>>
        %dma_wait3A_561 = arith.constant 0 : i32
        %dma_wait3A_562 = arith.constant 0 : i32
        %dma_wait3A_563 = tpu.memref_slice %arg8[%dma_wait3A_561, %dma_wait3A_562] : memref<10240x8xf32, #tpu.memory_space<vmem_shared>> -> memref<10240x8xf32, #tpu.memory_space<vmem_shared>>
        tpu.wait_indirect_dma semaphore(%arg13 : memref<!tpu.dma_semaphore, #tpu.memory_space<semaphore_mem>>) src(%dma_wait3A_557 : memref<80x8xf32, #tpu.memory_space<vmem>>) dst(%dma_wait3A_563 : memref<10240x8xf32, #tpu.memory_space<vmem_shared>>)
        %sub3A_564 = arith.constant 2 : i32
        %sub3A_565 = arith.subi %scan3A_507, %sub3A_564 : i32
        %mul3A_566 = arith.constant 5 : i32
        %mul3A_567 = arith.muli %sub3A_565, %mul3A_566 : i32
        %add3A_568 = arith.constant 2 : i32
        %add3A_569 = arith.addi %mul3A_567, %add3A_568 : i32
        %add3A_570 = arith.constant 2 : i32
        %add3A_571 = arith.addi %mul3A_510, %add3A_570 : i32
        %dma_wait3A_572 = arith.constant 0 : i32
        %dma_wait3A_573 = arith.constant 0 : i32
        %dma_wait3A_574 = tpu.memref_slice %arg7[%add3A_571, %dma_wait3A_572, %dma_wait3A_573] : memref<10x80x8xf32, #tpu.memory_space<vmem>> -> memref<1x80x8xf32, #tpu.memory_space<vmem>>
        %dma_wait3A_575 = tpu.memref_squeeze %dma_wait3A_574 : memref<1x80x8xf32, #tpu.memory_space<vmem>> -> memref<80x8xf32, #tpu.memory_space<vmem>>
        %dma_wait3A_576 = arith.constant 0 : i32
        %dma_wait3A_577 = tpu.memref_slice %arg6[%add3A_569, %dma_wait3A_576] : memref<125x80xi32, #tpu.memory_space<vmem>> -> memref<1x80xi32, #tpu.memory_space<vmem>>
        %dma_wait3A_578 = tpu.memref_squeeze %dma_wait3A_577 : memref<1x80xi32, #tpu.memory_space<vmem>> -> memref<80xi32, #tpu.memory_space<vmem>>
        %dma_wait3A_579 = arith.constant 0 : i32
        %dma_wait3A_580 = arith.constant 0 : i32
        %dma_wait3A_581 = tpu.memref_slice %arg8[%dma_wait3A_579, %dma_wait3A_580] : memref<10240x8xf32, #tpu.memory_space<vmem_shared>> -> memref<10240x8xf32, #tpu.memory_space<vmem_shared>>
        tpu.wait_indirect_dma semaphore(%arg13 : memref<!tpu.dma_semaphore, #tpu.memory_space<semaphore_mem>>) src(%dma_wait3A_575 : memref<80x8xf32, #tpu.memory_space<vmem>>) dst(%dma_wait3A_581 : memref<10240x8xf32, #tpu.memory_space<vmem_shared>>)
        %sub3A_582 = arith.constant 2 : i32
        %sub3A_583 = arith.subi %scan3A_507, %sub3A_582 : i32
        %mul3A_584 = arith.constant 5 : i32
        %mul3A_585 = arith.muli %sub3A_583, %mul3A_584 : i32
        %add3A_586 = arith.constant 3 : i32
        %add3A_587 = arith.addi %mul3A_585, %add3A_586 : i32
        %add3A_588 = arith.constant 3 : i32
        %add3A_589 = arith.addi %mul3A_510, %add3A_588 : i32
        %dma_wait3A_590 = arith.constant 0 : i32
        %dma_wait3A_591 = arith.constant 0 : i32
        %dma_wait3A_592 = tpu.memref_slice %arg7[%add3A_589, %dma_wait3A_590, %dma_wait3A_591] : memref<10x80x8xf32, #tpu.memory_space<vmem>> -> memref<1x80x8xf32, #tpu.memory_space<vmem>>
        %dma_wait3A_593 = tpu.memref_squeeze %dma_wait3A_592 : memref<1x80x8xf32, #tpu.memory_space<vmem>> -> memref<80x8xf32, #tpu.memory_space<vmem>>
        %dma_wait3A_594 = arith.constant 0 : i32
        %dma_wait3A_595 = tpu.memref_slice %arg6[%add3A_587, %dma_wait3A_594] : memref<125x80xi32, #tpu.memory_space<vmem>> -> memref<1x80xi32, #tpu.memory_space<vmem>>
        %dma_wait3A_596 = tpu.memref_squeeze %dma_wait3A_595 : memref<1x80xi32, #tpu.memory_space<vmem>> -> memref<80xi32, #tpu.memory_space<vmem>>
        %dma_wait3A_597 = arith.constant 0 : i32
        %dma_wait3A_598 = arith.constant 0 : i32
        %dma_wait3A_599 = tpu.memref_slice %arg8[%dma_wait3A_597, %dma_wait3A_598] : memref<10240x8xf32, #tpu.memory_space<vmem_shared>> -> memref<10240x8xf32, #tpu.memory_space<vmem_shared>>
        tpu.wait_indirect_dma semaphore(%arg13 : memref<!tpu.dma_semaphore, #tpu.memory_space<semaphore_mem>>) src(%dma_wait3A_593 : memref<80x8xf32, #tpu.memory_space<vmem>>) dst(%dma_wait3A_599 : memref<10240x8xf32, #tpu.memory_space<vmem_shared>>)
        %sub3A_600 = arith.constant 2 : i32
        %sub3A_601 = arith.subi %scan3A_507, %sub3A_600 : i32
        %mul3A_602 = arith.constant 5 : i32
        %mul3A_603 = arith.muli %sub3A_601, %mul3A_602 : i32
        %add3A_604 = arith.constant 4 : i32
        %add3A_605 = arith.addi %mul3A_603, %add3A_604 : i32
        %add3A_606 = arith.constant 4 : i32
        %add3A_607 = arith.addi %mul3A_510, %add3A_606 : i32
        %dma_wait3A_608 = arith.constant 0 : i32
        %dma_wait3A_609 = arith.constant 0 : i32
        %dma_wait3A_610 = tpu.memref_slice %arg7[%add3A_607, %dma_wait3A_608, %dma_wait3A_609] : memref<10x80x8xf32, #tpu.memory_space<vmem>> -> memref<1x80x8xf32, #tpu.memory_space<vmem>>
        %dma_wait3A_611 = tpu.memref_squeeze %dma_wait3A_610 : memref<1x80x8xf32, #tpu.memory_space<vmem>> -> memref<80x8xf32, #tpu.memory_space<vmem>>
        %dma_wait3A_612 = arith.constant 0 : i32
        %dma_wait3A_613 = tpu.memref_slice %arg6[%add3A_605, %dma_wait3A_612] : memref<125x80xi32, #tpu.memory_space<vmem>> -> memref<1x80xi32, #tpu.memory_space<vmem>>
        %dma_wait3A_614 = tpu.memref_squeeze %dma_wait3A_613 : memref<1x80xi32, #tpu.memory_space<vmem>> -> memref<80xi32, #tpu.memory_space<vmem>>
        %dma_wait3A_615 = arith.constant 0 : i32
        %dma_wait3A_616 = arith.constant 0 : i32
        %dma_wait3A_617 = tpu.memref_slice %arg8[%dma_wait3A_615, %dma_wait3A_616] : memref<10240x8xf32, #tpu.memory_space<vmem_shared>> -> memref<10240x8xf32, #tpu.memory_space<vmem_shared>>
        tpu.wait_indirect_dma semaphore(%arg13 : memref<!tpu.dma_semaphore, #tpu.memory_space<semaphore_mem>>) src(%dma_wait3A_611 : memref<80x8xf32, #tpu.memory_space<vmem>>) dst(%dma_wait3A_617 : memref<10240x8xf32, #tpu.memory_space<vmem_shared>>)
      } else {
      }
      %lt3A = arith.constant 25 : i32
      %lt3A_519 = arith.cmpi slt, %scan3A_507, %lt3A : i32
      %convert_element_type3A_520 = arith.extui %lt3A_519 : i1 to i32
      %cond3A_521 = arith.constant 0 : i32
      %cond3A_522 = arith.cmpi ne, %convert_element_type3A_520, %cond3A_521 : i32
      scf.if %cond3A_522 {
        %mul3A_529 = arith.constant 5 : i32
        %mul3A_530 = arith.muli %scan3A_507, %mul3A_529 : i32
        %add3A_531 = arith.constant 0 : i32
        %add3A_532 = arith.addi %mul3A_530, %add3A_531 : i32
        %add3A_533 = arith.constant 0 : i32
        %add3A_534 = arith.addi %mul3A_510, %add3A_533 : i32
        %dma_start3A_535 = arith.constant 0 : i32
        %dma_start3A_536 = arith.constant 0 : i32
        %dma_start3A_537 = tpu.memref_slice %arg7[%add3A_534, %dma_start3A_535, %dma_start3A_536] : memref<10x80x8xf32, #tpu.memory_space<vmem>> -> memref<1x80x8xf32, #tpu.memory_space<vmem>>
        %dma_start3A_538 = tpu.memref_squeeze %dma_start3A_537 : memref<1x80x8xf32, #tpu.memory_space<vmem>> -> memref<80x8xf32, #tpu.memory_space<vmem>>
        %dma_start3A_539 = arith.constant 0 : i32
        %dma_start3A_540 = tpu.memref_slice %arg5[%add3A_532, %dma_start3A_539] : memref<125x80xi32, #tpu.memory_space<vmem>> -> memref<1x80xi32, #tpu.memory_space<vmem>>
        %dma_start3A_541 = tpu.memref_squeeze %dma_start3A_540 : memref<1x80xi32, #tpu.memory_space<vmem>> -> memref<80xi32, #tpu.memory_space<vmem>>
        %dma_start3A_542 = arith.constant 0 : i32
        %dma_start3A_543 = arith.constant 0 : i32
        %dma_start3A_544 = tpu.memref_slice %arg9[%dma_start3A_542, %dma_start3A_543] : memref<10240x8xf32, #tpu.memory_space<vmem_shared>> -> memref<10240x8xf32, #tpu.memory_space<vmem_shared>>
        tpu.enqueue_indirect_dma source(%dma_start3A_544 : memref<10240x8xf32, #tpu.memory_space<vmem_shared>>) target(%dma_start3A_538 : memref<80x8xf32, #tpu.memory_space<vmem>>) offsets(%dma_start3A_541 : memref<80xi32, #tpu.memory_space<vmem>>) semaphore(%arg12 : memref<!tpu.dma_semaphore, #tpu.memory_space<semaphore_mem>>)
        %mul3A_545 = arith.constant 5 : i32
        %mul3A_546 = arith.muli %scan3A_507, %mul3A_545 : i32
        %add3A_547 = arith.constant 1 : i32
        %add3A_548 = arith.addi %mul3A_546, %add3A_547 : i32
        %add3A_549 = arith.constant 1 : i32
        %add3A_550 = arith.addi %mul3A_510, %add3A_549 : i32
        %dma_start3A_551 = arith.constant 0 : i32
        %dma_start3A_552 = arith.constant 0 : i32
        %dma_start3A_553 = tpu.memref_slice %arg7[%add3A_550, %dma_start3A_551, %dma_start3A_552] : memref<10x80x8xf32, #tpu.memory_space<vmem>> -> memref<1x80x8xf32, #tpu.memory_space<vmem>>
        %dma_start3A_554 = tpu.memref_squeeze %dma_start3A_553 : memref<1x80x8xf32, #tpu.memory_space<vmem>> -> memref<80x8xf32, #tpu.memory_space<vmem>>
        %dma_start3A_555 = arith.constant 0 : i32
        %dma_start3A_556 = tpu.memref_slice %arg5[%add3A_548, %dma_start3A_555] : memref<125x80xi32, #tpu.memory_space<vmem>> -> memref<1x80xi32, #tpu.memory_space<vmem>>
        %dma_start3A_557 = tpu.memref_squeeze %dma_start3A_556 : memref<1x80xi32, #tpu.memory_space<vmem>> -> memref<80xi32, #tpu.memory_space<vmem>>
        %dma_start3A_558 = arith.constant 0 : i32
        %dma_start3A_559 = arith.constant 0 : i32
        %dma_start3A_560 = tpu.memref_slice %arg9[%dma_start3A_558, %dma_start3A_559] : memref<10240x8xf32, #tpu.memory_space<vmem_shared>> -> memref<10240x8xf32, #tpu.memory_space<vmem_shared>>
        tpu.enqueue_indirect_dma source(%dma_start3A_560 : memref<10240x8xf32, #tpu.memory_space<vmem_shared>>) target(%dma_start3A_554 : memref<80x8xf32, #tpu.memory_space<vmem>>) offsets(%dma_start3A_557 : memref<80xi32, #tpu.memory_space<vmem>>) semaphore(%arg12 : memref<!tpu.dma_semaphore, #tpu.memory_space<semaphore_mem>>)
        %mul3A_561 = arith.constant 5 : i32
        %mul3A_562 = arith.muli %scan3A_507, %mul3A_561 : i32
        %add3A_563 = arith.constant 2 : i32
        %add3A_564 = arith.addi %mul3A_562, %add3A_563 : i32
        %add3A_565 = arith.constant 2 : i32
        %add3A_566 = arith.addi %mul3A_510, %add3A_565 : i32
        %dma_start3A_567 = arith.constant 0 : i32
        %dma_start3A_568 = arith.constant 0 : i32
        %dma_start3A_569 = tpu.memref_slice %arg7[%add3A_566, %dma_start3A_567, %dma_start3A_568] : memref<10x80x8xf32, #tpu.memory_space<vmem>> -> memref<1x80x8xf32, #tpu.memory_space<vmem>>
        %dma_start3A_570 = tpu.memref_squeeze %dma_start3A_569 : memref<1x80x8xf32, #tpu.memory_space<vmem>> -> memref<80x8xf32, #tpu.memory_space<vmem>>
        %dma_start3A_571 = arith.constant 0 : i32
        %dma_start3A_572 = tpu.memref_slice %arg5[%add3A_564, %dma_start3A_571] : memref<125x80xi32, #tpu.memory_space<vmem>> -> memref<1x80xi32, #tpu.memory_space<vmem>>
        %dma_start3A_573 = tpu.memref_squeeze %dma_start3A_572 : memref<1x80xi32, #tpu.memory_space<vmem>> -> memref<80xi32, #tpu.memory_space<vmem>>
        %dma_start3A_574 = arith.constant 0 : i32
        %dma_start3A_575 = arith.constant 0 : i32
        %dma_start3A_576 = tpu.memref_slice %arg9[%dma_start3A_574, %dma_start3A_575] : memref<10240x8xf32, #tpu.memory_space<vmem_shared>> -> memref<10240x8xf32, #tpu.memory_space<vmem_shared>>
        tpu.enqueue_indirect_dma source(%dma_start3A_576 : memref<10240x8xf32, #tpu.memory_space<vmem_shared>>) target(%dma_start3A_570 : memref<80x8xf32, #tpu.memory_space<vmem>>) offsets(%dma_start3A_573 : memref<80xi32, #tpu.memory_space<vmem>>) semaphore(%arg12 : memref<!tpu.dma_semaphore, #tpu.memory_space<semaphore_mem>>)
        %mul3A_577 = arith.constant 5 : i32
        %mul3A_578 = arith.muli %scan3A_507, %mul3A_577 : i32
        %add3A_579 = arith.constant 3 : i32
        %add3A_580 = arith.addi %mul3A_578, %add3A_579 : i32
        %add3A_581 = arith.constant 3 : i32
        %add3A_582 = arith.addi %mul3A_510, %add3A_581 : i32
        %dma_start3A_583 = arith.constant 0 : i32
        %dma_start3A_584 = arith.constant 0 : i32
        %dma_start3A_585 = tpu.memref_slice %arg7[%add3A_582, %dma_start3A_583, %dma_start3A_584] : memref<10x80x8xf32, #tpu.memory_space<vmem>> -> memref<1x80x8xf32, #tpu.memory_space<vmem>>
        %dma_start3A_586 = tpu.memref_squeeze %dma_start3A_585 : memref<1x80x8xf32, #tpu.memory_space<vmem>> -> memref<80x8xf32, #tpu.memory_space<vmem>>
        %dma_start3A_587 = arith.constant 0 : i32
        %dma_start3A_588 = tpu.memref_slice %arg5[%add3A_580, %dma_start3A_587] : memref<125x80xi32, #tpu.memory_space<vmem>> -> memref<1x80xi32, #tpu.memory_space<vmem>>
        %dma_start3A_589 = tpu.memref_squeeze %dma_start3A_588 : memref<1x80xi32, #tpu.memory_space<vmem>> -> memref<80xi32, #tpu.memory_space<vmem>>
        %dma_start3A_590 = arith.constant 0 : i32
        %dma_start3A_591 = arith.constant 0 : i32
        %dma_start3A_592 = tpu.memref_slice %arg9[%dma_start3A_590, %dma_start3A_591] : memref<10240x8xf32, #tpu.memory_space<vmem_shared>> -> memref<10240x8xf32, #tpu.memory_space<vmem_shared>>
        tpu.enqueue_indirect_dma source(%dma_start3A_592 : memref<10240x8xf32, #tpu.memory_space<vmem_shared>>) target(%dma_start3A_586 : memref<80x8xf32, #tpu.memory_space<vmem>>) offsets(%dma_start3A_589 : memref<80xi32, #tpu.memory_space<vmem>>) semaphore(%arg12 : memref<!tpu.dma_semaphore, #tpu.memory_space<semaphore_mem>>)
        %mul3A_593 = arith.constant 5 : i32
        %mul3A_594 = arith.muli %scan3A_507, %mul3A_593 : i32
        %add3A_595 = arith.constant 4 : i32
        %add3A_596 = arith.addi %mul3A_594, %add3A_595 : i32
        %add3A_597 = arith.constant 4 : i32
        %add3A_598 = arith.addi %mul3A_510, %add3A_597 : i32
        %dma_start3A_599 = arith.constant 0 : i32
        %dma_start3A_600 = arith.constant 0 : i32
        %dma_start3A_601 = tpu.memref_slice %arg7[%add3A_598, %dma_start3A_599, %dma_start3A_600] : memref<10x80x8xf32, #tpu.memory_space<vmem>> -> memref<1x80x8xf32, #tpu.memory_space<vmem>>
        %dma_start3A_602 = tpu.memref_squeeze %dma_start3A_601 : memref<1x80x8xf32, #tpu.memory_space<vmem>> -> memref<80x8xf32, #tpu.memory_space<vmem>>
        %dma_start3A_603 = arith.constant 0 : i32
        %dma_start3A_604 = tpu.memref_slice %arg5[%add3A_596, %dma_start3A_603] : memref<125x80xi32, #tpu.memory_space<vmem>> -> memref<1x80xi32, #tpu.memory_space<vmem>>
        %dma_start3A_605 = tpu.memref_squeeze %dma_start3A_604 : memref<1x80xi32, #tpu.memory_space<vmem>> -> memref<80xi32, #tpu.memory_space<vmem>>
        %dma_start3A_606 = arith.constant 0 : i32
        %dma_start3A_607 = arith.constant 0 : i32
        %dma_start3A_608 = tpu.memref_slice %arg9[%dma_start3A_606, %dma_start3A_607] : memref<10240x8xf32, #tpu.memory_space<vmem_shared>> -> memref<10240x8xf32, #tpu.memory_space<vmem_shared>>
        tpu.enqueue_indirect_dma source(%dma_start3A_608 : memref<10240x8xf32, #tpu.memory_space<vmem_shared>>) target(%dma_start3A_602 : memref<80x8xf32, #tpu.memory_space<vmem>>) offsets(%dma_start3A_605 : memref<80xi32, #tpu.memory_space<vmem>>) semaphore(%arg12 : memref<!tpu.dma_semaphore, #tpu.memory_space<semaphore_mem>>)
      } else {
      }
      %ge3A_523 = arith.constant 1 : i32
      %ge3A_524 = arith.cmpi sge, %scan3A_507, %ge3A_523 : i32
      %le3A = arith.constant 25 : i32
      %le3A_525 = arith.cmpi sle, %scan3A_507, %le3A : i32
      %and3A = arith.andi %ge3A_524, %le3A_525 : i1
      %convert_element_type3A_526 = arith.extui %and3A : i1 to i32
      %cond3A_527 = arith.constant 0 : i32
      %cond3A_528 = arith.cmpi ne, %convert_element_type3A_526, %cond3A_527 : i32
      scf.if %cond3A_528 {
        %sub3A = arith.constant 1 : i32
        %sub3A_529 = arith.subi %scan3A_507, %sub3A : i32
        %mul3A_530 = arith.constant 5 : i32
        %mul3A_531 = arith.muli %sub3A_529, %mul3A_530 : i32
        %add3A_532 = arith.constant 0 : i32
        %add3A_533 = arith.addi %mul3A_531, %add3A_532 : i32
        %add3A_534 = arith.constant 0 : i32
        %add3A_535 = arith.addi %mul3A_516, %add3A_534 : i32
        %dma_wait3A_536 = arith.constant 0 : i32
        %dma_wait3A_537 = arith.constant 0 : i32
        %dma_wait3A_538 = tpu.memref_slice %arg7[%add3A_535, %dma_wait3A_536, %dma_wait3A_537] : memref<10x80x8xf32, #tpu.memory_space<vmem>> -> memref<1x80x8xf32, #tpu.memory_space<vmem>>
        %dma_wait3A_539 = tpu.memref_squeeze %dma_wait3A_538 : memref<1x80x8xf32, #tpu.memory_space<vmem>> -> memref<80x8xf32, #tpu.memory_space<vmem>>
        %dma_wait3A_540 = arith.constant 0 : i32
        %dma_wait3A_541 = tpu.memref_slice %arg5[%add3A_533, %dma_wait3A_540] : memref<125x80xi32, #tpu.memory_space<vmem>> -> memref<1x80xi32, #tpu.memory_space<vmem>>
        %dma_wait3A_542 = tpu.memref_squeeze %dma_wait3A_541 : memref<1x80xi32, #tpu.memory_space<vmem>> -> memref<80xi32, #tpu.memory_space<vmem>>
        %dma_wait3A_543 = arith.constant 0 : i32
        %dma_wait3A_544 = arith.constant 0 : i32
        %dma_wait3A_545 = tpu.memref_slice %arg9[%dma_wait3A_543, %dma_wait3A_544] : memref<10240x8xf32, #tpu.memory_space<vmem_shared>> -> memref<10240x8xf32, #tpu.memory_space<vmem_shared>>
        tpu.wait_indirect_dma semaphore(%arg12 : memref<!tpu.dma_semaphore, #tpu.memory_space<semaphore_mem>>) src(%dma_wait3A_545 : memref<10240x8xf32, #tpu.memory_space<vmem_shared>>) dst(%dma_wait3A_539 : memref<80x8xf32, #tpu.memory_space<vmem>>)
        %sub3A_546 = arith.constant 1 : i32
        %sub3A_547 = arith.subi %scan3A_507, %sub3A_546 : i32
        %mul3A_548 = arith.constant 5 : i32
        %mul3A_549 = arith.muli %sub3A_547, %mul3A_548 : i32
        %add3A_550 = arith.constant 1 : i32
        %add3A_551 = arith.addi %mul3A_549, %add3A_550 : i32
        %add3A_552 = arith.constant 1 : i32
        %add3A_553 = arith.addi %mul3A_516, %add3A_552 : i32
        %dma_wait3A_554 = arith.constant 0 : i32
        %dma_wait3A_555 = arith.constant 0 : i32
        %dma_wait3A_556 = tpu.memref_slice %arg7[%add3A_553, %dma_wait3A_554, %dma_wait3A_555] : memref<10x80x8xf32, #tpu.memory_space<vmem>> -> memref<1x80x8xf32, #tpu.memory_space<vmem>>
        %dma_wait3A_557 = tpu.memref_squeeze %dma_wait3A_556 : memref<1x80x8xf32, #tpu.memory_space<vmem>> -> memref<80x8xf32, #tpu.memory_space<vmem>>
        %dma_wait3A_558 = arith.constant 0 : i32
        %dma_wait3A_559 = tpu.memref_slice %arg5[%add3A_551, %dma_wait3A_558] : memref<125x80xi32, #tpu.memory_space<vmem>> -> memref<1x80xi32, #tpu.memory_space<vmem>>
        %dma_wait3A_560 = tpu.memref_squeeze %dma_wait3A_559 : memref<1x80xi32, #tpu.memory_space<vmem>> -> memref<80xi32, #tpu.memory_space<vmem>>
        %dma_wait3A_561 = arith.constant 0 : i32
        %dma_wait3A_562 = arith.constant 0 : i32
        %dma_wait3A_563 = tpu.memref_slice %arg9[%dma_wait3A_561, %dma_wait3A_562] : memref<10240x8xf32, #tpu.memory_space<vmem_shared>> -> memref<10240x8xf32, #tpu.memory_space<vmem_shared>>
        tpu.wait_indirect_dma semaphore(%arg12 : memref<!tpu.dma_semaphore, #tpu.memory_space<semaphore_mem>>) src(%dma_wait3A_563 : memref<10240x8xf32, #tpu.memory_space<vmem_shared>>) dst(%dma_wait3A_557 : memref<80x8xf32, #tpu.memory_space<vmem>>)
        %sub3A_564 = arith.constant 1 : i32
        %sub3A_565 = arith.subi %scan3A_507, %sub3A_564 : i32
        %mul3A_566 = arith.constant 5 : i32
        %mul3A_567 = arith.muli %sub3A_565, %mul3A_566 : i32
        %add3A_568 = arith.constant 2 : i32
        %add3A_569 = arith.addi %mul3A_567, %add3A_568 : i32
        %add3A_570 = arith.constant 2 : i32
        %add3A_571 = arith.addi %mul3A_516, %add3A_570 : i32
        %dma_wait3A_572 = arith.constant 0 : i32
        %dma_wait3A_573 = arith.constant 0 : i32
        %dma_wait3A_574 = tpu.memref_slice %arg7[%add3A_571, %dma_wait3A_572, %dma_wait3A_573] : memref<10x80x8xf32, #tpu.memory_space<vmem>> -> memref<1x80x8xf32, #tpu.memory_space<vmem>>
        %dma_wait3A_575 = tpu.memref_squeeze %dma_wait3A_574 : memref<1x80x8xf32, #tpu.memory_space<vmem>> -> memref<80x8xf32, #tpu.memory_space<vmem>>
        %dma_wait3A_576 = arith.constant 0 : i32
        %dma_wait3A_577 = tpu.memref_slice %arg5[%add3A_569, %dma_wait3A_576] : memref<125x80xi32, #tpu.memory_space<vmem>> -> memref<1x80xi32, #tpu.memory_space<vmem>>
        %dma_wait3A_578 = tpu.memref_squeeze %dma_wait3A_577 : memref<1x80xi32, #tpu.memory_space<vmem>> -> memref<80xi32, #tpu.memory_space<vmem>>
        %dma_wait3A_579 = arith.constant 0 : i32
        %dma_wait3A_580 = arith.constant 0 : i32
        %dma_wait3A_581 = tpu.memref_slice %arg9[%dma_wait3A_579, %dma_wait3A_580] : memref<10240x8xf32, #tpu.memory_space<vmem_shared>> -> memref<10240x8xf32, #tpu.memory_space<vmem_shared>>
        tpu.wait_indirect_dma semaphore(%arg12 : memref<!tpu.dma_semaphore, #tpu.memory_space<semaphore_mem>>) src(%dma_wait3A_581 : memref<10240x8xf32, #tpu.memory_space<vmem_shared>>) dst(%dma_wait3A_575 : memref<80x8xf32, #tpu.memory_space<vmem>>)
        %sub3A_582 = arith.constant 1 : i32
        %sub3A_583 = arith.subi %scan3A_507, %sub3A_582 : i32
        %mul3A_584 = arith.constant 5 : i32
        %mul3A_585 = arith.muli %sub3A_583, %mul3A_584 : i32
        %add3A_586 = arith.constant 3 : i32
        %add3A_587 = arith.addi %mul3A_585, %add3A_586 : i32
        %add3A_588 = arith.constant 3 : i32
        %add3A_589 = arith.addi %mul3A_516, %add3A_588 : i32
        %dma_wait3A_590 = arith.constant 0 : i32
        %dma_wait3A_591 = arith.constant 0 : i32
        %dma_wait3A_592 = tpu.memref_slice %arg7[%add3A_589, %dma_wait3A_590, %dma_wait3A_591] : memref<10x80x8xf32, #tpu.memory_space<vmem>> -> memref<1x80x8xf32, #tpu.memory_space<vmem>>
        %dma_wait3A_593 = tpu.memref_squeeze %dma_wait3A_592 : memref<1x80x8xf32, #tpu.memory_space<vmem>> -> memref<80x8xf32, #tpu.memory_space<vmem>>
        %dma_wait3A_594 = arith.constant 0 : i32
        %dma_wait3A_595 = tpu.memref_slice %arg5[%add3A_587, %dma_wait3A_594] : memref<125x80xi32, #tpu.memory_space<vmem>> -> memref<1x80xi32, #tpu.memory_space<vmem>>
        %dma_wait3A_596 = tpu.memref_squeeze %dma_wait3A_595 : memref<1x80xi32, #tpu.memory_space<vmem>> -> memref<80xi32, #tpu.memory_space<vmem>>
        %dma_wait3A_597 = arith.constant 0 : i32
        %dma_wait3A_598 = arith.constant 0 : i32
        %dma_wait3A_599 = tpu.memref_slice %arg9[%dma_wait3A_597, %dma_wait3A_598] : memref<10240x8xf32, #tpu.memory_space<vmem_shared>> -> memref<10240x8xf32, #tpu.memory_space<vmem_shared>>
        tpu.wait_indirect_dma semaphore(%arg12 : memref<!tpu.dma_semaphore, #tpu.memory_space<semaphore_mem>>) src(%dma_wait3A_599 : memref<10240x8xf32, #tpu.memory_space<vmem_shared>>) dst(%dma_wait3A_593 : memref<80x8xf32, #tpu.memory_space<vmem>>)
        %sub3A_600 = arith.constant 1 : i32
        %sub3A_601 = arith.subi %scan3A_507, %sub3A_600 : i32
        %mul3A_602 = arith.constant 5 : i32
        %mul3A_603 = arith.muli %sub3A_601, %mul3A_602 : i32
        %add3A_604 = arith.constant 4 : i32
        %add3A_605 = arith.addi %mul3A_603, %add3A_604 : i32
        %add3A_606 = arith.constant 4 : i32
        %add3A_607 = arith.addi %mul3A_516, %add3A_606 : i32
        %dma_wait3A_608 = arith.constant 0 : i32
        %dma_wait3A_609 = arith.constant 0 : i32
        %dma_wait3A_610 = tpu.memref_slice %arg7[%add3A_607, %dma_wait3A_608, %dma_wait3A_609] : memref<10x80x8xf32, #tpu.memory_space<vmem>> -> memref<1x80x8xf32, #tpu.memory_space<vmem>>
        %dma_wait3A_611 = tpu.memref_squeeze %dma_wait3A_610 : memref<1x80x8xf32, #tpu.memory_space<vmem>> -> memref<80x8xf32, #tpu.memory_space<vmem>>
        %dma_wait3A_612 = arith.constant 0 : i32
        %dma_wait3A_613 = tpu.memref_slice %arg5[%add3A_605, %dma_wait3A_612] : memref<125x80xi32, #tpu.memory_space<vmem>> -> memref<1x80xi32, #tpu.memory_space<vmem>>
        %dma_wait3A_614 = tpu.memref_squeeze %dma_wait3A_613 : memref<1x80xi32, #tpu.memory_space<vmem>> -> memref<80xi32, #tpu.memory_space<vmem>>
        %dma_wait3A_615 = arith.constant 0 : i32
        %dma_wait3A_616 = arith.constant 0 : i32
        %dma_wait3A_617 = tpu.memref_slice %arg9[%dma_wait3A_615, %dma_wait3A_616] : memref<10240x8xf32, #tpu.memory_space<vmem_shared>> -> memref<10240x8xf32, #tpu.memory_space<vmem_shared>>
        tpu.wait_indirect_dma semaphore(%arg12 : memref<!tpu.dma_semaphore, #tpu.memory_space<semaphore_mem>>) src(%dma_wait3A_617 : memref<10240x8xf32, #tpu.memory_space<vmem_shared>>) dst(%dma_wait3A_611 : memref<80x8xf32, #tpu.memory_space<vmem>>)
        %sub3A_618 = arith.constant 1 : i32
        %sub3A_619 = arith.subi %scan3A_507, %sub3A_618 : i32
        %mul3A_620 = arith.constant 5 : i32
        %mul3A_621 = arith.muli %sub3A_619, %mul3A_620 : i32
        %add3A_622 = arith.constant 0 : i32
        %add3A_623 = arith.addi %mul3A_621, %add3A_622 : i32
        %add3A_624 = arith.constant 0 : i32
        %add3A_625 = arith.addi %mul3A_516, %add3A_624 : i32
        %dma_start3A_626 = arith.constant 0 : i32
        %dma_start3A_627 = arith.constant 0 : i32
        %dma_start3A_628 = tpu.memref_slice %arg7[%add3A_625, %dma_start3A_626, %dma_start3A_627] : memref<10x80x8xf32, #tpu.memory_space<vmem>> -> memref<1x80x8xf32, #tpu.memory_space<vmem>>
        %dma_start3A_629 = tpu.memref_squeeze %dma_start3A_628 : memref<1x80x8xf32, #tpu.memory_space<vmem>> -> memref<80x8xf32, #tpu.memory_space<vmem>>
        %dma_start3A_630 = arith.constant 0 : i32
        %dma_start3A_631 = tpu.memref_slice %arg6[%add3A_623, %dma_start3A_630] : memref<125x80xi32, #tpu.memory_space<vmem>> -> memref<1x80xi32, #tpu.memory_space<vmem>>
        %dma_start3A_632 = tpu.memref_squeeze %dma_start3A_631 : memref<1x80xi32, #tpu.memory_space<vmem>> -> memref<80xi32, #tpu.memory_space<vmem>>
        %dma_start3A_633 = arith.constant 0 : i32
        %dma_start3A_634 = arith.constant 0 : i32
        %dma_start3A_635 = tpu.memref_slice %arg8[%dma_start3A_633, %dma_start3A_634] : memref<10240x8xf32, #tpu.memory_space<vmem_shared>> -> memref<10240x8xf32, #tpu.memory_space<vmem_shared>>
        tpu.enqueue_indirect_dma source(%dma_start3A_629 : memref<80x8xf32, #tpu.memory_space<vmem>>) target(%dma_start3A_635 : memref<10240x8xf32, #tpu.memory_space<vmem_shared>>) offsets(%dma_start3A_632 : memref<80xi32, #tpu.memory_space<vmem>>) semaphore(%arg13 : memref<!tpu.dma_semaphore, #tpu.memory_space<semaphore_mem>>) {add = true}
        %sub3A_636 = arith.constant 1 : i32
        %sub3A_637 = arith.subi %scan3A_507, %sub3A_636 : i32
        %mul3A_638 = arith.constant 5 : i32
        %mul3A_639 = arith.muli %sub3A_637, %mul3A_638 : i32
        %add3A_640 = arith.constant 1 : i32
        %add3A_641 = arith.addi %mul3A_639, %add3A_640 : i32
        %add3A_642 = arith.constant 1 : i32
        %add3A_643 = arith.addi %mul3A_516, %add3A_642 : i32
        %dma_start3A_644 = arith.constant 0 : i32
        %dma_start3A_645 = arith.constant 0 : i32
        %dma_start3A_646 = tpu.memref_slice %arg7[%add3A_643, %dma_start3A_644, %dma_start3A_645] : memref<10x80x8xf32, #tpu.memory_space<vmem>> -> memref<1x80x8xf32, #tpu.memory_space<vmem>>
        %dma_start3A_647 = tpu.memref_squeeze %dma_start3A_646 : memref<1x80x8xf32, #tpu.memory_space<vmem>> -> memref<80x8xf32, #tpu.memory_space<vmem>>
        %dma_start3A_648 = arith.constant 0 : i32
        %dma_start3A_649 = tpu.memref_slice %arg6[%add3A_641, %dma_start3A_648] : memref<125x80xi32, #tpu.memory_space<vmem>> -> memref<1x80xi32, #tpu.memory_space<vmem>>
        %dma_start3A_650 = tpu.memref_squeeze %dma_start3A_649 : memref<1x80xi32, #tpu.memory_space<vmem>> -> memref<80xi32, #tpu.memory_space<vmem>>
        %dma_start3A_651 = arith.constant 0 : i32
        %dma_start3A_652 = arith.constant 0 : i32
        %dma_start3A_653 = tpu.memref_slice %arg8[%dma_start3A_651, %dma_start3A_652] : memref<10240x8xf32, #tpu.memory_space<vmem_shared>> -> memref<10240x8xf32, #tpu.memory_space<vmem_shared>>
        tpu.enqueue_indirect_dma source(%dma_start3A_647 : memref<80x8xf32, #tpu.memory_space<vmem>>) target(%dma_start3A_653 : memref<10240x8xf32, #tpu.memory_space<vmem_shared>>) offsets(%dma_start3A_650 : memref<80xi32, #tpu.memory_space<vmem>>) semaphore(%arg13 : memref<!tpu.dma_semaphore, #tpu.memory_space<semaphore_mem>>) {add = true}
        %sub3A_654 = arith.constant 1 : i32
        %sub3A_655 = arith.subi %scan3A_507, %sub3A_654 : i32
        %mul3A_656 = arith.constant 5 : i32
        %mul3A_657 = arith.muli %sub3A_655, %mul3A_656 : i32
        %add3A_658 = arith.constant 2 : i32
        %add3A_659 = arith.addi %mul3A_657, %add3A_658 : i32
        %add3A_660 = arith.constant 2 : i32
        %add3A_661 = arith.addi %mul3A_516, %add3A_660 : i32
        %dma_start3A_662 = arith.constant 0 : i32
        %dma_start3A_663 = arith.constant 0 : i32
        %dma_start3A_664 = tpu.memref_slice %arg7[%add3A_661, %dma_start3A_662, %dma_start3A_663] : memref<10x80x8xf32, #tpu.memory_space<vmem>> -> memref<1x80x8xf32, #tpu.memory_space<vmem>>
        %dma_start3A_665 = tpu.memref_squeeze %dma_start3A_664 : memref<1x80x8xf32, #tpu.memory_space<vmem>> -> memref<80x8xf32, #tpu.memory_space<vmem>>
        %dma_start3A_666 = arith.constant 0 : i32
        %dma_start3A_667 = tpu.memref_slice %arg6[%add3A_659, %dma_start3A_666] : memref<125x80xi32, #tpu.memory_space<vmem>> -> memref<1x80xi32, #tpu.memory_space<vmem>>
        %dma_start3A_668 = tpu.memref_squeeze %dma_start3A_667 : memref<1x80xi32, #tpu.memory_space<vmem>> -> memref<80xi32, #tpu.memory_space<vmem>>
        %dma_start3A_669 = arith.constant 0 : i32
        %dma_start3A_670 = arith.constant 0 : i32
        %dma_start3A_671 = tpu.memref_slice %arg8[%dma_start3A_669, %dma_start3A_670] : memref<10240x8xf32, #tpu.memory_space<vmem_shared>> -> memref<10240x8xf32, #tpu.memory_space<vmem_shared>>
        tpu.enqueue_indirect_dma source(%dma_start3A_665 : memref<80x8xf32, #tpu.memory_space<vmem>>) target(%dma_start3A_671 : memref<10240x8xf32, #tpu.memory_space<vmem_shared>>) offsets(%dma_start3A_668 : memref<80xi32, #tpu.memory_space<vmem>>) semaphore(%arg13 : memref<!tpu.dma_semaphore, #tpu.memory_space<semaphore_mem>>) {add = true}
        %sub3A_672 = arith.constant 1 : i32
        %sub3A_673 = arith.subi %scan3A_507, %sub3A_672 : i32
        %mul3A_674 = arith.constant 5 : i32
        %mul3A_675 = arith.muli %sub3A_673, %mul3A_674 : i32
        %add3A_676 = arith.constant 3 : i32
        %add3A_677 = arith.addi %mul3A_675, %add3A_676 : i32
        %add3A_678 = arith.constant 3 : i32
        %add3A_679 = arith.addi %mul3A_516, %add3A_678 : i32
        %dma_start3A_680 = arith.constant 0 : i32
        %dma_start3A_681 = arith.constant 0 : i32
        %dma_start3A_682 = tpu.memref_slice %arg7[%add3A_679, %dma_start3A_680, %dma_start3A_681] : memref<10x80x8xf32, #tpu.memory_space<vmem>> -> memref<1x80x8xf32, #tpu.memory_space<vmem>>
        %dma_start3A_683 = tpu.memref_squeeze %dma_start3A_682 : memref<1x80x8xf32, #tpu.memory_space<vmem>> -> memref<80x8xf32, #tpu.memory_space<vmem>>
        %dma_start3A_684 = arith.constant 0 : i32
        %dma_start3A_685 = tpu.memref_slice %arg6[%add3A_677, %dma_start3A_684] : memref<125x80xi32, #tpu.memory_space<vmem>> -> memref<1x80xi32, #tpu.memory_space<vmem>>
        %dma_start3A_686 = tpu.memref_squeeze %dma_start3A_685 : memref<1x80xi32, #tpu.memory_space<vmem>> -> memref<80xi32, #tpu.memory_space<vmem>>
        %dma_start3A_687 = arith.constant 0 : i32
        %dma_start3A_688 = arith.constant 0 : i32
        %dma_start3A_689 = tpu.memref_slice %arg8[%dma_start3A_687, %dma_start3A_688] : memref<10240x8xf32, #tpu.memory_space<vmem_shared>> -> memref<10240x8xf32, #tpu.memory_space<vmem_shared>>
        tpu.enqueue_indirect_dma source(%dma_start3A_683 : memref<80x8xf32, #tpu.memory_space<vmem>>) target(%dma_start3A_689 : memref<10240x8xf32, #tpu.memory_space<vmem_shared>>) offsets(%dma_start3A_686 : memref<80xi32, #tpu.memory_space<vmem>>) semaphore(%arg13 : memref<!tpu.dma_semaphore, #tpu.memory_space<semaphore_mem>>) {add = true}
        %sub3A_690 = arith.constant 1 : i32
        %sub3A_691 = arith.subi %scan3A_507, %sub3A_690 : i32
        %mul3A_692 = arith.constant 5 : i32
        %mul3A_693 = arith.muli %sub3A_691, %mul3A_692 : i32
        %add3A_694 = arith.constant 4 : i32
        %add3A_695 = arith.addi %mul3A_693, %add3A_694 : i32
        %add3A_696 = arith.constant 4 : i32
        %add3A_697 = arith.addi %mul3A_516, %add3A_696 : i32
        %dma_start3A_698 = arith.constant 0 : i32
        %dma_start3A_699 = arith.constant 0 : i32
        %dma_start3A_700 = tpu.memref_slice %arg7[%add3A_697, %dma_start3A_698, %dma_start3A_699] : memref<10x80x8xf32, #tpu.memory_space<vmem>> -> memref<1x80x8xf32, #tpu.memory_space<vmem>>
        %dma_start3A_701 = tpu.memref_squeeze %dma_start3A_700 : memref<1x80x8xf32, #tpu.memory_space<vmem>> -> memref<80x8xf32, #tpu.memory_space<vmem>>
        %dma_start3A_702 = arith.constant 0 : i32
        %dma_start3A_703 = tpu.memref_slice %arg6[%add3A_695, %dma_start3A_702] : memref<125x80xi32, #tpu.memory_space<vmem>> -> memref<1x80xi32, #tpu.memory_space<vmem>>
        %dma_start3A_704 = tpu.memref_squeeze %dma_start3A_703 : memref<1x80xi32, #tpu.memory_space<vmem>> -> memref<80xi32, #tpu.memory_space<vmem>>
        %dma_start3A_705 = arith.constant 0 : i32
        %dma_start3A_706 = arith.constant 0 : i32
        %dma_start3A_707 = tpu.memref_slice %arg8[%dma_start3A_705, %dma_start3A_706] : memref<10240x8xf32, #tpu.memory_space<vmem_shared>> -> memref<10240x8xf32, #tpu.memory_space<vmem_shared>>
        tpu.enqueue_indirect_dma source(%dma_start3A_701 : memref<80x8xf32, #tpu.memory_space<vmem>>) target(%dma_start3A_707 : memref<10240x8xf32, #tpu.memory_space<vmem_shared>>) offsets(%dma_start3A_704 : memref<80xi32, #tpu.memory_space<vmem>>) semaphore(%arg13 : memref<!tpu.dma_semaphore, #tpu.memory_space<semaphore_mem>>) {add = true}
      } else {
      }
    }
    %scan3A_273 = arith.constant 27 : i32
    %barrier3A_274 = arith.constant 0 : index
    tpu.barrier barrier_id(%barrier3A_274)
    %mul3A_275 = arith.constant 640 : i32
    %mul3A_276 = arith.muli %arg1, %mul3A_275 : i32
    "tpu.region"() ({
      %run_scoped3A = tpu.sem_alloc : memref<!tpu.dma_semaphore, #tpu.memory_space<semaphore_mem>>
      %dma_start3A_507 = arith.constant 0 : i32
      %dma_start3A_508 = tpu.memref_slice %arg8[%mul3A_276, %dma_start3A_507] : memref<10240x8xf32, #tpu.memory_space<vmem_shared>> -> memref<640x8xf32, #tpu.memory_space<vmem_shared>>
      %dma_start3A_509 = arith.constant 0 : i32
      %dma_start3A_510 = tpu.memref_slice %arg8[%mul3A_276, %dma_start3A_509] : memref<10240x8xf32, #tpu.memory_space<vmem_shared>> -> memref<640x8xf32, #tpu.memory_space<vmem_shared>>
      tpu.enqueue_dma source(%dma_start3A_510 : memref<640x8xf32, #tpu.memory_space<vmem_shared>>) target(%arg11 : memref<640x8xf32, #tpu.memory_space<vmem>>) target_semaphore(%run_scoped3A : memref<!tpu.dma_semaphore, #tpu.memory_space<semaphore_mem>>)
      %dma_wait3A_511 = arith.constant 0 : i32
      %dma_wait3A_512 = tpu.memref_slice %arg8[%mul3A_276, %dma_wait3A_511] : memref<10240x8xf32, #tpu.memory_space<vmem_shared>> -> memref<640x8xf32, #tpu.memory_space<vmem_shared>>
      %dma_wait3A_513 = arith.constant 0 : i32
      %dma_wait3A_514 = tpu.memref_slice %arg8[%mul3A_276, %dma_wait3A_513] : memref<10240x8xf32, #tpu.memory_space<vmem_shared>> -> memref<640x8xf32, #tpu.memory_space<vmem_shared>>
      tpu.wait_dma2 semaphore(%run_scoped3A : memref<!tpu.dma_semaphore, #tpu.memory_space<semaphore_mem>>) src(%dma_wait3A_514 : memref<640x8xf32, #tpu.memory_space<vmem_shared>>) dst(%arg11 : memref<640x8xf32, #tpu.memory_space<vmem>>)
      tpu.yield
    }) : () -> ()
    %scan3A_277 = arith.constant 0 : i32
    %scan3A_278 = arith.constant 0 : i32
    %scan3A_279 = arith.constant 40 : i32
    %scan3A_280 = arith.addi %scan3A_278, %scan3A_279 : i32
    %scan3A_281 = arith.constant 1 : i32
    scf.for %scan3A_507 = %scan3A_278 to %scan3A_280 step %scan3A_281  : i32 {
      %mul3A_508 = arith.constant 16 : i32
      %mul3A_509 = arith.muli %scan3A_507, %mul3A_508 : i32
      %add3A_510 = vector.broadcast %mul3A_509 : i32 to vector<16xi32>
      %add3A_511 = arith.addi %add3A_510, %iota3A : vector<16xi32>
      %broadcast_in_dim3A = arith.constant 0 : i32
      %broadcast_in_dim3A_512 = vector.broadcast %broadcast_in_dim3A : i32 to vector<16xi32>
      %gather3A = tpu.vector_load_idx %arg11[%add3A_511, %broadcast_in_dim3A_512] : memref<640x8xf32, #tpu.memory_space<vmem>>[vector<16xi32>, vector<16xi32>], vector<16xf32>,
      %swap3A = arith.constant 0 : i32
      %swap3A_513 = arith.index_cast %swap3A : i32 to index
      %swap3A_514 = arith.index_cast %mul3A_509 : i32 to index
      %swap3A_515 = tpu.vector_load %arg10[%swap3A_513, %swap3A_514] {strides = array<i32>} : memref<8x640xf32, #tpu.memory_space<vmem>>, vector<16xf32>,
      tpu.vector_store %arg10[%swap3A_513, %swap3A_514], %gather3A {strides = array<i32>} : memref<8x640xf32, #tpu.memory_space<vmem>>, vector<16xf32>,
      %broadcast_in_dim3A_516 = arith.constant 1 : i32
      %broadcast_in_dim3A_517 = vector.broadcast %broadcast_in_dim3A_516 : i32 to vector<16xi32>
      %gather3A_518 = tpu.vector_load_idx %arg11[%add3A_511, %broadcast_in_dim3A_517] : memref<640x8xf32, #tpu.memory_space<vmem>>[vector<16xi32>, vector<16xi32>], vector<16xf32>,
      %swap3A_519 = arith.constant 1 : i32
      %swap3A_520 = arith.index_cast %swap3A_519 : i32 to index
      %swap3A_521 = arith.index_cast %mul3A_509 : i32 to index
      %swap3A_522 = tpu.vector_load %arg10[%swap3A_520, %swap3A_521] {strides = array<i32>} : memref<8x640xf32, #tpu.memory_space<vmem>>, vector<16xf32>,
      tpu.vector_store %arg10[%swap3A_520, %swap3A_521], %gather3A_518 {strides = array<i32>} : memref<8x640xf32, #tpu.memory_space<vmem>>, vector<16xf32>,
      %broadcast_in_dim3A_523 = arith.constant 2 : i32
      %broadcast_in_dim3A_524 = vector.broadcast %broadcast_in_dim3A_523 : i32 to vector<16xi32>
      %gather3A_525 = tpu.vector_load_idx %arg11[%add3A_511, %broadcast_in_dim3A_524] : memref<640x8xf32, #tpu.memory_space<vmem>>[vector<16xi32>, vector<16xi32>], vector<16xf32>,
      %swap3A_526 = arith.constant 2 : i32
      %swap3A_527 = arith.index_cast %swap3A_526 : i32 to index
      %swap3A_528 = arith.index_cast %mul3A_509 : i32 to index
      %swap3A_529 = tpu.vector_load %arg10[%swap3A_527, %swap3A_528] {strides = array<i32>} : memref<8x640xf32, #tpu.memory_space<vmem>>, vector<16xf32>,
      tpu.vector_store %arg10[%swap3A_527, %swap3A_528], %gather3A_525 {strides = array<i32>} : memref<8x640xf32, #tpu.memory_space<vmem>>, vector<16xf32>,
      %broadcast_in_dim3A_530 = arith.constant 3 : i32
      %broadcast_in_dim3A_531 = vector.broadcast %broadcast_in_dim3A_530 : i32 to vector<16xi32>
      %gather3A_532 = tpu.vector_load_idx %arg11[%add3A_511, %broadcast_in_dim3A_531] : memref<640x8xf32, #tpu.memory_space<vmem>>[vector<16xi32>, vector<16xi32>], vector<16xf32>,
      %swap3A_533 = arith.constant 3 : i32
      %swap3A_534 = arith.index_cast %swap3A_533 : i32 to index
      %swap3A_535 = arith.index_cast %mul3A_509 : i32 to index
      %swap3A_536 = tpu.vector_load %arg10[%swap3A_534, %swap3A_535] {strides = array<i32>} : memref<8x640xf32, #tpu.memory_space<vmem>>, vector<16xf32>,
      tpu.vector_store %arg10[%swap3A_534, %swap3A_535], %gather3A_532 {strides = array<i32>} : memref<8x640xf32, #tpu.memory_space<vmem>>, vector<16xf32>,
      %broadcast_in_dim3A_537 = arith.constant 4 : i32
      %broadcast_in_dim3A_538 = vector.broadcast %broadcast_in_dim3A_537 : i32 to vector<16xi32>
      %gather3A_539 = tpu.vector_load_idx %arg11[%add3A_511, %broadcast_in_dim3A_538] : memref<640x8xf32, #tpu.memory_space<vmem>>[vector<16xi32>, vector<16xi32>], vector<16xf32>,
      %swap3A_540 = arith.constant 4 : i32
      %swap3A_541 = arith.index_cast %swap3A_540 : i32 to index
      %swap3A_542 = arith.index_cast %mul3A_509 : i32 to index
      %swap3A_543 = tpu.vector_load %arg10[%swap3A_541, %swap3A_542] {strides = array<i32>} : memref<8x640xf32, #tpu.memory_space<vmem>>, vector<16xf32>,
      tpu.vector_store %arg10[%swap3A_541, %swap3A_542], %gather3A_539 {strides = array<i32>} : memref<8x640xf32, #tpu.memory_space<vmem>>, vector<16xf32>,
      %broadcast_in_dim3A_544 = arith.constant 5 : i32
      %broadcast_in_dim3A_545 = vector.broadcast %broadcast_in_dim3A_544 : i32 to vector<16xi32>
      %gather3A_546 = tpu.vector_load_idx %arg11[%add3A_511, %broadcast_in_dim3A_545] : memref<640x8xf32, #tpu.memory_space<vmem>>[vector<16xi32>, vector<16xi32>], vector<16xf32>,
      %swap3A_547 = arith.constant 5 : i32
      %swap3A_548 = arith.index_cast %swap3A_547 : i32 to index
      %swap3A_549 = arith.index_cast %mul3A_509 : i32 to index
      %swap3A_550 = tpu.vector_load %arg10[%swap3A_548, %swap3A_549] {strides = array<i32>} : memref<8x640xf32, #tpu.memory_space<vmem>>, vector<16xf32>,
      tpu.vector_store %arg10[%swap3A_548, %swap3A_549], %gather3A_546 {strides = array<i32>} : memref<8x640xf32, #tpu.memory_space<vmem>>, vector<16xf32>,
      %broadcast_in_dim3A_551 = arith.constant 6 : i32
      %broadcast_in_dim3A_552 = vector.broadcast %broadcast_in_dim3A_551 : i32 to vector<16xi32>
      %gather3A_553 = tpu.vector_load_idx %arg11[%add3A_511, %broadcast_in_dim3A_552] : memref<640x8xf32, #tpu.memory_space<vmem>>[vector<16xi32>, vector<16xi32>], vector<16xf32>,
      %swap3A_554 = arith.constant 6 : i32
      %swap3A_555 = arith.index_cast %swap3A_554 : i32 to index
      %swap3A_556 = arith.index_cast %mul3A_509 : i32 to index
      %swap3A_557 = tpu.vector_load %arg10[%swap3A_555, %swap3A_556] {strides = array<i32>} : memref<8x640xf32, #tpu.memory_space<vmem>>, vector<16xf32>,
      tpu.vector_store %arg10[%swap3A_555, %swap3A_556], %gather3A_553 {strides = array<i32>} : memref<8x640xf32, #tpu.memory_space<vmem>>, vector<16xf32>,
      %broadcast_in_dim3A_558 = arith.constant 7 : i32
      %broadcast_in_dim3A_559 = vector.broadcast %broadcast_in_dim3A_558 : i32 to vector<16xi32>
      %gather3A_560 = tpu.vector_load_idx %arg11[%add3A_511, %broadcast_in_dim3A_559] : memref<640x8xf32, #tpu.memory_space<vmem>>[vector<16xi32>, vector<16xi32>], vector<16xf32>,
      %swap3A_561 = arith.constant 7 : i32
      %swap3A_562 = arith.index_cast %swap3A_561 : i32 to index
      %swap3A_563 = arith.index_cast %mul3A_509 : i32 to index
      %swap3A_564 = tpu.vector_load %arg10[%swap3A_562, %swap3A_563] {strides = array<i32>} : memref<8x640xf32, #tpu.memory_space<vmem>>, vector<16xf32>,
      tpu.vector_store %arg10[%swap3A_562, %swap3A_563], %gather3A_560 {strides = array<i32>} : memref<8x640xf32, #tpu.memory_space<vmem>>, vector<16xf32>,
    }
    %scan3A_282 = arith.constant 40 : i32
    %mul3A_283 = arith.constant 640 : i32
    %mul3A_284 = arith.muli %arg1, %mul3A_283 : i32
    %dma_start3A_285 = arith.constant 0 : i32
    %dma_start3A_286 = arith.constant 0 : i32
    %dma_start3A_287 = arith.constant 0 : i32
    %dma_start3A_288 = tpu.memref_slice %arg10[%dma_start3A_285, %dma_start3A_287] : memref<8x640xf32, #tpu.memory_space<vmem>> -> memref<1x640xf32, #tpu.memory_space<vmem>>
    %dma_start3A_289 = tpu.memref_squeeze %dma_start3A_288 : memref<1x640xf32, #tpu.memory_space<vmem>> -> memref<640xf32, #tpu.memory_space<vmem>>
    %dma_start3A_290 = tpu.memref_slice %arg4[%arg0, %dma_start3A_286, %mul3A_284] : memref<2x8x10240xf32, #tpu.memory_space<hbm>> -> memref<1x1x640xf32, #tpu.memory_space<hbm>>
    %dma_start3A_291 = tpu.memref_squeeze %dma_start3A_290 : memref<1x1x640xf32, #tpu.memory_space<hbm>> -> memref<640xf32, #tpu.memory_space<hbm>>
    %dma_start3A_292 = tpu.memref_slice %arg4[%arg0, %dma_start3A_286, %mul3A_284] : memref<2x8x10240xf32, #tpu.memory_space<hbm>> -> memref<1x1x640xf32, #tpu.memory_space<hbm>>
    %dma_start3A_293 = tpu.memref_squeeze %dma_start3A_292 : memref<1x1x640xf32, #tpu.memory_space<hbm>> -> memref<640xf32, #tpu.memory_space<hbm>>
    %dma_start3A_294 = arith.constant 0 : i32
    %dma_start3A_295 = tpu.memref_slice %arg10[%dma_start3A_285, %dma_start3A_294] : memref<8x640xf32, #tpu.memory_space<vmem>> -> memref<1x640xf32, #tpu.memory_space<vmem>>
    %dma_start3A_296 = tpu.memref_squeeze %dma_start3A_295 : memref<1x640xf32, #tpu.memory_space<vmem>> -> memref<640xf32, #tpu.memory_space<vmem>>
    tpu.enqueue_dma source(%dma_start3A_296 : memref<640xf32, #tpu.memory_space<vmem>>) target(%dma_start3A_293 : memref<640xf32, #tpu.memory_space<hbm>>) target_semaphore(%arg12 : memref<!tpu.dma_semaphore, #tpu.memory_space<semaphore_mem>>)
    %mul3A_297 = arith.constant 640 : i32
    %mul3A_298 = arith.muli %arg1, %mul3A_297 : i32
    %dma_start3A_299 = arith.constant 1 : i32
    %dma_start3A_300 = arith.constant 1 : i32
    %dma_start3A_301 = arith.constant 0 : i32
    %dma_start3A_302 = tpu.memref_slice %arg10[%dma_start3A_299, %dma_start3A_301] : memref<8x640xf32, #tpu.memory_space<vmem>> -> memref<1x640xf32, #tpu.memory_space<vmem>>
    %dma_start3A_303 = tpu.memref_squeeze %dma_start3A_302 : memref<1x640xf32, #tpu.memory_space<vmem>> -> memref<640xf32, #tpu.memory_space<vmem>>
    %dma_start3A_304 = tpu.memref_slice %arg4[%arg0, %dma_start3A_300, %mul3A_298] : memref<2x8x10240xf32, #tpu.memory_space<hbm>> -> memref<1x1x640xf32, #tpu.memory_space<hbm>>
    %dma_start3A_305 = tpu.memref_squeeze %dma_start3A_304 : memref<1x1x640xf32, #tpu.memory_space<hbm>> -> memref<640xf32, #tpu.memory_space<hbm>>
    %dma_start3A_306 = tpu.memref_slice %arg4[%arg0, %dma_start3A_300, %mul3A_298] : memref<2x8x10240xf32, #tpu.memory_space<hbm>> -> memref<1x1x640xf32, #tpu.memory_space<hbm>>
    %dma_start3A_307 = tpu.memref_squeeze %dma_start3A_306 : memref<1x1x640xf32, #tpu.memory_space<hbm>> -> memref<640xf32, #tpu.memory_space<hbm>>
    %dma_start3A_308 = arith.constant 0 : i32
    %dma_start3A_309 = tpu.memref_slice %arg10[%dma_start3A_299, %dma_start3A_308] : memref<8x640xf32, #tpu.memory_space<vmem>> -> memref<1x640xf32, #tpu.memory_space<vmem>>
    %dma_start3A_310 = tpu.memref_squeeze %dma_start3A_309 : memref<1x640xf32, #tpu.memory_space<vmem>> -> memref<640xf32, #tpu.memory_space<vmem>>
    tpu.enqueue_dma source(%dma_start3A_310 : memref<640xf32, #tpu.memory_space<vmem>>) target(%dma_start3A_307 : memref<640xf32, #tpu.memory_space<hbm>>) target_semaphore(%arg12 : memref<!tpu.dma_semaphore, #tpu.memory_space<semaphore_mem>>)
    %mul3A_311 = arith.constant 640 : i32
    %mul3A_312 = arith.muli %arg1, %mul3A_311 : i32
    %dma_start3A_313 = arith.constant 2 : i32
    %dma_start3A_314 = arith.constant 2 : i32
    %dma_start3A_315 = arith.constant 0 : i32
    %dma_start3A_316 = tpu.memref_slice %arg10[%dma_start3A_313, %dma_start3A_315] : memref<8x640xf32, #tpu.memory_space<vmem>> -> memref<1x640xf32, #tpu.memory_space<vmem>>
    %dma_start3A_317 = tpu.memref_squeeze %dma_start3A_316 : memref<1x640xf32, #tpu.memory_space<vmem>> -> memref<640xf32, #tpu.memory_space<vmem>>
    %dma_start3A_318 = tpu.memref_slice %arg4[%arg0, %dma_start3A_314, %mul3A_312] : memref<2x8x10240xf32, #tpu.memory_space<hbm>> -> memref<1x1x640xf32, #tpu.memory_space<hbm>>
    %dma_start3A_319 = tpu.memref_squeeze %dma_start3A_318 : memref<1x1x640xf32, #tpu.memory_space<hbm>> -> memref<640xf32, #tpu.memory_space<hbm>>
    %dma_start3A_320 = tpu.memref_slice %arg4[%arg0, %dma_start3A_314, %mul3A_312] : memref<2x8x10240xf32, #tpu.memory_space<hbm>> -> memref<1x1x640xf32, #tpu.memory_space<hbm>>
    %dma_start3A_321 = tpu.memref_squeeze %dma_start3A_320 : memref<1x1x640xf32, #tpu.memory_space<hbm>> -> memref<640xf32, #tpu.memory_space<hbm>>
    %dma_start3A_322 = arith.constant 0 : i32
    %dma_start3A_323 = tpu.memref_slice %arg10[%dma_start3A_313, %dma_start3A_322] : memref<8x640xf32, #tpu.memory_space<vmem>> -> memref<1x640xf32, #tpu.memory_space<vmem>>
    %dma_start3A_324 = tpu.memref_squeeze %dma_start3A_323 : memref<1x640xf32, #tpu.memory_space<vmem>> -> memref<640xf32, #tpu.memory_space<vmem>>
    tpu.enqueue_dma source(%dma_start3A_324 : memref<640xf32, #tpu.memory_space<vmem>>) target(%dma_start3A_321 : memref<640xf32, #tpu.memory_space<hbm>>) target_semaphore(%arg12 : memref<!tpu.dma_semaphore, #tpu.memory_space<semaphore_mem>>)
    %mul3A_325 = arith.constant 640 : i32
    %mul3A_326 = arith.muli %arg1, %mul3A_325 : i32
    %dma_start3A_327 = arith.constant 3 : i32
    %dma_start3A_328 = arith.constant 3 : i32
    %dma_start3A_329 = arith.constant 0 : i32
    %dma_start3A_330 = tpu.memref_slice %arg10[%dma_start3A_327, %dma_start3A_329] : memref<8x640xf32, #tpu.memory_space<vmem>> -> memref<1x640xf32, #tpu.memory_space<vmem>>
    %dma_start3A_331 = tpu.memref_squeeze %dma_start3A_330 : memref<1x640xf32, #tpu.memory_space<vmem>> -> memref<640xf32, #tpu.memory_space<vmem>>
    %dma_start3A_332 = tpu.memref_slice %arg4[%arg0, %dma_start3A_328, %mul3A_326] : memref<2x8x10240xf32, #tpu.memory_space<hbm>> -> memref<1x1x640xf32, #tpu.memory_space<hbm>>
    %dma_start3A_333 = tpu.memref_squeeze %dma_start3A_332 : memref<1x1x640xf32, #tpu.memory_space<hbm>> -> memref<640xf32, #tpu.memory_space<hbm>>
    %dma_start3A_334 = tpu.memref_slice %arg4[%arg0, %dma_start3A_328, %mul3A_326] : memref<2x8x10240xf32, #tpu.memory_space<hbm>> -> memref<1x1x640xf32, #tpu.memory_space<hbm>>
    %dma_start3A_335 = tpu.memref_squeeze %dma_start3A_334 : memref<1x1x640xf32, #tpu.memory_space<hbm>> -> memref<640xf32, #tpu.memory_space<hbm>>
    %dma_start3A_336 = arith.constant 0 : i32
    %dma_start3A_337 = tpu.memref_slice %arg10[%dma_start3A_327, %dma_start3A_336] : memref<8x640xf32, #tpu.memory_space<vmem>> -> memref<1x640xf32, #tpu.memory_space<vmem>>
    %dma_start3A_338 = tpu.memref_squeeze %dma_start3A_337 : memref<1x640xf32, #tpu.memory_space<vmem>> -> memref<640xf32, #tpu.memory_space<vmem>>
    tpu.enqueue_dma source(%dma_start3A_338 : memref<640xf32, #tpu.memory_space<vmem>>) target(%dma_start3A_335 : memref<640xf32, #tpu.memory_space<hbm>>) target_semaphore(%arg12 : memref<!tpu.dma_semaphore, #tpu.memory_space<semaphore_mem>>)
    %mul3A_339 = arith.constant 640 : i32
    %mul3A_340 = arith.muli %arg1, %mul3A_339 : i32
    %dma_start3A_341 = arith.constant 4 : i32
    %dma_start3A_342 = arith.constant 4 : i32
    %dma_start3A_343 = arith.constant 0 : i32
    %dma_start3A_344 = tpu.memref_slice %arg10[%dma_start3A_341, %dma_start3A_343] : memref<8x640xf32, #tpu.memory_space<vmem>> -> memref<1x640xf32, #tpu.memory_space<vmem>>
    %dma_start3A_345 = tpu.memref_squeeze %dma_start3A_344 : memref<1x640xf32, #tpu.memory_space<vmem>> -> memref<640xf32, #tpu.memory_space<vmem>>
    %dma_start3A_346 = tpu.memref_slice %arg4[%arg0, %dma_start3A_342, %mul3A_340] : memref<2x8x10240xf32, #tpu.memory_space<hbm>> -> memref<1x1x640xf32, #tpu.memory_space<hbm>>
    %dma_start3A_347 = tpu.memref_squeeze %dma_start3A_346 : memref<1x1x640xf32, #tpu.memory_space<hbm>> -> memref<640xf32, #tpu.memory_space<hbm>>
    %dma_start3A_348 = tpu.memref_slice %arg4[%arg0, %dma_start3A_342, %mul3A_340] : memref<2x8x10240xf32, #tpu.memory_space<hbm>> -> memref<1x1x640xf32, #tpu.memory_space<hbm>>
    %dma_start3A_349 = tpu.memref_squeeze %dma_start3A_348 : memref<1x1x640xf32, #tpu.memory_space<hbm>> -> memref<640xf32, #tpu.memory_space<hbm>>
    %dma_start3A_350 = arith.constant 0 : i32
    %dma_start3A_351 = tpu.memref_slice %arg10[%dma_start3A_341, %dma_start3A_350] : memref<8x640xf32, #tpu.memory_space<vmem>> -> memref<1x640xf32, #tpu.memory_space<vmem>>
    %dma_start3A_352 = tpu.memref_squeeze %dma_start3A_351 : memref<1x640xf32, #tpu.memory_space<vmem>> -> memref<640xf32, #tpu.memory_space<vmem>>
    tpu.enqueue_dma source(%dma_start3A_352 : memref<640xf32, #tpu.memory_space<vmem>>) target(%dma_start3A_349 : memref<640xf32, #tpu.memory_space<hbm>>) target_semaphore(%arg12 : memref<!tpu.dma_semaphore, #tpu.memory_space<semaphore_mem>>)
    %mul3A_353 = arith.constant 640 : i32
    %mul3A_354 = arith.muli %arg1, %mul3A_353 : i32
    %dma_start3A_355 = arith.constant 5 : i32
    %dma_start3A_356 = arith.constant 5 : i32
    %dma_start3A_357 = arith.constant 0 : i32
    %dma_start3A_358 = tpu.memref_slice %arg10[%dma_start3A_355, %dma_start3A_357] : memref<8x640xf32, #tpu.memory_space<vmem>> -> memref<1x640xf32, #tpu.memory_space<vmem>>
    %dma_start3A_359 = tpu.memref_squeeze %dma_start3A_358 : memref<1x640xf32, #tpu.memory_space<vmem>> -> memref<640xf32, #tpu.memory_space<vmem>>
    %dma_start3A_360 = tpu.memref_slice %arg4[%arg0, %dma_start3A_356, %mul3A_354] : memref<2x8x10240xf32, #tpu.memory_space<hbm>> -> memref<1x1x640xf32, #tpu.memory_space<hbm>>
    %dma_start3A_361 = tpu.memref_squeeze %dma_start3A_360 : memref<1x1x640xf32, #tpu.memory_space<hbm>> -> memref<640xf32, #tpu.memory_space<hbm>>
    %dma_start3A_362 = tpu.memref_slice %arg4[%arg0, %dma_start3A_356, %mul3A_354] : memref<2x8x10240xf32, #tpu.memory_space<hbm>> -> memref<1x1x640xf32, #tpu.memory_space<hbm>>
    %dma_start3A_363 = tpu.memref_squeeze %dma_start3A_362 : memref<1x1x640xf32, #tpu.memory_space<hbm>> -> memref<640xf32, #tpu.memory_space<hbm>>
    %dma_start3A_364 = arith.constant 0 : i32
    %dma_start3A_365 = tpu.memref_slice %arg10[%dma_start3A_355, %dma_start3A_364] : memref<8x640xf32, #tpu.memory_space<vmem>> -> memref<1x640xf32, #tpu.memory_space<vmem>>
    %dma_start3A_366 = tpu.memref_squeeze %dma_start3A_365 : memref<1x640xf32, #tpu.memory_space<vmem>> -> memref<640xf32, #tpu.memory_space<vmem>>
    tpu.enqueue_dma source(%dma_start3A_366 : memref<640xf32, #tpu.memory_space<vmem>>) target(%dma_start3A_363 : memref<640xf32, #tpu.memory_space<hbm>>) target_semaphore(%arg12 : memref<!tpu.dma_semaphore, #tpu.memory_space<semaphore_mem>>)
    %mul3A_367 = arith.constant 640 : i32
    %mul3A_368 = arith.muli %arg1, %mul3A_367 : i32
    %dma_start3A_369 = arith.constant 6 : i32
    %dma_start3A_370 = arith.constant 6 : i32
    %dma_start3A_371 = arith.constant 0 : i32
    %dma_start3A_372 = tpu.memref_slice %arg10[%dma_start3A_369, %dma_start3A_371] : memref<8x640xf32, #tpu.memory_space<vmem>> -> memref<1x640xf32, #tpu.memory_space<vmem>>
    %dma_start3A_373 = tpu.memref_squeeze %dma_start3A_372 : memref<1x640xf32, #tpu.memory_space<vmem>> -> memref<640xf32, #tpu.memory_space<vmem>>
    %dma_start3A_374 = tpu.memref_slice %arg4[%arg0, %dma_start3A_370, %mul3A_368] : memref<2x8x10240xf32, #tpu.memory_space<hbm>> -> memref<1x1x640xf32, #tpu.memory_space<hbm>>
    %dma_start3A_375 = tpu.memref_squeeze %dma_start3A_374 : memref<1x1x640xf32, #tpu.memory_space<hbm>> -> memref<640xf32, #tpu.memory_space<hbm>>
    %dma_start3A_376 = tpu.memref_slice %arg4[%arg0, %dma_start3A_370, %mul3A_368] : memref<2x8x10240xf32, #tpu.memory_space<hbm>> -> memref<1x1x640xf32, #tpu.memory_space<hbm>>
    %dma_start3A_377 = tpu.memref_squeeze %dma_start3A_376 : memref<1x1x640xf32, #tpu.memory_space<hbm>> -> memref<640xf32, #tpu.memory_space<hbm>>
    %dma_start3A_378 = arith.constant 0 : i32
    %dma_start3A_379 = tpu.memref_slice %arg10[%dma_start3A_369, %dma_start3A_378] : memref<8x640xf32, #tpu.memory_space<vmem>> -> memref<1x640xf32, #tpu.memory_space<vmem>>
    %dma_start3A_380 = tpu.memref_squeeze %dma_start3A_379 : memref<1x640xf32, #tpu.memory_space<vmem>> -> memref<640xf32, #tpu.memory_space<vmem>>
    tpu.enqueue_dma source(%dma_start3A_380 : memref<640xf32, #tpu.memory_space<vmem>>) target(%dma_start3A_377 : memref<640xf32, #tpu.memory_space<hbm>>) target_semaphore(%arg12 : memref<!tpu.dma_semaphore, #tpu.memory_space<semaphore_mem>>)
    %mul3A_381 = arith.constant 640 : i32
    %mul3A_382 = arith.muli %arg1, %mul3A_381 : i32
    %dma_start3A_383 = arith.constant 7 : i32
    %dma_start3A_384 = arith.constant 7 : i32
    %dma_start3A_385 = arith.constant 0 : i32
    %dma_start3A_386 = tpu.memref_slice %arg10[%dma_start3A_383, %dma_start3A_385] : memref<8x640xf32, #tpu.memory_space<vmem>> -> memref<1x640xf32, #tpu.memory_space<vmem>>
    %dma_start3A_387 = tpu.memref_squeeze %dma_start3A_386 : memref<1x640xf32, #tpu.memory_space<vmem>> -> memref<640xf32, #tpu.memory_space<vmem>>
    %dma_start3A_388 = tpu.memref_slice %arg4[%arg0, %dma_start3A_384, %mul3A_382] : memref<2x8x10240xf32, #tpu.memory_space<hbm>> -> memref<1x1x640xf32, #tpu.memory_space<hbm>>
    %dma_start3A_389 = tpu.memref_squeeze %dma_start3A_388 : memref<1x1x640xf32, #tpu.memory_space<hbm>> -> memref<640xf32, #tpu.memory_space<hbm>>
    %dma_start3A_390 = tpu.memref_slice %arg4[%arg0, %dma_start3A_384, %mul3A_382] : memref<2x8x10240xf32, #tpu.memory_space<hbm>> -> memref<1x1x640xf32, #tpu.memory_space<hbm>>
    %dma_start3A_391 = tpu.memref_squeeze %dma_start3A_390 : memref<1x1x640xf32, #tpu.memory_space<hbm>> -> memref<640xf32, #tpu.memory_space<hbm>>
    %dma_start3A_392 = arith.constant 0 : i32
    %dma_start3A_393 = tpu.memref_slice %arg10[%dma_start3A_383, %dma_start3A_392] : memref<8x640xf32, #tpu.memory_space<vmem>> -> memref<1x640xf32, #tpu.memory_space<vmem>>
    %dma_start3A_394 = tpu.memref_squeeze %dma_start3A_393 : memref<1x640xf32, #tpu.memory_space<vmem>> -> memref<640xf32, #tpu.memory_space<vmem>>
    tpu.enqueue_dma source(%dma_start3A_394 : memref<640xf32, #tpu.memory_space<vmem>>) target(%dma_start3A_391 : memref<640xf32, #tpu.memory_space<hbm>>) target_semaphore(%arg12 : memref<!tpu.dma_semaphore, #tpu.memory_space<semaphore_mem>>)
    %mul3A_395 = arith.constant 640 : i32
    %mul3A_396 = arith.muli %arg1, %mul3A_395 : i32
    %dma_wait3A_397 = arith.constant 0 : i32
    %dma_wait3A_398 = arith.constant 0 : i32
    %dma_wait3A_399 = arith.constant 0 : i32
    %dma_wait3A_400 = tpu.memref_slice %arg10[%dma_wait3A_397, %dma_wait3A_399] : memref<8x640xf32, #tpu.memory_space<vmem>> -> memref<1x640xf32, #tpu.memory_space<vmem>>
    %dma_wait3A_401 = tpu.memref_squeeze %dma_wait3A_400 : memref<1x640xf32, #tpu.memory_space<vmem>> -> memref<640xf32, #tpu.memory_space<vmem>>
    %dma_wait3A_402 = tpu.memref_slice %arg4[%arg0, %dma_wait3A_398, %mul3A_396] : memref<2x8x10240xf32, #tpu.memory_space<hbm>> -> memref<1x1x640xf32, #tpu.memory_space<hbm>>
    %dma_wait3A_403 = tpu.memref_squeeze %dma_wait3A_402 : memref<1x1x640xf32, #tpu.memory_space<hbm>> -> memref<640xf32, #tpu.memory_space<hbm>>
    %dma_wait3A_404 = tpu.memref_slice %arg4[%arg0, %dma_wait3A_398, %mul3A_396] : memref<2x8x10240xf32, #tpu.memory_space<hbm>> -> memref<1x1x640xf32, #tpu.memory_space<hbm>>
    %dma_wait3A_405 = tpu.memref_squeeze %dma_wait3A_404 : memref<1x1x640xf32, #tpu.memory_space<hbm>> -> memref<640xf32, #tpu.memory_space<hbm>>
    %dma_wait3A_406 = arith.constant 0 : i32
    %dma_wait3A_407 = tpu.memref_slice %arg10[%dma_wait3A_397, %dma_wait3A_406] : memref<8x640xf32, #tpu.memory_space<vmem>> -> memref<1x640xf32, #tpu.memory_space<vmem>>
    %dma_wait3A_408 = tpu.memref_squeeze %dma_wait3A_407 : memref<1x640xf32, #tpu.memory_space<vmem>> -> memref<640xf32, #tpu.memory_space<vmem>>
    tpu.wait_dma2 semaphore(%arg12 : memref<!tpu.dma_semaphore, #tpu.memory_space<semaphore_mem>>) src(%dma_wait3A_408 : memref<640xf32, #tpu.memory_space<vmem>>) dst(%dma_wait3A_405 : memref<640xf32, #tpu.memory_space<hbm>>)
    %mul3A_409 = arith.constant 640 : i32
    %mul3A_410 = arith.muli %arg1, %mul3A_409 : i32
    %dma_wait3A_411 = arith.constant 1 : i32
    %dma_wait3A_412 = arith.constant 1 : i32
    %dma_wait3A_413 = arith.constant 0 : i32
    %dma_wait3A_414 = tpu.memref_slice %arg10[%dma_wait3A_411, %dma_wait3A_413] : memref<8x640xf32, #tpu.memory_space<vmem>> -> memref<1x640xf32, #tpu.memory_space<vmem>>
    %dma_wait3A_415 = tpu.memref_squeeze %dma_wait3A_414 : memref<1x640xf32, #tpu.memory_space<vmem>> -> memref<640xf32, #tpu.memory_space<vmem>>
    %dma_wait3A_416 = tpu.memref_slice %arg4[%arg0, %dma_wait3A_412, %mul3A_410] : memref<2x8x10240xf32, #tpu.memory_space<hbm>> -> memref<1x1x640xf32, #tpu.memory_space<hbm>>
    %dma_wait3A_417 = tpu.memref_squeeze %dma_wait3A_416 : memref<1x1x640xf32, #tpu.memory_space<hbm>> -> memref<640xf32, #tpu.memory_space<hbm>>
    %dma_wait3A_418 = tpu.memref_slice %arg4[%arg0, %dma_wait3A_412, %mul3A_410] : memref<2x8x10240xf32, #tpu.memory_space<hbm>> -> memref<1x1x640xf32, #tpu.memory_space<hbm>>
    %dma_wait3A_419 = tpu.memref_squeeze %dma_wait3A_418 : memref<1x1x640xf32, #tpu.memory_space<hbm>> -> memref<640xf32, #tpu.memory_space<hbm>>
    %dma_wait3A_420 = arith.constant 0 : i32
    %dma_wait3A_421 = tpu.memref_slice %arg10[%dma_wait3A_411, %dma_wait3A_420] : memref<8x640xf32, #tpu.memory_space<vmem>> -> memref<1x640xf32, #tpu.memory_space<vmem>>
    %dma_wait3A_422 = tpu.memref_squeeze %dma_wait3A_421 : memref<1x640xf32, #tpu.memory_space<vmem>> -> memref<640xf32, #tpu.memory_space<vmem>>
    tpu.wait_dma2 semaphore(%arg12 : memref<!tpu.dma_semaphore, #tpu.memory_space<semaphore_mem>>) src(%dma_wait3A_422 : memref<640xf32, #tpu.memory_space<vmem>>) dst(%dma_wait3A_419 : memref<640xf32, #tpu.memory_space<hbm>>)
    %mul3A_423 = arith.constant 640 : i32
    %mul3A_424 = arith.muli %arg1, %mul3A_423 : i32
    %dma_wait3A_425 = arith.constant 2 : i32
    %dma_wait3A_426 = arith.constant 2 : i32
    %dma_wait3A_427 = arith.constant 0 : i32
    %dma_wait3A_428 = tpu.memref_slice %arg10[%dma_wait3A_425, %dma_wait3A_427] : memref<8x640xf32, #tpu.memory_space<vmem>> -> memref<1x640xf32, #tpu.memory_space<vmem>>
    %dma_wait3A_429 = tpu.memref_squeeze %dma_wait3A_428 : memref<1x640xf32, #tpu.memory_space<vmem>> -> memref<640xf32, #tpu.memory_space<vmem>>
    %dma_wait3A_430 = tpu.memref_slice %arg4[%arg0, %dma_wait3A_426, %mul3A_424] : memref<2x8x10240xf32, #tpu.memory_space<hbm>> -> memref<1x1x640xf32, #tpu.memory_space<hbm>>
    %dma_wait3A_431 = tpu.memref_squeeze %dma_wait3A_430 : memref<1x1x640xf32, #tpu.memory_space<hbm>> -> memref<640xf32, #tpu.memory_space<hbm>>
    %dma_wait3A_432 = tpu.memref_slice %arg4[%arg0, %dma_wait3A_426, %mul3A_424] : memref<2x8x10240xf32, #tpu.memory_space<hbm>> -> memref<1x1x640xf32, #tpu.memory_space<hbm>>
    %dma_wait3A_433 = tpu.memref_squeeze %dma_wait3A_432 : memref<1x1x640xf32, #tpu.memory_space<hbm>> -> memref<640xf32, #tpu.memory_space<hbm>>
    %dma_wait3A_434 = arith.constant 0 : i32
    %dma_wait3A_435 = tpu.memref_slice %arg10[%dma_wait3A_425, %dma_wait3A_434] : memref<8x640xf32, #tpu.memory_space<vmem>> -> memref<1x640xf32, #tpu.memory_space<vmem>>
    %dma_wait3A_436 = tpu.memref_squeeze %dma_wait3A_435 : memref<1x640xf32, #tpu.memory_space<vmem>> -> memref<640xf32, #tpu.memory_space<vmem>>
    tpu.wait_dma2 semaphore(%arg12 : memref<!tpu.dma_semaphore, #tpu.memory_space<semaphore_mem>>) src(%dma_wait3A_436 : memref<640xf32, #tpu.memory_space<vmem>>) dst(%dma_wait3A_433 : memref<640xf32, #tpu.memory_space<hbm>>)
    %mul3A_437 = arith.constant 640 : i32
    %mul3A_438 = arith.muli %arg1, %mul3A_437 : i32
    %dma_wait3A_439 = arith.constant 3 : i32
    %dma_wait3A_440 = arith.constant 3 : i32
    %dma_wait3A_441 = arith.constant 0 : i32
    %dma_wait3A_442 = tpu.memref_slice %arg10[%dma_wait3A_439, %dma_wait3A_441] : memref<8x640xf32, #tpu.memory_space<vmem>> -> memref<1x640xf32, #tpu.memory_space<vmem>>
    %dma_wait3A_443 = tpu.memref_squeeze %dma_wait3A_442 : memref<1x640xf32, #tpu.memory_space<vmem>> -> memref<640xf32, #tpu.memory_space<vmem>>
    %dma_wait3A_444 = tpu.memref_slice %arg4[%arg0, %dma_wait3A_440, %mul3A_438] : memref<2x8x10240xf32, #tpu.memory_space<hbm>> -> memref<1x1x640xf32, #tpu.memory_space<hbm>>
    %dma_wait3A_445 = tpu.memref_squeeze %dma_wait3A_444 : memref<1x1x640xf32, #tpu.memory_space<hbm>> -> memref<640xf32, #tpu.memory_space<hbm>>
    %dma_wait3A_446 = tpu.memref_slice %arg4[%arg0, %dma_wait3A_440, %mul3A_438] : memref<2x8x10240xf32, #tpu.memory_space<hbm>> -> memref<1x1x640xf32, #tpu.memory_space<hbm>>
    %dma_wait3A_447 = tpu.memref_squeeze %dma_wait3A_446 : memref<1x1x640xf32, #tpu.memory_space<hbm>> -> memref<640xf32, #tpu.memory_space<hbm>>
    %dma_wait3A_448 = arith.constant 0 : i32
    %dma_wait3A_449 = tpu.memref_slice %arg10[%dma_wait3A_439, %dma_wait3A_448] : memref<8x640xf32, #tpu.memory_space<vmem>> -> memref<1x640xf32, #tpu.memory_space<vmem>>
    %dma_wait3A_450 = tpu.memref_squeeze %dma_wait3A_449 : memref<1x640xf32, #tpu.memory_space<vmem>> -> memref<640xf32, #tpu.memory_space<vmem>>
    tpu.wait_dma2 semaphore(%arg12 : memref<!tpu.dma_semaphore, #tpu.memory_space<semaphore_mem>>) src(%dma_wait3A_450 : memref<640xf32, #tpu.memory_space<vmem>>) dst(%dma_wait3A_447 : memref<640xf32, #tpu.memory_space<hbm>>)
    %mul3A_451 = arith.constant 640 : i32
    %mul3A_452 = arith.muli %arg1, %mul3A_451 : i32
    %dma_wait3A_453 = arith.constant 4 : i32
    %dma_wait3A_454 = arith.constant 4 : i32
    %dma_wait3A_455 = arith.constant 0 : i32
    %dma_wait3A_456 = tpu.memref_slice %arg10[%dma_wait3A_453, %dma_wait3A_455] : memref<8x640xf32, #tpu.memory_space<vmem>> -> memref<1x640xf32, #tpu.memory_space<vmem>>
    %dma_wait3A_457 = tpu.memref_squeeze %dma_wait3A_456 : memref<1x640xf32, #tpu.memory_space<vmem>> -> memref<640xf32, #tpu.memory_space<vmem>>
    %dma_wait3A_458 = tpu.memref_slice %arg4[%arg0, %dma_wait3A_454, %mul3A_452] : memref<2x8x10240xf32, #tpu.memory_space<hbm>> -> memref<1x1x640xf32, #tpu.memory_space<hbm>>
    %dma_wait3A_459 = tpu.memref_squeeze %dma_wait3A_458 : memref<1x1x640xf32, #tpu.memory_space<hbm>> -> memref<640xf32, #tpu.memory_space<hbm>>
    %dma_wait3A_460 = tpu.memref_slice %arg4[%arg0, %dma_wait3A_454, %mul3A_452] : memref<2x8x10240xf32, #tpu.memory_space<hbm>> -> memref<1x1x640xf32, #tpu.memory_space<hbm>>
    %dma_wait3A_461 = tpu.memref_squeeze %dma_wait3A_460 : memref<1x1x640xf32, #tpu.memory_space<hbm>> -> memref<640xf32, #tpu.memory_space<hbm>>
    %dma_wait3A_462 = arith.constant 0 : i32
    %dma_wait3A_463 = tpu.memref_slice %arg10[%dma_wait3A_453, %dma_wait3A_462] : memref<8x640xf32, #tpu.memory_space<vmem>> -> memref<1x640xf32, #tpu.memory_space<vmem>>
    %dma_wait3A_464 = tpu.memref_squeeze %dma_wait3A_463 : memref<1x640xf32, #tpu.memory_space<vmem>> -> memref<640xf32, #tpu.memory_space<vmem>>
    tpu.wait_dma2 semaphore(%arg12 : memref<!tpu.dma_semaphore, #tpu.memory_space<semaphore_mem>>) src(%dma_wait3A_464 : memref<640xf32, #tpu.memory_space<vmem>>) dst(%dma_wait3A_461 : memref<640xf32, #tpu.memory_space<hbm>>)
    %mul3A_465 = arith.constant 640 : i32
    %mul3A_466 = arith.muli %arg1, %mul3A_465 : i32
    %dma_wait3A_467 = arith.constant 5 : i32
    %dma_wait3A_468 = arith.constant 5 : i32
    %dma_wait3A_469 = arith.constant 0 : i32
    %dma_wait3A_470 = tpu.memref_slice %arg10[%dma_wait3A_467, %dma_wait3A_469] : memref<8x640xf32, #tpu.memory_space<vmem>> -> memref<1x640xf32, #tpu.memory_space<vmem>>
    %dma_wait3A_471 = tpu.memref_squeeze %dma_wait3A_470 : memref<1x640xf32, #tpu.memory_space<vmem>> -> memref<640xf32, #tpu.memory_space<vmem>>
    %dma_wait3A_472 = tpu.memref_slice %arg4[%arg0, %dma_wait3A_468, %mul3A_466] : memref<2x8x10240xf32, #tpu.memory_space<hbm>> -> memref<1x1x640xf32, #tpu.memory_space<hbm>>
    %dma_wait3A_473 = tpu.memref_squeeze %dma_wait3A_472 : memref<1x1x640xf32, #tpu.memory_space<hbm>> -> memref<640xf32, #tpu.memory_space<hbm>>
    %dma_wait3A_474 = tpu.memref_slice %arg4[%arg0, %dma_wait3A_468, %mul3A_466] : memref<2x8x10240xf32, #tpu.memory_space<hbm>> -> memref<1x1x640xf32, #tpu.memory_space<hbm>>
    %dma_wait3A_475 = tpu.memref_squeeze %dma_wait3A_474 : memref<1x1x640xf32, #tpu.memory_space<hbm>> -> memref<640xf32, #tpu.memory_space<hbm>>
    %dma_wait3A_476 = arith.constant 0 : i32
    %dma_wait3A_477 = tpu.memref_slice %arg10[%dma_wait3A_467, %dma_wait3A_476] : memref<8x640xf32, #tpu.memory_space<vmem>> -> memref<1x640xf32, #tpu.memory_space<vmem>>
    %dma_wait3A_478 = tpu.memref_squeeze %dma_wait3A_477 : memref<1x640xf32, #tpu.memory_space<vmem>> -> memref<640xf32, #tpu.memory_space<vmem>>
    tpu.wait_dma2 semaphore(%arg12 : memref<!tpu.dma_semaphore, #tpu.memory_space<semaphore_mem>>) src(%dma_wait3A_478 : memref<640xf32, #tpu.memory_space<vmem>>) dst(%dma_wait3A_475 : memref<640xf32, #tpu.memory_space<hbm>>)
    %mul3A_479 = arith.constant 640 : i32
    %mul3A_480 = arith.muli %arg1, %mul3A_479 : i32
    %dma_wait3A_481 = arith.constant 6 : i32
    %dma_wait3A_482 = arith.constant 6 : i32
    %dma_wait3A_483 = arith.constant 0 : i32
    %dma_wait3A_484 = tpu.memref_slice %arg10[%dma_wait3A_481, %dma_wait3A_483] : memref<8x640xf32, #tpu.memory_space<vmem>> -> memref<1x640xf32, #tpu.memory_space<vmem>>
    %dma_wait3A_485 = tpu.memref_squeeze %dma_wait3A_484 : memref<1x640xf32, #tpu.memory_space<vmem>> -> memref<640xf32, #tpu.memory_space<vmem>>
    %dma_wait3A_486 = tpu.memref_slice %arg4[%arg0, %dma_wait3A_482, %mul3A_480] : memref<2x8x10240xf32, #tpu.memory_space<hbm>> -> memref<1x1x640xf32, #tpu.memory_space<hbm>>
    %dma_wait3A_487 = tpu.memref_squeeze %dma_wait3A_486 : memref<1x1x640xf32, #tpu.memory_space<hbm>> -> memref<640xf32, #tpu.memory_space<hbm>>
    %dma_wait3A_488 = tpu.memref_slice %arg4[%arg0, %dma_wait3A_482, %mul3A_480] : memref<2x8x10240xf32, #tpu.memory_space<hbm>> -> memref<1x1x640xf32, #tpu.memory_space<hbm>>
    %dma_wait3A_489 = tpu.memref_squeeze %dma_wait3A_488 : memref<1x1x640xf32, #tpu.memory_space<hbm>> -> memref<640xf32, #tpu.memory_space<hbm>>
    %dma_wait3A_490 = arith.constant 0 : i32
    %dma_wait3A_491 = tpu.memref_slice %arg10[%dma_wait3A_481, %dma_wait3A_490] : memref<8x640xf32, #tpu.memory_space<vmem>> -> memref<1x640xf32, #tpu.memory_space<vmem>>
    %dma_wait3A_492 = tpu.memref_squeeze %dma_wait3A_491 : memref<1x640xf32, #tpu.memory_space<vmem>> -> memref<640xf32, #tpu.memory_space<vmem>>
    tpu.wait_dma2 semaphore(%arg12 : memref<!tpu.dma_semaphore, #tpu.memory_space<semaphore_mem>>) src(%dma_wait3A_492 : memref<640xf32, #tpu.memory_space<vmem>>) dst(%dma_wait3A_489 : memref<640xf32, #tpu.memory_space<hbm>>)
    %mul3A_493 = arith.constant 640 : i32
    %mul3A_494 = arith.muli %arg1, %mul3A_493 : i32
    %dma_wait3A_495 = arith.constant 7 : i32
    %dma_wait3A_496 = arith.constant 7 : i32
    %dma_wait3A_497 = arith.constant 0 : i32
    %dma_wait3A_498 = tpu.memref_slice %arg10[%dma_wait3A_495, %dma_wait3A_497] : memref<8x640xf32, #tpu.memory_space<vmem>> -> memref<1x640xf32, #tpu.memory_space<vmem>>
    %dma_wait3A_499 = tpu.memref_squeeze %dma_wait3A_498 : memref<1x640xf32, #tpu.memory_space<vmem>> -> memref<640xf32, #tpu.memory_space<vmem>>
    %dma_wait3A_500 = tpu.memref_slice %arg4[%arg0, %dma_wait3A_496, %mul3A_494] : memref<2x8x10240xf32, #tpu.memory_space<hbm>> -> memref<1x1x640xf32, #tpu.memory_space<hbm>>
    %dma_wait3A_501 = tpu.memref_squeeze %dma_wait3A_500 : memref<1x1x640xf32, #tpu.memory_space<hbm>> -> memref<640xf32, #tpu.memory_space<hbm>>
    %dma_wait3A_502 = tpu.memref_slice %arg4[%arg0, %dma_wait3A_496, %mul3A_494] : memref<2x8x10240xf32, #tpu.memory_space<hbm>> -> memref<1x1x640xf32, #tpu.memory_space<hbm>>
    %dma_wait3A_503 = tpu.memref_squeeze %dma_wait3A_502 : memref<1x1x640xf32, #tpu.memory_space<hbm>> -> memref<640xf32, #tpu.memory_space<hbm>>
    %dma_wait3A_504 = arith.constant 0 : i32
    %dma_wait3A_505 = tpu.memref_slice %arg10[%dma_wait3A_495, %dma_wait3A_504] : memref<8x640xf32, #tpu.memory_space<vmem>> -> memref<1x640xf32, #tpu.memory_space<vmem>>
    %dma_wait3A_506 = tpu.memref_squeeze %dma_wait3A_505 : memref<1x640xf32, #tpu.memory_space<vmem>> -> memref<640xf32, #tpu.memory_space<vmem>>
    tpu.wait_dma2 semaphore(%arg12 : memref<!tpu.dma_semaphore, #tpu.memory_space<semaphore_mem>>) src(%dma_wait3A_506 : memref<640xf32, #tpu.memory_space<vmem>>) dst(%dma_wait3A_503 : memref<640xf32, #tpu.memory_space<hbm>>)
    return
  }
}

#map = affine_map<(d0, d1) -> (0, 0)>
#map1 = affine_map<(d0, d1) -> (0, 0, 0, 0)>
#map2 = affine_map<(d0, d1) -> (0, 0, 0)>
module attributes {stable_mosaic.version = 14 : i64} {
  func.func @_agg(%arg0: i32, %arg1: i32, %arg2: memref<8x10240xf32, #tpu.memory_space<hbm>>, %arg3: memref<2x32x125x80xi32, #tpu.memory_space<hbm>>, %arg4: memref<2x8x10240xf32, #tpu.memory_space<hbm>>, %arg5: memref<125x80xi32, #tpu.memory_space<vmem>>, %arg6: memref<125x80xi32, #tpu.memory_space<vmem>>, %arg7: memref<10x80x8xf32, #tpu.memory_space<vmem>>, %arg8: memref<10240x8xf32, #tpu.memory_space<vmem_shared>>, %arg9: memref<10240x8xf32, #tpu.memory_space<vmem_shared>>, %arg10: memref<8x640xf32, #tpu.memory_space<vmem>>, %arg11: memref<640x8xf32, #tpu.memory_space<vmem>>, %arg12: memref<!tpu.dma_semaphore, #tpu.memory_space<semaphore_mem>>, %arg13: memref<!tpu.dma_semaphore, #tpu.memory_space<semaphore_mem>>) attributes {dimension_semantics = [#tpu.dimension_semantics<core_parallel>, #tpu.dimension_semantics<subcore_parallel>], iteration_bounds = array<i64: 2, 16>, scalar_prefetch = 0 : i64, scratch_operands = 9 : i64, tpu.core_type = #tpu.core_type<sc_vector_subcore>, window_params = [{transform_indices = #map}, {transform_indices = #map1}, {transform_indices = #map2}]} {
    %mul3A = arith.constant 2 : i32
    %mul3A_0 = arith.muli %arg1, %mul3A : i32
    %add3A = arith.addi %mul3A_0, %arg0 : i32
    %iota3A = tpu.iota {dimensions = array<i32: 0>} : vector<16xi32>
    %dma_start3A = arith.constant 0 : i32
    %dma_start3A_1 = arith.constant 0 : i32
    %dma_start3A_2 = arith.constant 0 : i32
    %dma_start3A_3 = tpu.memref_slice %arg3[%dma_start3A, %add3A, %dma_start3A_1, %dma_start3A_2] : memref<2x32x125x80xi32, #tpu.memory_space<hbm>> -> memref<1x1x125x80xi32, #tpu.memory_space<hbm>>
    %dma_start3A_4 = tpu.memref_squeeze %dma_start3A_3 : memref<1x1x125x80xi32, #tpu.memory_space<hbm>> -> memref<125x80xi32, #tpu.memory_space<hbm>>
    %dma_start3A_5 = arith.constant 0 : i32
    %dma_start3A_6 = arith.constant 0 : i32
    %dma_start3A_7 = tpu.memref_slice %arg3[%dma_start3A, %add3A, %dma_start3A_5, %dma_start3A_6] : memref<2x32x125x80xi32, #tpu.memory_space<hbm>> -> memref<1x1x125x80xi32, #tpu.memory_space<hbm>>
    %dma_start3A_8 = tpu.memref_squeeze %dma_start3A_7 : memref<1x1x125x80xi32, #tpu.memory_space<hbm>> -> memref<125x80xi32, #tpu.memory_space<hbm>>
    tpu.enqueue_dma source(%dma_start3A_8 : memref<125x80xi32, #tpu.memory_space<hbm>>) target(%arg5 : memref<125x80xi32, #tpu.memory_space<vmem>>) target_semaphore(%arg13 : memref<!tpu.dma_semaphore, #tpu.memory_space<semaphore_mem>>)
    %dma_start3A_9 = arith.constant 1 : i32
    %dma_start3A_10 = arith.constant 0 : i32
    %dma_start3A_11 = arith.constant 0 : i32
    %dma_start3A_12 = tpu.memref_slice %arg3[%dma_start3A_9, %add3A, %dma_start3A_10, %dma_start3A_11] : memref<2x32x125x80xi32, #tpu.memory_space<hbm>> -> memref<1x1x125x80xi32, #tpu.memory_space<hbm>>
    %dma_start3A_13 = tpu.memref_squeeze %dma_start3A_12 : memref<1x1x125x80xi32, #tpu.memory_space<hbm>> -> memref<125x80xi32, #tpu.memory_space<hbm>>
    %dma_start3A_14 = arith.constant 0 : i32
    %dma_start3A_15 = arith.constant 0 : i32
    %dma_start3A_16 = tpu.memref_slice %arg3[%dma_start3A_9, %add3A, %dma_start3A_14, %dma_start3A_15] : memref<2x32x125x80xi32, #tpu.memory_space<hbm>> -> memref<1x1x125x80xi32, #tpu.memory_space<hbm>>
    %dma_start3A_17 = tpu.memref_squeeze %dma_start3A_16 : memref<1x1x125x80xi32, #tpu.memory_space<hbm>> -> memref<125x80xi32, #tpu.memory_space<hbm>>
    tpu.enqueue_dma source(%dma_start3A_17 : memref<125x80xi32, #tpu.memory_space<hbm>>) target(%arg6 : memref<125x80xi32, #tpu.memory_space<vmem>>) target_semaphore(%arg13 : memref<!tpu.dma_semaphore, #tpu.memory_space<semaphore_mem>>)
    %mul3A_18 = arith.constant 640 : i32
    %mul3A_19 = arith.muli %arg1, %mul3A_18 : i32
    %dma_start3A_20 = arith.constant 0 : i32
    %dma_start3A_21 = arith.constant 0 : i32
    %dma_start3A_22 = arith.constant 0 : i32
    %dma_start3A_23 = tpu.memref_slice %arg10[%dma_start3A_21, %dma_start3A_22] : memref<8x640xf32, #tpu.memory_space<vmem>> -> memref<1x640xf32, #tpu.memory_space<vmem>>
    %dma_start3A_24 = tpu.memref_squeeze %dma_start3A_23 : memref<1x640xf32, #tpu.memory_space<vmem>> -> memref<640xf32, #tpu.memory_space<vmem>>
    %dma_start3A_25 = tpu.memref_slice %arg2[%dma_start3A_20, %mul3A_19] : memref<8x10240xf32, #tpu.memory_space<hbm>> -> memref<1x640xf32, #tpu.memory_space<hbm>>
    %dma_start3A_26 = tpu.memref_squeeze %dma_start3A_25 : memref<1x640xf32, #tpu.memory_space<hbm>> -> memref<640xf32, #tpu.memory_space<hbm>>
    %dma_start3A_27 = arith.constant 0 : i32
    %dma_start3A_28 = tpu.memref_slice %arg10[%dma_start3A_21, %dma_start3A_27] : memref<8x640xf32, #tpu.memory_space<vmem>> -> memref<1x640xf32, #tpu.memory_space<vmem>>
    %dma_start3A_29 = tpu.memref_squeeze %dma_start3A_28 : memref<1x640xf32, #tpu.memory_space<vmem>> -> memref<640xf32, #tpu.memory_space<vmem>>
    %dma_start3A_30 = tpu.memref_slice %arg2[%dma_start3A_20, %mul3A_19] : memref<8x10240xf32, #tpu.memory_space<hbm>> -> memref<1x640xf32, #tpu.memory_space<hbm>>
    %dma_start3A_31 = tpu.memref_squeeze %dma_start3A_30 : memref<1x640xf32, #tpu.memory_space<hbm>> -> memref<640xf32, #tpu.memory_space<hbm>>
    tpu.enqueue_dma source(%dma_start3A_31 : memref<640xf32, #tpu.memory_space<hbm>>) target(%dma_start3A_29 : memref<640xf32, #tpu.memory_space<vmem>>) target_semaphore(%arg12 : memref<!tpu.dma_semaphore, #tpu.memory_space<semaphore_mem>>)
    %mul3A_32 = arith.constant 640 : i32
    %mul3A_33 = arith.muli %arg1, %mul3A_32 : i32
    %dma_start3A_34 = arith.constant 1 : i32
    %dma_start3A_35 = arith.constant 1 : i32
    %dma_start3A_36 = arith.constant 0 : i32
    %dma_start3A_37 = tpu.memref_slice %arg10[%dma_start3A_35, %dma_start3A_36] : memref<8x640xf32, #tpu.memory_space<vmem>> -> memref<1x640xf32, #tpu.memory_space<vmem>>
    %dma_start3A_38 = tpu.memref_squeeze %dma_start3A_37 : memref<1x640xf32, #tpu.memory_space<vmem>> -> memref<640xf32, #tpu.memory_space<vmem>>
    %dma_start3A_39 = tpu.memref_slice %arg2[%dma_start3A_34, %mul3A_33] : memref<8x10240xf32, #tpu.memory_space<hbm>> -> memref<1x640xf32, #tpu.memory_space<hbm>>
    %dma_start3A_40 = tpu.memref_squeeze %dma_start3A_39 : memref<1x640xf32, #tpu.memory_space<hbm>> -> memref<640xf32, #tpu.memory_space<hbm>>
    %dma_start3A_41 = arith.constant 0 : i32
    %dma_start3A_42 = tpu.memref_slice %arg10[%dma_start3A_35, %dma_start3A_41] : memref<8x640xf32, #tpu.memory_space<vmem>> -> memref<1x640xf32, #tpu.memory_space<vmem>>
    %dma_start3A_43 = tpu.memref_squeeze %dma_start3A_42 : memref<1x640xf32, #tpu.memory_space<vmem>> -> memref<640xf32, #tpu.memory_space<vmem>>
    %dma_start3A_44 = tpu.memref_slice %arg2[%dma_start3A_34, %mul3A_33] : memref<8x10240xf32, #tpu.memory_space<hbm>> -> memref<1x640xf32, #tpu.memory_space<hbm>>
    %dma_start3A_45 = tpu.memref_squeeze %dma_start3A_44 : memref<1x640xf32, #tpu.memory_space<hbm>> -> memref<640xf32, #tpu.memory_space<hbm>>
    tpu.enqueue_dma source(%dma_start3A_45 : memref<640xf32, #tpu.memory_space<hbm>>) target(%dma_start3A_43 : memref<640xf32, #tpu.memory_space<vmem>>) target_semaphore(%arg12 : memref<!tpu.dma_semaphore, #tpu.memory_space<semaphore_mem>>)
    %mul3A_46 = arith.constant 640 : i32
    %mul3A_47 = arith.muli %arg1, %mul3A_46 : i32
    %dma_start3A_48 = arith.constant 2 : i32
    %dma_start3A_49 = arith.constant 2 : i32
    %dma_start3A_50 = arith.constant 0 : i32
    %dma_start3A_51 = tpu.memref_slice %arg10[%dma_start3A_49, %dma_start3A_50] : memref<8x640xf32, #tpu.memory_space<vmem>> -> memref<1x640xf32, #tpu.memory_space<vmem>>
    %dma_start3A_52 = tpu.memref_squeeze %dma_start3A_51 : memref<1x640xf32, #tpu.memory_space<vmem>> -> memref<640xf32, #tpu.memory_space<vmem>>
    %dma_start3A_53 = tpu.memref_slice %arg2[%dma_start3A_48, %mul3A_47] : memref<8x10240xf32, #tpu.memory_space<hbm>> -> memref<1x640xf32, #tpu.memory_space<hbm>>
    %dma_start3A_54 = tpu.memref_squeeze %dma_start3A_53 : memref<1x640xf32, #tpu.memory_space<hbm>> -> memref<640xf32, #tpu.memory_space<hbm>>
    %dma_start3A_55 = arith.constant 0 : i32
    %dma_start3A_56 = tpu.memref_slice %arg10[%dma_start3A_49, %dma_start3A_55] : memref<8x640xf32, #tpu.memory_space<vmem>> -> memref<1x640xf32, #tpu.memory_space<vmem>>
    %dma_start3A_57 = tpu.memref_squeeze %dma_start3A_56 : memref<1x640xf32, #tpu.memory_space<vmem>> -> memref<640xf32, #tpu.memory_space<vmem>>
    %dma_start3A_58 = tpu.memref_slice %arg2[%dma_start3A_48, %mul3A_47] : memref<8x10240xf32, #tpu.memory_space<hbm>> -> memref<1x640xf32, #tpu.memory_space<hbm>>
    %dma_start3A_59 = tpu.memref_squeeze %dma_start3A_58 : memref<1x640xf32, #tpu.memory_space<hbm>> -> memref<640xf32, #tpu.memory_space<hbm>>
    tpu.enqueue_dma source(%dma_start3A_59 : memref<640xf32, #tpu.memory_space<hbm>>) target(%dma_start3A_57 : memref<640xf32, #tpu.memory_space<vmem>>) target_semaphore(%arg12 : memref<!tpu.dma_semaphore, #tpu.memory_space<semaphore_mem>>)
    %mul3A_60 = arith.constant 640 : i32
    %mul3A_61 = arith.muli %arg1, %mul3A_60 : i32
    %dma_start3A_62 = arith.constant 3 : i32
    %dma_start3A_63 = arith.constant 3 : i32
    %dma_start3A_64 = arith.constant 0 : i32
    %dma_start3A_65 = tpu.memref_slice %arg10[%dma_start3A_63, %dma_start3A_64] : memref<8x640xf32, #tpu.memory_space<vmem>> -> memref<1x640xf32, #tpu.memory_space<vmem>>
    %dma_start3A_66 = tpu.memref_squeeze %dma_start3A_65 : memref<1x640xf32, #tpu.memory_space<vmem>> -> memref<640xf32, #tpu.memory_space<vmem>>
    %dma_start3A_67 = tpu.memref_slice %arg2[%dma_start3A_62, %mul3A_61] : memref<8x10240xf32, #tpu.memory_space<hbm>> -> memref<1x640xf32, #tpu.memory_space<hbm>>
    %dma_start3A_68 = tpu.memref_squeeze %dma_start3A_67 : memref<1x640xf32, #tpu.memory_space<hbm>> -> memref<640xf32, #tpu.memory_space<hbm>>
    %dma_start3A_69 = arith.constant 0 : i32
    %dma_start3A_70 = tpu.memref_slice %arg10[%dma_start3A_63, %dma_start3A_69] : memref<8x640xf32, #tpu.memory_space<vmem>> -> memref<1x640xf32, #tpu.memory_space<vmem>>
    %dma_start3A_71 = tpu.memref_squeeze %dma_start3A_70 : memref<1x640xf32, #tpu.memory_space<vmem>> -> memref<640xf32, #tpu.memory_space<vmem>>
    %dma_start3A_72 = tpu.memref_slice %arg2[%dma_start3A_62, %mul3A_61] : memref<8x10240xf32, #tpu.memory_space<hbm>> -> memref<1x640xf32, #tpu.memory_space<hbm>>
    %dma_start3A_73 = tpu.memref_squeeze %dma_start3A_72 : memref<1x640xf32, #tpu.memory_space<hbm>> -> memref<640xf32, #tpu.memory_space<hbm>>
    tpu.enqueue_dma source(%dma_start3A_73 : memref<640xf32, #tpu.memory_space<hbm>>) target(%dma_start3A_71 : memref<640xf32, #tpu.memory_space<vmem>>) target_semaphore(%arg12 : memref<!tpu.dma_semaphore, #tpu.memory_space<semaphore_mem>>)
    %mul3A_74 = arith.constant 640 : i32
    %mul3A_75 = arith.muli %arg1, %mul3A_74 : i32
    %dma_start3A_76 = arith.constant 4 : i32
    %dma_start3A_77 = arith.constant 4 : i32
    %dma_start3A_78 = arith.constant 0 : i32
    %dma_start3A_79 = tpu.memref_slice %arg10[%dma_start3A_77, %dma_start3A_78] : memref<8x640xf32, #tpu.memory_space<vmem>> -> memref<1x640xf32, #tpu.memory_space<vmem>>
    %dma_start3A_80 = tpu.memref_squeeze %dma_start3A_79 : memref<1x640xf32, #tpu.memory_space<vmem>> -> memref<640xf32, #tpu.memory_space<vmem>>
    %dma_start3A_81 = tpu.memref_slice %arg2[%dma_start3A_76, %mul3A_75] : memref<8x10240xf32, #tpu.memory_space<hbm>> -> memref<1x640xf32, #tpu.memory_space<hbm>>
    %dma_start3A_82 = tpu.memref_squeeze %dma_start3A_81 : memref<1x640xf32, #tpu.memory_space<hbm>> -> memref<640xf32, #tpu.memory_space<hbm>>
    %dma_start3A_83 = arith.constant 0 : i32
    %dma_start3A_84 = tpu.memref_slice %arg10[%dma_start3A_77, %dma_start3A_83] : memref<8x640xf32, #tpu.memory_space<vmem>> -> memref<1x640xf32, #tpu.memory_space<vmem>>
    %dma_start3A_85 = tpu.memref_squeeze %dma_start3A_84 : memref<1x640xf32, #tpu.memory_space<vmem>> -> memref<640xf32, #tpu.memory_space<vmem>>
    %dma_start3A_86 = tpu.memref_slice %arg2[%dma_start3A_76, %mul3A_75] : memref<8x10240xf32, #tpu.memory_space<hbm>> -> memref<1x640xf32, #tpu.memory_space<hbm>>
    %dma_start3A_87 = tpu.memref_squeeze %dma_start3A_86 : memref<1x640xf32, #tpu.memory_space<hbm>> -> memref<640xf32, #tpu.memory_space<hbm>>
    tpu.enqueue_dma source(%dma_start3A_87 : memref<640xf32, #tpu.memory_space<hbm>>) target(%dma_start3A_85 : memref<640xf32, #tpu.memory_space<vmem>>) target_semaphore(%arg12 : memref<!tpu.dma_semaphore, #tpu.memory_space<semaphore_mem>>)
    %mul3A_88 = arith.constant 640 : i32
    %mul3A_89 = arith.muli %arg1, %mul3A_88 : i32
    %dma_start3A_90 = arith.constant 5 : i32
    %dma_start3A_91 = arith.constant 5 : i32
    %dma_start3A_92 = arith.constant 0 : i32
    %dma_start3A_93 = tpu.memref_slice %arg10[%dma_start3A_91, %dma_start3A_92] : memref<8x640xf32, #tpu.memory_space<vmem>> -> memref<1x640xf32, #tpu.memory_space<vmem>>
    %dma_start3A_94 = tpu.memref_squeeze %dma_start3A_93 : memref<1x640xf32, #tpu.memory_space<vmem>> -> memref<640xf32, #tpu.memory_space<vmem>>
    %dma_start3A_95 = tpu.memref_slice %arg2[%dma_start3A_90, %mul3A_89] : memref<8x10240xf32, #tpu.memory_space<hbm>> -> memref<1x640xf32, #tpu.memory_space<hbm>>
    %dma_start3A_96 = tpu.memref_squeeze %dma_start3A_95 : memref<1x640xf32, #tpu.memory_space<hbm>> -> memref<640xf32, #tpu.memory_space<hbm>>
    %dma_start3A_97 = arith.constant 0 : i32
    %dma_start3A_98 = tpu.memref_slice %arg10[%dma_start3A_91, %dma_start3A_97] : memref<8x640xf32, #tpu.memory_space<vmem>> -> memref<1x640xf32, #tpu.memory_space<vmem>>
    %dma_start3A_99 = tpu.memref_squeeze %dma_start3A_98 : memref<1x640xf32, #tpu.memory_space<vmem>> -> memref<640xf32, #tpu.memory_space<vmem>>
    %dma_start3A_100 = tpu.memref_slice %arg2[%dma_start3A_90, %mul3A_89] : memref<8x10240xf32, #tpu.memory_space<hbm>> -> memref<1x640xf32, #tpu.memory_space<hbm>>
    %dma_start3A_101 = tpu.memref_squeeze %dma_start3A_100 : memref<1x640xf32, #tpu.memory_space<hbm>> -> memref<640xf32, #tpu.memory_space<hbm>>
    tpu.enqueue_dma source(%dma_start3A_101 : memref<640xf32, #tpu.memory_space<hbm>>) target(%dma_start3A_99 : memref<640xf32, #tpu.memory_space<vmem>>) target_semaphore(%arg12 : memref<!tpu.dma_semaphore, #tpu.memory_space<semaphore_mem>>)
    %mul3A_102 = arith.constant 640 : i32
    %mul3A_103 = arith.muli %arg1, %mul3A_102 : i32
    %dma_start3A_104 = arith.constant 6 : i32
    %dma_start3A_105 = arith.constant 6 : i32
    %dma_start3A_106 = arith.constant 0 : i32
    %dma_start3A_107 = tpu.memref_slice %arg10[%dma_start3A_105, %dma_start3A_106] : memref<8x640xf32, #tpu.memory_space<vmem>> -> memref<1x640xf32, #tpu.memory_space<vmem>>
    %dma_start3A_108 = tpu.memref_squeeze %dma_start3A_107 : memref<1x640xf32, #tpu.memory_space<vmem>> -> memref<640xf32, #tpu.memory_space<vmem>>
    %dma_start3A_109 = tpu.memref_slice %arg2[%dma_start3A_104, %mul3A_103] : memref<8x10240xf32, #tpu.memory_space<hbm>> -> memref<1x640xf32, #tpu.memory_space<hbm>>
    %dma_start3A_110 = tpu.memref_squeeze %dma_start3A_109 : memref<1x640xf32, #tpu.memory_space<hbm>> -> memref<640xf32, #tpu.memory_space<hbm>>
    %dma_start3A_111 = arith.constant 0 : i32
    %dma_start3A_112 = tpu.memref_slice %arg10[%dma_start3A_105, %dma_start3A_111] : memref<8x640xf32, #tpu.memory_space<vmem>> -> memref<1x640xf32, #tpu.memory_space<vmem>>
    %dma_start3A_113 = tpu.memref_squeeze %dma_start3A_112 : memref<1x640xf32, #tpu.memory_space<vmem>> -> memref<640xf32, #tpu.memory_space<vmem>>
    %dma_start3A_114 = tpu.memref_slice %arg2[%dma_start3A_104, %mul3A_103] : memref<8x10240xf32, #tpu.memory_space<hbm>> -> memref<1x640xf32, #tpu.memory_space<hbm>>
    %dma_start3A_115 = tpu.memref_squeeze %dma_start3A_114 : memref<1x640xf32, #tpu.memory_space<hbm>> -> memref<640xf32, #tpu.memory_space<hbm>>
    tpu.enqueue_dma source(%dma_start3A_115 : memref<640xf32, #tpu.memory_space<hbm>>) target(%dma_start3A_113 : memref<640xf32, #tpu.memory_space<vmem>>) target_semaphore(%arg12 : memref<!tpu.dma_semaphore, #tpu.memory_space<semaphore_mem>>)
    %mul3A_116 = arith.constant 640 : i32
    %mul3A_117 = arith.muli %arg1, %mul3A_116 : i32
    %dma_start3A_118 = arith.constant 7 : i32
    %dma_start3A_119 = arith.constant 7 : i32
    %dma_start3A_120 = arith.constant 0 : i32
    %dma_start3A_121 = tpu.memref_slice %arg10[%dma_start3A_119, %dma_start3A_120] : memref<8x640xf32, #tpu.memory_space<vmem>> -> memref<1x640xf32, #tpu.memory_space<vmem>>
    %dma_start3A_122 = tpu.memref_squeeze %dma_start3A_121 : memref<1x640xf32, #tpu.memory_space<vmem>> -> memref<640xf32, #tpu.memory_space<vmem>>
    %dma_start3A_123 = tpu.memref_slice %arg2[%dma_start3A_118, %mul3A_117] : memref<8x10240xf32, #tpu.memory_space<hbm>> -> memref<1x640xf32, #tpu.memory_space<hbm>>
    %dma_start3A_124 = tpu.memref_squeeze %dma_start3A_123 : memref<1x640xf32, #tpu.memory_space<hbm>> -> memref<640xf32, #tpu.memory_space<hbm>>
    %dma_start3A_125 = arith.constant 0 : i32
    %dma_start3A_126 = tpu.memref_slice %arg10[%dma_start3A_119, %dma_start3A_125] : memref<8x640xf32, #tpu.memory_space<vmem>> -> memref<1x640xf32, #tpu.memory_space<vmem>>
    %dma_start3A_127 = tpu.memref_squeeze %dma_start3A_126 : memref<1x640xf32, #tpu.memory_space<vmem>> -> memref<640xf32, #tpu.memory_space<vmem>>
    %dma_start3A_128 = tpu.memref_slice %arg2[%dma_start3A_118, %mul3A_117] : memref<8x10240xf32, #tpu.memory_space<hbm>> -> memref<1x640xf32, #tpu.memory_space<hbm>>
    %dma_start3A_129 = tpu.memref_squeeze %dma_start3A_128 : memref<1x640xf32, #tpu.memory_space<hbm>> -> memref<640xf32, #tpu.memory_space<hbm>>
    tpu.enqueue_dma source(%dma_start3A_129 : memref<640xf32, #tpu.memory_space<hbm>>) target(%dma_start3A_127 : memref<640xf32, #tpu.memory_space<vmem>>) target_semaphore(%arg12 : memref<!tpu.dma_semaphore, #tpu.memory_space<semaphore_mem>>)
    %mul3A_130 = arith.constant 640 : i32
    %mul3A_131 = arith.muli %arg1, %mul3A_130 : i32
    %dma_wait3A = arith.constant 0 : i32
    %dma_wait3A_132 = arith.constant 0 : i32
    %dma_wait3A_133 = arith.constant 0 : i32
    %dma_wait3A_134 = tpu.memref_slice %arg10[%dma_wait3A_132, %dma_wait3A_133] : memref<8x640xf32, #tpu.memory_space<vmem>> -> memref<1x640xf32, #tpu.memory_space<vmem>>
    %dma_wait3A_135 = tpu.memref_squeeze %dma_wait3A_134 : memref<1x640xf32, #tpu.memory_space<vmem>> -> memref<640xf32, #tpu.memory_space<vmem>>
    %dma_wait3A_136 = tpu.memref_slice %arg2[%dma_wait3A, %mul3A_131] : memref<8x10240xf32, #tpu.memory_space<hbm>> -> memref<1x640xf32, #tpu.memory_space<hbm>>
    %dma_wait3A_137 = tpu.memref_squeeze %dma_wait3A_136 : memref<1x640xf32, #tpu.memory_space<hbm>> -> memref<640xf32, #tpu.memory_space<hbm>>
    %dma_wait3A_138 = arith.constant 0 : i32
    %dma_wait3A_139 = tpu.memref_slice %arg10[%dma_wait3A_132, %dma_wait3A_138] : memref<8x640xf32, #tpu.memory_space<vmem>> -> memref<1x640xf32, #tpu.memory_space<vmem>>
    %dma_wait3A_140 = tpu.memref_squeeze %dma_wait3A_139 : memref<1x640xf32, #tpu.memory_space<vmem>> -> memref<640xf32, #tpu.memory_space<vmem>>
    %dma_wait3A_141 = tpu.memref_slice %arg2[%dma_wait3A, %mul3A_131] : memref<8x10240xf32, #tpu.memory_space<hbm>> -> memref<1x640xf32, #tpu.memory_space<hbm>>
    %dma_wait3A_142 = tpu.memref_squeeze %dma_wait3A_141 : memref<1x640xf32, #tpu.memory_space<hbm>> -> memref<640xf32, #tpu.memory_space<hbm>>
    tpu.wait_dma2 semaphore(%arg12 : memref<!tpu.dma_semaphore, #tpu.memory_space<semaphore_mem>>) src(%dma_wait3A_142 : memref<640xf32, #tpu.memory_space<hbm>>) dst(%dma_wait3A_140 : memref<640xf32, #tpu.memory_space<vmem>>)
    %mul3A_143 = arith.constant 640 : i32
    %mul3A_144 = arith.muli %arg1, %mul3A_143 : i32
    %dma_wait3A_145 = arith.constant 1 : i32
    %dma_wait3A_146 = arith.constant 1 : i32
    %dma_wait3A_147 = arith.constant 0 : i32
    %dma_wait3A_148 = tpu.memref_slice %arg10[%dma_wait3A_146, %dma_wait3A_147] : memref<8x640xf32, #tpu.memory_space<vmem>> -> memref<1x640xf32, #tpu.memory_space<vmem>>
    %dma_wait3A_149 = tpu.memref_squeeze %dma_wait3A_148 : memref<1x640xf32, #tpu.memory_space<vmem>> -> memref<640xf32, #tpu.memory_space<vmem>>
    %dma_wait3A_150 = tpu.memref_slice %arg2[%dma_wait3A_145, %mul3A_144] : memref<8x10240xf32, #tpu.memory_space<hbm>> -> memref<1x640xf32, #tpu.memory_space<hbm>>
    %dma_wait3A_151 = tpu.memref_squeeze %dma_wait3A_150 : memref<1x640xf32, #tpu.memory_space<hbm>> -> memref<640xf32, #tpu.memory_space<hbm>>
    %dma_wait3A_152 = arith.constant 0 : i32
    %dma_wait3A_153 = tpu.memref_slice %arg10[%dma_wait3A_146, %dma_wait3A_152] : memref<8x640xf32, #tpu.memory_space<vmem>> -> memref<1x640xf32, #tpu.memory_space<vmem>>
    %dma_wait3A_154 = tpu.memref_squeeze %dma_wait3A_153 : memref<1x640xf32, #tpu.memory_space<vmem>> -> memref<640xf32, #tpu.memory_space<vmem>>
    %dma_wait3A_155 = tpu.memref_slice %arg2[%dma_wait3A_145, %mul3A_144] : memref<8x10240xf32, #tpu.memory_space<hbm>> -> memref<1x640xf32, #tpu.memory_space<hbm>>
    %dma_wait3A_156 = tpu.memref_squeeze %dma_wait3A_155 : memref<1x640xf32, #tpu.memory_space<hbm>> -> memref<640xf32, #tpu.memory_space<hbm>>
    tpu.wait_dma2 semaphore(%arg12 : memref<!tpu.dma_semaphore, #tpu.memory_space<semaphore_mem>>) src(%dma_wait3A_156 : memref<640xf32, #tpu.memory_space<hbm>>) dst(%dma_wait3A_154 : memref<640xf32, #tpu.memory_space<vmem>>)
    %mul3A_157 = arith.constant 640 : i32
    %mul3A_158 = arith.muli %arg1, %mul3A_157 : i32
    %dma_wait3A_159 = arith.constant 2 : i32
    %dma_wait3A_160 = arith.constant 2 : i32
    %dma_wait3A_161 = arith.constant 0 : i32
    %dma_wait3A_162 = tpu.memref_slice %arg10[%dma_wait3A_160, %dma_wait3A_161] : memref<8x640xf32, #tpu.memory_space<vmem>> -> memref<1x640xf32, #tpu.memory_space<vmem>>
    %dma_wait3A_163 = tpu.memref_squeeze %dma_wait3A_162 : memref<1x640xf32, #tpu.memory_space<vmem>> -> memref<640xf32, #tpu.memory_space<vmem>>
    %dma_wait3A_164 = tpu.memref_slice %arg2[%dma_wait3A_159, %mul3A_158] : memref<8x10240xf32, #tpu.memory_space<hbm>> -> memref<1x640xf32, #tpu.memory_space<hbm>>
    %dma_wait3A_165 = tpu.memref_squeeze %dma_wait3A_164 : memref<1x640xf32, #tpu.memory_space<hbm>> -> memref<640xf32, #tpu.memory_space<hbm>>
    %dma_wait3A_166 = arith.constant 0 : i32
    %dma_wait3A_167 = tpu.memref_slice %arg10[%dma_wait3A_160, %dma_wait3A_166] : memref<8x640xf32, #tpu.memory_space<vmem>> -> memref<1x640xf32, #tpu.memory_space<vmem>>
    %dma_wait3A_168 = tpu.memref_squeeze %dma_wait3A_167 : memref<1x640xf32, #tpu.memory_space<vmem>> -> memref<640xf32, #tpu.memory_space<vmem>>
    %dma_wait3A_169 = tpu.memref_slice %arg2[%dma_wait3A_159, %mul3A_158] : memref<8x10240xf32, #tpu.memory_space<hbm>> -> memref<1x640xf32, #tpu.memory_space<hbm>>
    %dma_wait3A_170 = tpu.memref_squeeze %dma_wait3A_169 : memref<1x640xf32, #tpu.memory_space<hbm>> -> memref<640xf32, #tpu.memory_space<hbm>>
    tpu.wait_dma2 semaphore(%arg12 : memref<!tpu.dma_semaphore, #tpu.memory_space<semaphore_mem>>) src(%dma_wait3A_170 : memref<640xf32, #tpu.memory_space<hbm>>) dst(%dma_wait3A_168 : memref<640xf32, #tpu.memory_space<vmem>>)
    %mul3A_171 = arith.constant 640 : i32
    %mul3A_172 = arith.muli %arg1, %mul3A_171 : i32
    %dma_wait3A_173 = arith.constant 3 : i32
    %dma_wait3A_174 = arith.constant 3 : i32
    %dma_wait3A_175 = arith.constant 0 : i32
    %dma_wait3A_176 = tpu.memref_slice %arg10[%dma_wait3A_174, %dma_wait3A_175] : memref<8x640xf32, #tpu.memory_space<vmem>> -> memref<1x640xf32, #tpu.memory_space<vmem>>
    %dma_wait3A_177 = tpu.memref_squeeze %dma_wait3A_176 : memref<1x640xf32, #tpu.memory_space<vmem>> -> memref<640xf32, #tpu.memory_space<vmem>>
    %dma_wait3A_178 = tpu.memref_slice %arg2[%dma_wait3A_173, %mul3A_172] : memref<8x10240xf32, #tpu.memory_space<hbm>> -> memref<1x640xf32, #tpu.memory_space<hbm>>
    %dma_wait3A_179 = tpu.memref_squeeze %dma_wait3A_178 : memref<1x640xf32, #tpu.memory_space<hbm>> -> memref<640xf32, #tpu.memory_space<hbm>>
    %dma_wait3A_180 = arith.constant 0 : i32
    %dma_wait3A_181 = tpu.memref_slice %arg10[%dma_wait3A_174, %dma_wait3A_180] : memref<8x640xf32, #tpu.memory_space<vmem>> -> memref<1x640xf32, #tpu.memory_space<vmem>>
    %dma_wait3A_182 = tpu.memref_squeeze %dma_wait3A_181 : memref<1x640xf32, #tpu.memory_space<vmem>> -> memref<640xf32, #tpu.memory_space<vmem>>
    %dma_wait3A_183 = tpu.memref_slice %arg2[%dma_wait3A_173, %mul3A_172] : memref<8x10240xf32, #tpu.memory_space<hbm>> -> memref<1x640xf32, #tpu.memory_space<hbm>>
    %dma_wait3A_184 = tpu.memref_squeeze %dma_wait3A_183 : memref<1x640xf32, #tpu.memory_space<hbm>> -> memref<640xf32, #tpu.memory_space<hbm>>
    tpu.wait_dma2 semaphore(%arg12 : memref<!tpu.dma_semaphore, #tpu.memory_space<semaphore_mem>>) src(%dma_wait3A_184 : memref<640xf32, #tpu.memory_space<hbm>>) dst(%dma_wait3A_182 : memref<640xf32, #tpu.memory_space<vmem>>)
    %mul3A_185 = arith.constant 640 : i32
    %mul3A_186 = arith.muli %arg1, %mul3A_185 : i32
    %dma_wait3A_187 = arith.constant 4 : i32
    %dma_wait3A_188 = arith.constant 4 : i32
    %dma_wait3A_189 = arith.constant 0 : i32
    %dma_wait3A_190 = tpu.memref_slice %arg10[%dma_wait3A_188, %dma_wait3A_189] : memref<8x640xf32, #tpu.memory_space<vmem>> -> memref<1x640xf32, #tpu.memory_space<vmem>>
    %dma_wait3A_191 = tpu.memref_squeeze %dma_wait3A_190 : memref<1x640xf32, #tpu.memory_space<vmem>> -> memref<640xf32, #tpu.memory_space<vmem>>
    %dma_wait3A_192 = tpu.memref_slice %arg2[%dma_wait3A_187, %mul3A_186] : memref<8x10240xf32, #tpu.memory_space<hbm>> -> memref<1x640xf32, #tpu.memory_space<hbm>>
    %dma_wait3A_193 = tpu.memref_squeeze %dma_wait3A_192 : memref<1x640xf32, #tpu.memory_space<hbm>> -> memref<640xf32, #tpu.memory_space<hbm>>
    %dma_wait3A_194 = arith.constant 0 : i32
    %dma_wait3A_195 = tpu.memref_slice %arg10[%dma_wait3A_188, %dma_wait3A_194] : memref<8x640xf32, #tpu.memory_space<vmem>> -> memref<1x640xf32, #tpu.memory_space<vmem>>
    %dma_wait3A_196 = tpu.memref_squeeze %dma_wait3A_195 : memref<1x640xf32, #tpu.memory_space<vmem>> -> memref<640xf32, #tpu.memory_space<vmem>>
    %dma_wait3A_197 = tpu.memref_slice %arg2[%dma_wait3A_187, %mul3A_186] : memref<8x10240xf32, #tpu.memory_space<hbm>> -> memref<1x640xf32, #tpu.memory_space<hbm>>
    %dma_wait3A_198 = tpu.memref_squeeze %dma_wait3A_197 : memref<1x640xf32, #tpu.memory_space<hbm>> -> memref<640xf32, #tpu.memory_space<hbm>>
    tpu.wait_dma2 semaphore(%arg12 : memref<!tpu.dma_semaphore, #tpu.memory_space<semaphore_mem>>) src(%dma_wait3A_198 : memref<640xf32, #tpu.memory_space<hbm>>) dst(%dma_wait3A_196 : memref<640xf32, #tpu.memory_space<vmem>>)
    %mul3A_199 = arith.constant 640 : i32
    %mul3A_200 = arith.muli %arg1, %mul3A_199 : i32
    %dma_wait3A_201 = arith.constant 5 : i32
    %dma_wait3A_202 = arith.constant 5 : i32
    %dma_wait3A_203 = arith.constant 0 : i32
    %dma_wait3A_204 = tpu.memref_slice %arg10[%dma_wait3A_202, %dma_wait3A_203] : memref<8x640xf32, #tpu.memory_space<vmem>> -> memref<1x640xf32, #tpu.memory_space<vmem>>
    %dma_wait3A_205 = tpu.memref_squeeze %dma_wait3A_204 : memref<1x640xf32, #tpu.memory_space<vmem>> -> memref<640xf32, #tpu.memory_space<vmem>>
    %dma_wait3A_206 = tpu.memref_slice %arg2[%dma_wait3A_201, %mul3A_200] : memref<8x10240xf32, #tpu.memory_space<hbm>> -> memref<1x640xf32, #tpu.memory_space<hbm>>
    %dma_wait3A_207 = tpu.memref_squeeze %dma_wait3A_206 : memref<1x640xf32, #tpu.memory_space<hbm>> -> memref<640xf32, #tpu.memory_space<hbm>>
    %dma_wait3A_208 = arith.constant 0 : i32
    %dma_wait3A_209 = tpu.memref_slice %arg10[%dma_wait3A_202, %dma_wait3A_208] : memref<8x640xf32, #tpu.memory_space<vmem>> -> memref<1x640xf32, #tpu.memory_space<vmem>>
    %dma_wait3A_210 = tpu.memref_squeeze %dma_wait3A_209 : memref<1x640xf32, #tpu.memory_space<vmem>> -> memref<640xf32, #tpu.memory_space<vmem>>
    %dma_wait3A_211 = tpu.memref_slice %arg2[%dma_wait3A_201, %mul3A_200] : memref<8x10240xf32, #tpu.memory_space<hbm>> -> memref<1x640xf32, #tpu.memory_space<hbm>>
    %dma_wait3A_212 = tpu.memref_squeeze %dma_wait3A_211 : memref<1x640xf32, #tpu.memory_space<hbm>> -> memref<640xf32, #tpu.memory_space<hbm>>
    tpu.wait_dma2 semaphore(%arg12 : memref<!tpu.dma_semaphore, #tpu.memory_space<semaphore_mem>>) src(%dma_wait3A_212 : memref<640xf32, #tpu.memory_space<hbm>>) dst(%dma_wait3A_210 : memref<640xf32, #tpu.memory_space<vmem>>)
    %mul3A_213 = arith.constant 640 : i32
    %mul3A_214 = arith.muli %arg1, %mul3A_213 : i32
    %dma_wait3A_215 = arith.constant 6 : i32
    %dma_wait3A_216 = arith.constant 6 : i32
    %dma_wait3A_217 = arith.constant 0 : i32
    %dma_wait3A_218 = tpu.memref_slice %arg10[%dma_wait3A_216, %dma_wait3A_217] : memref<8x640xf32, #tpu.memory_space<vmem>> -> memref<1x640xf32, #tpu.memory_space<vmem>>
    %dma_wait3A_219 = tpu.memref_squeeze %dma_wait3A_218 : memref<1x640xf32, #tpu.memory_space<vmem>> -> memref<640xf32, #tpu.memory_space<vmem>>
    %dma_wait3A_220 = tpu.memref_slice %arg2[%dma_wait3A_215, %mul3A_214] : memref<8x10240xf32, #tpu.memory_space<hbm>> -> memref<1x640xf32, #tpu.memory_space<hbm>>
    %dma_wait3A_221 = tpu.memref_squeeze %dma_wait3A_220 : memref<1x640xf32, #tpu.memory_space<hbm>> -> memref<640xf32, #tpu.memory_space<hbm>>
    %dma_wait3A_222 = arith.constant 0 : i32
    %dma_wait3A_223 = tpu.memref_slice %arg10[%dma_wait3A_216, %dma_wait3A_222] : memref<8x640xf32, #tpu.memory_space<vmem>> -> memref<1x640xf32, #tpu.memory_space<vmem>>
    %dma_wait3A_224 = tpu.memref_squeeze %dma_wait3A_223 : memref<1x640xf32, #tpu.memory_space<vmem>> -> memref<640xf32, #tpu.memory_space<vmem>>
    %dma_wait3A_225 = tpu.memref_slice %arg2[%dma_wait3A_215, %mul3A_214] : memref<8x10240xf32, #tpu.memory_space<hbm>> -> memref<1x640xf32, #tpu.memory_space<hbm>>
    %dma_wait3A_226 = tpu.memref_squeeze %dma_wait3A_225 : memref<1x640xf32, #tpu.memory_space<hbm>> -> memref<640xf32, #tpu.memory_space<hbm>>
    tpu.wait_dma2 semaphore(%arg12 : memref<!tpu.dma_semaphore, #tpu.memory_space<semaphore_mem>>) src(%dma_wait3A_226 : memref<640xf32, #tpu.memory_space<hbm>>) dst(%dma_wait3A_224 : memref<640xf32, #tpu.memory_space<vmem>>)
    %mul3A_227 = arith.constant 640 : i32
    %mul3A_228 = arith.muli %arg1, %mul3A_227 : i32
    %dma_wait3A_229 = arith.constant 7 : i32
    %dma_wait3A_230 = arith.constant 7 : i32
    %dma_wait3A_231 = arith.constant 0 : i32
    %dma_wait3A_232 = tpu.memref_slice %arg10[%dma_wait3A_230, %dma_wait3A_231] : memref<8x640xf32, #tpu.memory_space<vmem>> -> memref<1x640xf32, #tpu.memory_space<vmem>>
    %dma_wait3A_233 = tpu.memref_squeeze %dma_wait3A_232 : memref<1x640xf32, #tpu.memory_space<vmem>> -> memref<640xf32, #tpu.memory_space<vmem>>
    %dma_wait3A_234 = tpu.memref_slice %arg2[%dma_wait3A_229, %mul3A_228] : memref<8x10240xf32, #tpu.memory_space<hbm>> -> memref<1x640xf32, #tpu.memory_space<hbm>>
    %dma_wait3A_235 = tpu.memref_squeeze %dma_wait3A_234 : memref<1x640xf32, #tpu.memory_space<hbm>> -> memref<640xf32, #tpu.memory_space<hbm>>
    %dma_wait3A_236 = arith.constant 0 : i32
    %dma_wait3A_237 = tpu.memref_slice %arg10[%dma_wait3A_230, %dma_wait3A_236] : memref<8x640xf32, #tpu.memory_space<vmem>> -> memref<1x640xf32, #tpu.memory_space<vmem>>
    %dma_wait3A_238 = tpu.memref_squeeze %dma_wait3A_237 : memref<1x640xf32, #tpu.memory_space<vmem>> -> memref<640xf32, #tpu.memory_space<vmem>>
    %dma_wait3A_239 = tpu.memref_slice %arg2[%dma_wait3A_229, %mul3A_228] : memref<8x10240xf32, #tpu.memory_space<hbm>> -> memref<1x640xf32, #tpu.memory_space<hbm>>
    %dma_wait3A_240 = tpu.memref_squeeze %dma_wait3A_239 : memref<1x640xf32, #tpu.memory_space<hbm>> -> memref<640xf32, #tpu.memory_space<hbm>>
    tpu.wait_dma2 semaphore(%arg12 : memref<!tpu.dma_semaphore, #tpu.memory_space<semaphore_mem>>) src(%dma_wait3A_240 : memref<640xf32, #tpu.memory_space<hbm>>) dst(%dma_wait3A_238 : memref<640xf32, #tpu.memory_space<vmem>>)
    %dma_wait3A_241 = arith.constant 0 : i32
    %dma_wait3A_242 = arith.constant 0 : i32
    %dma_wait3A_243 = arith.constant 0 : i32
    %dma_wait3A_244 = tpu.memref_slice %arg3[%dma_wait3A_241, %add3A, %dma_wait3A_242, %dma_wait3A_243] : memref<2x32x125x80xi32, #tpu.memory_space<hbm>> -> memref<1x1x125x80xi32, #tpu.memory_space<hbm>>
    %dma_wait3A_245 = tpu.memref_squeeze %dma_wait3A_244 : memref<1x1x125x80xi32, #tpu.memory_space<hbm>> -> memref<125x80xi32, #tpu.memory_space<hbm>>
    %dma_wait3A_246 = arith.constant 0 : i32
    %dma_wait3A_247 = arith.constant 0 : i32
    %dma_wait3A_248 = tpu.memref_slice %arg3[%dma_wait3A_241, %add3A, %dma_wait3A_246, %dma_wait3A_247] : memref<2x32x125x80xi32, #tpu.memory_space<hbm>> -> memref<1x1x125x80xi32, #tpu.memory_space<hbm>>
    %dma_wait3A_249 = tpu.memref_squeeze %dma_wait3A_248 : memref<1x1x125x80xi32, #tpu.memory_space<hbm>> -> memref<125x80xi32, #tpu.memory_space<hbm>>
    tpu.wait_dma2 semaphore(%arg13 : memref<!tpu.dma_semaphore, #tpu.memory_space<semaphore_mem>>) src(%dma_wait3A_249 : memref<125x80xi32, #tpu.memory_space<hbm>>) dst(%arg5 : memref<125x80xi32, #tpu.memory_space<vmem>>)
    %dma_wait3A_250 = arith.constant 1 : i32
    %dma_wait3A_251 = arith.constant 0 : i32
    %dma_wait3A_252 = arith.constant 0 : i32
    %dma_wait3A_253 = tpu.memref_slice %arg3[%dma_wait3A_250, %add3A, %dma_wait3A_251, %dma_wait3A_252] : memref<2x32x125x80xi32, #tpu.memory_space<hbm>> -> memref<1x1x125x80xi32, #tpu.memory_space<hbm>>
    %dma_wait3A_254 = tpu.memref_squeeze %dma_wait3A_253 : memref<1x1x125x80xi32, #tpu.memory_space<hbm>> -> memref<125x80xi32, #tpu.memory_space<hbm>>
    %dma_wait3A_255 = arith.constant 0 : i32
    %dma_wait3A_256 = arith.constant 0 : i32
    %dma_wait3A_257 = tpu.memref_slice %arg3[%dma_wait3A_250, %add3A, %dma_wait3A_255, %dma_wait3A_256] : memref<2x32x125x80xi32, #tpu.memory_space<hbm>> -> memref<1x1x125x80xi32, #tpu.memory_space<hbm>>
    %dma_wait3A_258 = tpu.memref_squeeze %dma_wait3A_257 : memref<1x1x125x80xi32, #tpu.memory_space<hbm>> -> memref<125x80xi32, #tpu.memory_space<hbm>>
    tpu.wait_dma2 semaphore(%arg13 : memref<!tpu.dma_semaphore, #tpu.memory_space<semaphore_mem>>) src(%dma_wait3A_258 : memref<125x80xi32, #tpu.memory_space<hbm>>) dst(%arg6 : memref<125x80xi32, #tpu.memory_space<vmem>>)
    %scan3A = arith.constant 0 : i32
    %scan3A_259 = arith.constant 0 : i32
    %scan3A_260 = arith.constant 40 : i32
    %scan3A_261 = arith.addi %scan3A_259, %scan3A_260 : i32
    %scan3A_262 = arith.constant 1 : i32
    scf.for %scan3A_507 = %scan3A_259 to %scan3A_261 step %scan3A_262  : i32 {
      %mul3A_508 = arith.constant 16 : i32
      %mul3A_509 = arith.muli %scan3A_507, %mul3A_508 : i32
      %add3A_510 = vector.broadcast %mul3A_509 : i32 to vector<16xi32>
      %add3A_511 = arith.addi %add3A_510, %iota3A : vector<16xi32>
      %get3A = arith.constant 0 : i32
      %get3A_512 = arith.index_cast %get3A : i32 to index
      %get3A_513 = arith.index_cast %mul3A_509 : i32 to index
      %get3A_514 = tpu.vector_load %arg10[%get3A_512, %get3A_513] {strides = array<i32>} : memref<8x640xf32, #tpu.memory_space<vmem>>, vector<16xf32>,
      %broadcast_in_dim3A = arith.constant 0 : i32
      %broadcast_in_dim3A_515 = vector.broadcast %broadcast_in_dim3A : i32 to vector<16xi32>
      tpu.vector_store_idx %arg11[%add3A_511, %broadcast_in_dim3A_515], %get3A_514 : memref<640x8xf32, #tpu.memory_space<vmem>>[vector<16xi32>, vector<16xi32>], vector<16xf32>,
      %get3A_516 = arith.constant 1 : i32
      %get3A_517 = arith.index_cast %get3A_516 : i32 to index
      %get3A_518 = arith.index_cast %mul3A_509 : i32 to index
      %get3A_519 = tpu.vector_load %arg10[%get3A_517, %get3A_518] {strides = array<i32>} : memref<8x640xf32, #tpu.memory_space<vmem>>, vector<16xf32>,
      %broadcast_in_dim3A_520 = arith.constant 1 : i32
      %broadcast_in_dim3A_521 = vector.broadcast %broadcast_in_dim3A_520 : i32 to vector<16xi32>
      tpu.vector_store_idx %arg11[%add3A_511, %broadcast_in_dim3A_521], %get3A_519 : memref<640x8xf32, #tpu.memory_space<vmem>>[vector<16xi32>, vector<16xi32>], vector<16xf32>,
      %get3A_522 = arith.constant 2 : i32
      %get3A_523 = arith.index_cast %get3A_522 : i32 to index
      %get3A_524 = arith.index_cast %mul3A_509 : i32 to index
      %get3A_525 = tpu.vector_load %arg10[%get3A_523, %get3A_524] {strides = array<i32>} : memref<8x640xf32, #tpu.memory_space<vmem>>, vector<16xf32>,
      %broadcast_in_dim3A_526 = arith.constant 2 : i32
      %broadcast_in_dim3A_527 = vector.broadcast %broadcast_in_dim3A_526 : i32 to vector<16xi32>
      tpu.vector_store_idx %arg11[%add3A_511, %broadcast_in_dim3A_527], %get3A_525 : memref<640x8xf32, #tpu.memory_space<vmem>>[vector<16xi32>, vector<16xi32>], vector<16xf32>,
      %get3A_528 = arith.constant 3 : i32
      %get3A_529 = arith.index_cast %get3A_528 : i32 to index
      %get3A_530 = arith.index_cast %mul3A_509 : i32 to index
      %get3A_531 = tpu.vector_load %arg10[%get3A_529, %get3A_530] {strides = array<i32>} : memref<8x640xf32, #tpu.memory_space<vmem>>, vector<16xf32>,
      %broadcast_in_dim3A_532 = arith.constant 3 : i32
      %broadcast_in_dim3A_533 = vector.broadcast %broadcast_in_dim3A_532 : i32 to vector<16xi32>
      tpu.vector_store_idx %arg11[%add3A_511, %broadcast_in_dim3A_533], %get3A_531 : memref<640x8xf32, #tpu.memory_space<vmem>>[vector<16xi32>, vector<16xi32>], vector<16xf32>,
      %get3A_534 = arith.constant 4 : i32
      %get3A_535 = arith.index_cast %get3A_534 : i32 to index
      %get3A_536 = arith.index_cast %mul3A_509 : i32 to index
      %get3A_537 = tpu.vector_load %arg10[%get3A_535, %get3A_536] {strides = array<i32>} : memref<8x640xf32, #tpu.memory_space<vmem>>, vector<16xf32>,
      %broadcast_in_dim3A_538 = arith.constant 4 : i32
      %broadcast_in_dim3A_539 = vector.broadcast %broadcast_in_dim3A_538 : i32 to vector<16xi32>
      tpu.vector_store_idx %arg11[%add3A_511, %broadcast_in_dim3A_539], %get3A_537 : memref<640x8xf32, #tpu.memory_space<vmem>>[vector<16xi32>, vector<16xi32>], vector<16xf32>,
      %get3A_540 = arith.constant 5 : i32
      %get3A_541 = arith.index_cast %get3A_540 : i32 to index
      %get3A_542 = arith.index_cast %mul3A_509 : i32 to index
      %get3A_543 = tpu.vector_load %arg10[%get3A_541, %get3A_542] {strides = array<i32>} : memref<8x640xf32, #tpu.memory_space<vmem>>, vector<16xf32>,
      %broadcast_in_dim3A_544 = arith.constant 5 : i32
      %broadcast_in_dim3A_545 = vector.broadcast %broadcast_in_dim3A_544 : i32 to vector<16xi32>
      tpu.vector_store_idx %arg11[%add3A_511, %broadcast_in_dim3A_545], %get3A_543 : memref<640x8xf32, #tpu.memory_space<vmem>>[vector<16xi32>, vector<16xi32>], vector<16xf32>,
      %get3A_546 = arith.constant 6 : i32
      %get3A_547 = arith.index_cast %get3A_546 : i32 to index
      %get3A_548 = arith.index_cast %mul3A_509 : i32 to index
      %get3A_549 = tpu.vector_load %arg10[%get3A_547, %get3A_548] {strides = array<i32>} : memref<8x640xf32, #tpu.memory_space<vmem>>, vector<16xf32>,
      %broadcast_in_dim3A_550 = arith.constant 6 : i32
      %broadcast_in_dim3A_551 = vector.broadcast %broadcast_in_dim3A_550 : i32 to vector<16xi32>
      tpu.vector_store_idx %arg11[%add3A_511, %broadcast_in_dim3A_551], %get3A_549 : memref<640x8xf32, #tpu.memory_space<vmem>>[vector<16xi32>, vector<16xi32>], vector<16xf32>,
      %get3A_552 = arith.constant 7 : i32
      %get3A_553 = arith.index_cast %get3A_552 : i32 to index
      %get3A_554 = arith.index_cast %mul3A_509 : i32 to index
      %get3A_555 = tpu.vector_load %arg10[%get3A_553, %get3A_554] {strides = array<i32>} : memref<8x640xf32, #tpu.memory_space<vmem>>, vector<16xf32>,
      %broadcast_in_dim3A_556 = arith.constant 7 : i32
      %broadcast_in_dim3A_557 = vector.broadcast %broadcast_in_dim3A_556 : i32 to vector<16xi32>
      tpu.vector_store_idx %arg11[%add3A_511, %broadcast_in_dim3A_557], %get3A_555 : memref<640x8xf32, #tpu.memory_space<vmem>>[vector<16xi32>, vector<16xi32>], vector<16xf32>,
    }
    %scan3A_263 = arith.constant 40 : i32
    %mul3A_264 = arith.constant 640 : i32
    %mul3A_265 = arith.muli %arg1, %mul3A_264 : i32
    "tpu.region"() ({
      %run_scoped3A = tpu.sem_alloc : memref<!tpu.dma_semaphore, #tpu.memory_space<semaphore_mem>>
      %dma_start3A_507 = arith.constant 0 : i32
      %dma_start3A_508 = tpu.memref_slice %arg9[%mul3A_265, %dma_start3A_507] : memref<10240x8xf32, #tpu.memory_space<vmem_shared>> -> memref<640x8xf32, #tpu.memory_space<vmem_shared>>
      %dma_start3A_509 = arith.constant 0 : i32
      %dma_start3A_510 = tpu.memref_slice %arg9[%mul3A_265, %dma_start3A_509] : memref<10240x8xf32, #tpu.memory_space<vmem_shared>> -> memref<640x8xf32, #tpu.memory_space<vmem_shared>>
      tpu.enqueue_dma source(%arg11 : memref<640x8xf32, #tpu.memory_space<vmem>>) target(%dma_start3A_510 : memref<640x8xf32, #tpu.memory_space<vmem_shared>>) target_semaphore(%run_scoped3A : memref<!tpu.dma_semaphore, #tpu.memory_space<semaphore_mem>>)
      %dma_wait3A_511 = arith.constant 0 : i32
      %dma_wait3A_512 = tpu.memref_slice %arg9[%mul3A_265, %dma_wait3A_511] : memref<10240x8xf32, #tpu.memory_space<vmem_shared>> -> memref<640x8xf32, #tpu.memory_space<vmem_shared>>
      %dma_wait3A_513 = arith.constant 0 : i32
      %dma_wait3A_514 = tpu.memref_slice %arg9[%mul3A_265, %dma_wait3A_513] : memref<10240x8xf32, #tpu.memory_space<vmem_shared>> -> memref<640x8xf32, #tpu.memory_space<vmem_shared>>
      tpu.wait_dma2 semaphore(%run_scoped3A : memref<!tpu.dma_semaphore, #tpu.memory_space<semaphore_mem>>) src(%arg11 : memref<640x8xf32, #tpu.memory_space<vmem>>) dst(%dma_wait3A_514 : memref<640x8xf32, #tpu.memory_space<vmem_shared>>)
      tpu.yield
    }) : () -> ()
    %mul3A_266 = arith.constant 640 : i32
    %mul3A_267 = arith.muli %arg1, %mul3A_266 : i32
    "tpu.region"() ({
      %run_scoped3A = tpu.sem_alloc : memref<!tpu.dma_semaphore, #tpu.memory_space<semaphore_mem>>
      %dma_start3A_507 = arith.constant 0 : i32
      %dma_start3A_508 = tpu.memref_slice %arg8[%mul3A_267, %dma_start3A_507] : memref<10240x8xf32, #tpu.memory_space<vmem_shared>> -> memref<640x8xf32, #tpu.memory_space<vmem_shared>>
      %dma_start3A_509 = arith.constant 0 : i32
      %dma_start3A_510 = tpu.memref_slice %arg8[%mul3A_267, %dma_start3A_509] : memref<10240x8xf32, #tpu.memory_space<vmem_shared>> -> memref<640x8xf32, #tpu.memory_space<vmem_shared>>
      tpu.enqueue_dma source(%arg11 : memref<640x8xf32, #tpu.memory_space<vmem>>) target(%dma_start3A_510 : memref<640x8xf32, #tpu.memory_space<vmem_shared>>) target_semaphore(%run_scoped3A : memref<!tpu.dma_semaphore, #tpu.memory_space<semaphore_mem>>)
      %dma_wait3A_511 = arith.constant 0 : i32
      %dma_wait3A_512 = tpu.memref_slice %arg8[%mul3A_267, %dma_wait3A_511] : memref<10240x8xf32, #tpu.memory_space<vmem_shared>> -> memref<640x8xf32, #tpu.memory_space<vmem_shared>>
      %dma_wait3A_513 = arith.constant 0 : i32
      %dma_wait3A_514 = tpu.memref_slice %arg8[%mul3A_267, %dma_wait3A_513] : memref<10240x8xf32, #tpu.memory_space<vmem_shared>> -> memref<640x8xf32, #tpu.memory_space<vmem_shared>>
      tpu.wait_dma2 semaphore(%run_scoped3A : memref<!tpu.dma_semaphore, #tpu.memory_space<semaphore_mem>>) src(%arg11 : memref<640x8xf32, #tpu.memory_space<vmem>>) dst(%dma_wait3A_514 : memref<640x8xf32, #tpu.memory_space<vmem_shared>>)
      tpu.yield
    }) : () -> ()
    %barrier3A = arith.constant 0 : index
    tpu.barrier barrier_id(%barrier3A)
    %scan3A_268 = arith.constant 0 : i32
    %scan3A_269 = arith.constant 0 : i32
    %scan3A_270 = arith.constant 27 : i32
    %scan3A_271 = arith.addi %scan3A_269, %scan3A_270 : i32
    %scan3A_272 = arith.constant 1 : i32
    scf.for %scan3A_507 = %scan3A_269 to %scan3A_271 step %scan3A_272  : i32 {
      %rem3A = arith.constant 2 : i32
      %rem3A_508 = arith.remsi %scan3A_507, %rem3A : i32
      %mul3A_509 = arith.constant 5 : i32
      %mul3A_510 = arith.muli %rem3A_508, %mul3A_509 : i32
      %add3A_511 = arith.constant 1 : i32
      %add3A_512 = arith.addi %scan3A_507, %add3A_511 : i32
      %rem3A_513 = arith.constant 2 : i32
      %rem3A_514 = arith.remsi %add3A_512, %rem3A_513 : i32
      %mul3A_515 = arith.constant 5 : i32
      %mul3A_516 = arith.muli %rem3A_514, %mul3A_515 : i32
      %ge3A = arith.constant 2 : i32
      %ge3A_517 = arith.cmpi sge, %scan3A_507, %ge3A : i32
      %convert_element_type3A = arith.extui %ge3A_517 : i1 to i32
      %cond3A = arith.constant 0 : i32
      %cond3A_518 = arith.cmpi ne, %convert_element_type3A, %cond3A : i32
      scf.if %cond3A_518 {
        %sub3A = arith.constant 2 : i32
        %sub3A_529 = arith.subi %scan3A_507, %sub3A : i32
        %mul3A_530 = arith.constant 5 : i32
        %mul3A_531 = arith.muli %sub3A_529, %mul3A_530 : i32
        %add3A_532 = arith.constant 0 : i32
        %add3A_533 = arith.addi %mul3A_531, %add3A_532 : i32
        %add3A_534 = arith.constant 0 : i32
        %add3A_535 = arith.addi %mul3A_510, %add3A_534 : i32
        %dma_wait3A_536 = arith.constant 0 : i32
        %dma_wait3A_537 = arith.constant 0 : i32
        %dma_wait3A_538 = tpu.memref_slice %arg7[%add3A_535, %dma_wait3A_536, %dma_wait3A_537] : memref<10x80x8xf32, #tpu.memory_space<vmem>> -> memref<1x80x8xf32, #tpu.memory_space<vmem>>
        %dma_wait3A_539 = tpu.memref_squeeze %dma_wait3A_538 : memref<1x80x8xf32, #tpu.memory_space<vmem>> -> memref<80x8xf32, #tpu.memory_space<vmem>>
        %dma_wait3A_540 = arith.constant 0 : i32
        %dma_wait3A_541 = tpu.memref_slice %arg6[%add3A_533, %dma_wait3A_540] : memref<125x80xi32, #tpu.memory_space<vmem>> -> memref<1x80xi32, #tpu.memory_space<vmem>>
        %dma_wait3A_542 = tpu.memref_squeeze %dma_wait3A_541 : memref<1x80xi32, #tpu.memory_space<vmem>> -> memref<80xi32, #tpu.memory_space<vmem>>
        %dma_wait3A_543 = arith.constant 0 : i32
        %dma_wait3A_544 = arith.constant 0 : i32
        %dma_wait3A_545 = tpu.memref_slice %arg8[%dma_wait3A_543, %dma_wait3A_544] : memref<10240x8xf32, #tpu.memory_space<vmem_shared>> -> memref<10240x8xf32, #tpu.memory_space<vmem_shared>>
        tpu.wait_indirect_dma semaphore(%arg13 : memref<!tpu.dma_semaphore, #tpu.memory_space<semaphore_mem>>) src(%dma_wait3A_539 : memref<80x8xf32, #tpu.memory_space<vmem>>) dst(%dma_wait3A_545 : memref<10240x8xf32, #tpu.memory_space<vmem_shared>>)
        %sub3A_546 = arith.constant 2 : i32
        %sub3A_547 = arith.subi %scan3A_507, %sub3A_546 : i32
        %mul3A_548 = arith.constant 5 : i32
        %mul3A_549 = arith.muli %sub3A_547, %mul3A_548 : i32
        %add3A_550 = arith.constant 1 : i32
        %add3A_551 = arith.addi %mul3A_549, %add3A_550 : i32
        %add3A_552 = arith.constant 1 : i32
        %add3A_553 = arith.addi %mul3A_510, %add3A_552 : i32
        %dma_wait3A_554 = arith.constant 0 : i32
        %dma_wait3A_555 = arith.constant 0 : i32
        %dma_wait3A_556 = tpu.memref_slice %arg7[%add3A_553, %dma_wait3A_554, %dma_wait3A_555] : memref<10x80x8xf32, #tpu.memory_space<vmem>> -> memref<1x80x8xf32, #tpu.memory_space<vmem>>
        %dma_wait3A_557 = tpu.memref_squeeze %dma_wait3A_556 : memref<1x80x8xf32, #tpu.memory_space<vmem>> -> memref<80x8xf32, #tpu.memory_space<vmem>>
        %dma_wait3A_558 = arith.constant 0 : i32
        %dma_wait3A_559 = tpu.memref_slice %arg6[%add3A_551, %dma_wait3A_558] : memref<125x80xi32, #tpu.memory_space<vmem>> -> memref<1x80xi32, #tpu.memory_space<vmem>>
        %dma_wait3A_560 = tpu.memref_squeeze %dma_wait3A_559 : memref<1x80xi32, #tpu.memory_space<vmem>> -> memref<80xi32, #tpu.memory_space<vmem>>
        %dma_wait3A_561 = arith.constant 0 : i32
        %dma_wait3A_562 = arith.constant 0 : i32
        %dma_wait3A_563 = tpu.memref_slice %arg8[%dma_wait3A_561, %dma_wait3A_562] : memref<10240x8xf32, #tpu.memory_space<vmem_shared>> -> memref<10240x8xf32, #tpu.memory_space<vmem_shared>>
        tpu.wait_indirect_dma semaphore(%arg13 : memref<!tpu.dma_semaphore, #tpu.memory_space<semaphore_mem>>) src(%dma_wait3A_557 : memref<80x8xf32, #tpu.memory_space<vmem>>) dst(%dma_wait3A_563 : memref<10240x8xf32, #tpu.memory_space<vmem_shared>>)
        %sub3A_564 = arith.constant 2 : i32
        %sub3A_565 = arith.subi %scan3A_507, %sub3A_564 : i32
        %mul3A_566 = arith.constant 5 : i32
        %mul3A_567 = arith.muli %sub3A_565, %mul3A_566 : i32
        %add3A_568 = arith.constant 2 : i32
        %add3A_569 = arith.addi %mul3A_567, %add3A_568 : i32
        %add3A_570 = arith.constant 2 : i32
        %add3A_571 = arith.addi %mul3A_510, %add3A_570 : i32
        %dma_wait3A_572 = arith.constant 0 : i32
        %dma_wait3A_573 = arith.constant 0 : i32
        %dma_wait3A_574 = tpu.memref_slice %arg7[%add3A_571, %dma_wait3A_572, %dma_wait3A_573] : memref<10x80x8xf32, #tpu.memory_space<vmem>> -> memref<1x80x8xf32, #tpu.memory_space<vmem>>
        %dma_wait3A_575 = tpu.memref_squeeze %dma_wait3A_574 : memref<1x80x8xf32, #tpu.memory_space<vmem>> -> memref<80x8xf32, #tpu.memory_space<vmem>>
        %dma_wait3A_576 = arith.constant 0 : i32
        %dma_wait3A_577 = tpu.memref_slice %arg6[%add3A_569, %dma_wait3A_576] : memref<125x80xi32, #tpu.memory_space<vmem>> -> memref<1x80xi32, #tpu.memory_space<vmem>>
        %dma_wait3A_578 = tpu.memref_squeeze %dma_wait3A_577 : memref<1x80xi32, #tpu.memory_space<vmem>> -> memref<80xi32, #tpu.memory_space<vmem>>
        %dma_wait3A_579 = arith.constant 0 : i32
        %dma_wait3A_580 = arith.constant 0 : i32
        %dma_wait3A_581 = tpu.memref_slice %arg8[%dma_wait3A_579, %dma_wait3A_580] : memref<10240x8xf32, #tpu.memory_space<vmem_shared>> -> memref<10240x8xf32, #tpu.memory_space<vmem_shared>>
        tpu.wait_indirect_dma semaphore(%arg13 : memref<!tpu.dma_semaphore, #tpu.memory_space<semaphore_mem>>) src(%dma_wait3A_575 : memref<80x8xf32, #tpu.memory_space<vmem>>) dst(%dma_wait3A_581 : memref<10240x8xf32, #tpu.memory_space<vmem_shared>>)
        %sub3A_582 = arith.constant 2 : i32
        %sub3A_583 = arith.subi %scan3A_507, %sub3A_582 : i32
        %mul3A_584 = arith.constant 5 : i32
        %mul3A_585 = arith.muli %sub3A_583, %mul3A_584 : i32
        %add3A_586 = arith.constant 3 : i32
        %add3A_587 = arith.addi %mul3A_585, %add3A_586 : i32
        %add3A_588 = arith.constant 3 : i32
        %add3A_589 = arith.addi %mul3A_510, %add3A_588 : i32
        %dma_wait3A_590 = arith.constant 0 : i32
        %dma_wait3A_591 = arith.constant 0 : i32
        %dma_wait3A_592 = tpu.memref_slice %arg7[%add3A_589, %dma_wait3A_590, %dma_wait3A_591] : memref<10x80x8xf32, #tpu.memory_space<vmem>> -> memref<1x80x8xf32, #tpu.memory_space<vmem>>
        %dma_wait3A_593 = tpu.memref_squeeze %dma_wait3A_592 : memref<1x80x8xf32, #tpu.memory_space<vmem>> -> memref<80x8xf32, #tpu.memory_space<vmem>>
        %dma_wait3A_594 = arith.constant 0 : i32
        %dma_wait3A_595 = tpu.memref_slice %arg6[%add3A_587, %dma_wait3A_594] : memref<125x80xi32, #tpu.memory_space<vmem>> -> memref<1x80xi32, #tpu.memory_space<vmem>>
        %dma_wait3A_596 = tpu.memref_squeeze %dma_wait3A_595 : memref<1x80xi32, #tpu.memory_space<vmem>> -> memref<80xi32, #tpu.memory_space<vmem>>
        %dma_wait3A_597 = arith.constant 0 : i32
        %dma_wait3A_598 = arith.constant 0 : i32
        %dma_wait3A_599 = tpu.memref_slice %arg8[%dma_wait3A_597, %dma_wait3A_598] : memref<10240x8xf32, #tpu.memory_space<vmem_shared>> -> memref<10240x8xf32, #tpu.memory_space<vmem_shared>>
        tpu.wait_indirect_dma semaphore(%arg13 : memref<!tpu.dma_semaphore, #tpu.memory_space<semaphore_mem>>) src(%dma_wait3A_593 : memref<80x8xf32, #tpu.memory_space<vmem>>) dst(%dma_wait3A_599 : memref<10240x8xf32, #tpu.memory_space<vmem_shared>>)
        %sub3A_600 = arith.constant 2 : i32
        %sub3A_601 = arith.subi %scan3A_507, %sub3A_600 : i32
        %mul3A_602 = arith.constant 5 : i32
        %mul3A_603 = arith.muli %sub3A_601, %mul3A_602 : i32
        %add3A_604 = arith.constant 4 : i32
        %add3A_605 = arith.addi %mul3A_603, %add3A_604 : i32
        %add3A_606 = arith.constant 4 : i32
        %add3A_607 = arith.addi %mul3A_510, %add3A_606 : i32
        %dma_wait3A_608 = arith.constant 0 : i32
        %dma_wait3A_609 = arith.constant 0 : i32
        %dma_wait3A_610 = tpu.memref_slice %arg7[%add3A_607, %dma_wait3A_608, %dma_wait3A_609] : memref<10x80x8xf32, #tpu.memory_space<vmem>> -> memref<1x80x8xf32, #tpu.memory_space<vmem>>
        %dma_wait3A_611 = tpu.memref_squeeze %dma_wait3A_610 : memref<1x80x8xf32, #tpu.memory_space<vmem>> -> memref<80x8xf32, #tpu.memory_space<vmem>>
        %dma_wait3A_612 = arith.constant 0 : i32
        %dma_wait3A_613 = tpu.memref_slice %arg6[%add3A_605, %dma_wait3A_612] : memref<125x80xi32, #tpu.memory_space<vmem>> -> memref<1x80xi32, #tpu.memory_space<vmem>>
        %dma_wait3A_614 = tpu.memref_squeeze %dma_wait3A_613 : memref<1x80xi32, #tpu.memory_space<vmem>> -> memref<80xi32, #tpu.memory_space<vmem>>
        %dma_wait3A_615 = arith.constant 0 : i32
        %dma_wait3A_616 = arith.constant 0 : i32
        %dma_wait3A_617 = tpu.memref_slice %arg8[%dma_wait3A_615, %dma_wait3A_616] : memref<10240x8xf32, #tpu.memory_space<vmem_shared>> -> memref<10240x8xf32, #tpu.memory_space<vmem_shared>>
        tpu.wait_indirect_dma semaphore(%arg13 : memref<!tpu.dma_semaphore, #tpu.memory_space<semaphore_mem>>) src(%dma_wait3A_611 : memref<80x8xf32, #tpu.memory_space<vmem>>) dst(%dma_wait3A_617 : memref<10240x8xf32, #tpu.memory_space<vmem_shared>>)
      } else {
      }
      %lt3A = arith.constant 25 : i32
      %lt3A_519 = arith.cmpi slt, %scan3A_507, %lt3A : i32
      %convert_element_type3A_520 = arith.extui %lt3A_519 : i1 to i32
      %cond3A_521 = arith.constant 0 : i32
      %cond3A_522 = arith.cmpi ne, %convert_element_type3A_520, %cond3A_521 : i32
      scf.if %cond3A_522 {
        %mul3A_529 = arith.constant 5 : i32
        %mul3A_530 = arith.muli %scan3A_507, %mul3A_529 : i32
        %add3A_531 = arith.constant 0 : i32
        %add3A_532 = arith.addi %mul3A_530, %add3A_531 : i32
        %add3A_533 = arith.constant 0 : i32
        %add3A_534 = arith.addi %mul3A_510, %add3A_533 : i32
        %dma_start3A_535 = arith.constant 0 : i32
        %dma_start3A_536 = arith.constant 0 : i32
        %dma_start3A_537 = tpu.memref_slice %arg7[%add3A_534, %dma_start3A_535, %dma_start3A_536] : memref<10x80x8xf32, #tpu.memory_space<vmem>> -> memref<1x80x8xf32, #tpu.memory_space<vmem>>
        %dma_start3A_538 = tpu.memref_squeeze %dma_start3A_537 : memref<1x80x8xf32, #tpu.memory_space<vmem>> -> memref<80x8xf32, #tpu.memory_space<vmem>>
        %dma_start3A_539 = arith.constant 0 : i32
        %dma_start3A_540 = tpu.memref_slice %arg5[%add3A_532, %dma_start3A_539] : memref<125x80xi32, #tpu.memory_space<vmem>> -> memref<1x80xi32, #tpu.memory_space<vmem>>
        %dma_start3A_541 = tpu.memref_squeeze %dma_start3A_540 : memref<1x80xi32, #tpu.memory_space<vmem>> -> memref<80xi32, #tpu.memory_space<vmem>>
        %dma_start3A_542 = arith.constant 0 : i32
        %dma_start3A_543 = arith.constant 0 : i32
        %dma_start3A_544 = tpu.memref_slice %arg9[%dma_start3A_542, %dma_start3A_543] : memref<10240x8xf32, #tpu.memory_space<vmem_shared>> -> memref<10240x8xf32, #tpu.memory_space<vmem_shared>>
        tpu.enqueue_indirect_dma source(%dma_start3A_544 : memref<10240x8xf32, #tpu.memory_space<vmem_shared>>) target(%dma_start3A_538 : memref<80x8xf32, #tpu.memory_space<vmem>>) offsets(%dma_start3A_541 : memref<80xi32, #tpu.memory_space<vmem>>) semaphore(%arg12 : memref<!tpu.dma_semaphore, #tpu.memory_space<semaphore_mem>>)
        %mul3A_545 = arith.constant 5 : i32
        %mul3A_546 = arith.muli %scan3A_507, %mul3A_545 : i32
        %add3A_547 = arith.constant 1 : i32
        %add3A_548 = arith.addi %mul3A_546, %add3A_547 : i32
        %add3A_549 = arith.constant 1 : i32
        %add3A_550 = arith.addi %mul3A_510, %add3A_549 : i32
        %dma_start3A_551 = arith.constant 0 : i32
        %dma_start3A_552 = arith.constant 0 : i32
        %dma_start3A_553 = tpu.memref_slice %arg7[%add3A_550, %dma_start3A_551, %dma_start3A_552] : memref<10x80x8xf32, #tpu.memory_space<vmem>> -> memref<1x80x8xf32, #tpu.memory_space<vmem>>
        %dma_start3A_554 = tpu.memref_squeeze %dma_start3A_553 : memref<1x80x8xf32, #tpu.memory_space<vmem>> -> memref<80x8xf32, #tpu.memory_space<vmem>>
        %dma_start3A_555 = arith.constant 0 : i32
        %dma_start3A_556 = tpu.memref_slice %arg5[%add3A_548, %dma_start3A_555] : memref<125x80xi32, #tpu.memory_space<vmem>> -> memref<1x80xi32, #tpu.memory_space<vmem>>
        %dma_start3A_557 = tpu.memref_squeeze %dma_start3A_556 : memref<1x80xi32, #tpu.memory_space<vmem>> -> memref<80xi32, #tpu.memory_space<vmem>>
        %dma_start3A_558 = arith.constant 0 : i32
        %dma_start3A_559 = arith.constant 0 : i32
        %dma_start3A_560 = tpu.memref_slice %arg9[%dma_start3A_558, %dma_start3A_559] : memref<10240x8xf32, #tpu.memory_space<vmem_shared>> -> memref<10240x8xf32, #tpu.memory_space<vmem_shared>>
        tpu.enqueue_indirect_dma source(%dma_start3A_560 : memref<10240x8xf32, #tpu.memory_space<vmem_shared>>) target(%dma_start3A_554 : memref<80x8xf32, #tpu.memory_space<vmem>>) offsets(%dma_start3A_557 : memref<80xi32, #tpu.memory_space<vmem>>) semaphore(%arg12 : memref<!tpu.dma_semaphore, #tpu.memory_space<semaphore_mem>>)
        %mul3A_561 = arith.constant 5 : i32
        %mul3A_562 = arith.muli %scan3A_507, %mul3A_561 : i32
        %add3A_563 = arith.constant 2 : i32
        %add3A_564 = arith.addi %mul3A_562, %add3A_563 : i32
        %add3A_565 = arith.constant 2 : i32
        %add3A_566 = arith.addi %mul3A_510, %add3A_565 : i32
        %dma_start3A_567 = arith.constant 0 : i32
        %dma_start3A_568 = arith.constant 0 : i32
        %dma_start3A_569 = tpu.memref_slice %arg7[%add3A_566, %dma_start3A_567, %dma_start3A_568] : memref<10x80x8xf32, #tpu.memory_space<vmem>> -> memref<1x80x8xf32, #tpu.memory_space<vmem>>
        %dma_start3A_570 = tpu.memref_squeeze %dma_start3A_569 : memref<1x80x8xf32, #tpu.memory_space<vmem>> -> memref<80x8xf32, #tpu.memory_space<vmem>>
        %dma_start3A_571 = arith.constant 0 : i32
        %dma_start3A_572 = tpu.memref_slice %arg5[%add3A_564, %dma_start3A_571] : memref<125x80xi32, #tpu.memory_space<vmem>> -> memref<1x80xi32, #tpu.memory_space<vmem>>
        %dma_start3A_573 = tpu.memref_squeeze %dma_start3A_572 : memref<1x80xi32, #tpu.memory_space<vmem>> -> memref<80xi32, #tpu.memory_space<vmem>>
        %dma_start3A_574 = arith.constant 0 : i32
        %dma_start3A_575 = arith.constant 0 : i32
        %dma_start3A_576 = tpu.memref_slice %arg9[%dma_start3A_574, %dma_start3A_575] : memref<10240x8xf32, #tpu.memory_space<vmem_shared>> -> memref<10240x8xf32, #tpu.memory_space<vmem_shared>>
        tpu.enqueue_indirect_dma source(%dma_start3A_576 : memref<10240x8xf32, #tpu.memory_space<vmem_shared>>) target(%dma_start3A_570 : memref<80x8xf32, #tpu.memory_space<vmem>>) offsets(%dma_start3A_573 : memref<80xi32, #tpu.memory_space<vmem>>) semaphore(%arg12 : memref<!tpu.dma_semaphore, #tpu.memory_space<semaphore_mem>>)
        %mul3A_577 = arith.constant 5 : i32
        %mul3A_578 = arith.muli %scan3A_507, %mul3A_577 : i32
        %add3A_579 = arith.constant 3 : i32
        %add3A_580 = arith.addi %mul3A_578, %add3A_579 : i32
        %add3A_581 = arith.constant 3 : i32
        %add3A_582 = arith.addi %mul3A_510, %add3A_581 : i32
        %dma_start3A_583 = arith.constant 0 : i32
        %dma_start3A_584 = arith.constant 0 : i32
        %dma_start3A_585 = tpu.memref_slice %arg7[%add3A_582, %dma_start3A_583, %dma_start3A_584] : memref<10x80x8xf32, #tpu.memory_space<vmem>> -> memref<1x80x8xf32, #tpu.memory_space<vmem>>
        %dma_start3A_586 = tpu.memref_squeeze %dma_start3A_585 : memref<1x80x8xf32, #tpu.memory_space<vmem>> -> memref<80x8xf32, #tpu.memory_space<vmem>>
        %dma_start3A_587 = arith.constant 0 : i32
        %dma_start3A_588 = tpu.memref_slice %arg5[%add3A_580, %dma_start3A_587] : memref<125x80xi32, #tpu.memory_space<vmem>> -> memref<1x80xi32, #tpu.memory_space<vmem>>
        %dma_start3A_589 = tpu.memref_squeeze %dma_start3A_588 : memref<1x80xi32, #tpu.memory_space<vmem>> -> memref<80xi32, #tpu.memory_space<vmem>>
        %dma_start3A_590 = arith.constant 0 : i32
        %dma_start3A_591 = arith.constant 0 : i32
        %dma_start3A_592 = tpu.memref_slice %arg9[%dma_start3A_590, %dma_start3A_591] : memref<10240x8xf32, #tpu.memory_space<vmem_shared>> -> memref<10240x8xf32, #tpu.memory_space<vmem_shared>>
        tpu.enqueue_indirect_dma source(%dma_start3A_592 : memref<10240x8xf32, #tpu.memory_space<vmem_shared>>) target(%dma_start3A_586 : memref<80x8xf32, #tpu.memory_space<vmem>>) offsets(%dma_start3A_589 : memref<80xi32, #tpu.memory_space<vmem>>) semaphore(%arg12 : memref<!tpu.dma_semaphore, #tpu.memory_space<semaphore_mem>>)
        %mul3A_593 = arith.constant 5 : i32
        %mul3A_594 = arith.muli %scan3A_507, %mul3A_593 : i32
        %add3A_595 = arith.constant 4 : i32
        %add3A_596 = arith.addi %mul3A_594, %add3A_595 : i32
        %add3A_597 = arith.constant 4 : i32
        %add3A_598 = arith.addi %mul3A_510, %add3A_597 : i32
        %dma_start3A_599 = arith.constant 0 : i32
        %dma_start3A_600 = arith.constant 0 : i32
        %dma_start3A_601 = tpu.memref_slice %arg7[%add3A_598, %dma_start3A_599, %dma_start3A_600] : memref<10x80x8xf32, #tpu.memory_space<vmem>> -> memref<1x80x8xf32, #tpu.memory_space<vmem>>
        %dma_start3A_602 = tpu.memref_squeeze %dma_start3A_601 : memref<1x80x8xf32, #tpu.memory_space<vmem>> -> memref<80x8xf32, #tpu.memory_space<vmem>>
        %dma_start3A_603 = arith.constant 0 : i32
        %dma_start3A_604 = tpu.memref_slice %arg5[%add3A_596, %dma_start3A_603] : memref<125x80xi32, #tpu.memory_space<vmem>> -> memref<1x80xi32, #tpu.memory_space<vmem>>
        %dma_start3A_605 = tpu.memref_squeeze %dma_start3A_604 : memref<1x80xi32, #tpu.memory_space<vmem>> -> memref<80xi32, #tpu.memory_space<vmem>>
        %dma_start3A_606 = arith.constant 0 : i32
        %dma_start3A_607 = arith.constant 0 : i32
        %dma_start3A_608 = tpu.memref_slice %arg9[%dma_start3A_606, %dma_start3A_607] : memref<10240x8xf32, #tpu.memory_space<vmem_shared>> -> memref<10240x8xf32, #tpu.memory_space<vmem_shared>>
        tpu.enqueue_indirect_dma source(%dma_start3A_608 : memref<10240x8xf32, #tpu.memory_space<vmem_shared>>) target(%dma_start3A_602 : memref<80x8xf32, #tpu.memory_space<vmem>>) offsets(%dma_start3A_605 : memref<80xi32, #tpu.memory_space<vmem>>) semaphore(%arg12 : memref<!tpu.dma_semaphore, #tpu.memory_space<semaphore_mem>>)
      } else {
      }
      %ge3A_523 = arith.constant 1 : i32
      %ge3A_524 = arith.cmpi sge, %scan3A_507, %ge3A_523 : i32
      %le3A = arith.constant 25 : i32
      %le3A_525 = arith.cmpi sle, %scan3A_507, %le3A : i32
      %and3A = arith.andi %ge3A_524, %le3A_525 : i1
      %convert_element_type3A_526 = arith.extui %and3A : i1 to i32
      %cond3A_527 = arith.constant 0 : i32
      %cond3A_528 = arith.cmpi ne, %convert_element_type3A_526, %cond3A_527 : i32
      scf.if %cond3A_528 {
        %sub3A = arith.constant 1 : i32
        %sub3A_529 = arith.subi %scan3A_507, %sub3A : i32
        %mul3A_530 = arith.constant 5 : i32
        %mul3A_531 = arith.muli %sub3A_529, %mul3A_530 : i32
        %add3A_532 = arith.constant 0 : i32
        %add3A_533 = arith.addi %mul3A_531, %add3A_532 : i32
        %add3A_534 = arith.constant 0 : i32
        %add3A_535 = arith.addi %mul3A_516, %add3A_534 : i32
        %dma_wait3A_536 = arith.constant 0 : i32
        %dma_wait3A_537 = arith.constant 0 : i32
        %dma_wait3A_538 = tpu.memref_slice %arg7[%add3A_535, %dma_wait3A_536, %dma_wait3A_537] : memref<10x80x8xf32, #tpu.memory_space<vmem>> -> memref<1x80x8xf32, #tpu.memory_space<vmem>>
        %dma_wait3A_539 = tpu.memref_squeeze %dma_wait3A_538 : memref<1x80x8xf32, #tpu.memory_space<vmem>> -> memref<80x8xf32, #tpu.memory_space<vmem>>
        %dma_wait3A_540 = arith.constant 0 : i32
        %dma_wait3A_541 = tpu.memref_slice %arg5[%add3A_533, %dma_wait3A_540] : memref<125x80xi32, #tpu.memory_space<vmem>> -> memref<1x80xi32, #tpu.memory_space<vmem>>
        %dma_wait3A_542 = tpu.memref_squeeze %dma_wait3A_541 : memref<1x80xi32, #tpu.memory_space<vmem>> -> memref<80xi32, #tpu.memory_space<vmem>>
        %dma_wait3A_543 = arith.constant 0 : i32
        %dma_wait3A_544 = arith.constant 0 : i32
        %dma_wait3A_545 = tpu.memref_slice %arg9[%dma_wait3A_543, %dma_wait3A_544] : memref<10240x8xf32, #tpu.memory_space<vmem_shared>> -> memref<10240x8xf32, #tpu.memory_space<vmem_shared>>
        tpu.wait_indirect_dma semaphore(%arg12 : memref<!tpu.dma_semaphore, #tpu.memory_space<semaphore_mem>>) src(%dma_wait3A_545 : memref<10240x8xf32, #tpu.memory_space<vmem_shared>>) dst(%dma_wait3A_539 : memref<80x8xf32, #tpu.memory_space<vmem>>)
        %sub3A_546 = arith.constant 1 : i32
        %sub3A_547 = arith.subi %scan3A_507, %sub3A_546 : i32
        %mul3A_548 = arith.constant 5 : i32
        %mul3A_549 = arith.muli %sub3A_547, %mul3A_548 : i32
        %add3A_550 = arith.constant 1 : i32
        %add3A_551 = arith.addi %mul3A_549, %add3A_550 : i32
        %add3A_552 = arith.constant 1 : i32
        %add3A_553 = arith.addi %mul3A_516, %add3A_552 : i32
        %dma_wait3A_554 = arith.constant 0 : i32
        %dma_wait3A_555 = arith.constant 0 : i32
        %dma_wait3A_556 = tpu.memref_slice %arg7[%add3A_553, %dma_wait3A_554, %dma_wait3A_555] : memref<10x80x8xf32, #tpu.memory_space<vmem>> -> memref<1x80x8xf32, #tpu.memory_space<vmem>>
        %dma_wait3A_557 = tpu.memref_squeeze %dma_wait3A_556 : memref<1x80x8xf32, #tpu.memory_space<vmem>> -> memref<80x8xf32, #tpu.memory_space<vmem>>
        %dma_wait3A_558 = arith.constant 0 : i32
        %dma_wait3A_559 = tpu.memref_slice %arg5[%add3A_551, %dma_wait3A_558] : memref<125x80xi32, #tpu.memory_space<vmem>> -> memref<1x80xi32, #tpu.memory_space<vmem>>
        %dma_wait3A_560 = tpu.memref_squeeze %dma_wait3A_559 : memref<1x80xi32, #tpu.memory_space<vmem>> -> memref<80xi32, #tpu.memory_space<vmem>>
        %dma_wait3A_561 = arith.constant 0 : i32
        %dma_wait3A_562 = arith.constant 0 : i32
        %dma_wait3A_563 = tpu.memref_slice %arg9[%dma_wait3A_561, %dma_wait3A_562] : memref<10240x8xf32, #tpu.memory_space<vmem_shared>> -> memref<10240x8xf32, #tpu.memory_space<vmem_shared>>
        tpu.wait_indirect_dma semaphore(%arg12 : memref<!tpu.dma_semaphore, #tpu.memory_space<semaphore_mem>>) src(%dma_wait3A_563 : memref<10240x8xf32, #tpu.memory_space<vmem_shared>>) dst(%dma_wait3A_557 : memref<80x8xf32, #tpu.memory_space<vmem>>)
        %sub3A_564 = arith.constant 1 : i32
        %sub3A_565 = arith.subi %scan3A_507, %sub3A_564 : i32
        %mul3A_566 = arith.constant 5 : i32
        %mul3A_567 = arith.muli %sub3A_565, %mul3A_566 : i32
        %add3A_568 = arith.constant 2 : i32
        %add3A_569 = arith.addi %mul3A_567, %add3A_568 : i32
        %add3A_570 = arith.constant 2 : i32
        %add3A_571 = arith.addi %mul3A_516, %add3A_570 : i32
        %dma_wait3A_572 = arith.constant 0 : i32
        %dma_wait3A_573 = arith.constant 0 : i32
        %dma_wait3A_574 = tpu.memref_slice %arg7[%add3A_571, %dma_wait3A_572, %dma_wait3A_573] : memref<10x80x8xf32, #tpu.memory_space<vmem>> -> memref<1x80x8xf32, #tpu.memory_space<vmem>>
        %dma_wait3A_575 = tpu.memref_squeeze %dma_wait3A_574 : memref<1x80x8xf32, #tpu.memory_space<vmem>> -> memref<80x8xf32, #tpu.memory_space<vmem>>
        %dma_wait3A_576 = arith.constant 0 : i32
        %dma_wait3A_577 = tpu.memref_slice %arg5[%add3A_569, %dma_wait3A_576] : memref<125x80xi32, #tpu.memory_space<vmem>> -> memref<1x80xi32, #tpu.memory_space<vmem>>
        %dma_wait3A_578 = tpu.memref_squeeze %dma_wait3A_577 : memref<1x80xi32, #tpu.memory_space<vmem>> -> memref<80xi32, #tpu.memory_space<vmem>>
        %dma_wait3A_579 = arith.constant 0 : i32
        %dma_wait3A_580 = arith.constant 0 : i32
        %dma_wait3A_581 = tpu.memref_slice %arg9[%dma_wait3A_579, %dma_wait3A_580] : memref<10240x8xf32, #tpu.memory_space<vmem_shared>> -> memref<10240x8xf32, #tpu.memory_space<vmem_shared>>
        tpu.wait_indirect_dma semaphore(%arg12 : memref<!tpu.dma_semaphore, #tpu.memory_space<semaphore_mem>>) src(%dma_wait3A_581 : memref<10240x8xf32, #tpu.memory_space<vmem_shared>>) dst(%dma_wait3A_575 : memref<80x8xf32, #tpu.memory_space<vmem>>)
        %sub3A_582 = arith.constant 1 : i32
        %sub3A_583 = arith.subi %scan3A_507, %sub3A_582 : i32
        %mul3A_584 = arith.constant 5 : i32
        %mul3A_585 = arith.muli %sub3A_583, %mul3A_584 : i32
        %add3A_586 = arith.constant 3 : i32
        %add3A_587 = arith.addi %mul3A_585, %add3A_586 : i32
        %add3A_588 = arith.constant 3 : i32
        %add3A_589 = arith.addi %mul3A_516, %add3A_588 : i32
        %dma_wait3A_590 = arith.constant 0 : i32
        %dma_wait3A_591 = arith.constant 0 : i32
        %dma_wait3A_592 = tpu.memref_slice %arg7[%add3A_589, %dma_wait3A_590, %dma_wait3A_591] : memref<10x80x8xf32, #tpu.memory_space<vmem>> -> memref<1x80x8xf32, #tpu.memory_space<vmem>>
        %dma_wait3A_593 = tpu.memref_squeeze %dma_wait3A_592 : memref<1x80x8xf32, #tpu.memory_space<vmem>> -> memref<80x8xf32, #tpu.memory_space<vmem>>
        %dma_wait3A_594 = arith.constant 0 : i32
        %dma_wait3A_595 = tpu.memref_slice %arg5[%add3A_587, %dma_wait3A_594] : memref<125x80xi32, #tpu.memory_space<vmem>> -> memref<1x80xi32, #tpu.memory_space<vmem>>
        %dma_wait3A_596 = tpu.memref_squeeze %dma_wait3A_595 : memref<1x80xi32, #tpu.memory_space<vmem>> -> memref<80xi32, #tpu.memory_space<vmem>>
        %dma_wait3A_597 = arith.constant 0 : i32
        %dma_wait3A_598 = arith.constant 0 : i32
        %dma_wait3A_599 = tpu.memref_slice %arg9[%dma_wait3A_597, %dma_wait3A_598] : memref<10240x8xf32, #tpu.memory_space<vmem_shared>> -> memref<10240x8xf32, #tpu.memory_space<vmem_shared>>
        tpu.wait_indirect_dma semaphore(%arg12 : memref<!tpu.dma_semaphore, #tpu.memory_space<semaphore_mem>>) src(%dma_wait3A_599 : memref<10240x8xf32, #tpu.memory_space<vmem_shared>>) dst(%dma_wait3A_593 : memref<80x8xf32, #tpu.memory_space<vmem>>)
        %sub3A_600 = arith.constant 1 : i32
        %sub3A_601 = arith.subi %scan3A_507, %sub3A_600 : i32
        %mul3A_602 = arith.constant 5 : i32
        %mul3A_603 = arith.muli %sub3A_601, %mul3A_602 : i32
        %add3A_604 = arith.constant 4 : i32
        %add3A_605 = arith.addi %mul3A_603, %add3A_604 : i32
        %add3A_606 = arith.constant 4 : i32
        %add3A_607 = arith.addi %mul3A_516, %add3A_606 : i32
        %dma_wait3A_608 = arith.constant 0 : i32
        %dma_wait3A_609 = arith.constant 0 : i32
        %dma_wait3A_610 = tpu.memref_slice %arg7[%add3A_607, %dma_wait3A_608, %dma_wait3A_609] : memref<10x80x8xf32, #tpu.memory_space<vmem>> -> memref<1x80x8xf32, #tpu.memory_space<vmem>>
        %dma_wait3A_611 = tpu.memref_squeeze %dma_wait3A_610 : memref<1x80x8xf32, #tpu.memory_space<vmem>> -> memref<80x8xf32, #tpu.memory_space<vmem>>
        %dma_wait3A_612 = arith.constant 0 : i32
        %dma_wait3A_613 = tpu.memref_slice %arg5[%add3A_605, %dma_wait3A_612] : memref<125x80xi32, #tpu.memory_space<vmem>> -> memref<1x80xi32, #tpu.memory_space<vmem>>
        %dma_wait3A_614 = tpu.memref_squeeze %dma_wait3A_613 : memref<1x80xi32, #tpu.memory_space<vmem>> -> memref<80xi32, #tpu.memory_space<vmem>>
        %dma_wait3A_615 = arith.constant 0 : i32
        %dma_wait3A_616 = arith.constant 0 : i32
        %dma_wait3A_617 = tpu.memref_slice %arg9[%dma_wait3A_615, %dma_wait3A_616] : memref<10240x8xf32, #tpu.memory_space<vmem_shared>> -> memref<10240x8xf32, #tpu.memory_space<vmem_shared>>
        tpu.wait_indirect_dma semaphore(%arg12 : memref<!tpu.dma_semaphore, #tpu.memory_space<semaphore_mem>>) src(%dma_wait3A_617 : memref<10240x8xf32, #tpu.memory_space<vmem_shared>>) dst(%dma_wait3A_611 : memref<80x8xf32, #tpu.memory_space<vmem>>)
        %sub3A_618 = arith.constant 1 : i32
        %sub3A_619 = arith.subi %scan3A_507, %sub3A_618 : i32
        %mul3A_620 = arith.constant 5 : i32
        %mul3A_621 = arith.muli %sub3A_619, %mul3A_620 : i32
        %add3A_622 = arith.constant 0 : i32
        %add3A_623 = arith.addi %mul3A_621, %add3A_622 : i32
        %add3A_624 = arith.constant 0 : i32
        %add3A_625 = arith.addi %mul3A_516, %add3A_624 : i32
        %dma_start3A_626 = arith.constant 0 : i32
        %dma_start3A_627 = arith.constant 0 : i32
        %dma_start3A_628 = tpu.memref_slice %arg7[%add3A_625, %dma_start3A_626, %dma_start3A_627] : memref<10x80x8xf32, #tpu.memory_space<vmem>> -> memref<1x80x8xf32, #tpu.memory_space<vmem>>
        %dma_start3A_629 = tpu.memref_squeeze %dma_start3A_628 : memref<1x80x8xf32, #tpu.memory_space<vmem>> -> memref<80x8xf32, #tpu.memory_space<vmem>>
        %dma_start3A_630 = arith.constant 0 : i32
        %dma_start3A_631 = tpu.memref_slice %arg6[%add3A_623, %dma_start3A_630] : memref<125x80xi32, #tpu.memory_space<vmem>> -> memref<1x80xi32, #tpu.memory_space<vmem>>
        %dma_start3A_632 = tpu.memref_squeeze %dma_start3A_631 : memref<1x80xi32, #tpu.memory_space<vmem>> -> memref<80xi32, #tpu.memory_space<vmem>>
        %dma_start3A_633 = arith.constant 0 : i32
        %dma_start3A_634 = arith.constant 0 : i32
        %dma_start3A_635 = tpu.memref_slice %arg8[%dma_start3A_633, %dma_start3A_634] : memref<10240x8xf32, #tpu.memory_space<vmem_shared>> -> memref<10240x8xf32, #tpu.memory_space<vmem_shared>>
        tpu.enqueue_indirect_dma source(%dma_start3A_629 : memref<80x8xf32, #tpu.memory_space<vmem>>) target(%dma_start3A_635 : memref<10240x8xf32, #tpu.memory_space<vmem_shared>>) offsets(%dma_start3A_632 : memref<80xi32, #tpu.memory_space<vmem>>) semaphore(%arg13 : memref<!tpu.dma_semaphore, #tpu.memory_space<semaphore_mem>>) {add = true}
        %sub3A_636 = arith.constant 1 : i32
        %sub3A_637 = arith.subi %scan3A_507, %sub3A_636 : i32
        %mul3A_638 = arith.constant 5 : i32
        %mul3A_639 = arith.muli %sub3A_637, %mul3A_638 : i32
        %add3A_640 = arith.constant 1 : i32
        %add3A_641 = arith.addi %mul3A_639, %add3A_640 : i32
        %add3A_642 = arith.constant 1 : i32
        %add3A_643 = arith.addi %mul3A_516, %add3A_642 : i32
        %dma_start3A_644 = arith.constant 0 : i32
        %dma_start3A_645 = arith.constant 0 : i32
        %dma_start3A_646 = tpu.memref_slice %arg7[%add3A_643, %dma_start3A_644, %dma_start3A_645] : memref<10x80x8xf32, #tpu.memory_space<vmem>> -> memref<1x80x8xf32, #tpu.memory_space<vmem>>
        %dma_start3A_647 = tpu.memref_squeeze %dma_start3A_646 : memref<1x80x8xf32, #tpu.memory_space<vmem>> -> memref<80x8xf32, #tpu.memory_space<vmem>>
        %dma_start3A_648 = arith.constant 0 : i32
        %dma_start3A_649 = tpu.memref_slice %arg6[%add3A_641, %dma_start3A_648] : memref<125x80xi32, #tpu.memory_space<vmem>> -> memref<1x80xi32, #tpu.memory_space<vmem>>
        %dma_start3A_650 = tpu.memref_squeeze %dma_start3A_649 : memref<1x80xi32, #tpu.memory_space<vmem>> -> memref<80xi32, #tpu.memory_space<vmem>>
        %dma_start3A_651 = arith.constant 0 : i32
        %dma_start3A_652 = arith.constant 0 : i32
        %dma_start3A_653 = tpu.memref_slice %arg8[%dma_start3A_651, %dma_start3A_652] : memref<10240x8xf32, #tpu.memory_space<vmem_shared>> -> memref<10240x8xf32, #tpu.memory_space<vmem_shared>>
        tpu.enqueue_indirect_dma source(%dma_start3A_647 : memref<80x8xf32, #tpu.memory_space<vmem>>) target(%dma_start3A_653 : memref<10240x8xf32, #tpu.memory_space<vmem_shared>>) offsets(%dma_start3A_650 : memref<80xi32, #tpu.memory_space<vmem>>) semaphore(%arg13 : memref<!tpu.dma_semaphore, #tpu.memory_space<semaphore_mem>>) {add = true}
        %sub3A_654 = arith.constant 1 : i32
        %sub3A_655 = arith.subi %scan3A_507, %sub3A_654 : i32
        %mul3A_656 = arith.constant 5 : i32
        %mul3A_657 = arith.muli %sub3A_655, %mul3A_656 : i32
        %add3A_658 = arith.constant 2 : i32
        %add3A_659 = arith.addi %mul3A_657, %add3A_658 : i32
        %add3A_660 = arith.constant 2 : i32
        %add3A_661 = arith.addi %mul3A_516, %add3A_660 : i32
        %dma_start3A_662 = arith.constant 0 : i32
        %dma_start3A_663 = arith.constant 0 : i32
        %dma_start3A_664 = tpu.memref_slice %arg7[%add3A_661, %dma_start3A_662, %dma_start3A_663] : memref<10x80x8xf32, #tpu.memory_space<vmem>> -> memref<1x80x8xf32, #tpu.memory_space<vmem>>
        %dma_start3A_665 = tpu.memref_squeeze %dma_start3A_664 : memref<1x80x8xf32, #tpu.memory_space<vmem>> -> memref<80x8xf32, #tpu.memory_space<vmem>>
        %dma_start3A_666 = arith.constant 0 : i32
        %dma_start3A_667 = tpu.memref_slice %arg6[%add3A_659, %dma_start3A_666] : memref<125x80xi32, #tpu.memory_space<vmem>> -> memref<1x80xi32, #tpu.memory_space<vmem>>
        %dma_start3A_668 = tpu.memref_squeeze %dma_start3A_667 : memref<1x80xi32, #tpu.memory_space<vmem>> -> memref<80xi32, #tpu.memory_space<vmem>>
        %dma_start3A_669 = arith.constant 0 : i32
        %dma_start3A_670 = arith.constant 0 : i32
        %dma_start3A_671 = tpu.memref_slice %arg8[%dma_start3A_669, %dma_start3A_670] : memref<10240x8xf32, #tpu.memory_space<vmem_shared>> -> memref<10240x8xf32, #tpu.memory_space<vmem_shared>>
        tpu.enqueue_indirect_dma source(%dma_start3A_665 : memref<80x8xf32, #tpu.memory_space<vmem>>) target(%dma_start3A_671 : memref<10240x8xf32, #tpu.memory_space<vmem_shared>>) offsets(%dma_start3A_668 : memref<80xi32, #tpu.memory_space<vmem>>) semaphore(%arg13 : memref<!tpu.dma_semaphore, #tpu.memory_space<semaphore_mem>>) {add = true}
        %sub3A_672 = arith.constant 1 : i32
        %sub3A_673 = arith.subi %scan3A_507, %sub3A_672 : i32
        %mul3A_674 = arith.constant 5 : i32
        %mul3A_675 = arith.muli %sub3A_673, %mul3A_674 : i32
        %add3A_676 = arith.constant 3 : i32
        %add3A_677 = arith.addi %mul3A_675, %add3A_676 : i32
        %add3A_678 = arith.constant 3 : i32
        %add3A_679 = arith.addi %mul3A_516, %add3A_678 : i32
        %dma_start3A_680 = arith.constant 0 : i32
        %dma_start3A_681 = arith.constant 0 : i32
        %dma_start3A_682 = tpu.memref_slice %arg7[%add3A_679, %dma_start3A_680, %dma_start3A_681] : memref<10x80x8xf32, #tpu.memory_space<vmem>> -> memref<1x80x8xf32, #tpu.memory_space<vmem>>
        %dma_start3A_683 = tpu.memref_squeeze %dma_start3A_682 : memref<1x80x8xf32, #tpu.memory_space<vmem>> -> memref<80x8xf32, #tpu.memory_space<vmem>>
        %dma_start3A_684 = arith.constant 0 : i32
        %dma_start3A_685 = tpu.memref_slice %arg6[%add3A_677, %dma_start3A_684] : memref<125x80xi32, #tpu.memory_space<vmem>> -> memref<1x80xi32, #tpu.memory_space<vmem>>
        %dma_start3A_686 = tpu.memref_squeeze %dma_start3A_685 : memref<1x80xi32, #tpu.memory_space<vmem>> -> memref<80xi32, #tpu.memory_space<vmem>>
        %dma_start3A_687 = arith.constant 0 : i32
        %dma_start3A_688 = arith.constant 0 : i32
        %dma_start3A_689 = tpu.memref_slice %arg8[%dma_start3A_687, %dma_start3A_688] : memref<10240x8xf32, #tpu.memory_space<vmem_shared>> -> memref<10240x8xf32, #tpu.memory_space<vmem_shared>>
        tpu.enqueue_indirect_dma source(%dma_start3A_683 : memref<80x8xf32, #tpu.memory_space<vmem>>) target(%dma_start3A_689 : memref<10240x8xf32, #tpu.memory_space<vmem_shared>>) offsets(%dma_start3A_686 : memref<80xi32, #tpu.memory_space<vmem>>) semaphore(%arg13 : memref<!tpu.dma_semaphore, #tpu.memory_space<semaphore_mem>>) {add = true}
        %sub3A_690 = arith.constant 1 : i32
        %sub3A_691 = arith.subi %scan3A_507, %sub3A_690 : i32
        %mul3A_692 = arith.constant 5 : i32
        %mul3A_693 = arith.muli %sub3A_691, %mul3A_692 : i32
        %add3A_694 = arith.constant 4 : i32
        %add3A_695 = arith.addi %mul3A_693, %add3A_694 : i32
        %add3A_696 = arith.constant 4 : i32
        %add3A_697 = arith.addi %mul3A_516, %add3A_696 : i32
        %dma_start3A_698 = arith.constant 0 : i32
        %dma_start3A_699 = arith.constant 0 : i32
        %dma_start3A_700 = tpu.memref_slice %arg7[%add3A_697, %dma_start3A_698, %dma_start3A_699] : memref<10x80x8xf32, #tpu.memory_space<vmem>> -> memref<1x80x8xf32, #tpu.memory_space<vmem>>
        %dma_start3A_701 = tpu.memref_squeeze %dma_start3A_700 : memref<1x80x8xf32, #tpu.memory_space<vmem>> -> memref<80x8xf32, #tpu.memory_space<vmem>>
        %dma_start3A_702 = arith.constant 0 : i32
        %dma_start3A_703 = tpu.memref_slice %arg6[%add3A_695, %dma_start3A_702] : memref<125x80xi32, #tpu.memory_space<vmem>> -> memref<1x80xi32, #tpu.memory_space<vmem>>
        %dma_start3A_704 = tpu.memref_squeeze %dma_start3A_703 : memref<1x80xi32, #tpu.memory_space<vmem>> -> memref<80xi32, #tpu.memory_space<vmem>>
        %dma_start3A_705 = arith.constant 0 : i32
        %dma_start3A_706 = arith.constant 0 : i32
        %dma_start3A_707 = tpu.memref_slice %arg8[%dma_start3A_705, %dma_start3A_706] : memref<10240x8xf32, #tpu.memory_space<vmem_shared>> -> memref<10240x8xf32, #tpu.memory_space<vmem_shared>>
        tpu.enqueue_indirect_dma source(%dma_start3A_701 : memref<80x8xf32, #tpu.memory_space<vmem>>) target(%dma_start3A_707 : memref<10240x8xf32, #tpu.memory_space<vmem_shared>>) offsets(%dma_start3A_704 : memref<80xi32, #tpu.memory_space<vmem>>) semaphore(%arg13 : memref<!tpu.dma_semaphore, #tpu.memory_space<semaphore_mem>>) {add = true}
      } else {
      }
    }
    %scan3A_273 = arith.constant 27 : i32
    %barrier3A_274 = arith.constant 0 : index
    tpu.barrier barrier_id(%barrier3A_274)
    %mul3A_275 = arith.constant 640 : i32
    %mul3A_276 = arith.muli %arg1, %mul3A_275 : i32
    "tpu.region"() ({
      %run_scoped3A = tpu.sem_alloc : memref<!tpu.dma_semaphore, #tpu.memory_space<semaphore_mem>>
      %dma_start3A_507 = arith.constant 0 : i32
      %dma_start3A_508 = tpu.memref_slice %arg8[%mul3A_276, %dma_start3A_507] : memref<10240x8xf32, #tpu.memory_space<vmem_shared>> -> memref<640x8xf32, #tpu.memory_space<vmem_shared>>
      %dma_start3A_509 = arith.constant 0 : i32
      %dma_start3A_510 = tpu.memref_slice %arg8[%mul3A_276, %dma_start3A_509] : memref<10240x8xf32, #tpu.memory_space<vmem_shared>> -> memref<640x8xf32, #tpu.memory_space<vmem_shared>>
      tpu.enqueue_dma source(%dma_start3A_510 : memref<640x8xf32, #tpu.memory_space<vmem_shared>>) target(%arg11 : memref<640x8xf32, #tpu.memory_space<vmem>>) target_semaphore(%run_scoped3A : memref<!tpu.dma_semaphore, #tpu.memory_space<semaphore_mem>>)
      %dma_wait3A_511 = arith.constant 0 : i32
      %dma_wait3A_512 = tpu.memref_slice %arg8[%mul3A_276, %dma_wait3A_511] : memref<10240x8xf32, #tpu.memory_space<vmem_shared>> -> memref<640x8xf32, #tpu.memory_space<vmem_shared>>
      %dma_wait3A_513 = arith.constant 0 : i32
      %dma_wait3A_514 = tpu.memref_slice %arg8[%mul3A_276, %dma_wait3A_513] : memref<10240x8xf32, #tpu.memory_space<vmem_shared>> -> memref<640x8xf32, #tpu.memory_space<vmem_shared>>
      tpu.wait_dma2 semaphore(%run_scoped3A : memref<!tpu.dma_semaphore, #tpu.memory_space<semaphore_mem>>) src(%dma_wait3A_514 : memref<640x8xf32, #tpu.memory_space<vmem_shared>>) dst(%arg11 : memref<640x8xf32, #tpu.memory_space<vmem>>)
      tpu.yield
    }) : () -> ()
    %scan3A_277 = arith.constant 0 : i32
    %scan3A_278 = arith.constant 0 : i32
    %scan3A_279 = arith.constant 40 : i32
    %scan3A_280 = arith.addi %scan3A_278, %scan3A_279 : i32
    %scan3A_281 = arith.constant 1 : i32
    scf.for %scan3A_507 = %scan3A_278 to %scan3A_280 step %scan3A_281  : i32 {
      %mul3A_508 = arith.constant 16 : i32
      %mul3A_509 = arith.muli %scan3A_507, %mul3A_508 : i32
      %add3A_510 = vector.broadcast %mul3A_509 : i32 to vector<16xi32>
      %add3A_511 = arith.addi %add3A_510, %iota3A : vector<16xi32>
      %broadcast_in_dim3A = arith.constant 0 : i32
      %broadcast_in_dim3A_512 = vector.broadcast %broadcast_in_dim3A : i32 to vector<16xi32>
      %gather3A = tpu.vector_load_idx %arg11[%add3A_511, %broadcast_in_dim3A_512] : memref<640x8xf32, #tpu.memory_space<vmem>>[vector<16xi32>, vector<16xi32>], vector<16xf32>,
      %swap3A = arith.constant 0 : i32
      %swap3A_513 = arith.index_cast %swap3A : i32 to index
      %swap3A_514 = arith.index_cast %mul3A_509 : i32 to index
      %swap3A_515 = tpu.vector_load %arg10[%swap3A_513, %swap3A_514] {strides = array<i32>} : memref<8x640xf32, #tpu.memory_space<vmem>>, vector<16xf32>,
      tpu.vector_store %arg10[%swap3A_513, %swap3A_514], %gather3A {strides = array<i32>} : memref<8x640xf32, #tpu.memory_space<vmem>>, vector<16xf32>,
      %broadcast_in_dim3A_516 = arith.constant 1 : i32
      %broadcast_in_dim3A_517 = vector.broadcast %broadcast_in_dim3A_516 : i32 to vector<16xi32>
      %gather3A_518 = tpu.vector_load_idx %arg11[%add3A_511, %broadcast_in_dim3A_517] : memref<640x8xf32, #tpu.memory_space<vmem>>[vector<16xi32>, vector<16xi32>], vector<16xf32>,
      %swap3A_519 = arith.constant 1 : i32
      %swap3A_520 = arith.index_cast %swap3A_519 : i32 to index
      %swap3A_521 = arith.index_cast %mul3A_509 : i32 to index
      %swap3A_522 = tpu.vector_load %arg10[%swap3A_520, %swap3A_521] {strides = array<i32>} : memref<8x640xf32, #tpu.memory_space<vmem>>, vector<16xf32>,
      tpu.vector_store %arg10[%swap3A_520, %swap3A_521], %gather3A_518 {strides = array<i32>} : memref<8x640xf32, #tpu.memory_space<vmem>>, vector<16xf32>,
      %broadcast_in_dim3A_523 = arith.constant 2 : i32
      %broadcast_in_dim3A_524 = vector.broadcast %broadcast_in_dim3A_523 : i32 to vector<16xi32>
      %gather3A_525 = tpu.vector_load_idx %arg11[%add3A_511, %broadcast_in_dim3A_524] : memref<640x8xf32, #tpu.memory_space<vmem>>[vector<16xi32>, vector<16xi32>], vector<16xf32>,
      %swap3A_526 = arith.constant 2 : i32
      %swap3A_527 = arith.index_cast %swap3A_526 : i32 to index
      %swap3A_528 = arith.index_cast %mul3A_509 : i32 to index
      %swap3A_529 = tpu.vector_load %arg10[%swap3A_527, %swap3A_528] {strides = array<i32>} : memref<8x640xf32, #tpu.memory_space<vmem>>, vector<16xf32>,
      tpu.vector_store %arg10[%swap3A_527, %swap3A_528], %gather3A_525 {strides = array<i32>} : memref<8x640xf32, #tpu.memory_space<vmem>>, vector<16xf32>,
      %broadcast_in_dim3A_530 = arith.constant 3 : i32
      %broadcast_in_dim3A_531 = vector.broadcast %broadcast_in_dim3A_530 : i32 to vector<16xi32>
      %gather3A_532 = tpu.vector_load_idx %arg11[%add3A_511, %broadcast_in_dim3A_531] : memref<640x8xf32, #tpu.memory_space<vmem>>[vector<16xi32>, vector<16xi32>], vector<16xf32>,
      %swap3A_533 = arith.constant 3 : i32
      %swap3A_534 = arith.index_cast %swap3A_533 : i32 to index
      %swap3A_535 = arith.index_cast %mul3A_509 : i32 to index
      %swap3A_536 = tpu.vector_load %arg10[%swap3A_534, %swap3A_535] {strides = array<i32>} : memref<8x640xf32, #tpu.memory_space<vmem>>, vector<16xf32>,
      tpu.vector_store %arg10[%swap3A_534, %swap3A_535], %gather3A_532 {strides = array<i32>} : memref<8x640xf32, #tpu.memory_space<vmem>>, vector<16xf32>,
      %broadcast_in_dim3A_537 = arith.constant 4 : i32
      %broadcast_in_dim3A_538 = vector.broadcast %broadcast_in_dim3A_537 : i32 to vector<16xi32>
      %gather3A_539 = tpu.vector_load_idx %arg11[%add3A_511, %broadcast_in_dim3A_538] : memref<640x8xf32, #tpu.memory_space<vmem>>[vector<16xi32>, vector<16xi32>], vector<16xf32>,
      %swap3A_540 = arith.constant 4 : i32
      %swap3A_541 = arith.index_cast %swap3A_540 : i32 to index
      %swap3A_542 = arith.index_cast %mul3A_509 : i32 to index
      %swap3A_543 = tpu.vector_load %arg10[%swap3A_541, %swap3A_542] {strides = array<i32>} : memref<8x640xf32, #tpu.memory_space<vmem>>, vector<16xf32>,
      tpu.vector_store %arg10[%swap3A_541, %swap3A_542], %gather3A_539 {strides = array<i32>} : memref<8x640xf32, #tpu.memory_space<vmem>>, vector<16xf32>,
      %broadcast_in_dim3A_544 = arith.constant 5 : i32
      %broadcast_in_dim3A_545 = vector.broadcast %broadcast_in_dim3A_544 : i32 to vector<16xi32>
      %gather3A_546 = tpu.vector_load_idx %arg11[%add3A_511, %broadcast_in_dim3A_545] : memref<640x8xf32, #tpu.memory_space<vmem>>[vector<16xi32>, vector<16xi32>], vector<16xf32>,
      %swap3A_547 = arith.constant 5 : i32
      %swap3A_548 = arith.index_cast %swap3A_547 : i32 to index
      %swap3A_549 = arith.index_cast %mul3A_509 : i32 to index
      %swap3A_550 = tpu.vector_load %arg10[%swap3A_548, %swap3A_549] {strides = array<i32>} : memref<8x640xf32, #tpu.memory_space<vmem>>, vector<16xf32>,
      tpu.vector_store %arg10[%swap3A_548, %swap3A_549], %gather3A_546 {strides = array<i32>} : memref<8x640xf32, #tpu.memory_space<vmem>>, vector<16xf32>,
      %broadcast_in_dim3A_551 = arith.constant 6 : i32
      %broadcast_in_dim3A_552 = vector.broadcast %broadcast_in_dim3A_551 : i32 to vector<16xi32>
      %gather3A_553 = tpu.vector_load_idx %arg11[%add3A_511, %broadcast_in_dim3A_552] : memref<640x8xf32, #tpu.memory_space<vmem>>[vector<16xi32>, vector<16xi32>], vector<16xf32>,
      %swap3A_554 = arith.constant 6 : i32
      %swap3A_555 = arith.index_cast %swap3A_554 : i32 to index
      %swap3A_556 = arith.index_cast %mul3A_509 : i32 to index
      %swap3A_557 = tpu.vector_load %arg10[%swap3A_555, %swap3A_556] {strides = array<i32>} : memref<8x640xf32, #tpu.memory_space<vmem>>, vector<16xf32>,
      tpu.vector_store %arg10[%swap3A_555, %swap3A_556], %gather3A_553 {strides = array<i32>} : memref<8x640xf32, #tpu.memory_space<vmem>>, vector<16xf32>,
      %broadcast_in_dim3A_558 = arith.constant 7 : i32
      %broadcast_in_dim3A_559 = vector.broadcast %broadcast_in_dim3A_558 : i32 to vector<16xi32>
      %gather3A_560 = tpu.vector_load_idx %arg11[%add3A_511, %broadcast_in_dim3A_559] : memref<640x8xf32, #tpu.memory_space<vmem>>[vector<16xi32>, vector<16xi32>], vector<16xf32>,
      %swap3A_561 = arith.constant 7 : i32
      %swap3A_562 = arith.index_cast %swap3A_561 : i32 to index
      %swap3A_563 = arith.index_cast %mul3A_509 : i32 to index
      %swap3A_564 = tpu.vector_load %arg10[%swap3A_562, %swap3A_563] {strides = array<i32>} : memref<8x640xf32, #tpu.memory_space<vmem>>, vector<16xf32>,
      tpu.vector_store %arg10[%swap3A_562, %swap3A_563], %gather3A_560 {strides = array<i32>} : memref<8x640xf32, #tpu.memory_space<vmem>>, vector<16xf32>,
    }
    %scan3A_282 = arith.constant 40 : i32
    %mul3A_283 = arith.constant 640 : i32
    %mul3A_284 = arith.muli %arg1, %mul3A_283 : i32
    %dma_start3A_285 = arith.constant 0 : i32
    %dma_start3A_286 = arith.constant 0 : i32
    %dma_start3A_287 = arith.constant 0 : i32
    %dma_start3A_288 = tpu.memref_slice %arg10[%dma_start3A_285, %dma_start3A_287] : memref<8x640xf32, #tpu.memory_space<vmem>> -> memref<1x640xf32, #tpu.memory_space<vmem>>
    %dma_start3A_289 = tpu.memref_squeeze %dma_start3A_288 : memref<1x640xf32, #tpu.memory_space<vmem>> -> memref<640xf32, #tpu.memory_space<vmem>>
    %dma_start3A_290 = tpu.memref_slice %arg4[%arg0, %dma_start3A_286, %mul3A_284] : memref<2x8x10240xf32, #tpu.memory_space<hbm>> -> memref<1x1x640xf32, #tpu.memory_space<hbm>>
    %dma_start3A_291 = tpu.memref_squeeze %dma_start3A_290 : memref<1x1x640xf32, #tpu.memory_space<hbm>> -> memref<640xf32, #tpu.memory_space<hbm>>
    %dma_start3A_292 = tpu.memref_slice %arg4[%arg0, %dma_start3A_286, %mul3A_284] : memref<2x8x10240xf32, #tpu.memory_space<hbm>> -> memref<1x1x640xf32, #tpu.memory_space<hbm>>
    %dma_start3A_293 = tpu.memref_squeeze %dma_start3A_292 : memref<1x1x640xf32, #tpu.memory_space<hbm>> -> memref<640xf32, #tpu.memory_space<hbm>>
    %dma_start3A_294 = arith.constant 0 : i32
    %dma_start3A_295 = tpu.memref_slice %arg10[%dma_start3A_285, %dma_start3A_294] : memref<8x640xf32, #tpu.memory_space<vmem>> -> memref<1x640xf32, #tpu.memory_space<vmem>>
    %dma_start3A_296 = tpu.memref_squeeze %dma_start3A_295 : memref<1x640xf32, #tpu.memory_space<vmem>> -> memref<640xf32, #tpu.memory_space<vmem>>
    tpu.enqueue_dma source(%dma_start3A_296 : memref<640xf32, #tpu.memory_space<vmem>>) target(%dma_start3A_293 : memref<640xf32, #tpu.memory_space<hbm>>) target_semaphore(%arg12 : memref<!tpu.dma_semaphore, #tpu.memory_space<semaphore_mem>>)
    %mul3A_297 = arith.constant 640 : i32
    %mul3A_298 = arith.muli %arg1, %mul3A_297 : i32
    %dma_start3A_299 = arith.constant 1 : i32
    %dma_start3A_300 = arith.constant 1 : i32
    %dma_start3A_301 = arith.constant 0 : i32
    %dma_start3A_302 = tpu.memref_slice %arg10[%dma_start3A_299, %dma_start3A_301] : memref<8x640xf32, #tpu.memory_space<vmem>> -> memref<1x640xf32, #tpu.memory_space<vmem>>
    %dma_start3A_303 = tpu.memref_squeeze %dma_start3A_302 : memref<1x640xf32, #tpu.memory_space<vmem>> -> memref<640xf32, #tpu.memory_space<vmem>>
    %dma_start3A_304 = tpu.memref_slice %arg4[%arg0, %dma_start3A_300, %mul3A_298] : memref<2x8x10240xf32, #tpu.memory_space<hbm>> -> memref<1x1x640xf32, #tpu.memory_space<hbm>>
    %dma_start3A_305 = tpu.memref_squeeze %dma_start3A_304 : memref<1x1x640xf32, #tpu.memory_space<hbm>> -> memref<640xf32, #tpu.memory_space<hbm>>
    %dma_start3A_306 = tpu.memref_slice %arg4[%arg0, %dma_start3A_300, %mul3A_298] : memref<2x8x10240xf32, #tpu.memory_space<hbm>> -> memref<1x1x640xf32, #tpu.memory_space<hbm>>
    %dma_start3A_307 = tpu.memref_squeeze %dma_start3A_306 : memref<1x1x640xf32, #tpu.memory_space<hbm>> -> memref<640xf32, #tpu.memory_space<hbm>>
    %dma_start3A_308 = arith.constant 0 : i32
    %dma_start3A_309 = tpu.memref_slice %arg10[%dma_start3A_299, %dma_start3A_308] : memref<8x640xf32, #tpu.memory_space<vmem>> -> memref<1x640xf32, #tpu.memory_space<vmem>>
    %dma_start3A_310 = tpu.memref_squeeze %dma_start3A_309 : memref<1x640xf32, #tpu.memory_space<vmem>> -> memref<640xf32, #tpu.memory_space<vmem>>
    tpu.enqueue_dma source(%dma_start3A_310 : memref<640xf32, #tpu.memory_space<vmem>>) target(%dma_start3A_307 : memref<640xf32, #tpu.memory_space<hbm>>) target_semaphore(%arg12 : memref<!tpu.dma_semaphore, #tpu.memory_space<semaphore_mem>>)
    %mul3A_311 = arith.constant 640 : i32
    %mul3A_312 = arith.muli %arg1, %mul3A_311 : i32
    %dma_start3A_313 = arith.constant 2 : i32
    %dma_start3A_314 = arith.constant 2 : i32
    %dma_start3A_315 = arith.constant 0 : i32
    %dma_start3A_316 = tpu.memref_slice %arg10[%dma_start3A_313, %dma_start3A_315] : memref<8x640xf32, #tpu.memory_space<vmem>> -> memref<1x640xf32, #tpu.memory_space<vmem>>
    %dma_start3A_317 = tpu.memref_squeeze %dma_start3A_316 : memref<1x640xf32, #tpu.memory_space<vmem>> -> memref<640xf32, #tpu.memory_space<vmem>>
    %dma_start3A_318 = tpu.memref_slice %arg4[%arg0, %dma_start3A_314, %mul3A_312] : memref<2x8x10240xf32, #tpu.memory_space<hbm>> -> memref<1x1x640xf32, #tpu.memory_space<hbm>>
    %dma_start3A_319 = tpu.memref_squeeze %dma_start3A_318 : memref<1x1x640xf32, #tpu.memory_space<hbm>> -> memref<640xf32, #tpu.memory_space<hbm>>
    %dma_start3A_320 = tpu.memref_slice %arg4[%arg0, %dma_start3A_314, %mul3A_312] : memref<2x8x10240xf32, #tpu.memory_space<hbm>> -> memref<1x1x640xf32, #tpu.memory_space<hbm>>
    %dma_start3A_321 = tpu.memref_squeeze %dma_start3A_320 : memref<1x1x640xf32, #tpu.memory_space<hbm>> -> memref<640xf32, #tpu.memory_space<hbm>>
    %dma_start3A_322 = arith.constant 0 : i32
    %dma_start3A_323 = tpu.memref_slice %arg10[%dma_start3A_313, %dma_start3A_322] : memref<8x640xf32, #tpu.memory_space<vmem>> -> memref<1x640xf32, #tpu.memory_space<vmem>>
    %dma_start3A_324 = tpu.memref_squeeze %dma_start3A_323 : memref<1x640xf32, #tpu.memory_space<vmem>> -> memref<640xf32, #tpu.memory_space<vmem>>
    tpu.enqueue_dma source(%dma_start3A_324 : memref<640xf32, #tpu.memory_space<vmem>>) target(%dma_start3A_321 : memref<640xf32, #tpu.memory_space<hbm>>) target_semaphore(%arg12 : memref<!tpu.dma_semaphore, #tpu.memory_space<semaphore_mem>>)
    %mul3A_325 = arith.constant 640 : i32
    %mul3A_326 = arith.muli %arg1, %mul3A_325 : i32
    %dma_start3A_327 = arith.constant 3 : i32
    %dma_start3A_328 = arith.constant 3 : i32
    %dma_start3A_329 = arith.constant 0 : i32
    %dma_start3A_330 = tpu.memref_slice %arg10[%dma_start3A_327, %dma_start3A_329] : memref<8x640xf32, #tpu.memory_space<vmem>> -> memref<1x640xf32, #tpu.memory_space<vmem>>
    %dma_start3A_331 = tpu.memref_squeeze %dma_start3A_330 : memref<1x640xf32, #tpu.memory_space<vmem>> -> memref<640xf32, #tpu.memory_space<vmem>>
    %dma_start3A_332 = tpu.memref_slice %arg4[%arg0, %dma_start3A_328, %mul3A_326] : memref<2x8x10240xf32, #tpu.memory_space<hbm>> -> memref<1x1x640xf32, #tpu.memory_space<hbm>>
    %dma_start3A_333 = tpu.memref_squeeze %dma_start3A_332 : memref<1x1x640xf32, #tpu.memory_space<hbm>> -> memref<640xf32, #tpu.memory_space<hbm>>
    %dma_start3A_334 = tpu.memref_slice %arg4[%arg0, %dma_start3A_328, %mul3A_326] : memref<2x8x10240xf32, #tpu.memory_space<hbm>> -> memref<1x1x640xf32, #tpu.memory_space<hbm>>
    %dma_start3A_335 = tpu.memref_squeeze %dma_start3A_334 : memref<1x1x640xf32, #tpu.memory_space<hbm>> -> memref<640xf32, #tpu.memory_space<hbm>>
    %dma_start3A_336 = arith.constant 0 : i32
    %dma_start3A_337 = tpu.memref_slice %arg10[%dma_start3A_327, %dma_start3A_336] : memref<8x640xf32, #tpu.memory_space<vmem>> -> memref<1x640xf32, #tpu.memory_space<vmem>>
    %dma_start3A_338 = tpu.memref_squeeze %dma_start3A_337 : memref<1x640xf32, #tpu.memory_space<vmem>> -> memref<640xf32, #tpu.memory_space<vmem>>
    tpu.enqueue_dma source(%dma_start3A_338 : memref<640xf32, #tpu.memory_space<vmem>>) target(%dma_start3A_335 : memref<640xf32, #tpu.memory_space<hbm>>) target_semaphore(%arg12 : memref<!tpu.dma_semaphore, #tpu.memory_space<semaphore_mem>>)
    %mul3A_339 = arith.constant 640 : i32
    %mul3A_340 = arith.muli %arg1, %mul3A_339 : i32
    %dma_start3A_341 = arith.constant 4 : i32
    %dma_start3A_342 = arith.constant 4 : i32
    %dma_start3A_343 = arith.constant 0 : i32
    %dma_start3A_344 = tpu.memref_slice %arg10[%dma_start3A_341, %dma_start3A_343] : memref<8x640xf32, #tpu.memory_space<vmem>> -> memref<1x640xf32, #tpu.memory_space<vmem>>
    %dma_start3A_345 = tpu.memref_squeeze %dma_start3A_344 : memref<1x640xf32, #tpu.memory_space<vmem>> -> memref<640xf32, #tpu.memory_space<vmem>>
    %dma_start3A_346 = tpu.memref_slice %arg4[%arg0, %dma_start3A_342, %mul3A_340] : memref<2x8x10240xf32, #tpu.memory_space<hbm>> -> memref<1x1x640xf32, #tpu.memory_space<hbm>>
    %dma_start3A_347 = tpu.memref_squeeze %dma_start3A_346 : memref<1x1x640xf32, #tpu.memory_space<hbm>> -> memref<640xf32, #tpu.memory_space<hbm>>
    %dma_start3A_348 = tpu.memref_slice %arg4[%arg0, %dma_start3A_342, %mul3A_340] : memref<2x8x10240xf32, #tpu.memory_space<hbm>> -> memref<1x1x640xf32, #tpu.memory_space<hbm>>
    %dma_start3A_349 = tpu.memref_squeeze %dma_start3A_348 : memref<1x1x640xf32, #tpu.memory_space<hbm>> -> memref<640xf32, #tpu.memory_space<hbm>>
    %dma_start3A_350 = arith.constant 0 : i32
    %dma_start3A_351 = tpu.memref_slice %arg10[%dma_start3A_341, %dma_start3A_350] : memref<8x640xf32, #tpu.memory_space<vmem>> -> memref<1x640xf32, #tpu.memory_space<vmem>>
    %dma_start3A_352 = tpu.memref_squeeze %dma_start3A_351 : memref<1x640xf32, #tpu.memory_space<vmem>> -> memref<640xf32, #tpu.memory_space<vmem>>
    tpu.enqueue_dma source(%dma_start3A_352 : memref<640xf32, #tpu.memory_space<vmem>>) target(%dma_start3A_349 : memref<640xf32, #tpu.memory_space<hbm>>) target_semaphore(%arg12 : memref<!tpu.dma_semaphore, #tpu.memory_space<semaphore_mem>>)
    %mul3A_353 = arith.constant 640 : i32
    %mul3A_354 = arith.muli %arg1, %mul3A_353 : i32
    %dma_start3A_355 = arith.constant 5 : i32
    %dma_start3A_356 = arith.constant 5 : i32
    %dma_start3A_357 = arith.constant 0 : i32
    %dma_start3A_358 = tpu.memref_slice %arg10[%dma_start3A_355, %dma_start3A_357] : memref<8x640xf32, #tpu.memory_space<vmem>> -> memref<1x640xf32, #tpu.memory_space<vmem>>
    %dma_start3A_359 = tpu.memref_squeeze %dma_start3A_358 : memref<1x640xf32, #tpu.memory_space<vmem>> -> memref<640xf32, #tpu.memory_space<vmem>>
    %dma_start3A_360 = tpu.memref_slice %arg4[%arg0, %dma_start3A_356, %mul3A_354] : memref<2x8x10240xf32, #tpu.memory_space<hbm>> -> memref<1x1x640xf32, #tpu.memory_space<hbm>>
    %dma_start3A_361 = tpu.memref_squeeze %dma_start3A_360 : memref<1x1x640xf32, #tpu.memory_space<hbm>> -> memref<640xf32, #tpu.memory_space<hbm>>
    %dma_start3A_362 = tpu.memref_slice %arg4[%arg0, %dma_start3A_356, %mul3A_354] : memref<2x8x10240xf32, #tpu.memory_space<hbm>> -> memref<1x1x640xf32, #tpu.memory_space<hbm>>
    %dma_start3A_363 = tpu.memref_squeeze %dma_start3A_362 : memref<1x1x640xf32, #tpu.memory_space<hbm>> -> memref<640xf32, #tpu.memory_space<hbm>>
    %dma_start3A_364 = arith.constant 0 : i32
    %dma_start3A_365 = tpu.memref_slice %arg10[%dma_start3A_355, %dma_start3A_364] : memref<8x640xf32, #tpu.memory_space<vmem>> -> memref<1x640xf32, #tpu.memory_space<vmem>>
    %dma_start3A_366 = tpu.memref_squeeze %dma_start3A_365 : memref<1x640xf32, #tpu.memory_space<vmem>> -> memref<640xf32, #tpu.memory_space<vmem>>
    tpu.enqueue_dma source(%dma_start3A_366 : memref<640xf32, #tpu.memory_space<vmem>>) target(%dma_start3A_363 : memref<640xf32, #tpu.memory_space<hbm>>) target_semaphore(%arg12 : memref<!tpu.dma_semaphore, #tpu.memory_space<semaphore_mem>>)
    %mul3A_367 = arith.constant 640 : i32
    %mul3A_368 = arith.muli %arg1, %mul3A_367 : i32
    %dma_start3A_369 = arith.constant 6 : i32
    %dma_start3A_370 = arith.constant 6 : i32
    %dma_start3A_371 = arith.constant 0 : i32
    %dma_start3A_372 = tpu.memref_slice %arg10[%dma_start3A_369, %dma_start3A_371] : memref<8x640xf32, #tpu.memory_space<vmem>> -> memref<1x640xf32, #tpu.memory_space<vmem>>
    %dma_start3A_373 = tpu.memref_squeeze %dma_start3A_372 : memref<1x640xf32, #tpu.memory_space<vmem>> -> memref<640xf32, #tpu.memory_space<vmem>>
    %dma_start3A_374 = tpu.memref_slice %arg4[%arg0, %dma_start3A_370, %mul3A_368] : memref<2x8x10240xf32, #tpu.memory_space<hbm>> -> memref<1x1x640xf32, #tpu.memory_space<hbm>>
    %dma_start3A_375 = tpu.memref_squeeze %dma_start3A_374 : memref<1x1x640xf32, #tpu.memory_space<hbm>> -> memref<640xf32, #tpu.memory_space<hbm>>
    %dma_start3A_376 = tpu.memref_slice %arg4[%arg0, %dma_start3A_370, %mul3A_368] : memref<2x8x10240xf32, #tpu.memory_space<hbm>> -> memref<1x1x640xf32, #tpu.memory_space<hbm>>
    %dma_start3A_377 = tpu.memref_squeeze %dma_start3A_376 : memref<1x1x640xf32, #tpu.memory_space<hbm>> -> memref<640xf32, #tpu.memory_space<hbm>>
    %dma_start3A_378 = arith.constant 0 : i32
    %dma_start3A_379 = tpu.memref_slice %arg10[%dma_start3A_369, %dma_start3A_378] : memref<8x640xf32, #tpu.memory_space<vmem>> -> memref<1x640xf32, #tpu.memory_space<vmem>>
    %dma_start3A_380 = tpu.memref_squeeze %dma_start3A_379 : memref<1x640xf32, #tpu.memory_space<vmem>> -> memref<640xf32, #tpu.memory_space<vmem>>
    tpu.enqueue_dma source(%dma_start3A_380 : memref<640xf32, #tpu.memory_space<vmem>>) target(%dma_start3A_377 : memref<640xf32, #tpu.memory_space<hbm>>) target_semaphore(%arg12 : memref<!tpu.dma_semaphore, #tpu.memory_space<semaphore_mem>>)
    %mul3A_381 = arith.constant 640 : i32
    %mul3A_382 = arith.muli %arg1, %mul3A_381 : i32
    %dma_start3A_383 = arith.constant 7 : i32
    %dma_start3A_384 = arith.constant 7 : i32
    %dma_start3A_385 = arith.constant 0 : i32
    %dma_start3A_386 = tpu.memref_slice %arg10[%dma_start3A_383, %dma_start3A_385] : memref<8x640xf32, #tpu.memory_space<vmem>> -> memref<1x640xf32, #tpu.memory_space<vmem>>
    %dma_start3A_387 = tpu.memref_squeeze %dma_start3A_386 : memref<1x640xf32, #tpu.memory_space<vmem>> -> memref<640xf32, #tpu.memory_space<vmem>>
    %dma_start3A_388 = tpu.memref_slice %arg4[%arg0, %dma_start3A_384, %mul3A_382] : memref<2x8x10240xf32, #tpu.memory_space<hbm>> -> memref<1x1x640xf32, #tpu.memory_space<hbm>>
    %dma_start3A_389 = tpu.memref_squeeze %dma_start3A_388 : memref<1x1x640xf32, #tpu.memory_space<hbm>> -> memref<640xf32, #tpu.memory_space<hbm>>
    %dma_start3A_390 = tpu.memref_slice %arg4[%arg0, %dma_start3A_384, %mul3A_382] : memref<2x8x10240xf32, #tpu.memory_space<hbm>> -> memref<1x1x640xf32, #tpu.memory_space<hbm>>
    %dma_start3A_391 = tpu.memref_squeeze %dma_start3A_390 : memref<1x1x640xf32, #tpu.memory_space<hbm>> -> memref<640xf32, #tpu.memory_space<hbm>>
    %dma_start3A_392 = arith.constant 0 : i32
    %dma_start3A_393 = tpu.memref_slice %arg10[%dma_start3A_383, %dma_start3A_392] : memref<8x640xf32, #tpu.memory_space<vmem>> -> memref<1x640xf32, #tpu.memory_space<vmem>>
    %dma_start3A_394 = tpu.memref_squeeze %dma_start3A_393 : memref<1x640xf32, #tpu.memory_space<vmem>> -> memref<640xf32, #tpu.memory_space<vmem>>
    tpu.enqueue_dma source(%dma_start3A_394 : memref<640xf32, #tpu.memory_space<vmem>>) target(%dma_start3A_391 : memref<640xf32, #tpu.memory_space<hbm>>) target_semaphore(%arg12 : memref<!tpu.dma_semaphore, #tpu.memory_space<semaphore_mem>>)
    %mul3A_395 = arith.constant 640 : i32
    %mul3A_396 = arith.muli %arg1, %mul3A_395 : i32
    %dma_wait3A_397 = arith.constant 0 : i32
    %dma_wait3A_398 = arith.constant 0 : i32
    %dma_wait3A_399 = arith.constant 0 : i32
    %dma_wait3A_400 = tpu.memref_slice %arg10[%dma_wait3A_397, %dma_wait3A_399] : memref<8x640xf32, #tpu.memory_space<vmem>> -> memref<1x640xf32, #tpu.memory_space<vmem>>
    %dma_wait3A_401 = tpu.memref_squeeze %dma_wait3A_400 : memref<1x640xf32, #tpu.memory_space<vmem>> -> memref<640xf32, #tpu.memory_space<vmem>>
    %dma_wait3A_402 = tpu.memref_slice %arg4[%arg0, %dma_wait3A_398, %mul3A_396] : memref<2x8x10240xf32, #tpu.memory_space<hbm>> -> memref<1x1x640xf32, #tpu.memory_space<hbm>>
    %dma_wait3A_403 = tpu.memref_squeeze %dma_wait3A_402 : memref<1x1x640xf32, #tpu.memory_space<hbm>> -> memref<640xf32, #tpu.memory_space<hbm>>
    %dma_wait3A_404 = tpu.memref_slice %arg4[%arg0, %dma_wait3A_398, %mul3A_396] : memref<2x8x10240xf32, #tpu.memory_space<hbm>> -> memref<1x1x640xf32, #tpu.memory_space<hbm>>
    %dma_wait3A_405 = tpu.memref_squeeze %dma_wait3A_404 : memref<1x1x640xf32, #tpu.memory_space<hbm>> -> memref<640xf32, #tpu.memory_space<hbm>>
    %dma_wait3A_406 = arith.constant 0 : i32
    %dma_wait3A_407 = tpu.memref_slice %arg10[%dma_wait3A_397, %dma_wait3A_406] : memref<8x640xf32, #tpu.memory_space<vmem>> -> memref<1x640xf32, #tpu.memory_space<vmem>>
    %dma_wait3A_408 = tpu.memref_squeeze %dma_wait3A_407 : memref<1x640xf32, #tpu.memory_space<vmem>> -> memref<640xf32, #tpu.memory_space<vmem>>
    tpu.wait_dma2 semaphore(%arg12 : memref<!tpu.dma_semaphore, #tpu.memory_space<semaphore_mem>>) src(%dma_wait3A_408 : memref<640xf32, #tpu.memory_space<vmem>>) dst(%dma_wait3A_405 : memref<640xf32, #tpu.memory_space<hbm>>)
    %mul3A_409 = arith.constant 640 : i32
    %mul3A_410 = arith.muli %arg1, %mul3A_409 : i32
    %dma_wait3A_411 = arith.constant 1 : i32
    %dma_wait3A_412 = arith.constant 1 : i32
    %dma_wait3A_413 = arith.constant 0 : i32
    %dma_wait3A_414 = tpu.memref_slice %arg10[%dma_wait3A_411, %dma_wait3A_413] : memref<8x640xf32, #tpu.memory_space<vmem>> -> memref<1x640xf32, #tpu.memory_space<vmem>>
    %dma_wait3A_415 = tpu.memref_squeeze %dma_wait3A_414 : memref<1x640xf32, #tpu.memory_space<vmem>> -> memref<640xf32, #tpu.memory_space<vmem>>
    %dma_wait3A_416 = tpu.memref_slice %arg4[%arg0, %dma_wait3A_412, %mul3A_410] : memref<2x8x10240xf32, #tpu.memory_space<hbm>> -> memref<1x1x640xf32, #tpu.memory_space<hbm>>
    %dma_wait3A_417 = tpu.memref_squeeze %dma_wait3A_416 : memref<1x1x640xf32, #tpu.memory_space<hbm>> -> memref<640xf32, #tpu.memory_space<hbm>>
    %dma_wait3A_418 = tpu.memref_slice %arg4[%arg0, %dma_wait3A_412, %mul3A_410] : memref<2x8x10240xf32, #tpu.memory_space<hbm>> -> memref<1x1x640xf32, #tpu.memory_space<hbm>>
    %dma_wait3A_419 = tpu.memref_squeeze %dma_wait3A_418 : memref<1x1x640xf32, #tpu.memory_space<hbm>> -> memref<640xf32, #tpu.memory_space<hbm>>
    %dma_wait3A_420 = arith.constant 0 : i32
    %dma_wait3A_421 = tpu.memref_slice %arg10[%dma_wait3A_411, %dma_wait3A_420] : memref<8x640xf32, #tpu.memory_space<vmem>> -> memref<1x640xf32, #tpu.memory_space<vmem>>
    %dma_wait3A_422 = tpu.memref_squeeze %dma_wait3A_421 : memref<1x640xf32, #tpu.memory_space<vmem>> -> memref<640xf32, #tpu.memory_space<vmem>>
    tpu.wait_dma2 semaphore(%arg12 : memref<!tpu.dma_semaphore, #tpu.memory_space<semaphore_mem>>) src(%dma_wait3A_422 : memref<640xf32, #tpu.memory_space<vmem>>) dst(%dma_wait3A_419 : memref<640xf32, #tpu.memory_space<hbm>>)
    %mul3A_423 = arith.constant 640 : i32
    %mul3A_424 = arith.muli %arg1, %mul3A_423 : i32
    %dma_wait3A_425 = arith.constant 2 : i32
    %dma_wait3A_426 = arith.constant 2 : i32
    %dma_wait3A_427 = arith.constant 0 : i32
    %dma_wait3A_428 = tpu.memref_slice %arg10[%dma_wait3A_425, %dma_wait3A_427] : memref<8x640xf32, #tpu.memory_space<vmem>> -> memref<1x640xf32, #tpu.memory_space<vmem>>
    %dma_wait3A_429 = tpu.memref_squeeze %dma_wait3A_428 : memref<1x640xf32, #tpu.memory_space<vmem>> -> memref<640xf32, #tpu.memory_space<vmem>>
    %dma_wait3A_430 = tpu.memref_slice %arg4[%arg0, %dma_wait3A_426, %mul3A_424] : memref<2x8x10240xf32, #tpu.memory_space<hbm>> -> memref<1x1x640xf32, #tpu.memory_space<hbm>>
    %dma_wait3A_431 = tpu.memref_squeeze %dma_wait3A_430 : memref<1x1x640xf32, #tpu.memory_space<hbm>> -> memref<640xf32, #tpu.memory_space<hbm>>
    %dma_wait3A_432 = tpu.memref_slice %arg4[%arg0, %dma_wait3A_426, %mul3A_424] : memref<2x8x10240xf32, #tpu.memory_space<hbm>> -> memref<1x1x640xf32, #tpu.memory_space<hbm>>
    %dma_wait3A_433 = tpu.memref_squeeze %dma_wait3A_432 : memref<1x1x640xf32, #tpu.memory_space<hbm>> -> memref<640xf32, #tpu.memory_space<hbm>>
    %dma_wait3A_434 = arith.constant 0 : i32
    %dma_wait3A_435 = tpu.memref_slice %arg10[%dma_wait3A_425, %dma_wait3A_434] : memref<8x640xf32, #tpu.memory_space<vmem>> -> memref<1x640xf32, #tpu.memory_space<vmem>>
    %dma_wait3A_436 = tpu.memref_squeeze %dma_wait3A_435 : memref<1x640xf32, #tpu.memory_space<vmem>> -> memref<640xf32, #tpu.memory_space<vmem>>
    tpu.wait_dma2 semaphore(%arg12 : memref<!tpu.dma_semaphore, #tpu.memory_space<semaphore_mem>>) src(%dma_wait3A_436 : memref<640xf32, #tpu.memory_space<vmem>>) dst(%dma_wait3A_433 : memref<640xf32, #tpu.memory_space<hbm>>)
    %mul3A_437 = arith.constant 640 : i32
    %mul3A_438 = arith.muli %arg1, %mul3A_437 : i32
    %dma_wait3A_439 = arith.constant 3 : i32
    %dma_wait3A_440 = arith.constant 3 : i32
    %dma_wait3A_441 = arith.constant 0 : i32
    %dma_wait3A_442 = tpu.memref_slice %arg10[%dma_wait3A_439, %dma_wait3A_441] : memref<8x640xf32, #tpu.memory_space<vmem>> -> memref<1x640xf32, #tpu.memory_space<vmem>>
    %dma_wait3A_443 = tpu.memref_squeeze %dma_wait3A_442 : memref<1x640xf32, #tpu.memory_space<vmem>> -> memref<640xf32, #tpu.memory_space<vmem>>
    %dma_wait3A_444 = tpu.memref_slice %arg4[%arg0, %dma_wait3A_440, %mul3A_438] : memref<2x8x10240xf32, #tpu.memory_space<hbm>> -> memref<1x1x640xf32, #tpu.memory_space<hbm>>
    %dma_wait3A_445 = tpu.memref_squeeze %dma_wait3A_444 : memref<1x1x640xf32, #tpu.memory_space<hbm>> -> memref<640xf32, #tpu.memory_space<hbm>>
    %dma_wait3A_446 = tpu.memref_slice %arg4[%arg0, %dma_wait3A_440, %mul3A_438] : memref<2x8x10240xf32, #tpu.memory_space<hbm>> -> memref<1x1x640xf32, #tpu.memory_space<hbm>>
    %dma_wait3A_447 = tpu.memref_squeeze %dma_wait3A_446 : memref<1x1x640xf32, #tpu.memory_space<hbm>> -> memref<640xf32, #tpu.memory_space<hbm>>
    %dma_wait3A_448 = arith.constant 0 : i32
    %dma_wait3A_449 = tpu.memref_slice %arg10[%dma_wait3A_439, %dma_wait3A_448] : memref<8x640xf32, #tpu.memory_space<vmem>> -> memref<1x640xf32, #tpu.memory_space<vmem>>
    %dma_wait3A_450 = tpu.memref_squeeze %dma_wait3A_449 : memref<1x640xf32, #tpu.memory_space<vmem>> -> memref<640xf32, #tpu.memory_space<vmem>>
    tpu.wait_dma2 semaphore(%arg12 : memref<!tpu.dma_semaphore, #tpu.memory_space<semaphore_mem>>) src(%dma_wait3A_450 : memref<640xf32, #tpu.memory_space<vmem>>) dst(%dma_wait3A_447 : memref<640xf32, #tpu.memory_space<hbm>>)
    %mul3A_451 = arith.constant 640 : i32
    %mul3A_452 = arith.muli %arg1, %mul3A_451 : i32
    %dma_wait3A_453 = arith.constant 4 : i32
    %dma_wait3A_454 = arith.constant 4 : i32
    %dma_wait3A_455 = arith.constant 0 : i32
    %dma_wait3A_456 = tpu.memref_slice %arg10[%dma_wait3A_453, %dma_wait3A_455] : memref<8x640xf32, #tpu.memory_space<vmem>> -> memref<1x640xf32, #tpu.memory_space<vmem>>
    %dma_wait3A_457 = tpu.memref_squeeze %dma_wait3A_456 : memref<1x640xf32, #tpu.memory_space<vmem>> -> memref<640xf32, #tpu.memory_space<vmem>>
    %dma_wait3A_458 = tpu.memref_slice %arg4[%arg0, %dma_wait3A_454, %mul3A_452] : memref<2x8x10240xf32, #tpu.memory_space<hbm>> -> memref<1x1x640xf32, #tpu.memory_space<hbm>>
    %dma_wait3A_459 = tpu.memref_squeeze %dma_wait3A_458 : memref<1x1x640xf32, #tpu.memory_space<hbm>> -> memref<640xf32, #tpu.memory_space<hbm>>
    %dma_wait3A_460 = tpu.memref_slice %arg4[%arg0, %dma_wait3A_454, %mul3A_452] : memref<2x8x10240xf32, #tpu.memory_space<hbm>> -> memref<1x1x640xf32, #tpu.memory_space<hbm>>
    %dma_wait3A_461 = tpu.memref_squeeze %dma_wait3A_460 : memref<1x1x640xf32, #tpu.memory_space<hbm>> -> memref<640xf32, #tpu.memory_space<hbm>>
    %dma_wait3A_462 = arith.constant 0 : i32
    %dma_wait3A_463 = tpu.memref_slice %arg10[%dma_wait3A_453, %dma_wait3A_462] : memref<8x640xf32, #tpu.memory_space<vmem>> -> memref<1x640xf32, #tpu.memory_space<vmem>>
    %dma_wait3A_464 = tpu.memref_squeeze %dma_wait3A_463 : memref<1x640xf32, #tpu.memory_space<vmem>> -> memref<640xf32, #tpu.memory_space<vmem>>
    tpu.wait_dma2 semaphore(%arg12 : memref<!tpu.dma_semaphore, #tpu.memory_space<semaphore_mem>>) src(%dma_wait3A_464 : memref<640xf32, #tpu.memory_space<vmem>>) dst(%dma_wait3A_461 : memref<640xf32, #tpu.memory_space<hbm>>)
    %mul3A_465 = arith.constant 640 : i32
    %mul3A_466 = arith.muli %arg1, %mul3A_465 : i32
    %dma_wait3A_467 = arith.constant 5 : i32
    %dma_wait3A_468 = arith.constant 5 : i32
    %dma_wait3A_469 = arith.constant 0 : i32
    %dma_wait3A_470 = tpu.memref_slice %arg10[%dma_wait3A_467, %dma_wait3A_469] : memref<8x640xf32, #tpu.memory_space<vmem>> -> memref<1x640xf32, #tpu.memory_space<vmem>>
    %dma_wait3A_471 = tpu.memref_squeeze %dma_wait3A_470 : memref<1x640xf32, #tpu.memory_space<vmem>> -> memref<640xf32, #tpu.memory_space<vmem>>
    %dma_wait3A_472 = tpu.memref_slice %arg4[%arg0, %dma_wait3A_468, %mul3A_466] : memref<2x8x10240xf32, #tpu.memory_space<hbm>> -> memref<1x1x640xf32, #tpu.memory_space<hbm>>
    %dma_wait3A_473 = tpu.memref_squeeze %dma_wait3A_472 : memref<1x1x640xf32, #tpu.memory_space<hbm>> -> memref<640xf32, #tpu.memory_space<hbm>>
    %dma_wait3A_474 = tpu.memref_slice %arg4[%arg0, %dma_wait3A_468, %mul3A_466] : memref<2x8x10240xf32, #tpu.memory_space<hbm>> -> memref<1x1x640xf32, #tpu.memory_space<hbm>>
    %dma_wait3A_475 = tpu.memref_squeeze %dma_wait3A_474 : memref<1x1x640xf32, #tpu.memory_space<hbm>> -> memref<640xf32, #tpu.memory_space<hbm>>
    %dma_wait3A_476 = arith.constant 0 : i32
    %dma_wait3A_477 = tpu.memref_slice %arg10[%dma_wait3A_467, %dma_wait3A_476] : memref<8x640xf32, #tpu.memory_space<vmem>> -> memref<1x640xf32, #tpu.memory_space<vmem>>
    %dma_wait3A_478 = tpu.memref_squeeze %dma_wait3A_477 : memref<1x640xf32, #tpu.memory_space<vmem>> -> memref<640xf32, #tpu.memory_space<vmem>>
    tpu.wait_dma2 semaphore(%arg12 : memref<!tpu.dma_semaphore, #tpu.memory_space<semaphore_mem>>) src(%dma_wait3A_478 : memref<640xf32, #tpu.memory_space<vmem>>) dst(%dma_wait3A_475 : memref<640xf32, #tpu.memory_space<hbm>>)
    %mul3A_479 = arith.constant 640 : i32
    %mul3A_480 = arith.muli %arg1, %mul3A_479 : i32
    %dma_wait3A_481 = arith.constant 6 : i32
    %dma_wait3A_482 = arith.constant 6 : i32
    %dma_wait3A_483 = arith.constant 0 : i32
    %dma_wait3A_484 = tpu.memref_slice %arg10[%dma_wait3A_481, %dma_wait3A_483] : memref<8x640xf32, #tpu.memory_space<vmem>> -> memref<1x640xf32, #tpu.memory_space<vmem>>
    %dma_wait3A_485 = tpu.memref_squeeze %dma_wait3A_484 : memref<1x640xf32, #tpu.memory_space<vmem>> -> memref<640xf32, #tpu.memory_space<vmem>>
    %dma_wait3A_486 = tpu.memref_slice %arg4[%arg0, %dma_wait3A_482, %mul3A_480] : memref<2x8x10240xf32, #tpu.memory_space<hbm>> -> memref<1x1x640xf32, #tpu.memory_space<hbm>>
    %dma_wait3A_487 = tpu.memref_squeeze %dma_wait3A_486 : memref<1x1x640xf32, #tpu.memory_space<hbm>> -> memref<640xf32, #tpu.memory_space<hbm>>
    %dma_wait3A_488 = tpu.memref_slice %arg4[%arg0, %dma_wait3A_482, %mul3A_480] : memref<2x8x10240xf32, #tpu.memory_space<hbm>> -> memref<1x1x640xf32, #tpu.memory_space<hbm>>
    %dma_wait3A_489 = tpu.memref_squeeze %dma_wait3A_488 : memref<1x1x640xf32, #tpu.memory_space<hbm>> -> memref<640xf32, #tpu.memory_space<hbm>>
    %dma_wait3A_490 = arith.constant 0 : i32
    %dma_wait3A_491 = tpu.memref_slice %arg10[%dma_wait3A_481, %dma_wait3A_490] : memref<8x640xf32, #tpu.memory_space<vmem>> -> memref<1x640xf32, #tpu.memory_space<vmem>>
    %dma_wait3A_492 = tpu.memref_squeeze %dma_wait3A_491 : memref<1x640xf32, #tpu.memory_space<vmem>> -> memref<640xf32, #tpu.memory_space<vmem>>
    tpu.wait_dma2 semaphore(%arg12 : memref<!tpu.dma_semaphore, #tpu.memory_space<semaphore_mem>>) src(%dma_wait3A_492 : memref<640xf32, #tpu.memory_space<vmem>>) dst(%dma_wait3A_489 : memref<640xf32, #tpu.memory_space<hbm>>)
    %mul3A_493 = arith.constant 640 : i32
    %mul3A_494 = arith.muli %arg1, %mul3A_493 : i32
    %dma_wait3A_495 = arith.constant 7 : i32
    %dma_wait3A_496 = arith.constant 7 : i32
    %dma_wait3A_497 = arith.constant 0 : i32
    %dma_wait3A_498 = tpu.memref_slice %arg10[%dma_wait3A_495, %dma_wait3A_497] : memref<8x640xf32, #tpu.memory_space<vmem>> -> memref<1x640xf32, #tpu.memory_space<vmem>>
    %dma_wait3A_499 = tpu.memref_squeeze %dma_wait3A_498 : memref<1x640xf32, #tpu.memory_space<vmem>> -> memref<640xf32, #tpu.memory_space<vmem>>
    %dma_wait3A_500 = tpu.memref_slice %arg4[%arg0, %dma_wait3A_496, %mul3A_494] : memref<2x8x10240xf32, #tpu.memory_space<hbm>> -> memref<1x1x640xf32, #tpu.memory_space<hbm>>
    %dma_wait3A_501 = tpu.memref_squeeze %dma_wait3A_500 : memref<1x1x640xf32, #tpu.memory_space<hbm>> -> memref<640xf32, #tpu.memory_space<hbm>>
    %dma_wait3A_502 = tpu.memref_slice %arg4[%arg0, %dma_wait3A_496, %mul3A_494] : memref<2x8x10240xf32, #tpu.memory_space<hbm>> -> memref<1x1x640xf32, #tpu.memory_space<hbm>>
    %dma_wait3A_503 = tpu.memref_squeeze %dma_wait3A_502 : memref<1x1x640xf32, #tpu.memory_space<hbm>> -> memref<640xf32, #tpu.memory_space<hbm>>
    %dma_wait3A_504 = arith.constant 0 : i32
    %dma_wait3A_505 = tpu.memref_slice %arg10[%dma_wait3A_495, %dma_wait3A_504] : memref<8x640xf32, #tpu.memory_space<vmem>> -> memref<1x640xf32, #tpu.memory_space<vmem>>
    %dma_wait3A_506 = tpu.memref_squeeze %dma_wait3A_505 : memref<1x640xf32, #tpu.memory_space<vmem>> -> memref<640xf32, #tpu.memory_space<vmem>>
    tpu.wait_dma2 semaphore(%arg12 : memref<!tpu.dma_semaphore, #tpu.memory_space<semaphore_mem>>) src(%dma_wait3A_506 : memref<640xf32, #tpu.memory_space<vmem>>) dst(%dma_wait3A_503 : memref<640xf32, #tpu.memory_space<hbm>>)
    return
  }
}

#map = affine_map<(d0, d1) -> (0, 0)>
#map1 = affine_map<(d0, d1) -> (0, 0, 0, 0)>
#map2 = affine_map<(d0, d1) -> (0, 0, 0)>
module attributes {stable_mosaic.version = 14 : i64} {
  func.func @_agg(%arg0: i32, %arg1: i32, %arg2: memref<8x10240xf32, #tpu.memory_space<hbm>>, %arg3: memref<2x32x125x80xi32, #tpu.memory_space<hbm>>, %arg4: memref<2x8x10240xf32, #tpu.memory_space<hbm>>, %arg5: memref<125x80xi32, #tpu.memory_space<vmem>>, %arg6: memref<125x80xi32, #tpu.memory_space<vmem>>, %arg7: memref<10x80x8xf32, #tpu.memory_space<vmem>>, %arg8: memref<10240x8xf32, #tpu.memory_space<vmem_shared>>, %arg9: memref<10240x8xf32, #tpu.memory_space<vmem_shared>>, %arg10: memref<8x640xf32, #tpu.memory_space<vmem>>, %arg11: memref<640x8xf32, #tpu.memory_space<vmem>>, %arg12: memref<!tpu.dma_semaphore, #tpu.memory_space<semaphore_mem>>, %arg13: memref<!tpu.dma_semaphore, #tpu.memory_space<semaphore_mem>>) attributes {dimension_semantics = [#tpu.dimension_semantics<core_parallel>, #tpu.dimension_semantics<subcore_parallel>], iteration_bounds = array<i64: 2, 16>, scalar_prefetch = 0 : i64, scratch_operands = 9 : i64, tpu.core_type = #tpu.core_type<sc_vector_subcore>, window_params = [{transform_indices = #map}, {transform_indices = #map1}, {transform_indices = #map2}]} {
    %mul3A = arith.constant 2 : i32
    %mul3A_0 = arith.muli %arg1, %mul3A : i32
    %add3A = arith.addi %mul3A_0, %arg0 : i32
    %iota3A = tpu.iota {dimensions = array<i32: 0>} : vector<16xi32>
    %dma_start3A = arith.constant 0 : i32
    %dma_start3A_1 = arith.constant 0 : i32
    %dma_start3A_2 = arith.constant 0 : i32
    %dma_start3A_3 = tpu.memref_slice %arg3[%dma_start3A, %add3A, %dma_start3A_1, %dma_start3A_2] : memref<2x32x125x80xi32, #tpu.memory_space<hbm>> -> memref<1x1x125x80xi32, #tpu.memory_space<hbm>>
    %dma_start3A_4 = tpu.memref_squeeze %dma_start3A_3 : memref<1x1x125x80xi32, #tpu.memory_space<hbm>> -> memref<125x80xi32, #tpu.memory_space<hbm>>
    %dma_start3A_5 = arith.constant 0 : i32
    %dma_start3A_6 = arith.constant 0 : i32
    %dma_start3A_7 = tpu.memref_slice %arg3[%dma_start3A, %add3A, %dma_start3A_5, %dma_start3A_6] : memref<2x32x125x80xi32, #tpu.memory_space<hbm>> -> memref<1x1x125x80xi32, #tpu.memory_space<hbm>>
    %dma_start3A_8 = tpu.memref_squeeze %dma_start3A_7 : memref<1x1x125x80xi32, #tpu.memory_space<hbm>> -> memref<125x80xi32, #tpu.memory_space<hbm>>
    tpu.enqueue_dma source(%dma_start3A_8 : memref<125x80xi32, #tpu.memory_space<hbm>>) target(%arg5 : memref<125x80xi32, #tpu.memory_space<vmem>>) target_semaphore(%arg13 : memref<!tpu.dma_semaphore, #tpu.memory_space<semaphore_mem>>)
    %dma_start3A_9 = arith.constant 1 : i32
    %dma_start3A_10 = arith.constant 0 : i32
    %dma_start3A_11 = arith.constant 0 : i32
    %dma_start3A_12 = tpu.memref_slice %arg3[%dma_start3A_9, %add3A, %dma_start3A_10, %dma_start3A_11] : memref<2x32x125x80xi32, #tpu.memory_space<hbm>> -> memref<1x1x125x80xi32, #tpu.memory_space<hbm>>
    %dma_start3A_13 = tpu.memref_squeeze %dma_start3A_12 : memref<1x1x125x80xi32, #tpu.memory_space<hbm>> -> memref<125x80xi32, #tpu.memory_space<hbm>>
    %dma_start3A_14 = arith.constant 0 : i32
    %dma_start3A_15 = arith.constant 0 : i32
    %dma_start3A_16 = tpu.memref_slice %arg3[%dma_start3A_9, %add3A, %dma_start3A_14, %dma_start3A_15] : memref<2x32x125x80xi32, #tpu.memory_space<hbm>> -> memref<1x1x125x80xi32, #tpu.memory_space<hbm>>
    %dma_start3A_17 = tpu.memref_squeeze %dma_start3A_16 : memref<1x1x125x80xi32, #tpu.memory_space<hbm>> -> memref<125x80xi32, #tpu.memory_space<hbm>>
    tpu.enqueue_dma source(%dma_start3A_17 : memref<125x80xi32, #tpu.memory_space<hbm>>) target(%arg6 : memref<125x80xi32, #tpu.memory_space<vmem>>) target_semaphore(%arg13 : memref<!tpu.dma_semaphore, #tpu.memory_space<semaphore_mem>>)
    %mul3A_18 = arith.constant 640 : i32
    %mul3A_19 = arith.muli %arg1, %mul3A_18 : i32
    %dma_start3A_20 = arith.constant 0 : i32
    %dma_start3A_21 = arith.constant 0 : i32
    %dma_start3A_22 = arith.constant 0 : i32
    %dma_start3A_23 = tpu.memref_slice %arg10[%dma_start3A_21, %dma_start3A_22] : memref<8x640xf32, #tpu.memory_space<vmem>> -> memref<1x640xf32, #tpu.memory_space<vmem>>
    %dma_start3A_24 = tpu.memref_squeeze %dma_start3A_23 : memref<1x640xf32, #tpu.memory_space<vmem>> -> memref<640xf32, #tpu.memory_space<vmem>>
    %dma_start3A_25 = tpu.memref_slice %arg2[%dma_start3A_20, %mul3A_19] : memref<8x10240xf32, #tpu.memory_space<hbm>> -> memref<1x640xf32, #tpu.memory_space<hbm>>
    %dma_start3A_26 = tpu.memref_squeeze %dma_start3A_25 : memref<1x640xf32, #tpu.memory_space<hbm>> -> memref<640xf32, #tpu.memory_space<hbm>>
    %dma_start3A_27 = arith.constant 0 : i32
    %dma_start3A_28 = tpu.memref_slice %arg10[%dma_start3A_21, %dma_start3A_27] : memref<8x640xf32, #tpu.memory_space<vmem>> -> memref<1x640xf32, #tpu.memory_space<vmem>>
    %dma_start3A_29 = tpu.memref_squeeze %dma_start3A_28 : memref<1x640xf32, #tpu.memory_space<vmem>> -> memref<640xf32, #tpu.memory_space<vmem>>
    %dma_start3A_30 = tpu.memref_slice %arg2[%dma_start3A_20, %mul3A_19] : memref<8x10240xf32, #tpu.memory_space<hbm>> -> memref<1x640xf32, #tpu.memory_space<hbm>>
    %dma_start3A_31 = tpu.memref_squeeze %dma_start3A_30 : memref<1x640xf32, #tpu.memory_space<hbm>> -> memref<640xf32, #tpu.memory_space<hbm>>
    tpu.enqueue_dma source(%dma_start3A_31 : memref<640xf32, #tpu.memory_space<hbm>>) target(%dma_start3A_29 : memref<640xf32, #tpu.memory_space<vmem>>) target_semaphore(%arg12 : memref<!tpu.dma_semaphore, #tpu.memory_space<semaphore_mem>>)
    %mul3A_32 = arith.constant 640 : i32
    %mul3A_33 = arith.muli %arg1, %mul3A_32 : i32
    %dma_start3A_34 = arith.constant 1 : i32
    %dma_start3A_35 = arith.constant 1 : i32
    %dma_start3A_36 = arith.constant 0 : i32
    %dma_start3A_37 = tpu.memref_slice %arg10[%dma_start3A_35, %dma_start3A_36] : memref<8x640xf32, #tpu.memory_space<vmem>> -> memref<1x640xf32, #tpu.memory_space<vmem>>
    %dma_start3A_38 = tpu.memref_squeeze %dma_start3A_37 : memref<1x640xf32, #tpu.memory_space<vmem>> -> memref<640xf32, #tpu.memory_space<vmem>>
    %dma_start3A_39 = tpu.memref_slice %arg2[%dma_start3A_34, %mul3A_33] : memref<8x10240xf32, #tpu.memory_space<hbm>> -> memref<1x640xf32, #tpu.memory_space<hbm>>
    %dma_start3A_40 = tpu.memref_squeeze %dma_start3A_39 : memref<1x640xf32, #tpu.memory_space<hbm>> -> memref<640xf32, #tpu.memory_space<hbm>>
    %dma_start3A_41 = arith.constant 0 : i32
    %dma_start3A_42 = tpu.memref_slice %arg10[%dma_start3A_35, %dma_start3A_41] : memref<8x640xf32, #tpu.memory_space<vmem>> -> memref<1x640xf32, #tpu.memory_space<vmem>>
    %dma_start3A_43 = tpu.memref_squeeze %dma_start3A_42 : memref<1x640xf32, #tpu.memory_space<vmem>> -> memref<640xf32, #tpu.memory_space<vmem>>
    %dma_start3A_44 = tpu.memref_slice %arg2[%dma_start3A_34, %mul3A_33] : memref<8x10240xf32, #tpu.memory_space<hbm>> -> memref<1x640xf32, #tpu.memory_space<hbm>>
    %dma_start3A_45 = tpu.memref_squeeze %dma_start3A_44 : memref<1x640xf32, #tpu.memory_space<hbm>> -> memref<640xf32, #tpu.memory_space<hbm>>
    tpu.enqueue_dma source(%dma_start3A_45 : memref<640xf32, #tpu.memory_space<hbm>>) target(%dma_start3A_43 : memref<640xf32, #tpu.memory_space<vmem>>) target_semaphore(%arg12 : memref<!tpu.dma_semaphore, #tpu.memory_space<semaphore_mem>>)
    %mul3A_46 = arith.constant 640 : i32
    %mul3A_47 = arith.muli %arg1, %mul3A_46 : i32
    %dma_start3A_48 = arith.constant 2 : i32
    %dma_start3A_49 = arith.constant 2 : i32
    %dma_start3A_50 = arith.constant 0 : i32
    %dma_start3A_51 = tpu.memref_slice %arg10[%dma_start3A_49, %dma_start3A_50] : memref<8x640xf32, #tpu.memory_space<vmem>> -> memref<1x640xf32, #tpu.memory_space<vmem>>
    %dma_start3A_52 = tpu.memref_squeeze %dma_start3A_51 : memref<1x640xf32, #tpu.memory_space<vmem>> -> memref<640xf32, #tpu.memory_space<vmem>>
    %dma_start3A_53 = tpu.memref_slice %arg2[%dma_start3A_48, %mul3A_47] : memref<8x10240xf32, #tpu.memory_space<hbm>> -> memref<1x640xf32, #tpu.memory_space<hbm>>
    %dma_start3A_54 = tpu.memref_squeeze %dma_start3A_53 : memref<1x640xf32, #tpu.memory_space<hbm>> -> memref<640xf32, #tpu.memory_space<hbm>>
    %dma_start3A_55 = arith.constant 0 : i32
    %dma_start3A_56 = tpu.memref_slice %arg10[%dma_start3A_49, %dma_start3A_55] : memref<8x640xf32, #tpu.memory_space<vmem>> -> memref<1x640xf32, #tpu.memory_space<vmem>>
    %dma_start3A_57 = tpu.memref_squeeze %dma_start3A_56 : memref<1x640xf32, #tpu.memory_space<vmem>> -> memref<640xf32, #tpu.memory_space<vmem>>
    %dma_start3A_58 = tpu.memref_slice %arg2[%dma_start3A_48, %mul3A_47] : memref<8x10240xf32, #tpu.memory_space<hbm>> -> memref<1x640xf32, #tpu.memory_space<hbm>>
    %dma_start3A_59 = tpu.memref_squeeze %dma_start3A_58 : memref<1x640xf32, #tpu.memory_space<hbm>> -> memref<640xf32, #tpu.memory_space<hbm>>
    tpu.enqueue_dma source(%dma_start3A_59 : memref<640xf32, #tpu.memory_space<hbm>>) target(%dma_start3A_57 : memref<640xf32, #tpu.memory_space<vmem>>) target_semaphore(%arg12 : memref<!tpu.dma_semaphore, #tpu.memory_space<semaphore_mem>>)
    %mul3A_60 = arith.constant 640 : i32
    %mul3A_61 = arith.muli %arg1, %mul3A_60 : i32
    %dma_start3A_62 = arith.constant 3 : i32
    %dma_start3A_63 = arith.constant 3 : i32
    %dma_start3A_64 = arith.constant 0 : i32
    %dma_start3A_65 = tpu.memref_slice %arg10[%dma_start3A_63, %dma_start3A_64] : memref<8x640xf32, #tpu.memory_space<vmem>> -> memref<1x640xf32, #tpu.memory_space<vmem>>
    %dma_start3A_66 = tpu.memref_squeeze %dma_start3A_65 : memref<1x640xf32, #tpu.memory_space<vmem>> -> memref<640xf32, #tpu.memory_space<vmem>>
    %dma_start3A_67 = tpu.memref_slice %arg2[%dma_start3A_62, %mul3A_61] : memref<8x10240xf32, #tpu.memory_space<hbm>> -> memref<1x640xf32, #tpu.memory_space<hbm>>
    %dma_start3A_68 = tpu.memref_squeeze %dma_start3A_67 : memref<1x640xf32, #tpu.memory_space<hbm>> -> memref<640xf32, #tpu.memory_space<hbm>>
    %dma_start3A_69 = arith.constant 0 : i32
    %dma_start3A_70 = tpu.memref_slice %arg10[%dma_start3A_63, %dma_start3A_69] : memref<8x640xf32, #tpu.memory_space<vmem>> -> memref<1x640xf32, #tpu.memory_space<vmem>>
    %dma_start3A_71 = tpu.memref_squeeze %dma_start3A_70 : memref<1x640xf32, #tpu.memory_space<vmem>> -> memref<640xf32, #tpu.memory_space<vmem>>
    %dma_start3A_72 = tpu.memref_slice %arg2[%dma_start3A_62, %mul3A_61] : memref<8x10240xf32, #tpu.memory_space<hbm>> -> memref<1x640xf32, #tpu.memory_space<hbm>>
    %dma_start3A_73 = tpu.memref_squeeze %dma_start3A_72 : memref<1x640xf32, #tpu.memory_space<hbm>> -> memref<640xf32, #tpu.memory_space<hbm>>
    tpu.enqueue_dma source(%dma_start3A_73 : memref<640xf32, #tpu.memory_space<hbm>>) target(%dma_start3A_71 : memref<640xf32, #tpu.memory_space<vmem>>) target_semaphore(%arg12 : memref<!tpu.dma_semaphore, #tpu.memory_space<semaphore_mem>>)
    %mul3A_74 = arith.constant 640 : i32
    %mul3A_75 = arith.muli %arg1, %mul3A_74 : i32
    %dma_start3A_76 = arith.constant 4 : i32
    %dma_start3A_77 = arith.constant 4 : i32
    %dma_start3A_78 = arith.constant 0 : i32
    %dma_start3A_79 = tpu.memref_slice %arg10[%dma_start3A_77, %dma_start3A_78] : memref<8x640xf32, #tpu.memory_space<vmem>> -> memref<1x640xf32, #tpu.memory_space<vmem>>
    %dma_start3A_80 = tpu.memref_squeeze %dma_start3A_79 : memref<1x640xf32, #tpu.memory_space<vmem>> -> memref<640xf32, #tpu.memory_space<vmem>>
    %dma_start3A_81 = tpu.memref_slice %arg2[%dma_start3A_76, %mul3A_75] : memref<8x10240xf32, #tpu.memory_space<hbm>> -> memref<1x640xf32, #tpu.memory_space<hbm>>
    %dma_start3A_82 = tpu.memref_squeeze %dma_start3A_81 : memref<1x640xf32, #tpu.memory_space<hbm>> -> memref<640xf32, #tpu.memory_space<hbm>>
    %dma_start3A_83 = arith.constant 0 : i32
    %dma_start3A_84 = tpu.memref_slice %arg10[%dma_start3A_77, %dma_start3A_83] : memref<8x640xf32, #tpu.memory_space<vmem>> -> memref<1x640xf32, #tpu.memory_space<vmem>>
    %dma_start3A_85 = tpu.memref_squeeze %dma_start3A_84 : memref<1x640xf32, #tpu.memory_space<vmem>> -> memref<640xf32, #tpu.memory_space<vmem>>
    %dma_start3A_86 = tpu.memref_slice %arg2[%dma_start3A_76, %mul3A_75] : memref<8x10240xf32, #tpu.memory_space<hbm>> -> memref<1x640xf32, #tpu.memory_space<hbm>>
    %dma_start3A_87 = tpu.memref_squeeze %dma_start3A_86 : memref<1x640xf32, #tpu.memory_space<hbm>> -> memref<640xf32, #tpu.memory_space<hbm>>
    tpu.enqueue_dma source(%dma_start3A_87 : memref<640xf32, #tpu.memory_space<hbm>>) target(%dma_start3A_85 : memref<640xf32, #tpu.memory_space<vmem>>) target_semaphore(%arg12 : memref<!tpu.dma_semaphore, #tpu.memory_space<semaphore_mem>>)
    %mul3A_88 = arith.constant 640 : i32
    %mul3A_89 = arith.muli %arg1, %mul3A_88 : i32
    %dma_start3A_90 = arith.constant 5 : i32
    %dma_start3A_91 = arith.constant 5 : i32
    %dma_start3A_92 = arith.constant 0 : i32
    %dma_start3A_93 = tpu.memref_slice %arg10[%dma_start3A_91, %dma_start3A_92] : memref<8x640xf32, #tpu.memory_space<vmem>> -> memref<1x640xf32, #tpu.memory_space<vmem>>
    %dma_start3A_94 = tpu.memref_squeeze %dma_start3A_93 : memref<1x640xf32, #tpu.memory_space<vmem>> -> memref<640xf32, #tpu.memory_space<vmem>>
    %dma_start3A_95 = tpu.memref_slice %arg2[%dma_start3A_90, %mul3A_89] : memref<8x10240xf32, #tpu.memory_space<hbm>> -> memref<1x640xf32, #tpu.memory_space<hbm>>
    %dma_start3A_96 = tpu.memref_squeeze %dma_start3A_95 : memref<1x640xf32, #tpu.memory_space<hbm>> -> memref<640xf32, #tpu.memory_space<hbm>>
    %dma_start3A_97 = arith.constant 0 : i32
    %dma_start3A_98 = tpu.memref_slice %arg10[%dma_start3A_91, %dma_start3A_97] : memref<8x640xf32, #tpu.memory_space<vmem>> -> memref<1x640xf32, #tpu.memory_space<vmem>>
    %dma_start3A_99 = tpu.memref_squeeze %dma_start3A_98 : memref<1x640xf32, #tpu.memory_space<vmem>> -> memref<640xf32, #tpu.memory_space<vmem>>
    %dma_start3A_100 = tpu.memref_slice %arg2[%dma_start3A_90, %mul3A_89] : memref<8x10240xf32, #tpu.memory_space<hbm>> -> memref<1x640xf32, #tpu.memory_space<hbm>>
    %dma_start3A_101 = tpu.memref_squeeze %dma_start3A_100 : memref<1x640xf32, #tpu.memory_space<hbm>> -> memref<640xf32, #tpu.memory_space<hbm>>
    tpu.enqueue_dma source(%dma_start3A_101 : memref<640xf32, #tpu.memory_space<hbm>>) target(%dma_start3A_99 : memref<640xf32, #tpu.memory_space<vmem>>) target_semaphore(%arg12 : memref<!tpu.dma_semaphore, #tpu.memory_space<semaphore_mem>>)
    %mul3A_102 = arith.constant 640 : i32
    %mul3A_103 = arith.muli %arg1, %mul3A_102 : i32
    %dma_start3A_104 = arith.constant 6 : i32
    %dma_start3A_105 = arith.constant 6 : i32
    %dma_start3A_106 = arith.constant 0 : i32
    %dma_start3A_107 = tpu.memref_slice %arg10[%dma_start3A_105, %dma_start3A_106] : memref<8x640xf32, #tpu.memory_space<vmem>> -> memref<1x640xf32, #tpu.memory_space<vmem>>
    %dma_start3A_108 = tpu.memref_squeeze %dma_start3A_107 : memref<1x640xf32, #tpu.memory_space<vmem>> -> memref<640xf32, #tpu.memory_space<vmem>>
    %dma_start3A_109 = tpu.memref_slice %arg2[%dma_start3A_104, %mul3A_103] : memref<8x10240xf32, #tpu.memory_space<hbm>> -> memref<1x640xf32, #tpu.memory_space<hbm>>
    %dma_start3A_110 = tpu.memref_squeeze %dma_start3A_109 : memref<1x640xf32, #tpu.memory_space<hbm>> -> memref<640xf32, #tpu.memory_space<hbm>>
    %dma_start3A_111 = arith.constant 0 : i32
    %dma_start3A_112 = tpu.memref_slice %arg10[%dma_start3A_105, %dma_start3A_111] : memref<8x640xf32, #tpu.memory_space<vmem>> -> memref<1x640xf32, #tpu.memory_space<vmem>>
    %dma_start3A_113 = tpu.memref_squeeze %dma_start3A_112 : memref<1x640xf32, #tpu.memory_space<vmem>> -> memref<640xf32, #tpu.memory_space<vmem>>
    %dma_start3A_114 = tpu.memref_slice %arg2[%dma_start3A_104, %mul3A_103] : memref<8x10240xf32, #tpu.memory_space<hbm>> -> memref<1x640xf32, #tpu.memory_space<hbm>>
    %dma_start3A_115 = tpu.memref_squeeze %dma_start3A_114 : memref<1x640xf32, #tpu.memory_space<hbm>> -> memref<640xf32, #tpu.memory_space<hbm>>
    tpu.enqueue_dma source(%dma_start3A_115 : memref<640xf32, #tpu.memory_space<hbm>>) target(%dma_start3A_113 : memref<640xf32, #tpu.memory_space<vmem>>) target_semaphore(%arg12 : memref<!tpu.dma_semaphore, #tpu.memory_space<semaphore_mem>>)
    %mul3A_116 = arith.constant 640 : i32
    %mul3A_117 = arith.muli %arg1, %mul3A_116 : i32
    %dma_start3A_118 = arith.constant 7 : i32
    %dma_start3A_119 = arith.constant 7 : i32
    %dma_start3A_120 = arith.constant 0 : i32
    %dma_start3A_121 = tpu.memref_slice %arg10[%dma_start3A_119, %dma_start3A_120] : memref<8x640xf32, #tpu.memory_space<vmem>> -> memref<1x640xf32, #tpu.memory_space<vmem>>
    %dma_start3A_122 = tpu.memref_squeeze %dma_start3A_121 : memref<1x640xf32, #tpu.memory_space<vmem>> -> memref<640xf32, #tpu.memory_space<vmem>>
    %dma_start3A_123 = tpu.memref_slice %arg2[%dma_start3A_118, %mul3A_117] : memref<8x10240xf32, #tpu.memory_space<hbm>> -> memref<1x640xf32, #tpu.memory_space<hbm>>
    %dma_start3A_124 = tpu.memref_squeeze %dma_start3A_123 : memref<1x640xf32, #tpu.memory_space<hbm>> -> memref<640xf32, #tpu.memory_space<hbm>>
    %dma_start3A_125 = arith.constant 0 : i32
    %dma_start3A_126 = tpu.memref_slice %arg10[%dma_start3A_119, %dma_start3A_125] : memref<8x640xf32, #tpu.memory_space<vmem>> -> memref<1x640xf32, #tpu.memory_space<vmem>>
    %dma_start3A_127 = tpu.memref_squeeze %dma_start3A_126 : memref<1x640xf32, #tpu.memory_space<vmem>> -> memref<640xf32, #tpu.memory_space<vmem>>
    %dma_start3A_128 = tpu.memref_slice %arg2[%dma_start3A_118, %mul3A_117] : memref<8x10240xf32, #tpu.memory_space<hbm>> -> memref<1x640xf32, #tpu.memory_space<hbm>>
    %dma_start3A_129 = tpu.memref_squeeze %dma_start3A_128 : memref<1x640xf32, #tpu.memory_space<hbm>> -> memref<640xf32, #tpu.memory_space<hbm>>
    tpu.enqueue_dma source(%dma_start3A_129 : memref<640xf32, #tpu.memory_space<hbm>>) target(%dma_start3A_127 : memref<640xf32, #tpu.memory_space<vmem>>) target_semaphore(%arg12 : memref<!tpu.dma_semaphore, #tpu.memory_space<semaphore_mem>>)
    %mul3A_130 = arith.constant 640 : i32
    %mul3A_131 = arith.muli %arg1, %mul3A_130 : i32
    %dma_wait3A = arith.constant 0 : i32
    %dma_wait3A_132 = arith.constant 0 : i32
    %dma_wait3A_133 = arith.constant 0 : i32
    %dma_wait3A_134 = tpu.memref_slice %arg10[%dma_wait3A_132, %dma_wait3A_133] : memref<8x640xf32, #tpu.memory_space<vmem>> -> memref<1x640xf32, #tpu.memory_space<vmem>>
    %dma_wait3A_135 = tpu.memref_squeeze %dma_wait3A_134 : memref<1x640xf32, #tpu.memory_space<vmem>> -> memref<640xf32, #tpu.memory_space<vmem>>
    %dma_wait3A_136 = tpu.memref_slice %arg2[%dma_wait3A, %mul3A_131] : memref<8x10240xf32, #tpu.memory_space<hbm>> -> memref<1x640xf32, #tpu.memory_space<hbm>>
    %dma_wait3A_137 = tpu.memref_squeeze %dma_wait3A_136 : memref<1x640xf32, #tpu.memory_space<hbm>> -> memref<640xf32, #tpu.memory_space<hbm>>
    %dma_wait3A_138 = arith.constant 0 : i32
    %dma_wait3A_139 = tpu.memref_slice %arg10[%dma_wait3A_132, %dma_wait3A_138] : memref<8x640xf32, #tpu.memory_space<vmem>> -> memref<1x640xf32, #tpu.memory_space<vmem>>
    %dma_wait3A_140 = tpu.memref_squeeze %dma_wait3A_139 : memref<1x640xf32, #tpu.memory_space<vmem>> -> memref<640xf32, #tpu.memory_space<vmem>>
    %dma_wait3A_141 = tpu.memref_slice %arg2[%dma_wait3A, %mul3A_131] : memref<8x10240xf32, #tpu.memory_space<hbm>> -> memref<1x640xf32, #tpu.memory_space<hbm>>
    %dma_wait3A_142 = tpu.memref_squeeze %dma_wait3A_141 : memref<1x640xf32, #tpu.memory_space<hbm>> -> memref<640xf32, #tpu.memory_space<hbm>>
    tpu.wait_dma2 semaphore(%arg12 : memref<!tpu.dma_semaphore, #tpu.memory_space<semaphore_mem>>) src(%dma_wait3A_142 : memref<640xf32, #tpu.memory_space<hbm>>) dst(%dma_wait3A_140 : memref<640xf32, #tpu.memory_space<vmem>>)
    %mul3A_143 = arith.constant 640 : i32
    %mul3A_144 = arith.muli %arg1, %mul3A_143 : i32
    %dma_wait3A_145 = arith.constant 1 : i32
    %dma_wait3A_146 = arith.constant 1 : i32
    %dma_wait3A_147 = arith.constant 0 : i32
    %dma_wait3A_148 = tpu.memref_slice %arg10[%dma_wait3A_146, %dma_wait3A_147] : memref<8x640xf32, #tpu.memory_space<vmem>> -> memref<1x640xf32, #tpu.memory_space<vmem>>
    %dma_wait3A_149 = tpu.memref_squeeze %dma_wait3A_148 : memref<1x640xf32, #tpu.memory_space<vmem>> -> memref<640xf32, #tpu.memory_space<vmem>>
    %dma_wait3A_150 = tpu.memref_slice %arg2[%dma_wait3A_145, %mul3A_144] : memref<8x10240xf32, #tpu.memory_space<hbm>> -> memref<1x640xf32, #tpu.memory_space<hbm>>
    %dma_wait3A_151 = tpu.memref_squeeze %dma_wait3A_150 : memref<1x640xf32, #tpu.memory_space<hbm>> -> memref<640xf32, #tpu.memory_space<hbm>>
    %dma_wait3A_152 = arith.constant 0 : i32
    %dma_wait3A_153 = tpu.memref_slice %arg10[%dma_wait3A_146, %dma_wait3A_152] : memref<8x640xf32, #tpu.memory_space<vmem>> -> memref<1x640xf32, #tpu.memory_space<vmem>>
    %dma_wait3A_154 = tpu.memref_squeeze %dma_wait3A_153 : memref<1x640xf32, #tpu.memory_space<vmem>> -> memref<640xf32, #tpu.memory_space<vmem>>
    %dma_wait3A_155 = tpu.memref_slice %arg2[%dma_wait3A_145, %mul3A_144] : memref<8x10240xf32, #tpu.memory_space<hbm>> -> memref<1x640xf32, #tpu.memory_space<hbm>>
    %dma_wait3A_156 = tpu.memref_squeeze %dma_wait3A_155 : memref<1x640xf32, #tpu.memory_space<hbm>> -> memref<640xf32, #tpu.memory_space<hbm>>
    tpu.wait_dma2 semaphore(%arg12 : memref<!tpu.dma_semaphore, #tpu.memory_space<semaphore_mem>>) src(%dma_wait3A_156 : memref<640xf32, #tpu.memory_space<hbm>>) dst(%dma_wait3A_154 : memref<640xf32, #tpu.memory_space<vmem>>)
    %mul3A_157 = arith.constant 640 : i32
    %mul3A_158 = arith.muli %arg1, %mul3A_157 : i32
    %dma_wait3A_159 = arith.constant 2 : i32
    %dma_wait3A_160 = arith.constant 2 : i32
    %dma_wait3A_161 = arith.constant 0 : i32
    %dma_wait3A_162 = tpu.memref_slice %arg10[%dma_wait3A_160, %dma_wait3A_161] : memref<8x640xf32, #tpu.memory_space<vmem>> -> memref<1x640xf32, #tpu.memory_space<vmem>>
    %dma_wait3A_163 = tpu.memref_squeeze %dma_wait3A_162 : memref<1x640xf32, #tpu.memory_space<vmem>> -> memref<640xf32, #tpu.memory_space<vmem>>
    %dma_wait3A_164 = tpu.memref_slice %arg2[%dma_wait3A_159, %mul3A_158] : memref<8x10240xf32, #tpu.memory_space<hbm>> -> memref<1x640xf32, #tpu.memory_space<hbm>>
    %dma_wait3A_165 = tpu.memref_squeeze %dma_wait3A_164 : memref<1x640xf32, #tpu.memory_space<hbm>> -> memref<640xf32, #tpu.memory_space<hbm>>
    %dma_wait3A_166 = arith.constant 0 : i32
    %dma_wait3A_167 = tpu.memref_slice %arg10[%dma_wait3A_160, %dma_wait3A_166] : memref<8x640xf32, #tpu.memory_space<vmem>> -> memref<1x640xf32, #tpu.memory_space<vmem>>
    %dma_wait3A_168 = tpu.memref_squeeze %dma_wait3A_167 : memref<1x640xf32, #tpu.memory_space<vmem>> -> memref<640xf32, #tpu.memory_space<vmem>>
    %dma_wait3A_169 = tpu.memref_slice %arg2[%dma_wait3A_159, %mul3A_158] : memref<8x10240xf32, #tpu.memory_space<hbm>> -> memref<1x640xf32, #tpu.memory_space<hbm>>
    %dma_wait3A_170 = tpu.memref_squeeze %dma_wait3A_169 : memref<1x640xf32, #tpu.memory_space<hbm>> -> memref<640xf32, #tpu.memory_space<hbm>>
    tpu.wait_dma2 semaphore(%arg12 : memref<!tpu.dma_semaphore, #tpu.memory_space<semaphore_mem>>) src(%dma_wait3A_170 : memref<640xf32, #tpu.memory_space<hbm>>) dst(%dma_wait3A_168 : memref<640xf32, #tpu.memory_space<vmem>>)
    %mul3A_171 = arith.constant 640 : i32
    %mul3A_172 = arith.muli %arg1, %mul3A_171 : i32
    %dma_wait3A_173 = arith.constant 3 : i32
    %dma_wait3A_174 = arith.constant 3 : i32
    %dma_wait3A_175 = arith.constant 0 : i32
    %dma_wait3A_176 = tpu.memref_slice %arg10[%dma_wait3A_174, %dma_wait3A_175] : memref<8x640xf32, #tpu.memory_space<vmem>> -> memref<1x640xf32, #tpu.memory_space<vmem>>
    %dma_wait3A_177 = tpu.memref_squeeze %dma_wait3A_176 : memref<1x640xf32, #tpu.memory_space<vmem>> -> memref<640xf32, #tpu.memory_space<vmem>>
    %dma_wait3A_178 = tpu.memref_slice %arg2[%dma_wait3A_173, %mul3A_172] : memref<8x10240xf32, #tpu.memory_space<hbm>> -> memref<1x640xf32, #tpu.memory_space<hbm>>
    %dma_wait3A_179 = tpu.memref_squeeze %dma_wait3A_178 : memref<1x640xf32, #tpu.memory_space<hbm>> -> memref<640xf32, #tpu.memory_space<hbm>>
    %dma_wait3A_180 = arith.constant 0 : i32
    %dma_wait3A_181 = tpu.memref_slice %arg10[%dma_wait3A_174, %dma_wait3A_180] : memref<8x640xf32, #tpu.memory_space<vmem>> -> memref<1x640xf32, #tpu.memory_space<vmem>>
    %dma_wait3A_182 = tpu.memref_squeeze %dma_wait3A_181 : memref<1x640xf32, #tpu.memory_space<vmem>> -> memref<640xf32, #tpu.memory_space<vmem>>
    %dma_wait3A_183 = tpu.memref_slice %arg2[%dma_wait3A_173, %mul3A_172] : memref<8x10240xf32, #tpu.memory_space<hbm>> -> memref<1x640xf32, #tpu.memory_space<hbm>>
    %dma_wait3A_184 = tpu.memref_squeeze %dma_wait3A_183 : memref<1x640xf32, #tpu.memory_space<hbm>> -> memref<640xf32, #tpu.memory_space<hbm>>
    tpu.wait_dma2 semaphore(%arg12 : memref<!tpu.dma_semaphore, #tpu.memory_space<semaphore_mem>>) src(%dma_wait3A_184 : memref<640xf32, #tpu.memory_space<hbm>>) dst(%dma_wait3A_182 : memref<640xf32, #tpu.memory_space<vmem>>)
    %mul3A_185 = arith.constant 640 : i32
    %mul3A_186 = arith.muli %arg1, %mul3A_185 : i32
    %dma_wait3A_187 = arith.constant 4 : i32
    %dma_wait3A_188 = arith.constant 4 : i32
    %dma_wait3A_189 = arith.constant 0 : i32
    %dma_wait3A_190 = tpu.memref_slice %arg10[%dma_wait3A_188, %dma_wait3A_189] : memref<8x640xf32, #tpu.memory_space<vmem>> -> memref<1x640xf32, #tpu.memory_space<vmem>>
    %dma_wait3A_191 = tpu.memref_squeeze %dma_wait3A_190 : memref<1x640xf32, #tpu.memory_space<vmem>> -> memref<640xf32, #tpu.memory_space<vmem>>
    %dma_wait3A_192 = tpu.memref_slice %arg2[%dma_wait3A_187, %mul3A_186] : memref<8x10240xf32, #tpu.memory_space<hbm>> -> memref<1x640xf32, #tpu.memory_space<hbm>>
    %dma_wait3A_193 = tpu.memref_squeeze %dma_wait3A_192 : memref<1x640xf32, #tpu.memory_space<hbm>> -> memref<640xf32, #tpu.memory_space<hbm>>
    %dma_wait3A_194 = arith.constant 0 : i32
    %dma_wait3A_195 = tpu.memref_slice %arg10[%dma_wait3A_188, %dma_wait3A_194] : memref<8x640xf32, #tpu.memory_space<vmem>> -> memref<1x640xf32, #tpu.memory_space<vmem>>
    %dma_wait3A_196 = tpu.memref_squeeze %dma_wait3A_195 : memref<1x640xf32, #tpu.memory_space<vmem>> -> memref<640xf32, #tpu.memory_space<vmem>>
    %dma_wait3A_197 = tpu.memref_slice %arg2[%dma_wait3A_187, %mul3A_186] : memref<8x10240xf32, #tpu.memory_space<hbm>> -> memref<1x640xf32, #tpu.memory_space<hbm>>
    %dma_wait3A_198 = tpu.memref_squeeze %dma_wait3A_197 : memref<1x640xf32, #tpu.memory_space<hbm>> -> memref<640xf32, #tpu.memory_space<hbm>>
    tpu.wait_dma2 semaphore(%arg12 : memref<!tpu.dma_semaphore, #tpu.memory_space<semaphore_mem>>) src(%dma_wait3A_198 : memref<640xf32, #tpu.memory_space<hbm>>) dst(%dma_wait3A_196 : memref<640xf32, #tpu.memory_space<vmem>>)
    %mul3A_199 = arith.constant 640 : i32
    %mul3A_200 = arith.muli %arg1, %mul3A_199 : i32
    %dma_wait3A_201 = arith.constant 5 : i32
    %dma_wait3A_202 = arith.constant 5 : i32
    %dma_wait3A_203 = arith.constant 0 : i32
    %dma_wait3A_204 = tpu.memref_slice %arg10[%dma_wait3A_202, %dma_wait3A_203] : memref<8x640xf32, #tpu.memory_space<vmem>> -> memref<1x640xf32, #tpu.memory_space<vmem>>
    %dma_wait3A_205 = tpu.memref_squeeze %dma_wait3A_204 : memref<1x640xf32, #tpu.memory_space<vmem>> -> memref<640xf32, #tpu.memory_space<vmem>>
    %dma_wait3A_206 = tpu.memref_slice %arg2[%dma_wait3A_201, %mul3A_200] : memref<8x10240xf32, #tpu.memory_space<hbm>> -> memref<1x640xf32, #tpu.memory_space<hbm>>
    %dma_wait3A_207 = tpu.memref_squeeze %dma_wait3A_206 : memref<1x640xf32, #tpu.memory_space<hbm>> -> memref<640xf32, #tpu.memory_space<hbm>>
    %dma_wait3A_208 = arith.constant 0 : i32
    %dma_wait3A_209 = tpu.memref_slice %arg10[%dma_wait3A_202, %dma_wait3A_208] : memref<8x640xf32, #tpu.memory_space<vmem>> -> memref<1x640xf32, #tpu.memory_space<vmem>>
    %dma_wait3A_210 = tpu.memref_squeeze %dma_wait3A_209 : memref<1x640xf32, #tpu.memory_space<vmem>> -> memref<640xf32, #tpu.memory_space<vmem>>
    %dma_wait3A_211 = tpu.memref_slice %arg2[%dma_wait3A_201, %mul3A_200] : memref<8x10240xf32, #tpu.memory_space<hbm>> -> memref<1x640xf32, #tpu.memory_space<hbm>>
    %dma_wait3A_212 = tpu.memref_squeeze %dma_wait3A_211 : memref<1x640xf32, #tpu.memory_space<hbm>> -> memref<640xf32, #tpu.memory_space<hbm>>
    tpu.wait_dma2 semaphore(%arg12 : memref<!tpu.dma_semaphore, #tpu.memory_space<semaphore_mem>>) src(%dma_wait3A_212 : memref<640xf32, #tpu.memory_space<hbm>>) dst(%dma_wait3A_210 : memref<640xf32, #tpu.memory_space<vmem>>)
    %mul3A_213 = arith.constant 640 : i32
    %mul3A_214 = arith.muli %arg1, %mul3A_213 : i32
    %dma_wait3A_215 = arith.constant 6 : i32
    %dma_wait3A_216 = arith.constant 6 : i32
    %dma_wait3A_217 = arith.constant 0 : i32
    %dma_wait3A_218 = tpu.memref_slice %arg10[%dma_wait3A_216, %dma_wait3A_217] : memref<8x640xf32, #tpu.memory_space<vmem>> -> memref<1x640xf32, #tpu.memory_space<vmem>>
    %dma_wait3A_219 = tpu.memref_squeeze %dma_wait3A_218 : memref<1x640xf32, #tpu.memory_space<vmem>> -> memref<640xf32, #tpu.memory_space<vmem>>
    %dma_wait3A_220 = tpu.memref_slice %arg2[%dma_wait3A_215, %mul3A_214] : memref<8x10240xf32, #tpu.memory_space<hbm>> -> memref<1x640xf32, #tpu.memory_space<hbm>>
    %dma_wait3A_221 = tpu.memref_squeeze %dma_wait3A_220 : memref<1x640xf32, #tpu.memory_space<hbm>> -> memref<640xf32, #tpu.memory_space<hbm>>
    %dma_wait3A_222 = arith.constant 0 : i32
    %dma_wait3A_223 = tpu.memref_slice %arg10[%dma_wait3A_216, %dma_wait3A_222] : memref<8x640xf32, #tpu.memory_space<vmem>> -> memref<1x640xf32, #tpu.memory_space<vmem>>
    %dma_wait3A_224 = tpu.memref_squeeze %dma_wait3A_223 : memref<1x640xf32, #tpu.memory_space<vmem>> -> memref<640xf32, #tpu.memory_space<vmem>>
    %dma_wait3A_225 = tpu.memref_slice %arg2[%dma_wait3A_215, %mul3A_214] : memref<8x10240xf32, #tpu.memory_space<hbm>> -> memref<1x640xf32, #tpu.memory_space<hbm>>
    %dma_wait3A_226 = tpu.memref_squeeze %dma_wait3A_225 : memref<1x640xf32, #tpu.memory_space<hbm>> -> memref<640xf32, #tpu.memory_space<hbm>>
    tpu.wait_dma2 semaphore(%arg12 : memref<!tpu.dma_semaphore, #tpu.memory_space<semaphore_mem>>) src(%dma_wait3A_226 : memref<640xf32, #tpu.memory_space<hbm>>) dst(%dma_wait3A_224 : memref<640xf32, #tpu.memory_space<vmem>>)
    %mul3A_227 = arith.constant 640 : i32
    %mul3A_228 = arith.muli %arg1, %mul3A_227 : i32
    %dma_wait3A_229 = arith.constant 7 : i32
    %dma_wait3A_230 = arith.constant 7 : i32
    %dma_wait3A_231 = arith.constant 0 : i32
    %dma_wait3A_232 = tpu.memref_slice %arg10[%dma_wait3A_230, %dma_wait3A_231] : memref<8x640xf32, #tpu.memory_space<vmem>> -> memref<1x640xf32, #tpu.memory_space<vmem>>
    %dma_wait3A_233 = tpu.memref_squeeze %dma_wait3A_232 : memref<1x640xf32, #tpu.memory_space<vmem>> -> memref<640xf32, #tpu.memory_space<vmem>>
    %dma_wait3A_234 = tpu.memref_slice %arg2[%dma_wait3A_229, %mul3A_228] : memref<8x10240xf32, #tpu.memory_space<hbm>> -> memref<1x640xf32, #tpu.memory_space<hbm>>
    %dma_wait3A_235 = tpu.memref_squeeze %dma_wait3A_234 : memref<1x640xf32, #tpu.memory_space<hbm>> -> memref<640xf32, #tpu.memory_space<hbm>>
    %dma_wait3A_236 = arith.constant 0 : i32
    %dma_wait3A_237 = tpu.memref_slice %arg10[%dma_wait3A_230, %dma_wait3A_236] : memref<8x640xf32, #tpu.memory_space<vmem>> -> memref<1x640xf32, #tpu.memory_space<vmem>>
    %dma_wait3A_238 = tpu.memref_squeeze %dma_wait3A_237 : memref<1x640xf32, #tpu.memory_space<vmem>> -> memref<640xf32, #tpu.memory_space<vmem>>
    %dma_wait3A_239 = tpu.memref_slice %arg2[%dma_wait3A_229, %mul3A_228] : memref<8x10240xf32, #tpu.memory_space<hbm>> -> memref<1x640xf32, #tpu.memory_space<hbm>>
    %dma_wait3A_240 = tpu.memref_squeeze %dma_wait3A_239 : memref<1x640xf32, #tpu.memory_space<hbm>> -> memref<640xf32, #tpu.memory_space<hbm>>
    tpu.wait_dma2 semaphore(%arg12 : memref<!tpu.dma_semaphore, #tpu.memory_space<semaphore_mem>>) src(%dma_wait3A_240 : memref<640xf32, #tpu.memory_space<hbm>>) dst(%dma_wait3A_238 : memref<640xf32, #tpu.memory_space<vmem>>)
    %dma_wait3A_241 = arith.constant 0 : i32
    %dma_wait3A_242 = arith.constant 0 : i32
    %dma_wait3A_243 = arith.constant 0 : i32
    %dma_wait3A_244 = tpu.memref_slice %arg3[%dma_wait3A_241, %add3A, %dma_wait3A_242, %dma_wait3A_243] : memref<2x32x125x80xi32, #tpu.memory_space<hbm>> -> memref<1x1x125x80xi32, #tpu.memory_space<hbm>>
    %dma_wait3A_245 = tpu.memref_squeeze %dma_wait3A_244 : memref<1x1x125x80xi32, #tpu.memory_space<hbm>> -> memref<125x80xi32, #tpu.memory_space<hbm>>
    %dma_wait3A_246 = arith.constant 0 : i32
    %dma_wait3A_247 = arith.constant 0 : i32
    %dma_wait3A_248 = tpu.memref_slice %arg3[%dma_wait3A_241, %add3A, %dma_wait3A_246, %dma_wait3A_247] : memref<2x32x125x80xi32, #tpu.memory_space<hbm>> -> memref<1x1x125x80xi32, #tpu.memory_space<hbm>>
    %dma_wait3A_249 = tpu.memref_squeeze %dma_wait3A_248 : memref<1x1x125x80xi32, #tpu.memory_space<hbm>> -> memref<125x80xi32, #tpu.memory_space<hbm>>
    tpu.wait_dma2 semaphore(%arg13 : memref<!tpu.dma_semaphore, #tpu.memory_space<semaphore_mem>>) src(%dma_wait3A_249 : memref<125x80xi32, #tpu.memory_space<hbm>>) dst(%arg5 : memref<125x80xi32, #tpu.memory_space<vmem>>)
    %dma_wait3A_250 = arith.constant 1 : i32
    %dma_wait3A_251 = arith.constant 0 : i32
    %dma_wait3A_252 = arith.constant 0 : i32
    %dma_wait3A_253 = tpu.memref_slice %arg3[%dma_wait3A_250, %add3A, %dma_wait3A_251, %dma_wait3A_252] : memref<2x32x125x80xi32, #tpu.memory_space<hbm>> -> memref<1x1x125x80xi32, #tpu.memory_space<hbm>>
    %dma_wait3A_254 = tpu.memref_squeeze %dma_wait3A_253 : memref<1x1x125x80xi32, #tpu.memory_space<hbm>> -> memref<125x80xi32, #tpu.memory_space<hbm>>
    %dma_wait3A_255 = arith.constant 0 : i32
    %dma_wait3A_256 = arith.constant 0 : i32
    %dma_wait3A_257 = tpu.memref_slice %arg3[%dma_wait3A_250, %add3A, %dma_wait3A_255, %dma_wait3A_256] : memref<2x32x125x80xi32, #tpu.memory_space<hbm>> -> memref<1x1x125x80xi32, #tpu.memory_space<hbm>>
    %dma_wait3A_258 = tpu.memref_squeeze %dma_wait3A_257 : memref<1x1x125x80xi32, #tpu.memory_space<hbm>> -> memref<125x80xi32, #tpu.memory_space<hbm>>
    tpu.wait_dma2 semaphore(%arg13 : memref<!tpu.dma_semaphore, #tpu.memory_space<semaphore_mem>>) src(%dma_wait3A_258 : memref<125x80xi32, #tpu.memory_space<hbm>>) dst(%arg6 : memref<125x80xi32, #tpu.memory_space<vmem>>)
    %scan3A = arith.constant 0 : i32
    %scan3A_259 = arith.constant 0 : i32
    %scan3A_260 = arith.constant 40 : i32
    %scan3A_261 = arith.addi %scan3A_259, %scan3A_260 : i32
    %scan3A_262 = arith.constant 1 : i32
    scf.for %scan3A_507 = %scan3A_259 to %scan3A_261 step %scan3A_262  : i32 {
      %mul3A_508 = arith.constant 16 : i32
      %mul3A_509 = arith.muli %scan3A_507, %mul3A_508 : i32
      %add3A_510 = vector.broadcast %mul3A_509 : i32 to vector<16xi32>
      %add3A_511 = arith.addi %add3A_510, %iota3A : vector<16xi32>
      %get3A = arith.constant 0 : i32
      %get3A_512 = arith.index_cast %get3A : i32 to index
      %get3A_513 = arith.index_cast %mul3A_509 : i32 to index
      %get3A_514 = tpu.vector_load %arg10[%get3A_512, %get3A_513] {strides = array<i32>} : memref<8x640xf32, #tpu.memory_space<vmem>>, vector<16xf32>,
      %broadcast_in_dim3A = arith.constant 0 : i32
      %broadcast_in_dim3A_515 = vector.broadcast %broadcast_in_dim3A : i32 to vector<16xi32>
      tpu.vector_store_idx %arg11[%add3A_511, %broadcast_in_dim3A_515], %get3A_514 : memref<640x8xf32, #tpu.memory_space<vmem>>[vector<16xi32>, vector<16xi32>], vector<16xf32>,
      %get3A_516 = arith.constant 1 : i32
      %get3A_517 = arith.index_cast %get3A_516 : i32 to index
      %get3A_518 = arith.index_cast %mul3A_509 : i32 to index
      %get3A_519 = tpu.vector_load %arg10[%get3A_517, %get3A_518] {strides = array<i32>} : memref<8x640xf32, #tpu.memory_space<vmem>>, vector<16xf32>,
      %broadcast_in_dim3A_520 = arith.constant 1 : i32
      %broadcast_in_dim3A_521 = vector.broadcast %broadcast_in_dim3A_520 : i32 to vector<16xi32>
      tpu.vector_store_idx %arg11[%add3A_511, %broadcast_in_dim3A_521], %get3A_519 : memref<640x8xf32, #tpu.memory_space<vmem>>[vector<16xi32>, vector<16xi32>], vector<16xf32>,
      %get3A_522 = arith.constant 2 : i32
      %get3A_523 = arith.index_cast %get3A_522 : i32 to index
      %get3A_524 = arith.index_cast %mul3A_509 : i32 to index
      %get3A_525 = tpu.vector_load %arg10[%get3A_523, %get3A_524] {strides = array<i32>} : memref<8x640xf32, #tpu.memory_space<vmem>>, vector<16xf32>,
      %broadcast_in_dim3A_526 = arith.constant 2 : i32
      %broadcast_in_dim3A_527 = vector.broadcast %broadcast_in_dim3A_526 : i32 to vector<16xi32>
      tpu.vector_store_idx %arg11[%add3A_511, %broadcast_in_dim3A_527], %get3A_525 : memref<640x8xf32, #tpu.memory_space<vmem>>[vector<16xi32>, vector<16xi32>], vector<16xf32>,
      %get3A_528 = arith.constant 3 : i32
      %get3A_529 = arith.index_cast %get3A_528 : i32 to index
      %get3A_530 = arith.index_cast %mul3A_509 : i32 to index
      %get3A_531 = tpu.vector_load %arg10[%get3A_529, %get3A_530] {strides = array<i32>} : memref<8x640xf32, #tpu.memory_space<vmem>>, vector<16xf32>,
      %broadcast_in_dim3A_532 = arith.constant 3 : i32
      %broadcast_in_dim3A_533 = vector.broadcast %broadcast_in_dim3A_532 : i32 to vector<16xi32>
      tpu.vector_store_idx %arg11[%add3A_511, %broadcast_in_dim3A_533], %get3A_531 : memref<640x8xf32, #tpu.memory_space<vmem>>[vector<16xi32>, vector<16xi32>], vector<16xf32>,
      %get3A_534 = arith.constant 4 : i32
      %get3A_535 = arith.index_cast %get3A_534 : i32 to index
      %get3A_536 = arith.index_cast %mul3A_509 : i32 to index
      %get3A_537 = tpu.vector_load %arg10[%get3A_535, %get3A_536] {strides = array<i32>} : memref<8x640xf32, #tpu.memory_space<vmem>>, vector<16xf32>,
      %broadcast_in_dim3A_538 = arith.constant 4 : i32
      %broadcast_in_dim3A_539 = vector.broadcast %broadcast_in_dim3A_538 : i32 to vector<16xi32>
      tpu.vector_store_idx %arg11[%add3A_511, %broadcast_in_dim3A_539], %get3A_537 : memref<640x8xf32, #tpu.memory_space<vmem>>[vector<16xi32>, vector<16xi32>], vector<16xf32>,
      %get3A_540 = arith.constant 5 : i32
      %get3A_541 = arith.index_cast %get3A_540 : i32 to index
      %get3A_542 = arith.index_cast %mul3A_509 : i32 to index
      %get3A_543 = tpu.vector_load %arg10[%get3A_541, %get3A_542] {strides = array<i32>} : memref<8x640xf32, #tpu.memory_space<vmem>>, vector<16xf32>,
      %broadcast_in_dim3A_544 = arith.constant 5 : i32
      %broadcast_in_dim3A_545 = vector.broadcast %broadcast_in_dim3A_544 : i32 to vector<16xi32>
      tpu.vector_store_idx %arg11[%add3A_511, %broadcast_in_dim3A_545], %get3A_543 : memref<640x8xf32, #tpu.memory_space<vmem>>[vector<16xi32>, vector<16xi32>], vector<16xf32>,
      %get3A_546 = arith.constant 6 : i32
      %get3A_547 = arith.index_cast %get3A_546 : i32 to index
      %get3A_548 = arith.index_cast %mul3A_509 : i32 to index
      %get3A_549 = tpu.vector_load %arg10[%get3A_547, %get3A_548] {strides = array<i32>} : memref<8x640xf32, #tpu.memory_space<vmem>>, vector<16xf32>,
      %broadcast_in_dim3A_550 = arith.constant 6 : i32
      %broadcast_in_dim3A_551 = vector.broadcast %broadcast_in_dim3A_550 : i32 to vector<16xi32>
      tpu.vector_store_idx %arg11[%add3A_511, %broadcast_in_dim3A_551], %get3A_549 : memref<640x8xf32, #tpu.memory_space<vmem>>[vector<16xi32>, vector<16xi32>], vector<16xf32>,
      %get3A_552 = arith.constant 7 : i32
      %get3A_553 = arith.index_cast %get3A_552 : i32 to index
      %get3A_554 = arith.index_cast %mul3A_509 : i32 to index
      %get3A_555 = tpu.vector_load %arg10[%get3A_553, %get3A_554] {strides = array<i32>} : memref<8x640xf32, #tpu.memory_space<vmem>>, vector<16xf32>,
      %broadcast_in_dim3A_556 = arith.constant 7 : i32
      %broadcast_in_dim3A_557 = vector.broadcast %broadcast_in_dim3A_556 : i32 to vector<16xi32>
      tpu.vector_store_idx %arg11[%add3A_511, %broadcast_in_dim3A_557], %get3A_555 : memref<640x8xf32, #tpu.memory_space<vmem>>[vector<16xi32>, vector<16xi32>], vector<16xf32>,
    }
    %scan3A_263 = arith.constant 40 : i32
    %mul3A_264 = arith.constant 640 : i32
    %mul3A_265 = arith.muli %arg1, %mul3A_264 : i32
    "tpu.region"() ({
      %run_scoped3A = tpu.sem_alloc : memref<!tpu.dma_semaphore, #tpu.memory_space<semaphore_mem>>
      %dma_start3A_507 = arith.constant 0 : i32
      %dma_start3A_508 = tpu.memref_slice %arg9[%mul3A_265, %dma_start3A_507] : memref<10240x8xf32, #tpu.memory_space<vmem_shared>> -> memref<640x8xf32, #tpu.memory_space<vmem_shared>>
      %dma_start3A_509 = arith.constant 0 : i32
      %dma_start3A_510 = tpu.memref_slice %arg9[%mul3A_265, %dma_start3A_509] : memref<10240x8xf32, #tpu.memory_space<vmem_shared>> -> memref<640x8xf32, #tpu.memory_space<vmem_shared>>
      tpu.enqueue_dma source(%arg11 : memref<640x8xf32, #tpu.memory_space<vmem>>) target(%dma_start3A_510 : memref<640x8xf32, #tpu.memory_space<vmem_shared>>) target_semaphore(%run_scoped3A : memref<!tpu.dma_semaphore, #tpu.memory_space<semaphore_mem>>)
      %dma_wait3A_511 = arith.constant 0 : i32
      %dma_wait3A_512 = tpu.memref_slice %arg9[%mul3A_265, %dma_wait3A_511] : memref<10240x8xf32, #tpu.memory_space<vmem_shared>> -> memref<640x8xf32, #tpu.memory_space<vmem_shared>>
      %dma_wait3A_513 = arith.constant 0 : i32
      %dma_wait3A_514 = tpu.memref_slice %arg9[%mul3A_265, %dma_wait3A_513] : memref<10240x8xf32, #tpu.memory_space<vmem_shared>> -> memref<640x8xf32, #tpu.memory_space<vmem_shared>>
      tpu.wait_dma2 semaphore(%run_scoped3A : memref<!tpu.dma_semaphore, #tpu.memory_space<semaphore_mem>>) src(%arg11 : memref<640x8xf32, #tpu.memory_space<vmem>>) dst(%dma_wait3A_514 : memref<640x8xf32, #tpu.memory_space<vmem_shared>>)
      tpu.yield
    }) : () -> ()
    %mul3A_266 = arith.constant 640 : i32
    %mul3A_267 = arith.muli %arg1, %mul3A_266 : i32
    "tpu.region"() ({
      %run_scoped3A = tpu.sem_alloc : memref<!tpu.dma_semaphore, #tpu.memory_space<semaphore_mem>>
      %dma_start3A_507 = arith.constant 0 : i32
      %dma_start3A_508 = tpu.memref_slice %arg8[%mul3A_267, %dma_start3A_507] : memref<10240x8xf32, #tpu.memory_space<vmem_shared>> -> memref<640x8xf32, #tpu.memory_space<vmem_shared>>
      %dma_start3A_509 = arith.constant 0 : i32
      %dma_start3A_510 = tpu.memref_slice %arg8[%mul3A_267, %dma_start3A_509] : memref<10240x8xf32, #tpu.memory_space<vmem_shared>> -> memref<640x8xf32, #tpu.memory_space<vmem_shared>>
      tpu.enqueue_dma source(%arg11 : memref<640x8xf32, #tpu.memory_space<vmem>>) target(%dma_start3A_510 : memref<640x8xf32, #tpu.memory_space<vmem_shared>>) target_semaphore(%run_scoped3A : memref<!tpu.dma_semaphore, #tpu.memory_space<semaphore_mem>>)
      %dma_wait3A_511 = arith.constant 0 : i32
      %dma_wait3A_512 = tpu.memref_slice %arg8[%mul3A_267, %dma_wait3A_511] : memref<10240x8xf32, #tpu.memory_space<vmem_shared>> -> memref<640x8xf32, #tpu.memory_space<vmem_shared>>
      %dma_wait3A_513 = arith.constant 0 : i32
      %dma_wait3A_514 = tpu.memref_slice %arg8[%mul3A_267, %dma_wait3A_513] : memref<10240x8xf32, #tpu.memory_space<vmem_shared>> -> memref<640x8xf32, #tpu.memory_space<vmem_shared>>
      tpu.wait_dma2 semaphore(%run_scoped3A : memref<!tpu.dma_semaphore, #tpu.memory_space<semaphore_mem>>) src(%arg11 : memref<640x8xf32, #tpu.memory_space<vmem>>) dst(%dma_wait3A_514 : memref<640x8xf32, #tpu.memory_space<vmem_shared>>)
      tpu.yield
    }) : () -> ()
    %barrier3A = arith.constant 0 : index
    tpu.barrier barrier_id(%barrier3A)
    %scan3A_268 = arith.constant 0 : i32
    %scan3A_269 = arith.constant 0 : i32
    %scan3A_270 = arith.constant 27 : i32
    %scan3A_271 = arith.addi %scan3A_269, %scan3A_270 : i32
    %scan3A_272 = arith.constant 1 : i32
    scf.for %scan3A_507 = %scan3A_269 to %scan3A_271 step %scan3A_272  : i32 {
      %rem3A = arith.constant 2 : i32
      %rem3A_508 = arith.remsi %scan3A_507, %rem3A : i32
      %mul3A_509 = arith.constant 5 : i32
      %mul3A_510 = arith.muli %rem3A_508, %mul3A_509 : i32
      %add3A_511 = arith.constant 1 : i32
      %add3A_512 = arith.addi %scan3A_507, %add3A_511 : i32
      %rem3A_513 = arith.constant 2 : i32
      %rem3A_514 = arith.remsi %add3A_512, %rem3A_513 : i32
      %mul3A_515 = arith.constant 5 : i32
      %mul3A_516 = arith.muli %rem3A_514, %mul3A_515 : i32
      %ge3A = arith.constant 2 : i32
      %ge3A_517 = arith.cmpi sge, %scan3A_507, %ge3A : i32
      %convert_element_type3A = arith.extui %ge3A_517 : i1 to i32
      %cond3A = arith.constant 0 : i32
      %cond3A_518 = arith.cmpi ne, %convert_element_type3A, %cond3A : i32
      scf.if %cond3A_518 {
        %sub3A = arith.constant 2 : i32
        %sub3A_529 = arith.subi %scan3A_507, %sub3A : i32
        %mul3A_530 = arith.constant 5 : i32
        %mul3A_531 = arith.muli %sub3A_529, %mul3A_530 : i32
        %add3A_532 = arith.constant 0 : i32
        %add3A_533 = arith.addi %mul3A_531, %add3A_532 : i32
        %add3A_534 = arith.constant 0 : i32
        %add3A_535 = arith.addi %mul3A_510, %add3A_534 : i32
        %dma_wait3A_536 = arith.constant 0 : i32
        %dma_wait3A_537 = arith.constant 0 : i32
        %dma_wait3A_538 = tpu.memref_slice %arg7[%add3A_535, %dma_wait3A_536, %dma_wait3A_537] : memref<10x80x8xf32, #tpu.memory_space<vmem>> -> memref<1x80x8xf32, #tpu.memory_space<vmem>>
        %dma_wait3A_539 = tpu.memref_squeeze %dma_wait3A_538 : memref<1x80x8xf32, #tpu.memory_space<vmem>> -> memref<80x8xf32, #tpu.memory_space<vmem>>
        %dma_wait3A_540 = arith.constant 0 : i32
        %dma_wait3A_541 = tpu.memref_slice %arg6[%add3A_533, %dma_wait3A_540] : memref<125x80xi32, #tpu.memory_space<vmem>> -> memref<1x80xi32, #tpu.memory_space<vmem>>
        %dma_wait3A_542 = tpu.memref_squeeze %dma_wait3A_541 : memref<1x80xi32, #tpu.memory_space<vmem>> -> memref<80xi32, #tpu.memory_space<vmem>>
        %dma_wait3A_543 = arith.constant 0 : i32
        %dma_wait3A_544 = arith.constant 0 : i32
        %dma_wait3A_545 = tpu.memref_slice %arg8[%dma_wait3A_543, %dma_wait3A_544] : memref<10240x8xf32, #tpu.memory_space<vmem_shared>> -> memref<10240x8xf32, #tpu.memory_space<vmem_shared>>
        tpu.wait_indirect_dma semaphore(%arg13 : memref<!tpu.dma_semaphore, #tpu.memory_space<semaphore_mem>>) src(%dma_wait3A_539 : memref<80x8xf32, #tpu.memory_space<vmem>>) dst(%dma_wait3A_545 : memref<10240x8xf32, #tpu.memory_space<vmem_shared>>)
        %sub3A_546 = arith.constant 2 : i32
        %sub3A_547 = arith.subi %scan3A_507, %sub3A_546 : i32
        %mul3A_548 = arith.constant 5 : i32
        %mul3A_549 = arith.muli %sub3A_547, %mul3A_548 : i32
        %add3A_550 = arith.constant 1 : i32
        %add3A_551 = arith.addi %mul3A_549, %add3A_550 : i32
        %add3A_552 = arith.constant 1 : i32
        %add3A_553 = arith.addi %mul3A_510, %add3A_552 : i32
        %dma_wait3A_554 = arith.constant 0 : i32
        %dma_wait3A_555 = arith.constant 0 : i32
        %dma_wait3A_556 = tpu.memref_slice %arg7[%add3A_553, %dma_wait3A_554, %dma_wait3A_555] : memref<10x80x8xf32, #tpu.memory_space<vmem>> -> memref<1x80x8xf32, #tpu.memory_space<vmem>>
        %dma_wait3A_557 = tpu.memref_squeeze %dma_wait3A_556 : memref<1x80x8xf32, #tpu.memory_space<vmem>> -> memref<80x8xf32, #tpu.memory_space<vmem>>
        %dma_wait3A_558 = arith.constant 0 : i32
        %dma_wait3A_559 = tpu.memref_slice %arg6[%add3A_551, %dma_wait3A_558] : memref<125x80xi32, #tpu.memory_space<vmem>> -> memref<1x80xi32, #tpu.memory_space<vmem>>
        %dma_wait3A_560 = tpu.memref_squeeze %dma_wait3A_559 : memref<1x80xi32, #tpu.memory_space<vmem>> -> memref<80xi32, #tpu.memory_space<vmem>>
        %dma_wait3A_561 = arith.constant 0 : i32
        %dma_wait3A_562 = arith.constant 0 : i32
        %dma_wait3A_563 = tpu.memref_slice %arg8[%dma_wait3A_561, %dma_wait3A_562] : memref<10240x8xf32, #tpu.memory_space<vmem_shared>> -> memref<10240x8xf32, #tpu.memory_space<vmem_shared>>
        tpu.wait_indirect_dma semaphore(%arg13 : memref<!tpu.dma_semaphore, #tpu.memory_space<semaphore_mem>>) src(%dma_wait3A_557 : memref<80x8xf32, #tpu.memory_space<vmem>>) dst(%dma_wait3A_563 : memref<10240x8xf32, #tpu.memory_space<vmem_shared>>)
        %sub3A_564 = arith.constant 2 : i32
        %sub3A_565 = arith.subi %scan3A_507, %sub3A_564 : i32
        %mul3A_566 = arith.constant 5 : i32
        %mul3A_567 = arith.muli %sub3A_565, %mul3A_566 : i32
        %add3A_568 = arith.constant 2 : i32
        %add3A_569 = arith.addi %mul3A_567, %add3A_568 : i32
        %add3A_570 = arith.constant 2 : i32
        %add3A_571 = arith.addi %mul3A_510, %add3A_570 : i32
        %dma_wait3A_572 = arith.constant 0 : i32
        %dma_wait3A_573 = arith.constant 0 : i32
        %dma_wait3A_574 = tpu.memref_slice %arg7[%add3A_571, %dma_wait3A_572, %dma_wait3A_573] : memref<10x80x8xf32, #tpu.memory_space<vmem>> -> memref<1x80x8xf32, #tpu.memory_space<vmem>>
        %dma_wait3A_575 = tpu.memref_squeeze %dma_wait3A_574 : memref<1x80x8xf32, #tpu.memory_space<vmem>> -> memref<80x8xf32, #tpu.memory_space<vmem>>
        %dma_wait3A_576 = arith.constant 0 : i32
        %dma_wait3A_577 = tpu.memref_slice %arg6[%add3A_569, %dma_wait3A_576] : memref<125x80xi32, #tpu.memory_space<vmem>> -> memref<1x80xi32, #tpu.memory_space<vmem>>
        %dma_wait3A_578 = tpu.memref_squeeze %dma_wait3A_577 : memref<1x80xi32, #tpu.memory_space<vmem>> -> memref<80xi32, #tpu.memory_space<vmem>>
        %dma_wait3A_579 = arith.constant 0 : i32
        %dma_wait3A_580 = arith.constant 0 : i32
        %dma_wait3A_581 = tpu.memref_slice %arg8[%dma_wait3A_579, %dma_wait3A_580] : memref<10240x8xf32, #tpu.memory_space<vmem_shared>> -> memref<10240x8xf32, #tpu.memory_space<vmem_shared>>
        tpu.wait_indirect_dma semaphore(%arg13 : memref<!tpu.dma_semaphore, #tpu.memory_space<semaphore_mem>>) src(%dma_wait3A_575 : memref<80x8xf32, #tpu.memory_space<vmem>>) dst(%dma_wait3A_581 : memref<10240x8xf32, #tpu.memory_space<vmem_shared>>)
        %sub3A_582 = arith.constant 2 : i32
        %sub3A_583 = arith.subi %scan3A_507, %sub3A_582 : i32
        %mul3A_584 = arith.constant 5 : i32
        %mul3A_585 = arith.muli %sub3A_583, %mul3A_584 : i32
        %add3A_586 = arith.constant 3 : i32
        %add3A_587 = arith.addi %mul3A_585, %add3A_586 : i32
        %add3A_588 = arith.constant 3 : i32
        %add3A_589 = arith.addi %mul3A_510, %add3A_588 : i32
        %dma_wait3A_590 = arith.constant 0 : i32
        %dma_wait3A_591 = arith.constant 0 : i32
        %dma_wait3A_592 = tpu.memref_slice %arg7[%add3A_589, %dma_wait3A_590, %dma_wait3A_591] : memref<10x80x8xf32, #tpu.memory_space<vmem>> -> memref<1x80x8xf32, #tpu.memory_space<vmem>>
        %dma_wait3A_593 = tpu.memref_squeeze %dma_wait3A_592 : memref<1x80x8xf32, #tpu.memory_space<vmem>> -> memref<80x8xf32, #tpu.memory_space<vmem>>
        %dma_wait3A_594 = arith.constant 0 : i32
        %dma_wait3A_595 = tpu.memref_slice %arg6[%add3A_587, %dma_wait3A_594] : memref<125x80xi32, #tpu.memory_space<vmem>> -> memref<1x80xi32, #tpu.memory_space<vmem>>
        %dma_wait3A_596 = tpu.memref_squeeze %dma_wait3A_595 : memref<1x80xi32, #tpu.memory_space<vmem>> -> memref<80xi32, #tpu.memory_space<vmem>>
        %dma_wait3A_597 = arith.constant 0 : i32
        %dma_wait3A_598 = arith.constant 0 : i32
        %dma_wait3A_599 = tpu.memref_slice %arg8[%dma_wait3A_597, %dma_wait3A_598] : memref<10240x8xf32, #tpu.memory_space<vmem_shared>> -> memref<10240x8xf32, #tpu.memory_space<vmem_shared>>
        tpu.wait_indirect_dma semaphore(%arg13 : memref<!tpu.dma_semaphore, #tpu.memory_space<semaphore_mem>>) src(%dma_wait3A_593 : memref<80x8xf32, #tpu.memory_space<vmem>>) dst(%dma_wait3A_599 : memref<10240x8xf32, #tpu.memory_space<vmem_shared>>)
        %sub3A_600 = arith.constant 2 : i32
        %sub3A_601 = arith.subi %scan3A_507, %sub3A_600 : i32
        %mul3A_602 = arith.constant 5 : i32
        %mul3A_603 = arith.muli %sub3A_601, %mul3A_602 : i32
        %add3A_604 = arith.constant 4 : i32
        %add3A_605 = arith.addi %mul3A_603, %add3A_604 : i32
        %add3A_606 = arith.constant 4 : i32
        %add3A_607 = arith.addi %mul3A_510, %add3A_606 : i32
        %dma_wait3A_608 = arith.constant 0 : i32
        %dma_wait3A_609 = arith.constant 0 : i32
        %dma_wait3A_610 = tpu.memref_slice %arg7[%add3A_607, %dma_wait3A_608, %dma_wait3A_609] : memref<10x80x8xf32, #tpu.memory_space<vmem>> -> memref<1x80x8xf32, #tpu.memory_space<vmem>>
        %dma_wait3A_611 = tpu.memref_squeeze %dma_wait3A_610 : memref<1x80x8xf32, #tpu.memory_space<vmem>> -> memref<80x8xf32, #tpu.memory_space<vmem>>
        %dma_wait3A_612 = arith.constant 0 : i32
        %dma_wait3A_613 = tpu.memref_slice %arg6[%add3A_605, %dma_wait3A_612] : memref<125x80xi32, #tpu.memory_space<vmem>> -> memref<1x80xi32, #tpu.memory_space<vmem>>
        %dma_wait3A_614 = tpu.memref_squeeze %dma_wait3A_613 : memref<1x80xi32, #tpu.memory_space<vmem>> -> memref<80xi32, #tpu.memory_space<vmem>>
        %dma_wait3A_615 = arith.constant 0 : i32
        %dma_wait3A_616 = arith.constant 0 : i32
        %dma_wait3A_617 = tpu.memref_slice %arg8[%dma_wait3A_615, %dma_wait3A_616] : memref<10240x8xf32, #tpu.memory_space<vmem_shared>> -> memref<10240x8xf32, #tpu.memory_space<vmem_shared>>
        tpu.wait_indirect_dma semaphore(%arg13 : memref<!tpu.dma_semaphore, #tpu.memory_space<semaphore_mem>>) src(%dma_wait3A_611 : memref<80x8xf32, #tpu.memory_space<vmem>>) dst(%dma_wait3A_617 : memref<10240x8xf32, #tpu.memory_space<vmem_shared>>)
      } else {
      }
      %lt3A = arith.constant 25 : i32
      %lt3A_519 = arith.cmpi slt, %scan3A_507, %lt3A : i32
      %convert_element_type3A_520 = arith.extui %lt3A_519 : i1 to i32
      %cond3A_521 = arith.constant 0 : i32
      %cond3A_522 = arith.cmpi ne, %convert_element_type3A_520, %cond3A_521 : i32
      scf.if %cond3A_522 {
        %mul3A_529 = arith.constant 5 : i32
        %mul3A_530 = arith.muli %scan3A_507, %mul3A_529 : i32
        %add3A_531 = arith.constant 0 : i32
        %add3A_532 = arith.addi %mul3A_530, %add3A_531 : i32
        %add3A_533 = arith.constant 0 : i32
        %add3A_534 = arith.addi %mul3A_510, %add3A_533 : i32
        %dma_start3A_535 = arith.constant 0 : i32
        %dma_start3A_536 = arith.constant 0 : i32
        %dma_start3A_537 = tpu.memref_slice %arg7[%add3A_534, %dma_start3A_535, %dma_start3A_536] : memref<10x80x8xf32, #tpu.memory_space<vmem>> -> memref<1x80x8xf32, #tpu.memory_space<vmem>>
        %dma_start3A_538 = tpu.memref_squeeze %dma_start3A_537 : memref<1x80x8xf32, #tpu.memory_space<vmem>> -> memref<80x8xf32, #tpu.memory_space<vmem>>
        %dma_start3A_539 = arith.constant 0 : i32
        %dma_start3A_540 = tpu.memref_slice %arg5[%add3A_532, %dma_start3A_539] : memref<125x80xi32, #tpu.memory_space<vmem>> -> memref<1x80xi32, #tpu.memory_space<vmem>>
        %dma_start3A_541 = tpu.memref_squeeze %dma_start3A_540 : memref<1x80xi32, #tpu.memory_space<vmem>> -> memref<80xi32, #tpu.memory_space<vmem>>
        %dma_start3A_542 = arith.constant 0 : i32
        %dma_start3A_543 = arith.constant 0 : i32
        %dma_start3A_544 = tpu.memref_slice %arg9[%dma_start3A_542, %dma_start3A_543] : memref<10240x8xf32, #tpu.memory_space<vmem_shared>> -> memref<10240x8xf32, #tpu.memory_space<vmem_shared>>
        tpu.enqueue_indirect_dma source(%dma_start3A_544 : memref<10240x8xf32, #tpu.memory_space<vmem_shared>>) target(%dma_start3A_538 : memref<80x8xf32, #tpu.memory_space<vmem>>) offsets(%dma_start3A_541 : memref<80xi32, #tpu.memory_space<vmem>>) semaphore(%arg12 : memref<!tpu.dma_semaphore, #tpu.memory_space<semaphore_mem>>)
        %mul3A_545 = arith.constant 5 : i32
        %mul3A_546 = arith.muli %scan3A_507, %mul3A_545 : i32
        %add3A_547 = arith.constant 1 : i32
        %add3A_548 = arith.addi %mul3A_546, %add3A_547 : i32
        %add3A_549 = arith.constant 1 : i32
        %add3A_550 = arith.addi %mul3A_510, %add3A_549 : i32
        %dma_start3A_551 = arith.constant 0 : i32
        %dma_start3A_552 = arith.constant 0 : i32
        %dma_start3A_553 = tpu.memref_slice %arg7[%add3A_550, %dma_start3A_551, %dma_start3A_552] : memref<10x80x8xf32, #tpu.memory_space<vmem>> -> memref<1x80x8xf32, #tpu.memory_space<vmem>>
        %dma_start3A_554 = tpu.memref_squeeze %dma_start3A_553 : memref<1x80x8xf32, #tpu.memory_space<vmem>> -> memref<80x8xf32, #tpu.memory_space<vmem>>
        %dma_start3A_555 = arith.constant 0 : i32
        %dma_start3A_556 = tpu.memref_slice %arg5[%add3A_548, %dma_start3A_555] : memref<125x80xi32, #tpu.memory_space<vmem>> -> memref<1x80xi32, #tpu.memory_space<vmem>>
        %dma_start3A_557 = tpu.memref_squeeze %dma_start3A_556 : memref<1x80xi32, #tpu.memory_space<vmem>> -> memref<80xi32, #tpu.memory_space<vmem>>
        %dma_start3A_558 = arith.constant 0 : i32
        %dma_start3A_559 = arith.constant 0 : i32
        %dma_start3A_560 = tpu.memref_slice %arg9[%dma_start3A_558, %dma_start3A_559] : memref<10240x8xf32, #tpu.memory_space<vmem_shared>> -> memref<10240x8xf32, #tpu.memory_space<vmem_shared>>
        tpu.enqueue_indirect_dma source(%dma_start3A_560 : memref<10240x8xf32, #tpu.memory_space<vmem_shared>>) target(%dma_start3A_554 : memref<80x8xf32, #tpu.memory_space<vmem>>) offsets(%dma_start3A_557 : memref<80xi32, #tpu.memory_space<vmem>>) semaphore(%arg12 : memref<!tpu.dma_semaphore, #tpu.memory_space<semaphore_mem>>)
        %mul3A_561 = arith.constant 5 : i32
        %mul3A_562 = arith.muli %scan3A_507, %mul3A_561 : i32
        %add3A_563 = arith.constant 2 : i32
        %add3A_564 = arith.addi %mul3A_562, %add3A_563 : i32
        %add3A_565 = arith.constant 2 : i32
        %add3A_566 = arith.addi %mul3A_510, %add3A_565 : i32
        %dma_start3A_567 = arith.constant 0 : i32
        %dma_start3A_568 = arith.constant 0 : i32
        %dma_start3A_569 = tpu.memref_slice %arg7[%add3A_566, %dma_start3A_567, %dma_start3A_568] : memref<10x80x8xf32, #tpu.memory_space<vmem>> -> memref<1x80x8xf32, #tpu.memory_space<vmem>>
        %dma_start3A_570 = tpu.memref_squeeze %dma_start3A_569 : memref<1x80x8xf32, #tpu.memory_space<vmem>> -> memref<80x8xf32, #tpu.memory_space<vmem>>
        %dma_start3A_571 = arith.constant 0 : i32
        %dma_start3A_572 = tpu.memref_slice %arg5[%add3A_564, %dma_start3A_571] : memref<125x80xi32, #tpu.memory_space<vmem>> -> memref<1x80xi32, #tpu.memory_space<vmem>>
        %dma_start3A_573 = tpu.memref_squeeze %dma_start3A_572 : memref<1x80xi32, #tpu.memory_space<vmem>> -> memref<80xi32, #tpu.memory_space<vmem>>
        %dma_start3A_574 = arith.constant 0 : i32
        %dma_start3A_575 = arith.constant 0 : i32
        %dma_start3A_576 = tpu.memref_slice %arg9[%dma_start3A_574, %dma_start3A_575] : memref<10240x8xf32, #tpu.memory_space<vmem_shared>> -> memref<10240x8xf32, #tpu.memory_space<vmem_shared>>
        tpu.enqueue_indirect_dma source(%dma_start3A_576 : memref<10240x8xf32, #tpu.memory_space<vmem_shared>>) target(%dma_start3A_570 : memref<80x8xf32, #tpu.memory_space<vmem>>) offsets(%dma_start3A_573 : memref<80xi32, #tpu.memory_space<vmem>>) semaphore(%arg12 : memref<!tpu.dma_semaphore, #tpu.memory_space<semaphore_mem>>)
        %mul3A_577 = arith.constant 5 : i32
        %mul3A_578 = arith.muli %scan3A_507, %mul3A_577 : i32
        %add3A_579 = arith.constant 3 : i32
        %add3A_580 = arith.addi %mul3A_578, %add3A_579 : i32
        %add3A_581 = arith.constant 3 : i32
        %add3A_582 = arith.addi %mul3A_510, %add3A_581 : i32
        %dma_start3A_583 = arith.constant 0 : i32
        %dma_start3A_584 = arith.constant 0 : i32
        %dma_start3A_585 = tpu.memref_slice %arg7[%add3A_582, %dma_start3A_583, %dma_start3A_584] : memref<10x80x8xf32, #tpu.memory_space<vmem>> -> memref<1x80x8xf32, #tpu.memory_space<vmem>>
        %dma_start3A_586 = tpu.memref_squeeze %dma_start3A_585 : memref<1x80x8xf32, #tpu.memory_space<vmem>> -> memref<80x8xf32, #tpu.memory_space<vmem>>
        %dma_start3A_587 = arith.constant 0 : i32
        %dma_start3A_588 = tpu.memref_slice %arg5[%add3A_580, %dma_start3A_587] : memref<125x80xi32, #tpu.memory_space<vmem>> -> memref<1x80xi32, #tpu.memory_space<vmem>>
        %dma_start3A_589 = tpu.memref_squeeze %dma_start3A_588 : memref<1x80xi32, #tpu.memory_space<vmem>> -> memref<80xi32, #tpu.memory_space<vmem>>
        %dma_start3A_590 = arith.constant 0 : i32
        %dma_start3A_591 = arith.constant 0 : i32
        %dma_start3A_592 = tpu.memref_slice %arg9[%dma_start3A_590, %dma_start3A_591] : memref<10240x8xf32, #tpu.memory_space<vmem_shared>> -> memref<10240x8xf32, #tpu.memory_space<vmem_shared>>
        tpu.enqueue_indirect_dma source(%dma_start3A_592 : memref<10240x8xf32, #tpu.memory_space<vmem_shared>>) target(%dma_start3A_586 : memref<80x8xf32, #tpu.memory_space<vmem>>) offsets(%dma_start3A_589 : memref<80xi32, #tpu.memory_space<vmem>>) semaphore(%arg12 : memref<!tpu.dma_semaphore, #tpu.memory_space<semaphore_mem>>)
        %mul3A_593 = arith.constant 5 : i32
        %mul3A_594 = arith.muli %scan3A_507, %mul3A_593 : i32
        %add3A_595 = arith.constant 4 : i32
        %add3A_596 = arith.addi %mul3A_594, %add3A_595 : i32
        %add3A_597 = arith.constant 4 : i32
        %add3A_598 = arith.addi %mul3A_510, %add3A_597 : i32
        %dma_start3A_599 = arith.constant 0 : i32
        %dma_start3A_600 = arith.constant 0 : i32
        %dma_start3A_601 = tpu.memref_slice %arg7[%add3A_598, %dma_start3A_599, %dma_start3A_600] : memref<10x80x8xf32, #tpu.memory_space<vmem>> -> memref<1x80x8xf32, #tpu.memory_space<vmem>>
        %dma_start3A_602 = tpu.memref_squeeze %dma_start3A_601 : memref<1x80x8xf32, #tpu.memory_space<vmem>> -> memref<80x8xf32, #tpu.memory_space<vmem>>
        %dma_start3A_603 = arith.constant 0 : i32
        %dma_start3A_604 = tpu.memref_slice %arg5[%add3A_596, %dma_start3A_603] : memref<125x80xi32, #tpu.memory_space<vmem>> -> memref<1x80xi32, #tpu.memory_space<vmem>>
        %dma_start3A_605 = tpu.memref_squeeze %dma_start3A_604 : memref<1x80xi32, #tpu.memory_space<vmem>> -> memref<80xi32, #tpu.memory_space<vmem>>
        %dma_start3A_606 = arith.constant 0 : i32
        %dma_start3A_607 = arith.constant 0 : i32
        %dma_start3A_608 = tpu.memref_slice %arg9[%dma_start3A_606, %dma_start3A_607] : memref<10240x8xf32, #tpu.memory_space<vmem_shared>> -> memref<10240x8xf32, #tpu.memory_space<vmem_shared>>
        tpu.enqueue_indirect_dma source(%dma_start3A_608 : memref<10240x8xf32, #tpu.memory_space<vmem_shared>>) target(%dma_start3A_602 : memref<80x8xf32, #tpu.memory_space<vmem>>) offsets(%dma_start3A_605 : memref<80xi32, #tpu.memory_space<vmem>>) semaphore(%arg12 : memref<!tpu.dma_semaphore, #tpu.memory_space<semaphore_mem>>)
      } else {
      }
      %ge3A_523 = arith.constant 1 : i32
      %ge3A_524 = arith.cmpi sge, %scan3A_507, %ge3A_523 : i32
      %le3A = arith.constant 25 : i32
      %le3A_525 = arith.cmpi sle, %scan3A_507, %le3A : i32
      %and3A = arith.andi %ge3A_524, %le3A_525 : i1
      %convert_element_type3A_526 = arith.extui %and3A : i1 to i32
      %cond3A_527 = arith.constant 0 : i32
      %cond3A_528 = arith.cmpi ne, %convert_element_type3A_526, %cond3A_527 : i32
      scf.if %cond3A_528 {
        %sub3A = arith.constant 1 : i32
        %sub3A_529 = arith.subi %scan3A_507, %sub3A : i32
        %mul3A_530 = arith.constant 5 : i32
        %mul3A_531 = arith.muli %sub3A_529, %mul3A_530 : i32
        %add3A_532 = arith.constant 0 : i32
        %add3A_533 = arith.addi %mul3A_531, %add3A_532 : i32
        %add3A_534 = arith.constant 0 : i32
        %add3A_535 = arith.addi %mul3A_516, %add3A_534 : i32
        %dma_wait3A_536 = arith.constant 0 : i32
        %dma_wait3A_537 = arith.constant 0 : i32
        %dma_wait3A_538 = tpu.memref_slice %arg7[%add3A_535, %dma_wait3A_536, %dma_wait3A_537] : memref<10x80x8xf32, #tpu.memory_space<vmem>> -> memref<1x80x8xf32, #tpu.memory_space<vmem>>
        %dma_wait3A_539 = tpu.memref_squeeze %dma_wait3A_538 : memref<1x80x8xf32, #tpu.memory_space<vmem>> -> memref<80x8xf32, #tpu.memory_space<vmem>>
        %dma_wait3A_540 = arith.constant 0 : i32
        %dma_wait3A_541 = tpu.memref_slice %arg5[%add3A_533, %dma_wait3A_540] : memref<125x80xi32, #tpu.memory_space<vmem>> -> memref<1x80xi32, #tpu.memory_space<vmem>>
        %dma_wait3A_542 = tpu.memref_squeeze %dma_wait3A_541 : memref<1x80xi32, #tpu.memory_space<vmem>> -> memref<80xi32, #tpu.memory_space<vmem>>
        %dma_wait3A_543 = arith.constant 0 : i32
        %dma_wait3A_544 = arith.constant 0 : i32
        %dma_wait3A_545 = tpu.memref_slice %arg9[%dma_wait3A_543, %dma_wait3A_544] : memref<10240x8xf32, #tpu.memory_space<vmem_shared>> -> memref<10240x8xf32, #tpu.memory_space<vmem_shared>>
        tpu.wait_indirect_dma semaphore(%arg12 : memref<!tpu.dma_semaphore, #tpu.memory_space<semaphore_mem>>) src(%dma_wait3A_545 : memref<10240x8xf32, #tpu.memory_space<vmem_shared>>) dst(%dma_wait3A_539 : memref<80x8xf32, #tpu.memory_space<vmem>>)
        %sub3A_546 = arith.constant 1 : i32
        %sub3A_547 = arith.subi %scan3A_507, %sub3A_546 : i32
        %mul3A_548 = arith.constant 5 : i32
        %mul3A_549 = arith.muli %sub3A_547, %mul3A_548 : i32
        %add3A_550 = arith.constant 1 : i32
        %add3A_551 = arith.addi %mul3A_549, %add3A_550 : i32
        %add3A_552 = arith.constant 1 : i32
        %add3A_553 = arith.addi %mul3A_516, %add3A_552 : i32
        %dma_wait3A_554 = arith.constant 0 : i32
        %dma_wait3A_555 = arith.constant 0 : i32
        %dma_wait3A_556 = tpu.memref_slice %arg7[%add3A_553, %dma_wait3A_554, %dma_wait3A_555] : memref<10x80x8xf32, #tpu.memory_space<vmem>> -> memref<1x80x8xf32, #tpu.memory_space<vmem>>
        %dma_wait3A_557 = tpu.memref_squeeze %dma_wait3A_556 : memref<1x80x8xf32, #tpu.memory_space<vmem>> -> memref<80x8xf32, #tpu.memory_space<vmem>>
        %dma_wait3A_558 = arith.constant 0 : i32
        %dma_wait3A_559 = tpu.memref_slice %arg5[%add3A_551, %dma_wait3A_558] : memref<125x80xi32, #tpu.memory_space<vmem>> -> memref<1x80xi32, #tpu.memory_space<vmem>>
        %dma_wait3A_560 = tpu.memref_squeeze %dma_wait3A_559 : memref<1x80xi32, #tpu.memory_space<vmem>> -> memref<80xi32, #tpu.memory_space<vmem>>
        %dma_wait3A_561 = arith.constant 0 : i32
        %dma_wait3A_562 = arith.constant 0 : i32
        %dma_wait3A_563 = tpu.memref_slice %arg9[%dma_wait3A_561, %dma_wait3A_562] : memref<10240x8xf32, #tpu.memory_space<vmem_shared>> -> memref<10240x8xf32, #tpu.memory_space<vmem_shared>>
        tpu.wait_indirect_dma semaphore(%arg12 : memref<!tpu.dma_semaphore, #tpu.memory_space<semaphore_mem>>) src(%dma_wait3A_563 : memref<10240x8xf32, #tpu.memory_space<vmem_shared>>) dst(%dma_wait3A_557 : memref<80x8xf32, #tpu.memory_space<vmem>>)
        %sub3A_564 = arith.constant 1 : i32
        %sub3A_565 = arith.subi %scan3A_507, %sub3A_564 : i32
        %mul3A_566 = arith.constant 5 : i32
        %mul3A_567 = arith.muli %sub3A_565, %mul3A_566 : i32
        %add3A_568 = arith.constant 2 : i32
        %add3A_569 = arith.addi %mul3A_567, %add3A_568 : i32
        %add3A_570 = arith.constant 2 : i32
        %add3A_571 = arith.addi %mul3A_516, %add3A_570 : i32
        %dma_wait3A_572 = arith.constant 0 : i32
        %dma_wait3A_573 = arith.constant 0 : i32
        %dma_wait3A_574 = tpu.memref_slice %arg7[%add3A_571, %dma_wait3A_572, %dma_wait3A_573] : memref<10x80x8xf32, #tpu.memory_space<vmem>> -> memref<1x80x8xf32, #tpu.memory_space<vmem>>
        %dma_wait3A_575 = tpu.memref_squeeze %dma_wait3A_574 : memref<1x80x8xf32, #tpu.memory_space<vmem>> -> memref<80x8xf32, #tpu.memory_space<vmem>>
        %dma_wait3A_576 = arith.constant 0 : i32
        %dma_wait3A_577 = tpu.memref_slice %arg5[%add3A_569, %dma_wait3A_576] : memref<125x80xi32, #tpu.memory_space<vmem>> -> memref<1x80xi32, #tpu.memory_space<vmem>>
        %dma_wait3A_578 = tpu.memref_squeeze %dma_wait3A_577 : memref<1x80xi32, #tpu.memory_space<vmem>> -> memref<80xi32, #tpu.memory_space<vmem>>
        %dma_wait3A_579 = arith.constant 0 : i32
        %dma_wait3A_580 = arith.constant 0 : i32
        %dma_wait3A_581 = tpu.memref_slice %arg9[%dma_wait3A_579, %dma_wait3A_580] : memref<10240x8xf32, #tpu.memory_space<vmem_shared>> -> memref<10240x8xf32, #tpu.memory_space<vmem_shared>>
        tpu.wait_indirect_dma semaphore(%arg12 : memref<!tpu.dma_semaphore, #tpu.memory_space<semaphore_mem>>) src(%dma_wait3A_581 : memref<10240x8xf32, #tpu.memory_space<vmem_shared>>) dst(%dma_wait3A_575 : memref<80x8xf32, #tpu.memory_space<vmem>>)
        %sub3A_582 = arith.constant 1 : i32
        %sub3A_583 = arith.subi %scan3A_507, %sub3A_582 : i32
        %mul3A_584 = arith.constant 5 : i32
        %mul3A_585 = arith.muli %sub3A_583, %mul3A_584 : i32
        %add3A_586 = arith.constant 3 : i32
        %add3A_587 = arith.addi %mul3A_585, %add3A_586 : i32
        %add3A_588 = arith.constant 3 : i32
        %add3A_589 = arith.addi %mul3A_516, %add3A_588 : i32
        %dma_wait3A_590 = arith.constant 0 : i32
        %dma_wait3A_591 = arith.constant 0 : i32
        %dma_wait3A_592 = tpu.memref_slice %arg7[%add3A_589, %dma_wait3A_590, %dma_wait3A_591] : memref<10x80x8xf32, #tpu.memory_space<vmem>> -> memref<1x80x8xf32, #tpu.memory_space<vmem>>
        %dma_wait3A_593 = tpu.memref_squeeze %dma_wait3A_592 : memref<1x80x8xf32, #tpu.memory_space<vmem>> -> memref<80x8xf32, #tpu.memory_space<vmem>>
        %dma_wait3A_594 = arith.constant 0 : i32
        %dma_wait3A_595 = tpu.memref_slice %arg5[%add3A_587, %dma_wait3A_594] : memref<125x80xi32, #tpu.memory_space<vmem>> -> memref<1x80xi32, #tpu.memory_space<vmem>>
        %dma_wait3A_596 = tpu.memref_squeeze %dma_wait3A_595 : memref<1x80xi32, #tpu.memory_space<vmem>> -> memref<80xi32, #tpu.memory_space<vmem>>
        %dma_wait3A_597 = arith.constant 0 : i32
        %dma_wait3A_598 = arith.constant 0 : i32
        %dma_wait3A_599 = tpu.memref_slice %arg9[%dma_wait3A_597, %dma_wait3A_598] : memref<10240x8xf32, #tpu.memory_space<vmem_shared>> -> memref<10240x8xf32, #tpu.memory_space<vmem_shared>>
        tpu.wait_indirect_dma semaphore(%arg12 : memref<!tpu.dma_semaphore, #tpu.memory_space<semaphore_mem>>) src(%dma_wait3A_599 : memref<10240x8xf32, #tpu.memory_space<vmem_shared>>) dst(%dma_wait3A_593 : memref<80x8xf32, #tpu.memory_space<vmem>>)
        %sub3A_600 = arith.constant 1 : i32
        %sub3A_601 = arith.subi %scan3A_507, %sub3A_600 : i32
        %mul3A_602 = arith.constant 5 : i32
        %mul3A_603 = arith.muli %sub3A_601, %mul3A_602 : i32
        %add3A_604 = arith.constant 4 : i32
        %add3A_605 = arith.addi %mul3A_603, %add3A_604 : i32
        %add3A_606 = arith.constant 4 : i32
        %add3A_607 = arith.addi %mul3A_516, %add3A_606 : i32
        %dma_wait3A_608 = arith.constant 0 : i32
        %dma_wait3A_609 = arith.constant 0 : i32
        %dma_wait3A_610 = tpu.memref_slice %arg7[%add3A_607, %dma_wait3A_608, %dma_wait3A_609] : memref<10x80x8xf32, #tpu.memory_space<vmem>> -> memref<1x80x8xf32, #tpu.memory_space<vmem>>
        %dma_wait3A_611 = tpu.memref_squeeze %dma_wait3A_610 : memref<1x80x8xf32, #tpu.memory_space<vmem>> -> memref<80x8xf32, #tpu.memory_space<vmem>>
        %dma_wait3A_612 = arith.constant 0 : i32
        %dma_wait3A_613 = tpu.memref_slice %arg5[%add3A_605, %dma_wait3A_612] : memref<125x80xi32, #tpu.memory_space<vmem>> -> memref<1x80xi32, #tpu.memory_space<vmem>>
        %dma_wait3A_614 = tpu.memref_squeeze %dma_wait3A_613 : memref<1x80xi32, #tpu.memory_space<vmem>> -> memref<80xi32, #tpu.memory_space<vmem>>
        %dma_wait3A_615 = arith.constant 0 : i32
        %dma_wait3A_616 = arith.constant 0 : i32
        %dma_wait3A_617 = tpu.memref_slice %arg9[%dma_wait3A_615, %dma_wait3A_616] : memref<10240x8xf32, #tpu.memory_space<vmem_shared>> -> memref<10240x8xf32, #tpu.memory_space<vmem_shared>>
        tpu.wait_indirect_dma semaphore(%arg12 : memref<!tpu.dma_semaphore, #tpu.memory_space<semaphore_mem>>) src(%dma_wait3A_617 : memref<10240x8xf32, #tpu.memory_space<vmem_shared>>) dst(%dma_wait3A_611 : memref<80x8xf32, #tpu.memory_space<vmem>>)
        %sub3A_618 = arith.constant 1 : i32
        %sub3A_619 = arith.subi %scan3A_507, %sub3A_618 : i32
        %mul3A_620 = arith.constant 5 : i32
        %mul3A_621 = arith.muli %sub3A_619, %mul3A_620 : i32
        %add3A_622 = arith.constant 0 : i32
        %add3A_623 = arith.addi %mul3A_621, %add3A_622 : i32
        %add3A_624 = arith.constant 0 : i32
        %add3A_625 = arith.addi %mul3A_516, %add3A_624 : i32
        %dma_start3A_626 = arith.constant 0 : i32
        %dma_start3A_627 = arith.constant 0 : i32
        %dma_start3A_628 = tpu.memref_slice %arg7[%add3A_625, %dma_start3A_626, %dma_start3A_627] : memref<10x80x8xf32, #tpu.memory_space<vmem>> -> memref<1x80x8xf32, #tpu.memory_space<vmem>>
        %dma_start3A_629 = tpu.memref_squeeze %dma_start3A_628 : memref<1x80x8xf32, #tpu.memory_space<vmem>> -> memref<80x8xf32, #tpu.memory_space<vmem>>
        %dma_start3A_630 = arith.constant 0 : i32
        %dma_start3A_631 = tpu.memref_slice %arg6[%add3A_623, %dma_start3A_630] : memref<125x80xi32, #tpu.memory_space<vmem>> -> memref<1x80xi32, #tpu.memory_space<vmem>>
        %dma_start3A_632 = tpu.memref_squeeze %dma_start3A_631 : memref<1x80xi32, #tpu.memory_space<vmem>> -> memref<80xi32, #tpu.memory_space<vmem>>
        %dma_start3A_633 = arith.constant 0 : i32
        %dma_start3A_634 = arith.constant 0 : i32
        %dma_start3A_635 = tpu.memref_slice %arg8[%dma_start3A_633, %dma_start3A_634] : memref<10240x8xf32, #tpu.memory_space<vmem_shared>> -> memref<10240x8xf32, #tpu.memory_space<vmem_shared>>
        tpu.enqueue_indirect_dma source(%dma_start3A_629 : memref<80x8xf32, #tpu.memory_space<vmem>>) target(%dma_start3A_635 : memref<10240x8xf32, #tpu.memory_space<vmem_shared>>) offsets(%dma_start3A_632 : memref<80xi32, #tpu.memory_space<vmem>>) semaphore(%arg13 : memref<!tpu.dma_semaphore, #tpu.memory_space<semaphore_mem>>) {add = true}
        %sub3A_636 = arith.constant 1 : i32
        %sub3A_637 = arith.subi %scan3A_507, %sub3A_636 : i32
        %mul3A_638 = arith.constant 5 : i32
        %mul3A_639 = arith.muli %sub3A_637, %mul3A_638 : i32
        %add3A_640 = arith.constant 1 : i32
        %add3A_641 = arith.addi %mul3A_639, %add3A_640 : i32
        %add3A_642 = arith.constant 1 : i32
        %add3A_643 = arith.addi %mul3A_516, %add3A_642 : i32
        %dma_start3A_644 = arith.constant 0 : i32
        %dma_start3A_645 = arith.constant 0 : i32
        %dma_start3A_646 = tpu.memref_slice %arg7[%add3A_643, %dma_start3A_644, %dma_start3A_645] : memref<10x80x8xf32, #tpu.memory_space<vmem>> -> memref<1x80x8xf32, #tpu.memory_space<vmem>>
        %dma_start3A_647 = tpu.memref_squeeze %dma_start3A_646 : memref<1x80x8xf32, #tpu.memory_space<vmem>> -> memref<80x8xf32, #tpu.memory_space<vmem>>
        %dma_start3A_648 = arith.constant 0 : i32
        %dma_start3A_649 = tpu.memref_slice %arg6[%add3A_641, %dma_start3A_648] : memref<125x80xi32, #tpu.memory_space<vmem>> -> memref<1x80xi32, #tpu.memory_space<vmem>>
        %dma_start3A_650 = tpu.memref_squeeze %dma_start3A_649 : memref<1x80xi32, #tpu.memory_space<vmem>> -> memref<80xi32, #tpu.memory_space<vmem>>
        %dma_start3A_651 = arith.constant 0 : i32
        %dma_start3A_652 = arith.constant 0 : i32
        %dma_start3A_653 = tpu.memref_slice %arg8[%dma_start3A_651, %dma_start3A_652] : memref<10240x8xf32, #tpu.memory_space<vmem_shared>> -> memref<10240x8xf32, #tpu.memory_space<vmem_shared>>
        tpu.enqueue_indirect_dma source(%dma_start3A_647 : memref<80x8xf32, #tpu.memory_space<vmem>>) target(%dma_start3A_653 : memref<10240x8xf32, #tpu.memory_space<vmem_shared>>) offsets(%dma_start3A_650 : memref<80xi32, #tpu.memory_space<vmem>>) semaphore(%arg13 : memref<!tpu.dma_semaphore, #tpu.memory_space<semaphore_mem>>) {add = true}
        %sub3A_654 = arith.constant 1 : i32
        %sub3A_655 = arith.subi %scan3A_507, %sub3A_654 : i32
        %mul3A_656 = arith.constant 5 : i32
        %mul3A_657 = arith.muli %sub3A_655, %mul3A_656 : i32
        %add3A_658 = arith.constant 2 : i32
        %add3A_659 = arith.addi %mul3A_657, %add3A_658 : i32
        %add3A_660 = arith.constant 2 : i32
        %add3A_661 = arith.addi %mul3A_516, %add3A_660 : i32
        %dma_start3A_662 = arith.constant 0 : i32
        %dma_start3A_663 = arith.constant 0 : i32
        %dma_start3A_664 = tpu.memref_slice %arg7[%add3A_661, %dma_start3A_662, %dma_start3A_663] : memref<10x80x8xf32, #tpu.memory_space<vmem>> -> memref<1x80x8xf32, #tpu.memory_space<vmem>>
        %dma_start3A_665 = tpu.memref_squeeze %dma_start3A_664 : memref<1x80x8xf32, #tpu.memory_space<vmem>> -> memref<80x8xf32, #tpu.memory_space<vmem>>
        %dma_start3A_666 = arith.constant 0 : i32
        %dma_start3A_667 = tpu.memref_slice %arg6[%add3A_659, %dma_start3A_666] : memref<125x80xi32, #tpu.memory_space<vmem>> -> memref<1x80xi32, #tpu.memory_space<vmem>>
        %dma_start3A_668 = tpu.memref_squeeze %dma_start3A_667 : memref<1x80xi32, #tpu.memory_space<vmem>> -> memref<80xi32, #tpu.memory_space<vmem>>
        %dma_start3A_669 = arith.constant 0 : i32
        %dma_start3A_670 = arith.constant 0 : i32
        %dma_start3A_671 = tpu.memref_slice %arg8[%dma_start3A_669, %dma_start3A_670] : memref<10240x8xf32, #tpu.memory_space<vmem_shared>> -> memref<10240x8xf32, #tpu.memory_space<vmem_shared>>
        tpu.enqueue_indirect_dma source(%dma_start3A_665 : memref<80x8xf32, #tpu.memory_space<vmem>>) target(%dma_start3A_671 : memref<10240x8xf32, #tpu.memory_space<vmem_shared>>) offsets(%dma_start3A_668 : memref<80xi32, #tpu.memory_space<vmem>>) semaphore(%arg13 : memref<!tpu.dma_semaphore, #tpu.memory_space<semaphore_mem>>) {add = true}
        %sub3A_672 = arith.constant 1 : i32
        %sub3A_673 = arith.subi %scan3A_507, %sub3A_672 : i32
        %mul3A_674 = arith.constant 5 : i32
        %mul3A_675 = arith.muli %sub3A_673, %mul3A_674 : i32
        %add3A_676 = arith.constant 3 : i32
        %add3A_677 = arith.addi %mul3A_675, %add3A_676 : i32
        %add3A_678 = arith.constant 3 : i32
        %add3A_679 = arith.addi %mul3A_516, %add3A_678 : i32
        %dma_start3A_680 = arith.constant 0 : i32
        %dma_start3A_681 = arith.constant 0 : i32
        %dma_start3A_682 = tpu.memref_slice %arg7[%add3A_679, %dma_start3A_680, %dma_start3A_681] : memref<10x80x8xf32, #tpu.memory_space<vmem>> -> memref<1x80x8xf32, #tpu.memory_space<vmem>>
        %dma_start3A_683 = tpu.memref_squeeze %dma_start3A_682 : memref<1x80x8xf32, #tpu.memory_space<vmem>> -> memref<80x8xf32, #tpu.memory_space<vmem>>
        %dma_start3A_684 = arith.constant 0 : i32
        %dma_start3A_685 = tpu.memref_slice %arg6[%add3A_677, %dma_start3A_684] : memref<125x80xi32, #tpu.memory_space<vmem>> -> memref<1x80xi32, #tpu.memory_space<vmem>>
        %dma_start3A_686 = tpu.memref_squeeze %dma_start3A_685 : memref<1x80xi32, #tpu.memory_space<vmem>> -> memref<80xi32, #tpu.memory_space<vmem>>
        %dma_start3A_687 = arith.constant 0 : i32
        %dma_start3A_688 = arith.constant 0 : i32
        %dma_start3A_689 = tpu.memref_slice %arg8[%dma_start3A_687, %dma_start3A_688] : memref<10240x8xf32, #tpu.memory_space<vmem_shared>> -> memref<10240x8xf32, #tpu.memory_space<vmem_shared>>
        tpu.enqueue_indirect_dma source(%dma_start3A_683 : memref<80x8xf32, #tpu.memory_space<vmem>>) target(%dma_start3A_689 : memref<10240x8xf32, #tpu.memory_space<vmem_shared>>) offsets(%dma_start3A_686 : memref<80xi32, #tpu.memory_space<vmem>>) semaphore(%arg13 : memref<!tpu.dma_semaphore, #tpu.memory_space<semaphore_mem>>) {add = true}
        %sub3A_690 = arith.constant 1 : i32
        %sub3A_691 = arith.subi %scan3A_507, %sub3A_690 : i32
        %mul3A_692 = arith.constant 5 : i32
        %mul3A_693 = arith.muli %sub3A_691, %mul3A_692 : i32
        %add3A_694 = arith.constant 4 : i32
        %add3A_695 = arith.addi %mul3A_693, %add3A_694 : i32
        %add3A_696 = arith.constant 4 : i32
        %add3A_697 = arith.addi %mul3A_516, %add3A_696 : i32
        %dma_start3A_698 = arith.constant 0 : i32
        %dma_start3A_699 = arith.constant 0 : i32
        %dma_start3A_700 = tpu.memref_slice %arg7[%add3A_697, %dma_start3A_698, %dma_start3A_699] : memref<10x80x8xf32, #tpu.memory_space<vmem>> -> memref<1x80x8xf32, #tpu.memory_space<vmem>>
        %dma_start3A_701 = tpu.memref_squeeze %dma_start3A_700 : memref<1x80x8xf32, #tpu.memory_space<vmem>> -> memref<80x8xf32, #tpu.memory_space<vmem>>
        %dma_start3A_702 = arith.constant 0 : i32
        %dma_start3A_703 = tpu.memref_slice %arg6[%add3A_695, %dma_start3A_702] : memref<125x80xi32, #tpu.memory_space<vmem>> -> memref<1x80xi32, #tpu.memory_space<vmem>>
        %dma_start3A_704 = tpu.memref_squeeze %dma_start3A_703 : memref<1x80xi32, #tpu.memory_space<vmem>> -> memref<80xi32, #tpu.memory_space<vmem>>
        %dma_start3A_705 = arith.constant 0 : i32
        %dma_start3A_706 = arith.constant 0 : i32
        %dma_start3A_707 = tpu.memref_slice %arg8[%dma_start3A_705, %dma_start3A_706] : memref<10240x8xf32, #tpu.memory_space<vmem_shared>> -> memref<10240x8xf32, #tpu.memory_space<vmem_shared>>
        tpu.enqueue_indirect_dma source(%dma_start3A_701 : memref<80x8xf32, #tpu.memory_space<vmem>>) target(%dma_start3A_707 : memref<10240x8xf32, #tpu.memory_space<vmem_shared>>) offsets(%dma_start3A_704 : memref<80xi32, #tpu.memory_space<vmem>>) semaphore(%arg13 : memref<!tpu.dma_semaphore, #tpu.memory_space<semaphore_mem>>) {add = true}
      } else {
      }
    }
    %scan3A_273 = arith.constant 27 : i32
    %barrier3A_274 = arith.constant 0 : index
    tpu.barrier barrier_id(%barrier3A_274)
    %mul3A_275 = arith.constant 640 : i32
    %mul3A_276 = arith.muli %arg1, %mul3A_275 : i32
    "tpu.region"() ({
      %run_scoped3A = tpu.sem_alloc : memref<!tpu.dma_semaphore, #tpu.memory_space<semaphore_mem>>
      %dma_start3A_507 = arith.constant 0 : i32
      %dma_start3A_508 = tpu.memref_slice %arg8[%mul3A_276, %dma_start3A_507] : memref<10240x8xf32, #tpu.memory_space<vmem_shared>> -> memref<640x8xf32, #tpu.memory_space<vmem_shared>>
      %dma_start3A_509 = arith.constant 0 : i32
      %dma_start3A_510 = tpu.memref_slice %arg8[%mul3A_276, %dma_start3A_509] : memref<10240x8xf32, #tpu.memory_space<vmem_shared>> -> memref<640x8xf32, #tpu.memory_space<vmem_shared>>
      tpu.enqueue_dma source(%dma_start3A_510 : memref<640x8xf32, #tpu.memory_space<vmem_shared>>) target(%arg11 : memref<640x8xf32, #tpu.memory_space<vmem>>) target_semaphore(%run_scoped3A : memref<!tpu.dma_semaphore, #tpu.memory_space<semaphore_mem>>)
      %dma_wait3A_511 = arith.constant 0 : i32
      %dma_wait3A_512 = tpu.memref_slice %arg8[%mul3A_276, %dma_wait3A_511] : memref<10240x8xf32, #tpu.memory_space<vmem_shared>> -> memref<640x8xf32, #tpu.memory_space<vmem_shared>>
      %dma_wait3A_513 = arith.constant 0 : i32
      %dma_wait3A_514 = tpu.memref_slice %arg8[%mul3A_276, %dma_wait3A_513] : memref<10240x8xf32, #tpu.memory_space<vmem_shared>> -> memref<640x8xf32, #tpu.memory_space<vmem_shared>>
      tpu.wait_dma2 semaphore(%run_scoped3A : memref<!tpu.dma_semaphore, #tpu.memory_space<semaphore_mem>>) src(%dma_wait3A_514 : memref<640x8xf32, #tpu.memory_space<vmem_shared>>) dst(%arg11 : memref<640x8xf32, #tpu.memory_space<vmem>>)
      tpu.yield
    }) : () -> ()
    %scan3A_277 = arith.constant 0 : i32
    %scan3A_278 = arith.constant 0 : i32
    %scan3A_279 = arith.constant 40 : i32
    %scan3A_280 = arith.addi %scan3A_278, %scan3A_279 : i32
    %scan3A_281 = arith.constant 1 : i32
    scf.for %scan3A_507 = %scan3A_278 to %scan3A_280 step %scan3A_281  : i32 {
      %mul3A_508 = arith.constant 16 : i32
      %mul3A_509 = arith.muli %scan3A_507, %mul3A_508 : i32
      %add3A_510 = vector.broadcast %mul3A_509 : i32 to vector<16xi32>
      %add3A_511 = arith.addi %add3A_510, %iota3A : vector<16xi32>
      %broadcast_in_dim3A = arith.constant 0 : i32
      %broadcast_in_dim3A_512 = vector.broadcast %broadcast_in_dim3A : i32 to vector<16xi32>
      %gather3A = tpu.vector_load_idx %arg11[%add3A_511, %broadcast_in_dim3A_512] : memref<640x8xf32, #tpu.memory_space<vmem>>[vector<16xi32>, vector<16xi32>], vector<16xf32>,
      %swap3A = arith.constant 0 : i32
      %swap3A_513 = arith.index_cast %swap3A : i32 to index
      %swap3A_514 = arith.index_cast %mul3A_509 : i32 to index
      %swap3A_515 = tpu.vector_load %arg10[%swap3A_513, %swap3A_514] {strides = array<i32>} : memref<8x640xf32, #tpu.memory_space<vmem>>, vector<16xf32>,
      tpu.vector_store %arg10[%swap3A_513, %swap3A_514], %gather3A {strides = array<i32>} : memref<8x640xf32, #tpu.memory_space<vmem>>, vector<16xf32>,
      %broadcast_in_dim3A_516 = arith.constant 1 : i32
      %broadcast_in_dim3A_517 = vector.broadcast %broadcast_in_dim3A_516 : i32 to vector<16xi32>
      %gather3A_518 = tpu.vector_load_idx %arg11[%add3A_511, %broadcast_in_dim3A_517] : memref<640x8xf32, #tpu.memory_space<vmem>>[vector<16xi32>, vector<16xi32>], vector<16xf32>,
      %swap3A_519 = arith.constant 1 : i32
      %swap3A_520 = arith.index_cast %swap3A_519 : i32 to index
      %swap3A_521 = arith.index_cast %mul3A_509 : i32 to index
      %swap3A_522 = tpu.vector_load %arg10[%swap3A_520, %swap3A_521] {strides = array<i32>} : memref<8x640xf32, #tpu.memory_space<vmem>>, vector<16xf32>,
      tpu.vector_store %arg10[%swap3A_520, %swap3A_521], %gather3A_518 {strides = array<i32>} : memref<8x640xf32, #tpu.memory_space<vmem>>, vector<16xf32>,
      %broadcast_in_dim3A_523 = arith.constant 2 : i32
      %broadcast_in_dim3A_524 = vector.broadcast %broadcast_in_dim3A_523 : i32 to vector<16xi32>
      %gather3A_525 = tpu.vector_load_idx %arg11[%add3A_511, %broadcast_in_dim3A_524] : memref<640x8xf32, #tpu.memory_space<vmem>>[vector<16xi32>, vector<16xi32>], vector<16xf32>,
      %swap3A_526 = arith.constant 2 : i32
      %swap3A_527 = arith.index_cast %swap3A_526 : i32 to index
      %swap3A_528 = arith.index_cast %mul3A_509 : i32 to index
      %swap3A_529 = tpu.vector_load %arg10[%swap3A_527, %swap3A_528] {strides = array<i32>} : memref<8x640xf32, #tpu.memory_space<vmem>>, vector<16xf32>,
      tpu.vector_store %arg10[%swap3A_527, %swap3A_528], %gather3A_525 {strides = array<i32>} : memref<8x640xf32, #tpu.memory_space<vmem>>, vector<16xf32>,
      %broadcast_in_dim3A_530 = arith.constant 3 : i32
      %broadcast_in_dim3A_531 = vector.broadcast %broadcast_in_dim3A_530 : i32 to vector<16xi32>
      %gather3A_532 = tpu.vector_load_idx %arg11[%add3A_511, %broadcast_in_dim3A_531] : memref<640x8xf32, #tpu.memory_space<vmem>>[vector<16xi32>, vector<16xi32>], vector<16xf32>,
      %swap3A_533 = arith.constant 3 : i32
      %swap3A_534 = arith.index_cast %swap3A_533 : i32 to index
      %swap3A_535 = arith.index_cast %mul3A_509 : i32 to index
      %swap3A_536 = tpu.vector_load %arg10[%swap3A_534, %swap3A_535] {strides = array<i32>} : memref<8x640xf32, #tpu.memory_space<vmem>>, vector<16xf32>,
      tpu.vector_store %arg10[%swap3A_534, %swap3A_535], %gather3A_532 {strides = array<i32>} : memref<8x640xf32, #tpu.memory_space<vmem>>, vector<16xf32>,
      %broadcast_in_dim3A_537 = arith.constant 4 : i32
      %broadcast_in_dim3A_538 = vector.broadcast %broadcast_in_dim3A_537 : i32 to vector<16xi32>
      %gather3A_539 = tpu.vector_load_idx %arg11[%add3A_511, %broadcast_in_dim3A_538] : memref<640x8xf32, #tpu.memory_space<vmem>>[vector<16xi32>, vector<16xi32>], vector<16xf32>,
      %swap3A_540 = arith.constant 4 : i32
      %swap3A_541 = arith.index_cast %swap3A_540 : i32 to index
      %swap3A_542 = arith.index_cast %mul3A_509 : i32 to index
      %swap3A_543 = tpu.vector_load %arg10[%swap3A_541, %swap3A_542] {strides = array<i32>} : memref<8x640xf32, #tpu.memory_space<vmem>>, vector<16xf32>,
      tpu.vector_store %arg10[%swap3A_541, %swap3A_542], %gather3A_539 {strides = array<i32>} : memref<8x640xf32, #tpu.memory_space<vmem>>, vector<16xf32>,
      %broadcast_in_dim3A_544 = arith.constant 5 : i32
      %broadcast_in_dim3A_545 = vector.broadcast %broadcast_in_dim3A_544 : i32 to vector<16xi32>
      %gather3A_546 = tpu.vector_load_idx %arg11[%add3A_511, %broadcast_in_dim3A_545] : memref<640x8xf32, #tpu.memory_space<vmem>>[vector<16xi32>, vector<16xi32>], vector<16xf32>,
      %swap3A_547 = arith.constant 5 : i32
      %swap3A_548 = arith.index_cast %swap3A_547 : i32 to index
      %swap3A_549 = arith.index_cast %mul3A_509 : i32 to index
      %swap3A_550 = tpu.vector_load %arg10[%swap3A_548, %swap3A_549] {strides = array<i32>} : memref<8x640xf32, #tpu.memory_space<vmem>>, vector<16xf32>,
      tpu.vector_store %arg10[%swap3A_548, %swap3A_549], %gather3A_546 {strides = array<i32>} : memref<8x640xf32, #tpu.memory_space<vmem>>, vector<16xf32>,
      %broadcast_in_dim3A_551 = arith.constant 6 : i32
      %broadcast_in_dim3A_552 = vector.broadcast %broadcast_in_dim3A_551 : i32 to vector<16xi32>
      %gather3A_553 = tpu.vector_load_idx %arg11[%add3A_511, %broadcast_in_dim3A_552] : memref<640x8xf32, #tpu.memory_space<vmem>>[vector<16xi32>, vector<16xi32>], vector<16xf32>,
      %swap3A_554 = arith.constant 6 : i32
      %swap3A_555 = arith.index_cast %swap3A_554 : i32 to index
      %swap3A_556 = arith.index_cast %mul3A_509 : i32 to index
      %swap3A_557 = tpu.vector_load %arg10[%swap3A_555, %swap3A_556] {strides = array<i32>} : memref<8x640xf32, #tpu.memory_space<vmem>>, vector<16xf32>,
      tpu.vector_store %arg10[%swap3A_555, %swap3A_556], %gather3A_553 {strides = array<i32>} : memref<8x640xf32, #tpu.memory_space<vmem>>, vector<16xf32>,
      %broadcast_in_dim3A_558 = arith.constant 7 : i32
      %broadcast_in_dim3A_559 = vector.broadcast %broadcast_in_dim3A_558 : i32 to vector<16xi32>
      %gather3A_560 = tpu.vector_load_idx %arg11[%add3A_511, %broadcast_in_dim3A_559] : memref<640x8xf32, #tpu.memory_space<vmem>>[vector<16xi32>, vector<16xi32>], vector<16xf32>,
      %swap3A_561 = arith.constant 7 : i32
      %swap3A_562 = arith.index_cast %swap3A_561 : i32 to index
      %swap3A_563 = arith.index_cast %mul3A_509 : i32 to index
      %swap3A_564 = tpu.vector_load %arg10[%swap3A_562, %swap3A_563] {strides = array<i32>} : memref<8x640xf32, #tpu.memory_space<vmem>>, vector<16xf32>,
      tpu.vector_store %arg10[%swap3A_562, %swap3A_563], %gather3A_560 {strides = array<i32>} : memref<8x640xf32, #tpu.memory_space<vmem>>, vector<16xf32>,
    }
    %scan3A_282 = arith.constant 40 : i32
    %mul3A_283 = arith.constant 640 : i32
    %mul3A_284 = arith.muli %arg1, %mul3A_283 : i32
    %dma_start3A_285 = arith.constant 0 : i32
    %dma_start3A_286 = arith.constant 0 : i32
    %dma_start3A_287 = arith.constant 0 : i32
    %dma_start3A_288 = tpu.memref_slice %arg10[%dma_start3A_285, %dma_start3A_287] : memref<8x640xf32, #tpu.memory_space<vmem>> -> memref<1x640xf32, #tpu.memory_space<vmem>>
    %dma_start3A_289 = tpu.memref_squeeze %dma_start3A_288 : memref<1x640xf32, #tpu.memory_space<vmem>> -> memref<640xf32, #tpu.memory_space<vmem>>
    %dma_start3A_290 = tpu.memref_slice %arg4[%arg0, %dma_start3A_286, %mul3A_284] : memref<2x8x10240xf32, #tpu.memory_space<hbm>> -> memref<1x1x640xf32, #tpu.memory_space<hbm>>
    %dma_start3A_291 = tpu.memref_squeeze %dma_start3A_290 : memref<1x1x640xf32, #tpu.memory_space<hbm>> -> memref<640xf32, #tpu.memory_space<hbm>>
    %dma_start3A_292 = tpu.memref_slice %arg4[%arg0, %dma_start3A_286, %mul3A_284] : memref<2x8x10240xf32, #tpu.memory_space<hbm>> -> memref<1x1x640xf32, #tpu.memory_space<hbm>>
    %dma_start3A_293 = tpu.memref_squeeze %dma_start3A_292 : memref<1x1x640xf32, #tpu.memory_space<hbm>> -> memref<640xf32, #tpu.memory_space<hbm>>
    %dma_start3A_294 = arith.constant 0 : i32
    %dma_start3A_295 = tpu.memref_slice %arg10[%dma_start3A_285, %dma_start3A_294] : memref<8x640xf32, #tpu.memory_space<vmem>> -> memref<1x640xf32, #tpu.memory_space<vmem>>
    %dma_start3A_296 = tpu.memref_squeeze %dma_start3A_295 : memref<1x640xf32, #tpu.memory_space<vmem>> -> memref<640xf32, #tpu.memory_space<vmem>>
    tpu.enqueue_dma source(%dma_start3A_296 : memref<640xf32, #tpu.memory_space<vmem>>) target(%dma_start3A_293 : memref<640xf32, #tpu.memory_space<hbm>>) target_semaphore(%arg12 : memref<!tpu.dma_semaphore, #tpu.memory_space<semaphore_mem>>)
    %mul3A_297 = arith.constant 640 : i32
    %mul3A_298 = arith.muli %arg1, %mul3A_297 : i32
    %dma_start3A_299 = arith.constant 1 : i32
    %dma_start3A_300 = arith.constant 1 : i32
    %dma_start3A_301 = arith.constant 0 : i32
    %dma_start3A_302 = tpu.memref_slice %arg10[%dma_start3A_299, %dma_start3A_301] : memref<8x640xf32, #tpu.memory_space<vmem>> -> memref<1x640xf32, #tpu.memory_space<vmem>>
    %dma_start3A_303 = tpu.memref_squeeze %dma_start3A_302 : memref<1x640xf32, #tpu.memory_space<vmem>> -> memref<640xf32, #tpu.memory_space<vmem>>
    %dma_start3A_304 = tpu.memref_slice %arg4[%arg0, %dma_start3A_300, %mul3A_298] : memref<2x8x10240xf32, #tpu.memory_space<hbm>> -> memref<1x1x640xf32, #tpu.memory_space<hbm>>
    %dma_start3A_305 = tpu.memref_squeeze %dma_start3A_304 : memref<1x1x640xf32, #tpu.memory_space<hbm>> -> memref<640xf32, #tpu.memory_space<hbm>>
    %dma_start3A_306 = tpu.memref_slice %arg4[%arg0, %dma_start3A_300, %mul3A_298] : memref<2x8x10240xf32, #tpu.memory_space<hbm>> -> memref<1x1x640xf32, #tpu.memory_space<hbm>>
    %dma_start3A_307 = tpu.memref_squeeze %dma_start3A_306 : memref<1x1x640xf32, #tpu.memory_space<hbm>> -> memref<640xf32, #tpu.memory_space<hbm>>
    %dma_start3A_308 = arith.constant 0 : i32
    %dma_start3A_309 = tpu.memref_slice %arg10[%dma_start3A_299, %dma_start3A_308] : memref<8x640xf32, #tpu.memory_space<vmem>> -> memref<1x640xf32, #tpu.memory_space<vmem>>
    %dma_start3A_310 = tpu.memref_squeeze %dma_start3A_309 : memref<1x640xf32, #tpu.memory_space<vmem>> -> memref<640xf32, #tpu.memory_space<vmem>>
    tpu.enqueue_dma source(%dma_start3A_310 : memref<640xf32, #tpu.memory_space<vmem>>) target(%dma_start3A_307 : memref<640xf32, #tpu.memory_space<hbm>>) target_semaphore(%arg12 : memref<!tpu.dma_semaphore, #tpu.memory_space<semaphore_mem>>)
    %mul3A_311 = arith.constant 640 : i32
    %mul3A_312 = arith.muli %arg1, %mul3A_311 : i32
    %dma_start3A_313 = arith.constant 2 : i32
    %dma_start3A_314 = arith.constant 2 : i32
    %dma_start3A_315 = arith.constant 0 : i32
    %dma_start3A_316 = tpu.memref_slice %arg10[%dma_start3A_313, %dma_start3A_315] : memref<8x640xf32, #tpu.memory_space<vmem>> -> memref<1x640xf32, #tpu.memory_space<vmem>>
    %dma_start3A_317 = tpu.memref_squeeze %dma_start3A_316 : memref<1x640xf32, #tpu.memory_space<vmem>> -> memref<640xf32, #tpu.memory_space<vmem>>
    %dma_start3A_318 = tpu.memref_slice %arg4[%arg0, %dma_start3A_314, %mul3A_312] : memref<2x8x10240xf32, #tpu.memory_space<hbm>> -> memref<1x1x640xf32, #tpu.memory_space<hbm>>
    %dma_start3A_319 = tpu.memref_squeeze %dma_start3A_318 : memref<1x1x640xf32, #tpu.memory_space<hbm>> -> memref<640xf32, #tpu.memory_space<hbm>>
    %dma_start3A_320 = tpu.memref_slice %arg4[%arg0, %dma_start3A_314, %mul3A_312] : memref<2x8x10240xf32, #tpu.memory_space<hbm>> -> memref<1x1x640xf32, #tpu.memory_space<hbm>>
    %dma_start3A_321 = tpu.memref_squeeze %dma_start3A_320 : memref<1x1x640xf32, #tpu.memory_space<hbm>> -> memref<640xf32, #tpu.memory_space<hbm>>
    %dma_start3A_322 = arith.constant 0 : i32
    %dma_start3A_323 = tpu.memref_slice %arg10[%dma_start3A_313, %dma_start3A_322] : memref<8x640xf32, #tpu.memory_space<vmem>> -> memref<1x640xf32, #tpu.memory_space<vmem>>
    %dma_start3A_324 = tpu.memref_squeeze %dma_start3A_323 : memref<1x640xf32, #tpu.memory_space<vmem>> -> memref<640xf32, #tpu.memory_space<vmem>>
    tpu.enqueue_dma source(%dma_start3A_324 : memref<640xf32, #tpu.memory_space<vmem>>) target(%dma_start3A_321 : memref<640xf32, #tpu.memory_space<hbm>>) target_semaphore(%arg12 : memref<!tpu.dma_semaphore, #tpu.memory_space<semaphore_mem>>)
    %mul3A_325 = arith.constant 640 : i32
    %mul3A_326 = arith.muli %arg1, %mul3A_325 : i32
    %dma_start3A_327 = arith.constant 3 : i32
    %dma_start3A_328 = arith.constant 3 : i32
    %dma_start3A_329 = arith.constant 0 : i32
    %dma_start3A_330 = tpu.memref_slice %arg10[%dma_start3A_327, %dma_start3A_329] : memref<8x640xf32, #tpu.memory_space<vmem>> -> memref<1x640xf32, #tpu.memory_space<vmem>>
    %dma_start3A_331 = tpu.memref_squeeze %dma_start3A_330 : memref<1x640xf32, #tpu.memory_space<vmem>> -> memref<640xf32, #tpu.memory_space<vmem>>
    %dma_start3A_332 = tpu.memref_slice %arg4[%arg0, %dma_start3A_328, %mul3A_326] : memref<2x8x10240xf32, #tpu.memory_space<hbm>> -> memref<1x1x640xf32, #tpu.memory_space<hbm>>
    %dma_start3A_333 = tpu.memref_squeeze %dma_start3A_332 : memref<1x1x640xf32, #tpu.memory_space<hbm>> -> memref<640xf32, #tpu.memory_space<hbm>>
    %dma_start3A_334 = tpu.memref_slice %arg4[%arg0, %dma_start3A_328, %mul3A_326] : memref<2x8x10240xf32, #tpu.memory_space<hbm>> -> memref<1x1x640xf32, #tpu.memory_space<hbm>>
    %dma_start3A_335 = tpu.memref_squeeze %dma_start3A_334 : memref<1x1x640xf32, #tpu.memory_space<hbm>> -> memref<640xf32, #tpu.memory_space<hbm>>
    %dma_start3A_336 = arith.constant 0 : i32
    %dma_start3A_337 = tpu.memref_slice %arg10[%dma_start3A_327, %dma_start3A_336] : memref<8x640xf32, #tpu.memory_space<vmem>> -> memref<1x640xf32, #tpu.memory_space<vmem>>
    %dma_start3A_338 = tpu.memref_squeeze %dma_start3A_337 : memref<1x640xf32, #tpu.memory_space<vmem>> -> memref<640xf32, #tpu.memory_space<vmem>>
    tpu.enqueue_dma source(%dma_start3A_338 : memref<640xf32, #tpu.memory_space<vmem>>) target(%dma_start3A_335 : memref<640xf32, #tpu.memory_space<hbm>>) target_semaphore(%arg12 : memref<!tpu.dma_semaphore, #tpu.memory_space<semaphore_mem>>)
    %mul3A_339 = arith.constant 640 : i32
    %mul3A_340 = arith.muli %arg1, %mul3A_339 : i32
    %dma_start3A_341 = arith.constant 4 : i32
    %dma_start3A_342 = arith.constant 4 : i32
    %dma_start3A_343 = arith.constant 0 : i32
    %dma_start3A_344 = tpu.memref_slice %arg10[%dma_start3A_341, %dma_start3A_343] : memref<8x640xf32, #tpu.memory_space<vmem>> -> memref<1x640xf32, #tpu.memory_space<vmem>>
    %dma_start3A_345 = tpu.memref_squeeze %dma_start3A_344 : memref<1x640xf32, #tpu.memory_space<vmem>> -> memref<640xf32, #tpu.memory_space<vmem>>
    %dma_start3A_346 = tpu.memref_slice %arg4[%arg0, %dma_start3A_342, %mul3A_340] : memref<2x8x10240xf32, #tpu.memory_space<hbm>> -> memref<1x1x640xf32, #tpu.memory_space<hbm>>
    %dma_start3A_347 = tpu.memref_squeeze %dma_start3A_346 : memref<1x1x640xf32, #tpu.memory_space<hbm>> -> memref<640xf32, #tpu.memory_space<hbm>>
    %dma_start3A_348 = tpu.memref_slice %arg4[%arg0, %dma_start3A_342, %mul3A_340] : memref<2x8x10240xf32, #tpu.memory_space<hbm>> -> memref<1x1x640xf32, #tpu.memory_space<hbm>>
    %dma_start3A_349 = tpu.memref_squeeze %dma_start3A_348 : memref<1x1x640xf32, #tpu.memory_space<hbm>> -> memref<640xf32, #tpu.memory_space<hbm>>
    %dma_start3A_350 = arith.constant 0 : i32
    %dma_start3A_351 = tpu.memref_slice %arg10[%dma_start3A_341, %dma_start3A_350] : memref<8x640xf32, #tpu.memory_space<vmem>> -> memref<1x640xf32, #tpu.memory_space<vmem>>
    %dma_start3A_352 = tpu.memref_squeeze %dma_start3A_351 : memref<1x640xf32, #tpu.memory_space<vmem>> -> memref<640xf32, #tpu.memory_space<vmem>>
    tpu.enqueue_dma source(%dma_start3A_352 : memref<640xf32, #tpu.memory_space<vmem>>) target(%dma_start3A_349 : memref<640xf32, #tpu.memory_space<hbm>>) target_semaphore(%arg12 : memref<!tpu.dma_semaphore, #tpu.memory_space<semaphore_mem>>)
    %mul3A_353 = arith.constant 640 : i32
    %mul3A_354 = arith.muli %arg1, %mul3A_353 : i32
    %dma_start3A_355 = arith.constant 5 : i32
    %dma_start3A_356 = arith.constant 5 : i32
    %dma_start3A_357 = arith.constant 0 : i32
    %dma_start3A_358 = tpu.memref_slice %arg10[%dma_start3A_355, %dma_start3A_357] : memref<8x640xf32, #tpu.memory_space<vmem>> -> memref<1x640xf32, #tpu.memory_space<vmem>>
    %dma_start3A_359 = tpu.memref_squeeze %dma_start3A_358 : memref<1x640xf32, #tpu.memory_space<vmem>> -> memref<640xf32, #tpu.memory_space<vmem>>
    %dma_start3A_360 = tpu.memref_slice %arg4[%arg0, %dma_start3A_356, %mul3A_354] : memref<2x8x10240xf32, #tpu.memory_space<hbm>> -> memref<1x1x640xf32, #tpu.memory_space<hbm>>
    %dma_start3A_361 = tpu.memref_squeeze %dma_start3A_360 : memref<1x1x640xf32, #tpu.memory_space<hbm>> -> memref<640xf32, #tpu.memory_space<hbm>>
    %dma_start3A_362 = tpu.memref_slice %arg4[%arg0, %dma_start3A_356, %mul3A_354] : memref<2x8x10240xf32, #tpu.memory_space<hbm>> -> memref<1x1x640xf32, #tpu.memory_space<hbm>>
    %dma_start3A_363 = tpu.memref_squeeze %dma_start3A_362 : memref<1x1x640xf32, #tpu.memory_space<hbm>> -> memref<640xf32, #tpu.memory_space<hbm>>
    %dma_start3A_364 = arith.constant 0 : i32
    %dma_start3A_365 = tpu.memref_slice %arg10[%dma_start3A_355, %dma_start3A_364] : memref<8x640xf32, #tpu.memory_space<vmem>> -> memref<1x640xf32, #tpu.memory_space<vmem>>
    %dma_start3A_366 = tpu.memref_squeeze %dma_start3A_365 : memref<1x640xf32, #tpu.memory_space<vmem>> -> memref<640xf32, #tpu.memory_space<vmem>>
    tpu.enqueue_dma source(%dma_start3A_366 : memref<640xf32, #tpu.memory_space<vmem>>) target(%dma_start3A_363 : memref<640xf32, #tpu.memory_space<hbm>>) target_semaphore(%arg12 : memref<!tpu.dma_semaphore, #tpu.memory_space<semaphore_mem>>)
    %mul3A_367 = arith.constant 640 : i32
    %mul3A_368 = arith.muli %arg1, %mul3A_367 : i32
    %dma_start3A_369 = arith.constant 6 : i32
    %dma_start3A_370 = arith.constant 6 : i32
    %dma_start3A_371 = arith.constant 0 : i32
    %dma_start3A_372 = tpu.memref_slice %arg10[%dma_start3A_369, %dma_start3A_371] : memref<8x640xf32, #tpu.memory_space<vmem>> -> memref<1x640xf32, #tpu.memory_space<vmem>>
    %dma_start3A_373 = tpu.memref_squeeze %dma_start3A_372 : memref<1x640xf32, #tpu.memory_space<vmem>> -> memref<640xf32, #tpu.memory_space<vmem>>
    %dma_start3A_374 = tpu.memref_slice %arg4[%arg0, %dma_start3A_370, %mul3A_368] : memref<2x8x10240xf32, #tpu.memory_space<hbm>> -> memref<1x1x640xf32, #tpu.memory_space<hbm>>
    %dma_start3A_375 = tpu.memref_squeeze %dma_start3A_374 : memref<1x1x640xf32, #tpu.memory_space<hbm>> -> memref<640xf32, #tpu.memory_space<hbm>>
    %dma_start3A_376 = tpu.memref_slice %arg4[%arg0, %dma_start3A_370, %mul3A_368] : memref<2x8x10240xf32, #tpu.memory_space<hbm>> -> memref<1x1x640xf32, #tpu.memory_space<hbm>>
    %dma_start3A_377 = tpu.memref_squeeze %dma_start3A_376 : memref<1x1x640xf32, #tpu.memory_space<hbm>> -> memref<640xf32, #tpu.memory_space<hbm>>
    %dma_start3A_378 = arith.constant 0 : i32
    %dma_start3A_379 = tpu.memref_slice %arg10[%dma_start3A_369, %dma_start3A_378] : memref<8x640xf32, #tpu.memory_space<vmem>> -> memref<1x640xf32, #tpu.memory_space<vmem>>
    %dma_start3A_380 = tpu.memref_squeeze %dma_start3A_379 : memref<1x640xf32, #tpu.memory_space<vmem>> -> memref<640xf32, #tpu.memory_space<vmem>>
    tpu.enqueue_dma source(%dma_start3A_380 : memref<640xf32, #tpu.memory_space<vmem>>) target(%dma_start3A_377 : memref<640xf32, #tpu.memory_space<hbm>>) target_semaphore(%arg12 : memref<!tpu.dma_semaphore, #tpu.memory_space<semaphore_mem>>)
    %mul3A_381 = arith.constant 640 : i32
    %mul3A_382 = arith.muli %arg1, %mul3A_381 : i32
    %dma_start3A_383 = arith.constant 7 : i32
    %dma_start3A_384 = arith.constant 7 : i32
    %dma_start3A_385 = arith.constant 0 : i32
    %dma_start3A_386 = tpu.memref_slice %arg10[%dma_start3A_383, %dma_start3A_385] : memref<8x640xf32, #tpu.memory_space<vmem>> -> memref<1x640xf32, #tpu.memory_space<vmem>>
    %dma_start3A_387 = tpu.memref_squeeze %dma_start3A_386 : memref<1x640xf32, #tpu.memory_space<vmem>> -> memref<640xf32, #tpu.memory_space<vmem>>
    %dma_start3A_388 = tpu.memref_slice %arg4[%arg0, %dma_start3A_384, %mul3A_382] : memref<2x8x10240xf32, #tpu.memory_space<hbm>> -> memref<1x1x640xf32, #tpu.memory_space<hbm>>
    %dma_start3A_389 = tpu.memref_squeeze %dma_start3A_388 : memref<1x1x640xf32, #tpu.memory_space<hbm>> -> memref<640xf32, #tpu.memory_space<hbm>>
    %dma_start3A_390 = tpu.memref_slice %arg4[%arg0, %dma_start3A_384, %mul3A_382] : memref<2x8x10240xf32, #tpu.memory_space<hbm>> -> memref<1x1x640xf32, #tpu.memory_space<hbm>>
    %dma_start3A_391 = tpu.memref_squeeze %dma_start3A_390 : memref<1x1x640xf32, #tpu.memory_space<hbm>> -> memref<640xf32, #tpu.memory_space<hbm>>
    %dma_start3A_392 = arith.constant 0 : i32
    %dma_start3A_393 = tpu.memref_slice %arg10[%dma_start3A_383, %dma_start3A_392] : memref<8x640xf32, #tpu.memory_space<vmem>> -> memref<1x640xf32, #tpu.memory_space<vmem>>
    %dma_start3A_394 = tpu.memref_squeeze %dma_start3A_393 : memref<1x640xf32, #tpu.memory_space<vmem>> -> memref<640xf32, #tpu.memory_space<vmem>>
    tpu.enqueue_dma source(%dma_start3A_394 : memref<640xf32, #tpu.memory_space<vmem>>) target(%dma_start3A_391 : memref<640xf32, #tpu.memory_space<hbm>>) target_semaphore(%arg12 : memref<!tpu.dma_semaphore, #tpu.memory_space<semaphore_mem>>)
    %mul3A_395 = arith.constant 640 : i32
    %mul3A_396 = arith.muli %arg1, %mul3A_395 : i32
    %dma_wait3A_397 = arith.constant 0 : i32
    %dma_wait3A_398 = arith.constant 0 : i32
    %dma_wait3A_399 = arith.constant 0 : i32
    %dma_wait3A_400 = tpu.memref_slice %arg10[%dma_wait3A_397, %dma_wait3A_399] : memref<8x640xf32, #tpu.memory_space<vmem>> -> memref<1x640xf32, #tpu.memory_space<vmem>>
    %dma_wait3A_401 = tpu.memref_squeeze %dma_wait3A_400 : memref<1x640xf32, #tpu.memory_space<vmem>> -> memref<640xf32, #tpu.memory_space<vmem>>
    %dma_wait3A_402 = tpu.memref_slice %arg4[%arg0, %dma_wait3A_398, %mul3A_396] : memref<2x8x10240xf32, #tpu.memory_space<hbm>> -> memref<1x1x640xf32, #tpu.memory_space<hbm>>
    %dma_wait3A_403 = tpu.memref_squeeze %dma_wait3A_402 : memref<1x1x640xf32, #tpu.memory_space<hbm>> -> memref<640xf32, #tpu.memory_space<hbm>>
    %dma_wait3A_404 = tpu.memref_slice %arg4[%arg0, %dma_wait3A_398, %mul3A_396] : memref<2x8x10240xf32, #tpu.memory_space<hbm>> -> memref<1x1x640xf32, #tpu.memory_space<hbm>>
    %dma_wait3A_405 = tpu.memref_squeeze %dma_wait3A_404 : memref<1x1x640xf32, #tpu.memory_space<hbm>> -> memref<640xf32, #tpu.memory_space<hbm>>
    %dma_wait3A_406 = arith.constant 0 : i32
    %dma_wait3A_407 = tpu.memref_slice %arg10[%dma_wait3A_397, %dma_wait3A_406] : memref<8x640xf32, #tpu.memory_space<vmem>> -> memref<1x640xf32, #tpu.memory_space<vmem>>
    %dma_wait3A_408 = tpu.memref_squeeze %dma_wait3A_407 : memref<1x640xf32, #tpu.memory_space<vmem>> -> memref<640xf32, #tpu.memory_space<vmem>>
    tpu.wait_dma2 semaphore(%arg12 : memref<!tpu.dma_semaphore, #tpu.memory_space<semaphore_mem>>) src(%dma_wait3A_408 : memref<640xf32, #tpu.memory_space<vmem>>) dst(%dma_wait3A_405 : memref<640xf32, #tpu.memory_space<hbm>>)
    %mul3A_409 = arith.constant 640 : i32
    %mul3A_410 = arith.muli %arg1, %mul3A_409 : i32
    %dma_wait3A_411 = arith.constant 1 : i32
    %dma_wait3A_412 = arith.constant 1 : i32
    %dma_wait3A_413 = arith.constant 0 : i32
    %dma_wait3A_414 = tpu.memref_slice %arg10[%dma_wait3A_411, %dma_wait3A_413] : memref<8x640xf32, #tpu.memory_space<vmem>> -> memref<1x640xf32, #tpu.memory_space<vmem>>
    %dma_wait3A_415 = tpu.memref_squeeze %dma_wait3A_414 : memref<1x640xf32, #tpu.memory_space<vmem>> -> memref<640xf32, #tpu.memory_space<vmem>>
    %dma_wait3A_416 = tpu.memref_slice %arg4[%arg0, %dma_wait3A_412, %mul3A_410] : memref<2x8x10240xf32, #tpu.memory_space<hbm>> -> memref<1x1x640xf32, #tpu.memory_space<hbm>>
    %dma_wait3A_417 = tpu.memref_squeeze %dma_wait3A_416 : memref<1x1x640xf32, #tpu.memory_space<hbm>> -> memref<640xf32, #tpu.memory_space<hbm>>
    %dma_wait3A_418 = tpu.memref_slice %arg4[%arg0, %dma_wait3A_412, %mul3A_410] : memref<2x8x10240xf32, #tpu.memory_space<hbm>> -> memref<1x1x640xf32, #tpu.memory_space<hbm>>
    %dma_wait3A_419 = tpu.memref_squeeze %dma_wait3A_418 : memref<1x1x640xf32, #tpu.memory_space<hbm>> -> memref<640xf32, #tpu.memory_space<hbm>>
    %dma_wait3A_420 = arith.constant 0 : i32
    %dma_wait3A_421 = tpu.memref_slice %arg10[%dma_wait3A_411, %dma_wait3A_420] : memref<8x640xf32, #tpu.memory_space<vmem>> -> memref<1x640xf32, #tpu.memory_space<vmem>>
    %dma_wait3A_422 = tpu.memref_squeeze %dma_wait3A_421 : memref<1x640xf32, #tpu.memory_space<vmem>> -> memref<640xf32, #tpu.memory_space<vmem>>
    tpu.wait_dma2 semaphore(%arg12 : memref<!tpu.dma_semaphore, #tpu.memory_space<semaphore_mem>>) src(%dma_wait3A_422 : memref<640xf32, #tpu.memory_space<vmem>>) dst(%dma_wait3A_419 : memref<640xf32, #tpu.memory_space<hbm>>)
    %mul3A_423 = arith.constant 640 : i32
    %mul3A_424 = arith.muli %arg1, %mul3A_423 : i32
    %dma_wait3A_425 = arith.constant 2 : i32
    %dma_wait3A_426 = arith.constant 2 : i32
    %dma_wait3A_427 = arith.constant 0 : i32
    %dma_wait3A_428 = tpu.memref_slice %arg10[%dma_wait3A_425, %dma_wait3A_427] : memref<8x640xf32, #tpu.memory_space<vmem>> -> memref<1x640xf32, #tpu.memory_space<vmem>>
    %dma_wait3A_429 = tpu.memref_squeeze %dma_wait3A_428 : memref<1x640xf32, #tpu.memory_space<vmem>> -> memref<640xf32, #tpu.memory_space<vmem>>
    %dma_wait3A_430 = tpu.memref_slice %arg4[%arg0, %dma_wait3A_426, %mul3A_424] : memref<2x8x10240xf32, #tpu.memory_space<hbm>> -> memref<1x1x640xf32, #tpu.memory_space<hbm>>
    %dma_wait3A_431 = tpu.memref_squeeze %dma_wait3A_430 : memref<1x1x640xf32, #tpu.memory_space<hbm>> -> memref<640xf32, #tpu.memory_space<hbm>>
    %dma_wait3A_432 = tpu.memref_slice %arg4[%arg0, %dma_wait3A_426, %mul3A_424] : memref<2x8x10240xf32, #tpu.memory_space<hbm>> -> memref<1x1x640xf32, #tpu.memory_space<hbm>>
    %dma_wait3A_433 = tpu.memref_squeeze %dma_wait3A_432 : memref<1x1x640xf32, #tpu.memory_space<hbm>> -> memref<640xf32, #tpu.memory_space<hbm>>
    %dma_wait3A_434 = arith.constant 0 : i32
    %dma_wait3A_435 = tpu.memref_slice %arg10[%dma_wait3A_425, %dma_wait3A_434] : memref<8x640xf32, #tpu.memory_space<vmem>> -> memref<1x640xf32, #tpu.memory_space<vmem>>
    %dma_wait3A_436 = tpu.memref_squeeze %dma_wait3A_435 : memref<1x640xf32, #tpu.memory_space<vmem>> -> memref<640xf32, #tpu.memory_space<vmem>>
    tpu.wait_dma2 semaphore(%arg12 : memref<!tpu.dma_semaphore, #tpu.memory_space<semaphore_mem>>) src(%dma_wait3A_436 : memref<640xf32, #tpu.memory_space<vmem>>) dst(%dma_wait3A_433 : memref<640xf32, #tpu.memory_space<hbm>>)
    %mul3A_437 = arith.constant 640 : i32
    %mul3A_438 = arith.muli %arg1, %mul3A_437 : i32
    %dma_wait3A_439 = arith.constant 3 : i32
    %dma_wait3A_440 = arith.constant 3 : i32
    %dma_wait3A_441 = arith.constant 0 : i32
    %dma_wait3A_442 = tpu.memref_slice %arg10[%dma_wait3A_439, %dma_wait3A_441] : memref<8x640xf32, #tpu.memory_space<vmem>> -> memref<1x640xf32, #tpu.memory_space<vmem>>
    %dma_wait3A_443 = tpu.memref_squeeze %dma_wait3A_442 : memref<1x640xf32, #tpu.memory_space<vmem>> -> memref<640xf32, #tpu.memory_space<vmem>>
    %dma_wait3A_444 = tpu.memref_slice %arg4[%arg0, %dma_wait3A_440, %mul3A_438] : memref<2x8x10240xf32, #tpu.memory_space<hbm>> -> memref<1x1x640xf32, #tpu.memory_space<hbm>>
    %dma_wait3A_445 = tpu.memref_squeeze %dma_wait3A_444 : memref<1x1x640xf32, #tpu.memory_space<hbm>> -> memref<640xf32, #tpu.memory_space<hbm>>
    %dma_wait3A_446 = tpu.memref_slice %arg4[%arg0, %dma_wait3A_440, %mul3A_438] : memref<2x8x10240xf32, #tpu.memory_space<hbm>> -> memref<1x1x640xf32, #tpu.memory_space<hbm>>
    %dma_wait3A_447 = tpu.memref_squeeze %dma_wait3A_446 : memref<1x1x640xf32, #tpu.memory_space<hbm>> -> memref<640xf32, #tpu.memory_space<hbm>>
    %dma_wait3A_448 = arith.constant 0 : i32
    %dma_wait3A_449 = tpu.memref_slice %arg10[%dma_wait3A_439, %dma_wait3A_448] : memref<8x640xf32, #tpu.memory_space<vmem>> -> memref<1x640xf32, #tpu.memory_space<vmem>>
    %dma_wait3A_450 = tpu.memref_squeeze %dma_wait3A_449 : memref<1x640xf32, #tpu.memory_space<vmem>> -> memref<640xf32, #tpu.memory_space<vmem>>
    tpu.wait_dma2 semaphore(%arg12 : memref<!tpu.dma_semaphore, #tpu.memory_space<semaphore_mem>>) src(%dma_wait3A_450 : memref<640xf32, #tpu.memory_space<vmem>>) dst(%dma_wait3A_447 : memref<640xf32, #tpu.memory_space<hbm>>)
    %mul3A_451 = arith.constant 640 : i32
    %mul3A_452 = arith.muli %arg1, %mul3A_451 : i32
    %dma_wait3A_453 = arith.constant 4 : i32
    %dma_wait3A_454 = arith.constant 4 : i32
    %dma_wait3A_455 = arith.constant 0 : i32
    %dma_wait3A_456 = tpu.memref_slice %arg10[%dma_wait3A_453, %dma_wait3A_455] : memref<8x640xf32, #tpu.memory_space<vmem>> -> memref<1x640xf32, #tpu.memory_space<vmem>>
    %dma_wait3A_457 = tpu.memref_squeeze %dma_wait3A_456 : memref<1x640xf32, #tpu.memory_space<vmem>> -> memref<640xf32, #tpu.memory_space<vmem>>
    %dma_wait3A_458 = tpu.memref_slice %arg4[%arg0, %dma_wait3A_454, %mul3A_452] : memref<2x8x10240xf32, #tpu.memory_space<hbm>> -> memref<1x1x640xf32, #tpu.memory_space<hbm>>
    %dma_wait3A_459 = tpu.memref_squeeze %dma_wait3A_458 : memref<1x1x640xf32, #tpu.memory_space<hbm>> -> memref<640xf32, #tpu.memory_space<hbm>>
    %dma_wait3A_460 = tpu.memref_slice %arg4[%arg0, %dma_wait3A_454, %mul3A_452] : memref<2x8x10240xf32, #tpu.memory_space<hbm>> -> memref<1x1x640xf32, #tpu.memory_space<hbm>>
    %dma_wait3A_461 = tpu.memref_squeeze %dma_wait3A_460 : memref<1x1x640xf32, #tpu.memory_space<hbm>> -> memref<640xf32, #tpu.memory_space<hbm>>
    %dma_wait3A_462 = arith.constant 0 : i32
    %dma_wait3A_463 = tpu.memref_slice %arg10[%dma_wait3A_453, %dma_wait3A_462] : memref<8x640xf32, #tpu.memory_space<vmem>> -> memref<1x640xf32, #tpu.memory_space<vmem>>
    %dma_wait3A_464 = tpu.memref_squeeze %dma_wait3A_463 : memref<1x640xf32, #tpu.memory_space<vmem>> -> memref<640xf32, #tpu.memory_space<vmem>>
    tpu.wait_dma2 semaphore(%arg12 : memref<!tpu.dma_semaphore, #tpu.memory_space<semaphore_mem>>) src(%dma_wait3A_464 : memref<640xf32, #tpu.memory_space<vmem>>) dst(%dma_wait3A_461 : memref<640xf32, #tpu.memory_space<hbm>>)
    %mul3A_465 = arith.constant 640 : i32
    %mul3A_466 = arith.muli %arg1, %mul3A_465 : i32
    %dma_wait3A_467 = arith.constant 5 : i32
    %dma_wait3A_468 = arith.constant 5 : i32
    %dma_wait3A_469 = arith.constant 0 : i32
    %dma_wait3A_470 = tpu.memref_slice %arg10[%dma_wait3A_467, %dma_wait3A_469] : memref<8x640xf32, #tpu.memory_space<vmem>> -> memref<1x640xf32, #tpu.memory_space<vmem>>
    %dma_wait3A_471 = tpu.memref_squeeze %dma_wait3A_470 : memref<1x640xf32, #tpu.memory_space<vmem>> -> memref<640xf32, #tpu.memory_space<vmem>>
    %dma_wait3A_472 = tpu.memref_slice %arg4[%arg0, %dma_wait3A_468, %mul3A_466] : memref<2x8x10240xf32, #tpu.memory_space<hbm>> -> memref<1x1x640xf32, #tpu.memory_space<hbm>>
    %dma_wait3A_473 = tpu.memref_squeeze %dma_wait3A_472 : memref<1x1x640xf32, #tpu.memory_space<hbm>> -> memref<640xf32, #tpu.memory_space<hbm>>
    %dma_wait3A_474 = tpu.memref_slice %arg4[%arg0, %dma_wait3A_468, %mul3A_466] : memref<2x8x10240xf32, #tpu.memory_space<hbm>> -> memref<1x1x640xf32, #tpu.memory_space<hbm>>
    %dma_wait3A_475 = tpu.memref_squeeze %dma_wait3A_474 : memref<1x1x640xf32, #tpu.memory_space<hbm>> -> memref<640xf32, #tpu.memory_space<hbm>>
    %dma_wait3A_476 = arith.constant 0 : i32
    %dma_wait3A_477 = tpu.memref_slice %arg10[%dma_wait3A_467, %dma_wait3A_476] : memref<8x640xf32, #tpu.memory_space<vmem>> -> memref<1x640xf32, #tpu.memory_space<vmem>>
    %dma_wait3A_478 = tpu.memref_squeeze %dma_wait3A_477 : memref<1x640xf32, #tpu.memory_space<vmem>> -> memref<640xf32, #tpu.memory_space<vmem>>
    tpu.wait_dma2 semaphore(%arg12 : memref<!tpu.dma_semaphore, #tpu.memory_space<semaphore_mem>>) src(%dma_wait3A_478 : memref<640xf32, #tpu.memory_space<vmem>>) dst(%dma_wait3A_475 : memref<640xf32, #tpu.memory_space<hbm>>)
    %mul3A_479 = arith.constant 640 : i32
    %mul3A_480 = arith.muli %arg1, %mul3A_479 : i32
    %dma_wait3A_481 = arith.constant 6 : i32
    %dma_wait3A_482 = arith.constant 6 : i32
    %dma_wait3A_483 = arith.constant 0 : i32
    %dma_wait3A_484 = tpu.memref_slice %arg10[%dma_wait3A_481, %dma_wait3A_483] : memref<8x640xf32, #tpu.memory_space<vmem>> -> memref<1x640xf32, #tpu.memory_space<vmem>>
    %dma_wait3A_485 = tpu.memref_squeeze %dma_wait3A_484 : memref<1x640xf32, #tpu.memory_space<vmem>> -> memref<640xf32, #tpu.memory_space<vmem>>
    %dma_wait3A_486 = tpu.memref_slice %arg4[%arg0, %dma_wait3A_482, %mul3A_480] : memref<2x8x10240xf32, #tpu.memory_space<hbm>> -> memref<1x1x640xf32, #tpu.memory_space<hbm>>
    %dma_wait3A_487 = tpu.memref_squeeze %dma_wait3A_486 : memref<1x1x640xf32, #tpu.memory_space<hbm>> -> memref<640xf32, #tpu.memory_space<hbm>>
    %dma_wait3A_488 = tpu.memref_slice %arg4[%arg0, %dma_wait3A_482, %mul3A_480] : memref<2x8x10240xf32, #tpu.memory_space<hbm>> -> memref<1x1x640xf32, #tpu.memory_space<hbm>>
    %dma_wait3A_489 = tpu.memref_squeeze %dma_wait3A_488 : memref<1x1x640xf32, #tpu.memory_space<hbm>> -> memref<640xf32, #tpu.memory_space<hbm>>
    %dma_wait3A_490 = arith.constant 0 : i32
    %dma_wait3A_491 = tpu.memref_slice %arg10[%dma_wait3A_481, %dma_wait3A_490] : memref<8x640xf32, #tpu.memory_space<vmem>> -> memref<1x640xf32, #tpu.memory_space<vmem>>
    %dma_wait3A_492 = tpu.memref_squeeze %dma_wait3A_491 : memref<1x640xf32, #tpu.memory_space<vmem>> -> memref<640xf32, #tpu.memory_space<vmem>>
    tpu.wait_dma2 semaphore(%arg12 : memref<!tpu.dma_semaphore, #tpu.memory_space<semaphore_mem>>) src(%dma_wait3A_492 : memref<640xf32, #tpu.memory_space<vmem>>) dst(%dma_wait3A_489 : memref<640xf32, #tpu.memory_space<hbm>>)
    %mul3A_493 = arith.constant 640 : i32
    %mul3A_494 = arith.muli %arg1, %mul3A_493 : i32
    %dma_wait3A_495 = arith.constant 7 : i32
    %dma_wait3A_496 = arith.constant 7 : i32
    %dma_wait3A_497 = arith.constant 0 : i32
    %dma_wait3A_498 = tpu.memref_slice %arg10[%dma_wait3A_495, %dma_wait3A_497] : memref<8x640xf32, #tpu.memory_space<vmem>> -> memref<1x640xf32, #tpu.memory_space<vmem>>
    %dma_wait3A_499 = tpu.memref_squeeze %dma_wait3A_498 : memref<1x640xf32, #tpu.memory_space<vmem>> -> memref<640xf32, #tpu.memory_space<vmem>>
    %dma_wait3A_500 = tpu.memref_slice %arg4[%arg0, %dma_wait3A_496, %mul3A_494] : memref<2x8x10240xf32, #tpu.memory_space<hbm>> -> memref<1x1x640xf32, #tpu.memory_space<hbm>>
    %dma_wait3A_501 = tpu.memref_squeeze %dma_wait3A_500 : memref<1x1x640xf32, #tpu.memory_space<hbm>> -> memref<640xf32, #tpu.memory_space<hbm>>
    %dma_wait3A_502 = tpu.memref_slice %arg4[%arg0, %dma_wait3A_496, %mul3A_494] : memref<2x8x10240xf32, #tpu.memory_space<hbm>> -> memref<1x1x640xf32, #tpu.memory_space<hbm>>
    %dma_wait3A_503 = tpu.memref_squeeze %dma_wait3A_502 : memref<1x1x640xf32, #tpu.memory_space<hbm>> -> memref<640xf32, #tpu.memory_space<hbm>>
    %dma_wait3A_504 = arith.constant 0 : i32
    %dma_wait3A_505 = tpu.memref_slice %arg10[%dma_wait3A_495, %dma_wait3A_504] : memref<8x640xf32, #tpu.memory_space<vmem>> -> memref<1x640xf32, #tpu.memory_space<vmem>>
    %dma_wait3A_506 = tpu.memref_squeeze %dma_wait3A_505 : memref<1x640xf32, #tpu.memory_space<vmem>> -> memref<640xf32, #tpu.memory_space<vmem>>
    tpu.wait_dma2 semaphore(%arg12 : memref<!tpu.dma_semaphore, #tpu.memory_space<semaphore_mem>>) src(%dma_wait3A_506 : memref<640xf32, #tpu.memory_space<vmem>>) dst(%dma_wait3A_503 : memref<640xf32, #tpu.memory_space<hbm>>)
    return
  }
}

module attributes {stable_mosaic.version = 14 : i64} {
  func.func @_proj_body(%arg0: memref<10000x128xf32, #tpu.memory_space<vmem>>, %arg1: memref<8x128xf32, #tpu.memory_space<vmem>>, %arg2: memref<8x10000xf32, #tpu.memory_space<vmem>>) attributes {dimension_semantics = [], scalar_prefetch = 0 : i64, scratch_operands = 0 : i64, tpu.core_type = #tpu.core_type<tc>} {
    %get3A = arith.constant 0 : index
    %get3A_0 = arith.constant 0 : index
    %get3A_1 = vector.load %arg1[%get3A, %get3A_0] : memref<8x128xf32, #tpu.memory_space<vmem>>, vector<8x128xf32>
    %get3A_2 = arith.constant 0 : index
    %get3A_3 = arith.constant 0 : index
    %get3A_4 = vector.load %arg0[%get3A_2, %get3A_3] : memref<10000x128xf32, #tpu.memory_space<vmem>>, vector<10000x128xf32>
    %dot_general3A = arith.constant dense<0.000000e+00> : vector<8x10000xf32>
    %dot_general3A_5 = tpu.matmul %get3A_1, %get3A_4, %dot_general3A {dimension_numbers = #tpu.dot_dimension_numbers<[1], [1], [0], [0], [0, 0, 1, 0], [], []>, transpose_lhs_hint = false} : vector<8x128xf32>, vector<10000x128xf32>, vector<8x10000xf32> -> vector<8x10000xf32>
    %swap3A = arith.constant 0 : index
    %swap3A_6 = arith.constant 0 : index
    %swap3A_7 = vector.load %arg2[%swap3A, %swap3A_6] : memref<8x10000xf32, #tpu.memory_space<vmem>>, vector<8x10000xf32>
    tpu.vector_store %arg2[%swap3A, %swap3A_6], %dot_general3A_5 {strides = array<i32>} : memref<8x10000xf32, #tpu.memory_space<vmem>>, vector<8x10000xf32>,
    return
  }
}

module attributes {stable_mosaic.version = 14 : i64} {
  func.func @_gin_body(%arg0: memref<8x10240xf32, #tpu.memory_space<vmem>>, %arg1: memref<8x10240xf32, #tpu.memory_space<vmem>>, %arg2: memref<8x10240xf32, #tpu.memory_space<vmem>>, %arg3: memref<8x1xf32, #tpu.memory_space<vmem>>, %arg4: memref<8x8xf32, #tpu.memory_space<vmem>>, %arg5: memref<8x1xf32, #tpu.memory_space<vmem>>, %arg6: memref<8x8xf32, #tpu.memory_space<vmem>>, %arg7: memref<8x10240xf32, #tpu.memory_space<vmem>>, %arg8: memref<8x10240xf32, #tpu.memory_space<vmem>>) attributes {dimension_semantics = [], scalar_prefetch = 0 : i64, scratch_operands = 0 : i64, tpu.core_type = #tpu.core_type<tc>} {
    %get3A = arith.constant 0 : index
    %get3A_0 = arith.constant 0 : index
    %get3A_1 = vector.load %arg1[%get3A, %get3A_0] : memref<8x10240xf32, #tpu.memory_space<vmem>>, vector<8x10240xf32>
    %get3A_2 = arith.constant 0 : index
    %get3A_3 = arith.constant 0 : index
    %get3A_4 = vector.load %arg2[%get3A_2, %get3A_3] : memref<8x10240xf32, #tpu.memory_space<vmem>>, vector<8x10240xf32>
    %add3A = arith.addf %get3A_1, %get3A_4 : vector<8x10240xf32>
    %get3A_5 = arith.constant 0 : index
    %get3A_6 = arith.constant 0 : index
    %get3A_7 = vector.load %arg0[%get3A_5, %get3A_6] : memref<8x10240xf32, #tpu.memory_space<vmem>>, vector<8x10240xf32>
    %sub3A = arith.subf %add3A, %get3A_7 : vector<8x10240xf32>
    %get3A_8 = arith.constant 0 : index
    %get3A_9 = arith.constant 0 : index
    %get3A_10 = vector.load %arg3[%get3A_8, %get3A_9] : memref<8x1xf32, #tpu.memory_space<vmem>>, vector<8x1xf32>
    %add3A_11 = vector.broadcast %get3A_10 : vector<8x1xf32> to vector<8x10240xf32>
    %add3A_12 = arith.addf %sub3A, %add3A_11 : vector<8x10240xf32>
    %max3A = arith.constant 0.000000e+00 : f32
    %max3A_13 = vector.broadcast %max3A : f32 to vector<8x10240xf32>
    %max3A_14 = arith.maximumf %add3A_12, %max3A_13 : vector<8x10240xf32>
    %get3A_15 = arith.constant 0 : index
    %get3A_16 = arith.constant 0 : index
    %get3A_17 = vector.load %arg4[%get3A_15, %get3A_16] : memref<8x8xf32, #tpu.memory_space<vmem>>, vector<8x8xf32>
    %dot_general3A = arith.constant dense<0.000000e+00> : vector<8x10240xf32>
    %dot_general3A_18 = tpu.matmul %get3A_17, %max3A_14, %dot_general3A {dimension_numbers = #tpu.dot_dimension_numbers<[1], [0], [0], [1], [0, 0, 1, 1], [], []>, transpose_lhs_hint = false} : vector<8x8xf32>, vector<8x10240xf32>, vector<8x10240xf32> -> vector<8x10240xf32>
    %get3A_19 = arith.constant 0 : index
    %get3A_20 = arith.constant 0 : index
    %get3A_21 = vector.load %arg5[%get3A_19, %get3A_20] : memref<8x1xf32, #tpu.memory_space<vmem>>, vector<8x1xf32>
    %add3A_22 = vector.broadcast %get3A_21 : vector<8x1xf32> to vector<8x10240xf32>
    %add3A_23 = arith.addf %dot_general3A_18, %add3A_22 : vector<8x10240xf32>
    %max3A_24 = arith.constant 0.000000e+00 : f32
    %max3A_25 = vector.broadcast %max3A_24 : f32 to vector<8x10240xf32>
    %max3A_26 = arith.maximumf %add3A_23, %max3A_25 : vector<8x10240xf32>
    %swap3A = arith.constant 0 : index
    %swap3A_27 = arith.constant 0 : index
    %swap3A_28 = vector.load %arg7[%swap3A, %swap3A_27] : memref<8x10240xf32, #tpu.memory_space<vmem>>, vector<8x10240xf32>
    tpu.vector_store %arg7[%swap3A, %swap3A_27], %max3A_26 {strides = array<i32>} : memref<8x10240xf32, #tpu.memory_space<vmem>>, vector<8x10240xf32>,
    %get3A_29 = arith.constant 0 : index
    %get3A_30 = arith.constant 0 : index
    %get3A_31 = vector.load %arg6[%get3A_29, %get3A_30] : memref<8x8xf32, #tpu.memory_space<vmem>>, vector<8x8xf32>
    %dot_general3A_32 = arith.constant dense<0.000000e+00> : vector<8x10240xf32>
    %dot_general3A_33 = tpu.matmul %get3A_31, %max3A_26, %dot_general3A_32 {dimension_numbers = #tpu.dot_dimension_numbers<[1], [0], [0], [1], [0, 0, 1, 1], [], []>, transpose_lhs_hint = false} : vector<8x8xf32>, vector<8x10240xf32>, vector<8x10240xf32> -> vector<8x10240xf32>
    %swap3A_34 = arith.constant 0 : index
    %swap3A_35 = arith.constant 0 : index
    %swap3A_36 = vector.load %arg8[%swap3A_34, %swap3A_35] : memref<8x10240xf32, #tpu.memory_space<vmem>>, vector<8x10240xf32>
    tpu.vector_store %arg8[%swap3A_34, %swap3A_35], %dot_general3A_33 {strides = array<i32>} : memref<8x10240xf32, #tpu.memory_space<vmem>>, vector<8x10240xf32>,
    return
  }
}

module attributes {stable_mosaic.version = 14 : i64} {
  func.func @_readout_body(%arg0: memref<8x10240xf32, #tpu.memory_space<vmem>>, %arg1: memref<8x10240xf32, #tpu.memory_space<vmem>>, %arg2: memref<8x10240xf32, #tpu.memory_space<vmem>>, %arg3: memref<8x1xf32, #tpu.memory_space<vmem>>, %arg4: memref<8x8xf32, #tpu.memory_space<vmem>>, %arg5: memref<8x1xf32, #tpu.memory_space<vmem>>, %arg6: memref<8x10240xf32, #tpu.memory_space<vmem>>, %arg7: memref<8x10240xf32, #tpu.memory_space<vmem>>, %arg8: memref<32x8xf32, #tpu.memory_space<vmem>>, %arg9: memref<32x8xf32, #tpu.memory_space<vmem>>, %arg10: memref<32x1xf32, #tpu.memory_space<vmem>>, %arg11: memref<32x8xf32, #tpu.memory_space<vmem>>, %arg12: memref<32x8xf32, #tpu.memory_space<vmem>>, %arg13: memref<32x1xf32, #tpu.memory_space<vmem>>, %arg14: memref<8x1xf32, #tpu.memory_space<vmem>>, %arg15: memref<8x1xf32, #tpu.memory_space<vmem>>, %arg16: memref<1x1xf32, #tpu.memory_space<vmem>>, %arg17: memref<8x8xf32, #tpu.memory_space<vmem>>, %arg18: memref<8x1xf32, #tpu.memory_space<vmem>>, %arg19: memref<8x1xf32, #tpu.memory_space<vmem>>, %arg20: memref<1x1xf32, #tpu.memory_space<vmem>>, %arg21: memref<1x10240xf32, #tpu.memory_space<vmem>>, %arg22: memref<1x1xf32, #tpu.memory_space<vmem>>, %arg23: memref<1x1xf32, #tpu.memory_space<vmem>>) attributes {dimension_semantics = [], scalar_prefetch = 0 : i64, scratch_operands = 0 : i64, tpu.core_type = #tpu.core_type<tc>} {
    %get3A = arith.constant 0 : index
    %get3A_0 = arith.constant 0 : index
    %get3A_1 = vector.load %arg1[%get3A, %get3A_0] : memref<8x10240xf32, #tpu.memory_space<vmem>>, vector<8x10240xf32>
    %get3A_2 = arith.constant 0 : index
    %get3A_3 = arith.constant 0 : index
    %get3A_4 = vector.load %arg2[%get3A_2, %get3A_3] : memref<8x10240xf32, #tpu.memory_space<vmem>>, vector<8x10240xf32>
    %add3A = arith.addf %get3A_1, %get3A_4 : vector<8x10240xf32>
    %get3A_5 = arith.constant 0 : index
    %get3A_6 = arith.constant 0 : index
    %get3A_7 = vector.load %arg0[%get3A_5, %get3A_6] : memref<8x10240xf32, #tpu.memory_space<vmem>>, vector<8x10240xf32>
    %sub3A = arith.subf %add3A, %get3A_7 : vector<8x10240xf32>
    %get3A_8 = arith.constant 0 : index
    %get3A_9 = arith.constant 0 : index
    %get3A_10 = vector.load %arg3[%get3A_8, %get3A_9] : memref<8x1xf32, #tpu.memory_space<vmem>>, vector<8x1xf32>
    %add3A_11 = vector.broadcast %get3A_10 : vector<8x1xf32> to vector<8x10240xf32>
    %add3A_12 = arith.addf %sub3A, %add3A_11 : vector<8x10240xf32>
    %max3A = arith.constant 0.000000e+00 : f32
    %max3A_13 = vector.broadcast %max3A : f32 to vector<8x10240xf32>
    %max3A_14 = arith.maximumf %add3A_12, %max3A_13 : vector<8x10240xf32>
    %get3A_15 = arith.constant 0 : index
    %get3A_16 = arith.constant 0 : index
    %get3A_17 = vector.load %arg4[%get3A_15, %get3A_16] : memref<8x8xf32, #tpu.memory_space<vmem>>, vector<8x8xf32>
    %dot_general3A = arith.constant dense<0.000000e+00> : vector<8x10240xf32>
    %dot_general3A_18 = tpu.matmul %get3A_17, %max3A_14, %dot_general3A {dimension_numbers = #tpu.dot_dimension_numbers<[1], [0], [0], [1], [0, 0, 1, 1], [], []>, transpose_lhs_hint = false} : vector<8x8xf32>, vector<8x10240xf32>, vector<8x10240xf32> -> vector<8x10240xf32>
    %get3A_19 = arith.constant 0 : index
    %get3A_20 = arith.constant 0 : index
    %get3A_21 = vector.load %arg5[%get3A_19, %get3A_20] : memref<8x1xf32, #tpu.memory_space<vmem>>, vector<8x1xf32>
    %add3A_22 = vector.broadcast %get3A_21 : vector<8x1xf32> to vector<8x10240xf32>
    %add3A_23 = arith.addf %dot_general3A_18, %add3A_22 : vector<8x10240xf32>
    %max3A_24 = arith.constant 0.000000e+00 : f32
    %max3A_25 = vector.broadcast %max3A_24 : f32 to vector<8x10240xf32>
    %max3A_26 = arith.maximumf %add3A_23, %max3A_25 : vector<8x10240xf32>
    %get3A_27 = arith.constant 0 : index
    %get3A_28 = arith.constant 0 : index
    %get3A_29 = vector.load %arg6[%get3A_27, %get3A_28] : memref<8x10240xf32, #tpu.memory_space<vmem>>, vector<8x10240xf32>
    %get3A_30 = arith.constant 0 : index
    %get3A_31 = arith.constant 0 : index
    %get3A_32 = vector.load %arg7[%get3A_30, %get3A_31] : memref<8x10240xf32, #tpu.memory_space<vmem>>, vector<8x10240xf32>
    %broadcast_in_dim3A = arith.constant 0.000000e+00 : f32
    %broadcast_in_dim3A_33 = vector.broadcast %broadcast_in_dim3A : f32 to vector<8x10240xf32>
    %get3A_34 = arith.constant 0 : index
    %get3A_35 = arith.constant 0 : index
    %get3A_36 = vector.load %arg8[%get3A_34, %get3A_35] : memref<32x8xf32, #tpu.memory_space<vmem>>, vector<32x8xf32>
    %get3A_37 = arith.constant 0 : index
    %get3A_38 = arith.constant 0 : index
    %get3A_39 = vector.load %arg9[%get3A_37, %get3A_38] : memref<32x8xf32, #tpu.memory_space<vmem>>, vector<32x8xf32>
    %get3A_40 = arith.constant 0 : index
    %get3A_41 = arith.constant 0 : index
    %get3A_42 = vector.load %arg10[%get3A_40, %get3A_41] : memref<32x1xf32, #tpu.memory_space<vmem>>, vector<32x1xf32>
    %get3A_43 = arith.constant 0 : index
    %get3A_44 = arith.constant 0 : index
    %get3A_45 = vector.load %arg11[%get3A_43, %get3A_44] : memref<32x8xf32, #tpu.memory_space<vmem>>, vector<32x8xf32>
    %get3A_46 = arith.constant 0 : index
    %get3A_47 = arith.constant 0 : index
    %get3A_48 = vector.load %arg12[%get3A_46, %get3A_47] : memref<32x8xf32, #tpu.memory_space<vmem>>, vector<32x8xf32>
    %get3A_49 = arith.constant 0 : index
    %get3A_50 = arith.constant 0 : index
    %get3A_51 = vector.load %arg13[%get3A_49, %get3A_50] : memref<32x1xf32, #tpu.memory_space<vmem>>, vector<32x1xf32>
    %dot_general3A_52 = arith.constant dense<0.000000e+00> : vector<32x10240xf32>
    %dot_general3A_53 = tpu.matmul %get3A_36, %get3A_29, %dot_general3A_52 {dimension_numbers = #tpu.dot_dimension_numbers<[1], [0], [0], [1], [0, 0, 1, 1], [], []>, transpose_lhs_hint = false} : vector<32x8xf32>, vector<8x10240xf32>, vector<32x10240xf32> -> vector<32x10240xf32>
    %dot_general3A_54 = arith.constant dense<0.000000e+00> : vector<32x10240xf32>
    %dot_general3A_55 = tpu.matmul %get3A_39, %broadcast_in_dim3A_33, %dot_general3A_54 {dimension_numbers = #tpu.dot_dimension_numbers<[1], [0], [0], [1], [0, 0, 1, 1], [], []>, transpose_lhs_hint = false} : vector<32x8xf32>, vector<8x10240xf32>, vector<32x10240xf32> -> vector<32x10240xf32>
    %add3A_56 = arith.addf %dot_general3A_53, %dot_general3A_55 : vector<32x10240xf32>
    %add3A_57 = vector.broadcast %get3A_42 : vector<32x1xf32> to vector<32x10240xf32>
    %add3A_58 = arith.addf %add3A_56, %add3A_57 : vector<32x10240xf32>
    %slice3A = vector.extract_strided_slice %add3A_58 {offsets = [0, 0], sizes = [8, 10240], strides = [1, 1]} : vector<32x10240xf32> to vector<8x10240xf32>
    %logistic3A = arith.negf %slice3A : vector<8x10240xf32>
    %logistic3A_59 = math.exp %logistic3A : vector<8x10240xf32>
    %logistic3A_60 = arith.constant 1.000000e+00 : f32
    %logistic3A_61 = vector.broadcast %logistic3A_60 : f32 to vector<8x10240xf32>
    %logistic3A_62 = arith.addf %logistic3A_61, %logistic3A_59 : vector<8x10240xf32>
    %logistic3A_63 = arith.divf %logistic3A_61, %logistic3A_62 : vector<8x10240xf32>
    %slice3A_64 = vector.extract_strided_slice %add3A_58 {offsets = [8, 0], sizes = [8, 10240], strides = [1, 1]} : vector<32x10240xf32> to vector<8x10240xf32>
    %logistic3A_65 = arith.negf %slice3A_64 : vector<8x10240xf32>
    %logistic3A_66 = math.exp %logistic3A_65 : vector<8x10240xf32>
    %logistic3A_67 = arith.constant 1.000000e+00 : f32
    %logistic3A_68 = vector.broadcast %logistic3A_67 : f32 to vector<8x10240xf32>
    %logistic3A_69 = arith.addf %logistic3A_68, %logistic3A_66 : vector<8x10240xf32>
    %logistic3A_70 = arith.divf %logistic3A_68, %logistic3A_69 : vector<8x10240xf32>
    %slice3A_71 = vector.extract_strided_slice %add3A_58 {offsets = [16, 0], sizes = [8, 10240], strides = [1, 1]} : vector<32x10240xf32> to vector<8x10240xf32>
    %tanh3A = math.tanh %slice3A_71 : vector<8x10240xf32>
    %slice3A_72 = vector.extract_strided_slice %add3A_58 {offsets = [24, 0], sizes = [8, 10240], strides = [1, 1]} : vector<32x10240xf32> to vector<8x10240xf32>
    %logistic3A_73 = arith.negf %slice3A_72 : vector<8x10240xf32>
    %logistic3A_74 = math.exp %logistic3A_73 : vector<8x10240xf32>
    %logistic3A_75 = arith.constant 1.000000e+00 : f32
    %logistic3A_76 = vector.broadcast %logistic3A_75 : f32 to vector<8x10240xf32>
    %logistic3A_77 = arith.addf %logistic3A_76, %logistic3A_74 : vector<8x10240xf32>
    %logistic3A_78 = arith.divf %logistic3A_76, %logistic3A_77 : vector<8x10240xf32>
    %mul3A = arith.mulf %logistic3A_70, %broadcast_in_dim3A_33 : vector<8x10240xf32>
    %mul3A_79 = arith.mulf %logistic3A_63, %tanh3A : vector<8x10240xf32>
    %add3A_80 = arith.addf %mul3A, %mul3A_79 : vector<8x10240xf32>
    %tanh3A_81 = math.tanh %add3A_80 : vector<8x10240xf32>
    %mul3A_82 = arith.mulf %logistic3A_78, %tanh3A_81 : vector<8x10240xf32>
    %dot_general3A_83 = arith.constant dense<0.000000e+00> : vector<32x10240xf32>
    %dot_general3A_84 = tpu.matmul %get3A_36, %get3A_32, %dot_general3A_83 {dimension_numbers = #tpu.dot_dimension_numbers<[1], [0], [0], [1], [0, 0, 1, 1], [], []>, transpose_lhs_hint = false} : vector<32x8xf32>, vector<8x10240xf32>, vector<32x10240xf32> -> vector<32x10240xf32>
    %dot_general3A_85 = arith.constant dense<0.000000e+00> : vector<32x10240xf32>
    %dot_general3A_86 = tpu.matmul %get3A_39, %mul3A_82, %dot_general3A_85 {dimension_numbers = #tpu.dot_dimension_numbers<[1], [0], [0], [1], [0, 0, 1, 1], [], []>, transpose_lhs_hint = false} : vector<32x8xf32>, vector<8x10240xf32>, vector<32x10240xf32> -> vector<32x10240xf32>
    %add3A_87 = arith.addf %dot_general3A_84, %dot_general3A_86 : vector<32x10240xf32>
    %add3A_88 = vector.broadcast %get3A_42 : vector<32x1xf32> to vector<32x10240xf32>
    %add3A_89 = arith.addf %add3A_87, %add3A_88 : vector<32x10240xf32>
    %slice3A_90 = vector.extract_strided_slice %add3A_89 {offsets = [0, 0], sizes = [8, 10240], strides = [1, 1]} : vector<32x10240xf32> to vector<8x10240xf32>
    %logistic3A_91 = arith.negf %slice3A_90 : vector<8x10240xf32>
    %logistic3A_92 = math.exp %logistic3A_91 : vector<8x10240xf32>
    %logistic3A_93 = arith.constant 1.000000e+00 : f32
    %logistic3A_94 = vector.broadcast %logistic3A_93 : f32 to vector<8x10240xf32>
    %logistic3A_95 = arith.addf %logistic3A_94, %logistic3A_92 : vector<8x10240xf32>
    %logistic3A_96 = arith.divf %logistic3A_94, %logistic3A_95 : vector<8x10240xf32>
    %slice3A_97 = vector.extract_strided_slice %add3A_89 {offsets = [8, 0], sizes = [8, 10240], strides = [1, 1]} : vector<32x10240xf32> to vector<8x10240xf32>
    %logistic3A_98 = arith.negf %slice3A_97 : vector<8x10240xf32>
    %logistic3A_99 = math.exp %logistic3A_98 : vector<8x10240xf32>
    %logistic3A_100 = arith.constant 1.000000e+00 : f32
    %logistic3A_101 = vector.broadcast %logistic3A_100 : f32 to vector<8x10240xf32>
    %logistic3A_102 = arith.addf %logistic3A_101, %logistic3A_99 : vector<8x10240xf32>
    %logistic3A_103 = arith.divf %logistic3A_101, %logistic3A_102 : vector<8x10240xf32>
    %slice3A_104 = vector.extract_strided_slice %add3A_89 {offsets = [16, 0], sizes = [8, 10240], strides = [1, 1]} : vector<32x10240xf32> to vector<8x10240xf32>
    %tanh3A_105 = math.tanh %slice3A_104 : vector<8x10240xf32>
    %slice3A_106 = vector.extract_strided_slice %add3A_89 {offsets = [24, 0], sizes = [8, 10240], strides = [1, 1]} : vector<32x10240xf32> to vector<8x10240xf32>
    %logistic3A_107 = arith.negf %slice3A_106 : vector<8x10240xf32>
    %logistic3A_108 = math.exp %logistic3A_107 : vector<8x10240xf32>
    %logistic3A_109 = arith.constant 1.000000e+00 : f32
    %logistic3A_110 = vector.broadcast %logistic3A_109 : f32 to vector<8x10240xf32>
    %logistic3A_111 = arith.addf %logistic3A_110, %logistic3A_108 : vector<8x10240xf32>
    %logistic3A_112 = arith.divf %logistic3A_110, %logistic3A_111 : vector<8x10240xf32>
    %mul3A_113 = arith.mulf %logistic3A_103, %add3A_80 : vector<8x10240xf32>
    %mul3A_114 = arith.mulf %logistic3A_96, %tanh3A_105 : vector<8x10240xf32>
    %add3A_115 = arith.addf %mul3A_113, %mul3A_114 : vector<8x10240xf32>
    %tanh3A_116 = math.tanh %add3A_115 : vector<8x10240xf32>
    %mul3A_117 = arith.mulf %logistic3A_112, %tanh3A_116 : vector<8x10240xf32>
    %dot_general3A_118 = arith.constant dense<0.000000e+00> : vector<32x10240xf32>
    %dot_general3A_119 = tpu.matmul %get3A_36, %max3A_26, %dot_general3A_118 {dimension_numbers = #tpu.dot_dimension_numbers<[1], [0], [0], [1], [0, 0, 1, 1], [], []>, transpose_lhs_hint = false} : vector<32x8xf32>, vector<8x10240xf32>, vector<32x10240xf32> -> vector<32x10240xf32>
    %dot_general3A_120 = arith.constant dense<0.000000e+00> : vector<32x10240xf32>
    %dot_general3A_121 = tpu.matmul %get3A_39, %mul3A_117, %dot_general3A_120 {dimension_numbers = #tpu.dot_dimension_numbers<[1], [0], [0], [1], [0, 0, 1, 1], [], []>, transpose_lhs_hint = false} : vector<32x8xf32>, vector<8x10240xf32>, vector<32x10240xf32> -> vector<32x10240xf32>
    %add3A_122 = arith.addf %dot_general3A_119, %dot_general3A_121 : vector<32x10240xf32>
    %add3A_123 = vector.broadcast %get3A_42 : vector<32x1xf32> to vector<32x10240xf32>
    %add3A_124 = arith.addf %add3A_122, %add3A_123 : vector<32x10240xf32>
    %slice3A_125 = vector.extract_strided_slice %add3A_124 {offsets = [0, 0], sizes = [8, 10240], strides = [1, 1]} : vector<32x10240xf32> to vector<8x10240xf32>
    %logistic3A_126 = arith.negf %slice3A_125 : vector<8x10240xf32>
    %logistic3A_127 = math.exp %logistic3A_126 : vector<8x10240xf32>
    %logistic3A_128 = arith.constant 1.000000e+00 : f32
    %logistic3A_129 = vector.broadcast %logistic3A_128 : f32 to vector<8x10240xf32>
    %logistic3A_130 = arith.addf %logistic3A_129, %logistic3A_127 : vector<8x10240xf32>
    %logistic3A_131 = arith.divf %logistic3A_129, %logistic3A_130 : vector<8x10240xf32>
    %slice3A_132 = vector.extract_strided_slice %add3A_124 {offsets = [8, 0], sizes = [8, 10240], strides = [1, 1]} : vector<32x10240xf32> to vector<8x10240xf32>
    %logistic3A_133 = arith.negf %slice3A_132 : vector<8x10240xf32>
    %logistic3A_134 = math.exp %logistic3A_133 : vector<8x10240xf32>
    %logistic3A_135 = arith.constant 1.000000e+00 : f32
    %logistic3A_136 = vector.broadcast %logistic3A_135 : f32 to vector<8x10240xf32>
    %logistic3A_137 = arith.addf %logistic3A_136, %logistic3A_134 : vector<8x10240xf32>
    %logistic3A_138 = arith.divf %logistic3A_136, %logistic3A_137 : vector<8x10240xf32>
    %slice3A_139 = vector.extract_strided_slice %add3A_124 {offsets = [16, 0], sizes = [8, 10240], strides = [1, 1]} : vector<32x10240xf32> to vector<8x10240xf32>
    %tanh3A_140 = math.tanh %slice3A_139 : vector<8x10240xf32>
    %slice3A_141 = vector.extract_strided_slice %add3A_124 {offsets = [24, 0], sizes = [8, 10240], strides = [1, 1]} : vector<32x10240xf32> to vector<8x10240xf32>
    %logistic3A_142 = arith.negf %slice3A_141 : vector<8x10240xf32>
    %logistic3A_143 = math.exp %logistic3A_142 : vector<8x10240xf32>
    %logistic3A_144 = arith.constant 1.000000e+00 : f32
    %logistic3A_145 = vector.broadcast %logistic3A_144 : f32 to vector<8x10240xf32>
    %logistic3A_146 = arith.addf %logistic3A_145, %logistic3A_143 : vector<8x10240xf32>
    %logistic3A_147 = arith.divf %logistic3A_145, %logistic3A_146 : vector<8x10240xf32>
    %mul3A_148 = arith.mulf %logistic3A_138, %add3A_115 : vector<8x10240xf32>
    %mul3A_149 = arith.mulf %logistic3A_131, %tanh3A_140 : vector<8x10240xf32>
    %add3A_150 = arith.addf %mul3A_148, %mul3A_149 : vector<8x10240xf32>
    %tanh3A_151 = math.tanh %add3A_150 : vector<8x10240xf32>
    %mul3A_152 = arith.mulf %logistic3A_147, %tanh3A_151 : vector<8x10240xf32>
    %dot_general3A_153 = arith.constant dense<0.000000e+00> : vector<32x10240xf32>
    %dot_general3A_154 = tpu.matmul %get3A_45, %max3A_26, %dot_general3A_153 {dimension_numbers = #tpu.dot_dimension_numbers<[1], [0], [0], [1], [0, 0, 1, 1], [], []>, transpose_lhs_hint = false} : vector<32x8xf32>, vector<8x10240xf32>, vector<32x10240xf32> -> vector<32x10240xf32>
    %dot_general3A_155 = arith.constant dense<0.000000e+00> : vector<32x10240xf32>
    %dot_general3A_156 = tpu.matmul %get3A_48, %broadcast_in_dim3A_33, %dot_general3A_155 {dimension_numbers = #tpu.dot_dimension_numbers<[1], [0], [0], [1], [0, 0, 1, 1], [], []>, transpose_lhs_hint = false} : vector<32x8xf32>, vector<8x10240xf32>, vector<32x10240xf32> -> vector<32x10240xf32>
    %add3A_157 = arith.addf %dot_general3A_154, %dot_general3A_156 : vector<32x10240xf32>
    %add3A_158 = vector.broadcast %get3A_51 : vector<32x1xf32> to vector<32x10240xf32>
    %add3A_159 = arith.addf %add3A_157, %add3A_158 : vector<32x10240xf32>
    %slice3A_160 = vector.extract_strided_slice %add3A_159 {offsets = [0, 0], sizes = [8, 10240], strides = [1, 1]} : vector<32x10240xf32> to vector<8x10240xf32>
    %logistic3A_161 = arith.negf %slice3A_160 : vector<8x10240xf32>
    %logistic3A_162 = math.exp %logistic3A_161 : vector<8x10240xf32>
    %logistic3A_163 = arith.constant 1.000000e+00 : f32
    %logistic3A_164 = vector.broadcast %logistic3A_163 : f32 to vector<8x10240xf32>
    %logistic3A_165 = arith.addf %logistic3A_164, %logistic3A_162 : vector<8x10240xf32>
    %logistic3A_166 = arith.divf %logistic3A_164, %logistic3A_165 : vector<8x10240xf32>
    %slice3A_167 = vector.extract_strided_slice %add3A_159 {offsets = [8, 0], sizes = [8, 10240], strides = [1, 1]} : vector<32x10240xf32> to vector<8x10240xf32>
    %logistic3A_168 = arith.negf %slice3A_167 : vector<8x10240xf32>
    %logistic3A_169 = math.exp %logistic3A_168 : vector<8x10240xf32>
    %logistic3A_170 = arith.constant 1.000000e+00 : f32
    %logistic3A_171 = vector.broadcast %logistic3A_170 : f32 to vector<8x10240xf32>
    %logistic3A_172 = arith.addf %logistic3A_171, %logistic3A_169 : vector<8x10240xf32>
    %logistic3A_173 = arith.divf %logistic3A_171, %logistic3A_172 : vector<8x10240xf32>
    %slice3A_174 = vector.extract_strided_slice %add3A_159 {offsets = [16, 0], sizes = [8, 10240], strides = [1, 1]} : vector<32x10240xf32> to vector<8x10240xf32>
    %tanh3A_175 = math.tanh %slice3A_174 : vector<8x10240xf32>
    %slice3A_176 = vector.extract_strided_slice %add3A_159 {offsets = [24, 0], sizes = [8, 10240], strides = [1, 1]} : vector<32x10240xf32> to vector<8x10240xf32>
    %logistic3A_177 = arith.negf %slice3A_176 : vector<8x10240xf32>
    %logistic3A_178 = math.exp %logistic3A_177 : vector<8x10240xf32>
    %logistic3A_179 = arith.constant 1.000000e+00 : f32
    %logistic3A_180 = vector.broadcast %logistic3A_179 : f32 to vector<8x10240xf32>
    %logistic3A_181 = arith.addf %logistic3A_180, %logistic3A_178 : vector<8x10240xf32>
    %logistic3A_182 = arith.divf %logistic3A_180, %logistic3A_181 : vector<8x10240xf32>
    %mul3A_183 = arith.mulf %logistic3A_173, %broadcast_in_dim3A_33 : vector<8x10240xf32>
    %mul3A_184 = arith.mulf %logistic3A_166, %tanh3A_175 : vector<8x10240xf32>
    %add3A_185 = arith.addf %mul3A_183, %mul3A_184 : vector<8x10240xf32>
    %tanh3A_186 = math.tanh %add3A_185 : vector<8x10240xf32>
    %mul3A_187 = arith.mulf %logistic3A_182, %tanh3A_186 : vector<8x10240xf32>
    %dot_general3A_188 = arith.constant dense<0.000000e+00> : vector<32x10240xf32>
    %dot_general3A_189 = tpu.matmul %get3A_45, %get3A_32, %dot_general3A_188 {dimension_numbers = #tpu.dot_dimension_numbers<[1], [0], [0], [1], [0, 0, 1, 1], [], []>, transpose_lhs_hint = false} : vector<32x8xf32>, vector<8x10240xf32>, vector<32x10240xf32> -> vector<32x10240xf32>
    %dot_general3A_190 = arith.constant dense<0.000000e+00> : vector<32x10240xf32>
    %dot_general3A_191 = tpu.matmul %get3A_48, %mul3A_187, %dot_general3A_190 {dimension_numbers = #tpu.dot_dimension_numbers<[1], [0], [0], [1], [0, 0, 1, 1], [], []>, transpose_lhs_hint = false} : vector<32x8xf32>, vector<8x10240xf32>, vector<32x10240xf32> -> vector<32x10240xf32>
    %add3A_192 = arith.addf %dot_general3A_189, %dot_general3A_191 : vector<32x10240xf32>
    %add3A_193 = vector.broadcast %get3A_51 : vector<32x1xf32> to vector<32x10240xf32>
    %add3A_194 = arith.addf %add3A_192, %add3A_193 : vector<32x10240xf32>
    %slice3A_195 = vector.extract_strided_slice %add3A_194 {offsets = [0, 0], sizes = [8, 10240], strides = [1, 1]} : vector<32x10240xf32> to vector<8x10240xf32>
    %logistic3A_196 = arith.negf %slice3A_195 : vector<8x10240xf32>
    %logistic3A_197 = math.exp %logistic3A_196 : vector<8x10240xf32>
    %logistic3A_198 = arith.constant 1.000000e+00 : f32
    %logistic3A_199 = vector.broadcast %logistic3A_198 : f32 to vector<8x10240xf32>
    %logistic3A_200 = arith.addf %logistic3A_199, %logistic3A_197 : vector<8x10240xf32>
    %logistic3A_201 = arith.divf %logistic3A_199, %logistic3A_200 : vector<8x10240xf32>
    %slice3A_202 = vector.extract_strided_slice %add3A_194 {offsets = [8, 0], sizes = [8, 10240], strides = [1, 1]} : vector<32x10240xf32> to vector<8x10240xf32>
    %logistic3A_203 = arith.negf %slice3A_202 : vector<8x10240xf32>
    %logistic3A_204 = math.exp %logistic3A_203 : vector<8x10240xf32>
    %logistic3A_205 = arith.constant 1.000000e+00 : f32
    %logistic3A_206 = vector.broadcast %logistic3A_205 : f32 to vector<8x10240xf32>
    %logistic3A_207 = arith.addf %logistic3A_206, %logistic3A_204 : vector<8x10240xf32>
    %logistic3A_208 = arith.divf %logistic3A_206, %logistic3A_207 : vector<8x10240xf32>
    %slice3A_209 = vector.extract_strided_slice %add3A_194 {offsets = [16, 0], sizes = [8, 10240], strides = [1, 1]} : vector<32x10240xf32> to vector<8x10240xf32>
    %tanh3A_210 = math.tanh %slice3A_209 : vector<8x10240xf32>
    %slice3A_211 = vector.extract_strided_slice %add3A_194 {offsets = [24, 0], sizes = [8, 10240], strides = [1, 1]} : vector<32x10240xf32> to vector<8x10240xf32>
    %logistic3A_212 = arith.negf %slice3A_211 : vector<8x10240xf32>
    %logistic3A_213 = math.exp %logistic3A_212 : vector<8x10240xf32>
    %logistic3A_214 = arith.constant 1.000000e+00 : f32
    %logistic3A_215 = vector.broadcast %logistic3A_214 : f32 to vector<8x10240xf32>
    %logistic3A_216 = arith.addf %logistic3A_215, %logistic3A_213 : vector<8x10240xf32>
    %logistic3A_217 = arith.divf %logistic3A_215, %logistic3A_216 : vector<8x10240xf32>
    %mul3A_218 = arith.mulf %logistic3A_208, %add3A_185 : vector<8x10240xf32>
    %mul3A_219 = arith.mulf %logistic3A_201, %tanh3A_210 : vector<8x10240xf32>
    %add3A_220 = arith.addf %mul3A_218, %mul3A_219 : vector<8x10240xf32>
    %tanh3A_221 = math.tanh %add3A_220 : vector<8x10240xf32>
    %mul3A_222 = arith.mulf %logistic3A_217, %tanh3A_221 : vector<8x10240xf32>
    %dot_general3A_223 = arith.constant dense<0.000000e+00> : vector<32x10240xf32>
    %dot_general3A_224 = tpu.matmul %get3A_45, %get3A_29, %dot_general3A_223 {dimension_numbers = #tpu.dot_dimension_numbers<[1], [0], [0], [1], [0, 0, 1, 1], [], []>, transpose_lhs_hint = false} : vector<32x8xf32>, vector<8x10240xf32>, vector<32x10240xf32> -> vector<32x10240xf32>
    %dot_general3A_225 = arith.constant dense<0.000000e+00> : vector<32x10240xf32>
    %dot_general3A_226 = tpu.matmul %get3A_48, %mul3A_222, %dot_general3A_225 {dimension_numbers = #tpu.dot_dimension_numbers<[1], [0], [0], [1], [0, 0, 1, 1], [], []>, transpose_lhs_hint = false} : vector<32x8xf32>, vector<8x10240xf32>, vector<32x10240xf32> -> vector<32x10240xf32>
    %add3A_227 = arith.addf %dot_general3A_224, %dot_general3A_226 : vector<32x10240xf32>
    %add3A_228 = vector.broadcast %get3A_51 : vector<32x1xf32> to vector<32x10240xf32>
    %add3A_229 = arith.addf %add3A_227, %add3A_228 : vector<32x10240xf32>
    %slice3A_230 = vector.extract_strided_slice %add3A_229 {offsets = [0, 0], sizes = [8, 10240], strides = [1, 1]} : vector<32x10240xf32> to vector<8x10240xf32>
    %logistic3A_231 = arith.negf %slice3A_230 : vector<8x10240xf32>
    %logistic3A_232 = math.exp %logistic3A_231 : vector<8x10240xf32>
    %logistic3A_233 = arith.constant 1.000000e+00 : f32
    %logistic3A_234 = vector.broadcast %logistic3A_233 : f32 to vector<8x10240xf32>
    %logistic3A_235 = arith.addf %logistic3A_234, %logistic3A_232 : vector<8x10240xf32>
    %logistic3A_236 = arith.divf %logistic3A_234, %logistic3A_235 : vector<8x10240xf32>
    %slice3A_237 = vector.extract_strided_slice %add3A_229 {offsets = [8, 0], sizes = [8, 10240], strides = [1, 1]} : vector<32x10240xf32> to vector<8x10240xf32>
    %logistic3A_238 = arith.negf %slice3A_237 : vector<8x10240xf32>
    %logistic3A_239 = math.exp %logistic3A_238 : vector<8x10240xf32>
    %logistic3A_240 = arith.constant 1.000000e+00 : f32
    %logistic3A_241 = vector.broadcast %logistic3A_240 : f32 to vector<8x10240xf32>
    %logistic3A_242 = arith.addf %logistic3A_241, %logistic3A_239 : vector<8x10240xf32>
    %logistic3A_243 = arith.divf %logistic3A_241, %logistic3A_242 : vector<8x10240xf32>
    %slice3A_244 = vector.extract_strided_slice %add3A_229 {offsets = [16, 0], sizes = [8, 10240], strides = [1, 1]} : vector<32x10240xf32> to vector<8x10240xf32>
    %tanh3A_245 = math.tanh %slice3A_244 : vector<8x10240xf32>
    %slice3A_246 = vector.extract_strided_slice %add3A_229 {offsets = [24, 0], sizes = [8, 10240], strides = [1, 1]} : vector<32x10240xf32> to vector<8x10240xf32>
    %logistic3A_247 = arith.negf %slice3A_246 : vector<8x10240xf32>
    %logistic3A_248 = math.exp %logistic3A_247 : vector<8x10240xf32>
    %logistic3A_249 = arith.constant 1.000000e+00 : f32
    %logistic3A_250 = vector.broadcast %logistic3A_249 : f32 to vector<8x10240xf32>
    %logistic3A_251 = arith.addf %logistic3A_250, %logistic3A_248 : vector<8x10240xf32>
    %logistic3A_252 = arith.divf %logistic3A_250, %logistic3A_251 : vector<8x10240xf32>
    %mul3A_253 = arith.mulf %logistic3A_243, %add3A_220 : vector<8x10240xf32>
    %mul3A_254 = arith.mulf %logistic3A_236, %tanh3A_245 : vector<8x10240xf32>
    %add3A_255 = arith.addf %mul3A_253, %mul3A_254 : vector<8x10240xf32>
    %tanh3A_256 = math.tanh %add3A_255 : vector<8x10240xf32>
    %mul3A_257 = arith.mulf %logistic3A_252, %tanh3A_256 : vector<8x10240xf32>
    %get3A_258 = arith.constant 0 : index
    %get3A_259 = arith.constant 0 : index
    %get3A_260 = vector.load %arg14[%get3A_258, %get3A_259] : memref<8x1xf32, #tpu.memory_space<vmem>>, vector<8x1xf32>
    %get3A_261 = arith.constant 0 : index
    %get3A_262 = arith.constant 0 : index
    %get3A_263 = vector.load %arg15[%get3A_261, %get3A_262] : memref<8x1xf32, #tpu.memory_space<vmem>>, vector<8x1xf32>
    %mul3A_264 = vector.broadcast %get3A_260 : vector<8x1xf32> to vector<8x10240xf32>
    %mul3A_265 = arith.mulf %mul3A_82, %mul3A_264 : vector<8x10240xf32>
    %reduce_sum3A = arith.constant dense<0.000000e+00> : vector<10240xf32>
    %reduce_sum3A_266 = vector.multi_reduction <add>, %mul3A_265, %reduce_sum3A [0] : vector<8x10240xf32> to vector<10240xf32>
    %broadcast_in_dim3A_267 = vector.shape_cast %reduce_sum3A_266 : vector<10240xf32> to vector<1x10240xf32>
    %mul3A_268 = vector.broadcast %get3A_263 : vector<8x1xf32> to vector<8x10240xf32>
    %mul3A_269 = arith.mulf %mul3A_257, %mul3A_268 : vector<8x10240xf32>
    %reduce_sum3A_270 = arith.constant dense<0.000000e+00> : vector<10240xf32>
    %reduce_sum3A_271 = vector.multi_reduction <add>, %mul3A_269, %reduce_sum3A_270 [0] : vector<8x10240xf32> to vector<10240xf32>
    %broadcast_in_dim3A_272 = vector.shape_cast %reduce_sum3A_271 : vector<10240xf32> to vector<1x10240xf32>
    %add3A_273 = arith.addf %broadcast_in_dim3A_267, %broadcast_in_dim3A_272 : vector<1x10240xf32>
    %get3A_274 = arith.constant 0 : index
    %get3A_275 = arith.constant 0 : index
    %get3A_276 = vector.load %arg16[%get3A_274, %get3A_275] : memref<1x1xf32, #tpu.memory_space<vmem>>, vector<1x1xf32>
    %add3A_277 = vector.broadcast %get3A_276 : vector<1x1xf32> to vector<1x10240xf32>
    %add3A_278 = arith.addf %add3A_273, %add3A_277 : vector<1x10240xf32>
    %mul3A_279 = vector.broadcast %get3A_260 : vector<8x1xf32> to vector<8x10240xf32>
    %mul3A_280 = arith.mulf %mul3A_117, %mul3A_279 : vector<8x10240xf32>
    %reduce_sum3A_281 = arith.constant dense<0.000000e+00> : vector<10240xf32>
    %reduce_sum3A_282 = vector.multi_reduction <add>, %mul3A_280, %reduce_sum3A_281 [0] : vector<8x10240xf32> to vector<10240xf32>
    %broadcast_in_dim3A_283 = vector.shape_cast %reduce_sum3A_282 : vector<10240xf32> to vector<1x10240xf32>
    %mul3A_284 = vector.broadcast %get3A_263 : vector<8x1xf32> to vector<8x10240xf32>
    %mul3A_285 = arith.mulf %mul3A_222, %mul3A_284 : vector<8x10240xf32>
    %reduce_sum3A_286 = arith.constant dense<0.000000e+00> : vector<10240xf32>
    %reduce_sum3A_287 = vector.multi_reduction <add>, %mul3A_285, %reduce_sum3A_286 [0] : vector<8x10240xf32> to vector<10240xf32>
    %broadcast_in_dim3A_288 = vector.shape_cast %reduce_sum3A_287 : vector<10240xf32> to vector<1x10240xf32>
    %add3A_289 = arith.addf %broadcast_in_dim3A_283, %broadcast_in_dim3A_288 : vector<1x10240xf32>
    %get3A_290 = arith.constant 0 : index
    %get3A_291 = arith.constant 0 : index
    %get3A_292 = vector.load %arg16[%get3A_290, %get3A_291] : memref<1x1xf32, #tpu.memory_space<vmem>>, vector<1x1xf32>
    %add3A_293 = vector.broadcast %get3A_292 : vector<1x1xf32> to vector<1x10240xf32>
    %add3A_294 = arith.addf %add3A_289, %add3A_293 : vector<1x10240xf32>
    %mul3A_295 = vector.broadcast %get3A_260 : vector<8x1xf32> to vector<8x10240xf32>
    %mul3A_296 = arith.mulf %mul3A_152, %mul3A_295 : vector<8x10240xf32>
    %reduce_sum3A_297 = arith.constant dense<0.000000e+00> : vector<10240xf32>
    %reduce_sum3A_298 = vector.multi_reduction <add>, %mul3A_296, %reduce_sum3A_297 [0] : vector<8x10240xf32> to vector<10240xf32>
    %broadcast_in_dim3A_299 = vector.shape_cast %reduce_sum3A_298 : vector<10240xf32> to vector<1x10240xf32>
    %mul3A_300 = vector.broadcast %get3A_263 : vector<8x1xf32> to vector<8x10240xf32>
    %mul3A_301 = arith.mulf %mul3A_187, %mul3A_300 : vector<8x10240xf32>
    %reduce_sum3A_302 = arith.constant dense<0.000000e+00> : vector<10240xf32>
    %reduce_sum3A_303 = vector.multi_reduction <add>, %mul3A_301, %reduce_sum3A_302 [0] : vector<8x10240xf32> to vector<10240xf32>
    %broadcast_in_dim3A_304 = vector.shape_cast %reduce_sum3A_303 : vector<10240xf32> to vector<1x10240xf32>
    %add3A_305 = arith.addf %broadcast_in_dim3A_299, %broadcast_in_dim3A_304 : vector<1x10240xf32>
    %get3A_306 = arith.constant 0 : index
    %get3A_307 = arith.constant 0 : index
    %get3A_308 = vector.load %arg16[%get3A_306, %get3A_307] : memref<1x1xf32, #tpu.memory_space<vmem>>, vector<1x1xf32>
    %add3A_309 = vector.broadcast %get3A_308 : vector<1x1xf32> to vector<1x10240xf32>
    %add3A_310 = arith.addf %add3A_305, %add3A_309 : vector<1x10240xf32>
    %max3A_311 = arith.maximumf %add3A_294, %add3A_310 : vector<1x10240xf32>
    %max3A_312 = arith.maximumf %add3A_278, %max3A_311 : vector<1x10240xf32>
    %sub3A_313 = arith.subf %add3A_278, %max3A_312 : vector<1x10240xf32>
    %exp3A = math.exp %sub3A_313 : vector<1x10240xf32>
    %sub3A_314 = arith.subf %add3A_294, %max3A_312 : vector<1x10240xf32>
    %exp3A_315 = math.exp %sub3A_314 : vector<1x10240xf32>
    %sub3A_316 = arith.subf %add3A_310, %max3A_312 : vector<1x10240xf32>
    %exp3A_317 = math.exp %sub3A_316 : vector<1x10240xf32>
    %add3A_318 = arith.addf %exp3A, %exp3A_315 : vector<1x10240xf32>
    %add3A_319 = arith.addf %add3A_318, %exp3A_317 : vector<1x10240xf32>
    %mul3A_320 = vector.broadcast %exp3A : vector<1x10240xf32> to vector<8x10240xf32>
    %mul3A_321 = arith.mulf %mul3A_320, %get3A_29 : vector<8x10240xf32>
    %mul3A_322 = vector.broadcast %exp3A_315 : vector<1x10240xf32> to vector<8x10240xf32>
    %mul3A_323 = arith.mulf %mul3A_322, %get3A_32 : vector<8x10240xf32>
    %add3A_324 = arith.addf %mul3A_321, %mul3A_323 : vector<8x10240xf32>
    %mul3A_325 = vector.broadcast %exp3A_317 : vector<1x10240xf32> to vector<8x10240xf32>
    %mul3A_326 = arith.mulf %mul3A_325, %max3A_26 : vector<8x10240xf32>
    %add3A_327 = arith.addf %add3A_324, %mul3A_326 : vector<8x10240xf32>
    %div3A = vector.broadcast %add3A_319 : vector<1x10240xf32> to vector<8x10240xf32>
    %div3A_328 = arith.divf %add3A_327, %div3A : vector<8x10240xf32>
    %get3A_329 = arith.constant 0 : index
    %get3A_330 = arith.constant 0 : index
    %get3A_331 = vector.load %arg17[%get3A_329, %get3A_330] : memref<8x8xf32, #tpu.memory_space<vmem>>, vector<8x8xf32>
    %dot_general3A_332 = arith.constant dense<0.000000e+00> : vector<8x10240xf32>
    %dot_general3A_333 = tpu.matmul %get3A_331, %div3A_328, %dot_general3A_332 {dimension_numbers = #tpu.dot_dimension_numbers<[1], [0], [0], [1], [0, 0, 1, 1], [], []>, transpose_lhs_hint = false} : vector<8x8xf32>, vector<8x10240xf32>, vector<8x10240xf32> -> vector<8x10240xf32>
    %get3A_334 = arith.constant 0 : index
    %get3A_335 = arith.constant 0 : index
    %get3A_336 = vector.load %arg18[%get3A_334, %get3A_335] : memref<8x1xf32, #tpu.memory_space<vmem>>, vector<8x1xf32>
    %add3A_337 = vector.broadcast %get3A_336 : vector<8x1xf32> to vector<8x10240xf32>
    %add3A_338 = arith.addf %dot_general3A_333, %add3A_337 : vector<8x10240xf32>
    %get3A_339 = arith.constant 0 : index
    %get3A_340 = arith.constant 0 : index
    %get3A_341 = vector.load %arg19[%get3A_339, %get3A_340] : memref<8x1xf32, #tpu.memory_space<vmem>>, vector<8x1xf32>
    %mul3A_342 = vector.broadcast %get3A_341 : vector<8x1xf32> to vector<8x10240xf32>
    %mul3A_343 = arith.mulf %add3A_338, %mul3A_342 : vector<8x10240xf32>
    %reduce_sum3A_344 = arith.constant dense<0.000000e+00> : vector<10240xf32>
    %reduce_sum3A_345 = vector.multi_reduction <add>, %mul3A_343, %reduce_sum3A_344 [0] : vector<8x10240xf32> to vector<10240xf32>
    %broadcast_in_dim3A_346 = vector.shape_cast %reduce_sum3A_345 : vector<10240xf32> to vector<1x10240xf32>
    %get3A_347 = arith.constant 0 : index
    %get3A_348 = arith.constant 0 : index
    %get3A_349 = vector.load %arg20[%get3A_347, %get3A_348] : memref<1x1xf32, #tpu.memory_space<vmem>>, vector<1x1xf32>
    %add3A_350 = vector.broadcast %get3A_349 : vector<1x1xf32> to vector<1x10240xf32>
    %add3A_351 = arith.addf %broadcast_in_dim3A_346, %add3A_350 : vector<1x10240xf32>
    %ge3A = arith.constant 0.000000e+00 : f32
    %ge3A_352 = vector.broadcast %ge3A : f32 to vector<1x10240xf32>
    %ge3A_353 = arith.cmpf oge, %add3A_351, %ge3A_352 : vector<1x10240xf32>
    %mul3A_354 = arith.constant 0.00999999977 : f32
    %mul3A_355 = vector.broadcast %mul3A_354 : f32 to vector<1x10240xf32>
    %mul3A_356 = arith.mulf %mul3A_355, %add3A_351 : vector<1x10240xf32>
    %select_n3A = arith.select %ge3A_353, %add3A_351, %mul3A_356 : vector<1x10240xi1>, vector<1x10240xf32>
    %get3A_357 = arith.constant 0 : index
    %get3A_358 = arith.constant 0 : index
    %get3A_359 = vector.load %arg21[%get3A_357, %get3A_358] : memref<1x10240xf32, #tpu.memory_space<vmem>>, vector<1x10240xf32>
    %mul3A_360 = arith.mulf %select_n3A, %get3A_359 : vector<1x10240xf32>
    %reduce_sum3A_361 = vector.shape_cast %mul3A_360 : vector<1x10240xf32> to vector<1x1x10240xf32>
    %reduce_sum3A_362 = arith.constant dense<0.000000e+00> : vector<1xf32>
    %reduce_sum3A_363 = vector.multi_reduction <add>, %reduce_sum3A_361, %reduce_sum3A_362 [1, 2] : vector<1x1x10240xf32> to vector<1xf32>
    %reduce_sum3A_364 = vector.shape_cast %reduce_sum3A_363 : vector<1xf32> to vector<1x1x1xf32>
    %reduce_sum3A_365 = vector.extract %reduce_sum3A_364[0, 0, 0] : f32 from vector<1x1x1xf32>
    %get3A_366 = arith.constant 0 : index
    %get3A_367 = arith.constant 0 : index
    %get3A_368 = vector.load %arg22[%get3A_366, %get3A_367] : memref<1x1xf32, #tpu.memory_space<vmem>>, vector<1x1xf32>
    %get3A_369 = vector.extract %get3A_368[0, 0] : f32 from vector<1x1xf32>
    %add3A_370 = arith.addf %reduce_sum3A_365, %get3A_369 : f32
    %reshape3A = vector.broadcast %add3A_370 : f32 to vector<1x1xf32>
    %swap3A = arith.constant 0 : index
    %swap3A_371 = arith.constant 0 : index
    %swap3A_372 = vector.load %arg23[%swap3A, %swap3A_371] : memref<1x1xf32, #tpu.memory_space<vmem>>, vector<1x1xf32>
    tpu.vector_store %arg23[%swap3A, %swap3A_371], %reshape3A {strides = array<i32>} : memref<1x1xf32, #tpu.memory_space<vmem>>, vector<1x1xf32>,
    return
  }
}

</mosaic_0001>

<sc_bundles>
// kernel: kernel.12.cloned.1.call-start
scs
__scs_entry_jumppad:
0x0: {  	(pc) =	sbr.rel $0x88, $3  }
0x1: {  	(tag) =	ssettag $0x0;
	lr =	simm.s32 $0x1  }
0x2: {  	[smem:$0x3F83] =	sst lr;
	_ =	strace $0xD0000000  }
0x3: {  	_ = 	snop  }
0x4: {  	_ = 	snop  }
0x5: {  	_ = 	snop  }
0x6: {  	_ = 	snop  }
0x7: {  	_ = 	snop  }
__scs_overlays_trampoline_lowered:
0x8: {  	[smem:$0x3F92] =	sst s0  }
0x9: {  	[smem:$0x3F93] =	sst s1  }
0xa: {  	[smem:$0x3F94] =	sst s2  }
0xb: {  	[smem:$0x3F95] =	sst s3  }
0xc: {  	[smem:$0x3F96] =	sst s4  }
0xd: {  	[smem:$0x3F97] =	sst s5  }
0xe: {  	[smem:$0x3F98] =	sst s6  }
0xf: {  	[smem:$0x3F99] =	sst s7  }
0x10: {  	[smem:$0x3F9A] =	sst s8  }
0x11: {  	[smem:$0x3F9B] =	sst s9;
	s0 =	simm.s32 @!p0 $0x0  }
0x12: {  	s1 =	sld [smem:$0x3F81];
	s0 =	simm.s32 @p0 $0x1  }
0x13: {  	[smem:$0x3F9C] =	sst s0;
	s0 =	simm.s32 @!p1 $0x0  }
0x14: {  	s2 =	sld [smem:$0x3F80];
	s0 =	simm.s32 @p1 $0x1  }
0x15: {  	[smem:$0x3F9D] =	sst s0;
	s0 =	simm.s32 @!p2 $0x0  }
0x16: {  	s3 =	sld [smem:$0x3FDB];
	s0 =	simm.s32 @p2 $0x1  }
0x17: {  	s4 =	simm.s32 $0x1BF5;
	[smem:$0x3F9F] =	sst s0  }
0x18: {  	s0 =	sld [smem:$0x3F82];
	_ =	swait.ge [sflag:s4], $0x0  }
0x19: {  	s7 =	sld [smem:$0x3F83]  }
0x1a: {  	s8 =	sadd.s32 $0xFFFFE003, lr  }
0x1b: {  	s9 =	sadd.s32 $0xFFFFFEF7, lr;
	s5 =	simm.s32 $0xFFFFFFFF;
	p2 =	slt.u32 s8, $0xFFFFF086  }
0x1c: {  	p1 =	slt.u32 s9, $0xF7A;
	s5 =	simm.s32 @!p2 $0x0  }
0x1d: {  	s5 =	simm.s32 @p1 $0x1;
	p0 =	seq.s32 s7, s2  }
0x1e: {  	s7 =	smul.u32 @!p0 $0xF7A, s2;
	p2 =	seq.s32 @!p0 s5, $0x0  }
0x1f: {  	s9 =	smul.u32 $0xF7A, s1;
	s8 =	simm.s32 @!p0 $0x1BF5;
	p2 =	por !p2, p0  }
0x20: {  	[sflag:s8] =	ssyncset.s32 @!p0 $0xFFFFF086;
	s6 =	sadd.s32 @!p0 s3, s7;
	s7 =	simm.s32 @!p0 $0x108  }
0x21: {  	s3 =	sadd.s32 s3, s9;
	s6 =	sadd.s32 @!p0 $0x88, s6;
	s7 =	simm.s32 @p2 $0x1082  }
0x22: {  	[simem:s7], [sflag:s8] =	dma.local @!p0 [hbm:s6], $0xF7A  }
0x23: {  	s9 =	sor.u32 $0xD0000000, s2;
	s6 =	simm.s32 $0x108;
	_ =	swait.ge @!p0 [sflag:s8], $0x0  }
0x24: {  	s3 =	sadd.s32 $0x88, s3;
	s6 =	simm.s32 @!p1 $0x1082;
	[sflag:s4] =	ssyncset.s32 $0xFFFFF086  }
0x25: {  	[simem:s6], [sflag:s4] =	dma.local [hbm:s3], $0xF7A  }
0x26: {  	[smem:$0x3F83] =	sst s1;
	(tag) =	ssettag s2;
	_ =	strace s9  }
0x27: {  	s1 =	sld [smem:$0x3F93]  }
0x28: {  	s2 =	sld [smem:$0x3F94]  }
0x29: {  	s4 =	sld [smem:$0x3F96]  }
0x2a: {  	p0 =	seq.s32 s5, $0x0;
	s5 =	sld [smem:$0x3F97]  }
0x2b: {  	s6 =	sld [smem:$0x3F98]  }
0x2c: {  	s7 =	sld [smem:$0x3F99]  }
0x2d: {  	s3 =	simm.s32 $0x108;
	s8 =	sld [smem:$0x3F9A]  }
0x2e: {  	s3 =	simm.s32 @!p0 $0x1082;
	s9 =	sld [smem:$0x3F9B]  }
0x2f: {  	lr =	sadd.s32 s0, s3;
	s0 =	sld [smem:$0x3F92]  }
0x30: {  	s3 =	sld [smem:$0x3F95]  }
0x31: {  	[smem:$0x3F9E] =	sst s10  }
0x32: {  	s10 =	sld [smem:$0x3F9C];
	_ =	sdelay $0x3  }
0x33: {  	p0 =	seq.s32 s10, $0x1;
	s10 =	sld [smem:$0x3F9E];
	_ =	sdelay $0x3  }
0x34: {  	[smem:$0x3F9E] =	sst s10  }
0x35: {  	s10 =	sld [smem:$0x3F9D];
	_ =	sdelay $0x3  }
0x36: {  	p1 =	seq.s32 s10, $0x1;
	s10 =	sld [smem:$0x3F9E];
	_ =	sdelay $0x3  }
0x37: {  	[smem:$0x3F9E] =	sst s10  }
0x38: {  	s10 =	sld [smem:$0x3F9F]  }
0x39: {  	_ = 	snop;
	(pc) =	sbr.ind lr, $3  }
0x3a: {  	_ = 	snop  }
0x3b: {  	_ = 	snop  }
0x3c: {  	p2 =	seq.s32 s10, $0x1;
	s10 =	sld [smem:$0x3F9E]  }
0x3d: {  	_ =	shalt  }
0x3e: {  	_ =	shalt  }
0x3f: {  	_ =	shalt  }
0x40: {  	_ =	shalt  }
0x41: {  	_ =	shalt  }
0x42: {  	_ =	shalt  }
0x43: {  	_ =	shalt  }
0x44: {  	_ =	shalt  }
0x45: {  	_ =	shalt  }
0x46: {  	_ =	shalt  }
0x47: {  	_ =	shalt  }
0x48: {  	_ =	shalt  }
0x49: {  	_ =	shalt  }
0x4a: {  	_ =	shalt  }
0x4b: {  	_ =	shalt  }
0x4c: {  	_ =	shalt  }
0x4d: {  	_ =	shalt  }
0x4e: {  	_ =	shalt  }
0x4f: {  	_ =	shalt  }
0x50: {  	_ =	shalt  }
0x51: {  	_ =	shalt  }
0x52: {  	_ =	shalt  }
0x53: {  	_ =	shalt  }
0x54: {  	_ =	shalt  }
0x55: {  	_ =	shalt  }
0x56: {  	_ =	shalt  }
0x57: {  	_ =	shalt  }
0x58: {  	_ =	shalt  }
0x59: {  	_ =	shalt  }
0x5a: {  	_ =	shalt  }
0x5b: {  	_ =	shalt  }
0x5c: {  	_ =	shalt  }
0x5d: {  	_ =	shalt  }
0x5e: {  	_ =	shalt  }
0x5f: {  	_ =	shalt  }
0x60: {  	_ =	shalt  }
0x61: {  	_ =	shalt  }
0x62: {  	_ =	shalt  }
0x63: {  	_ =	shalt  }
0x64: {  	_ =	shalt  }
0x65: {  	_ =	shalt  }
0x66: {  	_ =	shalt  }
0x67: {  	_ =	shalt  }
0x68: {  	_ =	shalt  }
0x69: {  	_ =	shalt  }
0x6a: {  	_ =	shalt  }
0x6b: {  	_ =	shalt  }
0x6c: {  	_ =	shalt  }
0x6d: {  	_ =	shalt  }
0x6e: {  	_ =	shalt  }
0x6f: {  	_ =	shalt  }
0x70: {  	_ =	shalt  }
0x71: {  	_ =	shalt  }
0x72: {  	_ =	shalt  }
0x73: {  	_ =	shalt  }
0x74: {  	_ =	shalt  }
0x75: {  	_ =	shalt  }
0x76: {  	_ =	shalt  }
0x77: {  	_ =	shalt  }
0x78: {  	_ =	shalt  }
0x79: {  	_ =	shalt  }
0x7a: {  	_ =	shalt  }
0x7b: {  	_ =	shalt  }
0x7c: {  	_ =	shalt  }
0x7d: {  	_ =	shalt  }
0x7e: {  	_ =	shalt  }
0x7f: {  	_ =	shalt  }
0x80: {  	_ =	shalt  }
0x81: {  	_ =	shalt  }
0x82: {  	_ =	shalt  }
0x83: {  	_ =	shalt  }
0x84: {  	_ =	shalt  }
0x85: {  	_ =	shalt  }
0x86: {  	_ =	shalt  }
0x87: {  	_ =	shalt  }
.Lfunc_end0:
.L_simem_size_0:
called_computation.1_lowered:
.L_overlay_start_0:
0x88: {  	s2 =	sld [smem:$0x3FD9]  }
0x89: {  	s3 =	sld [smem:$0x3FFE];
	_ =	sdelay $0x1  }
0x8a: {  	s1 =	srdreg.scid  }
0x8b: {  	s0 =	sand.u32 $0x1, s1  }
0x8c: {  	s16 =	sshll.u32 s0, $0xA;
	s2 =	sadd.s32 s3, s2  }
0x8d: {  	s2 =	sadd.s32 s2, s16  }
0x8e: {  	[smem:$0x3FAA] =	sst s2  }
0x8f: {  	_ = 	snop  }
0x90: {  	(tm) =	ssettm $0x1  }
0x91: {  	s17 =	sld [smem:$0x3FFB];
	_ =	sdelay $0x3  }
0x92: {  	_ =	strace s17  }
0x93: {  	s2 =	sld [smem:$0x3FFC];
	_ =	sdelay $0x3  }
0x94: {  	_ =	strace s2  }
0x95: {  	s2 =	sld [smem:$0x3FFD];
	_ =	sdelay $0x3  }
0x96: {  	_ =	strace s2  }
0x97: {  	_ =	strace $0x8FFFFFFF  }
0x98: {  	s18 =	sld [smem:$0x3FDB];
	_ =	sdelay $0x1  }
0x99: {  	s19 =	simm.s32 $_scs_section_size  }
0x9a: {  	s4 =	simm.s32 $_size__tile_overlayer_lowered;
	s5 =	simm.s32 $_tile_overlayer_lowered  }
0x9b: {  	s22 =	simm.s32 $0x1BFF;
	s21 =	sshll.u32 s5, $0x1;
	s2 =	sadd.s32 s19, s18  }
0x9c: {  	s6 =	simm.s32 $0x0;
	s20 =	sshll.u32 s4, $0x1;
	s4 =	sadd.s32 s21, s2  }
0x9d: {  	[timem:s6], [sflag:s22] =	dma.local [hbm:s4], s20  }
0x9e: {  	_ =	swait.ge [sflag:s22], s20  }
0x9f: {  	s3 =	ssub.s32 $0x0, s20;
	[sflag:s22] =	ssyncset.done $0x0  }
0xa0: {  	[sflag:s22] =	ssyncadd.s32 s3;
	_ =	sdelay $0x1  }
0xa1: {  	s23 =	simm.s32 $0x1B8B  }
0xa2: {  	_ =	swait.ge [sflag:s23], $0x1  }
0xa3: {  	[sflag:s23] =	ssyncset.done $0x0  }
0xa4: {  	s25 =	simm.s32 $0x1B8E;
	s24 =	sld [smem:$0x3FFE];
	[sflag:s23] =	ssyncadd.s32 $0xFFFFFFFF  }
0xa5: {  	s26 =	simm.s32 $execute0_lowered;
	[smem:$0x3FD2] =	sst s25  }
0xa6: {  	s4 =	sshll.u32 s26, $0x1;
	_ =	strace $0x80000049;
	[dreg:$0x1] =	wrdreg $0xFFFFFFFF  }
0xa7: {  	s28 =	simm.s32 $_size_execute0_lowered;
	s2 =	sadd.s32 s2, s4;
	[dreg:$0x0] =	wrdreg $0x0  }
0xa8: {  	s4 =	sshll.u32 s28, $0x1;
	[dreg:$0x2] =	wrdreg s2  }
0xa9: {  	[dreg:$0x3] =	wrdreg s4  }
0xaa: {  	[dreg:$0x4] =	wrdreg $0xC0  }
0xab: {  	_ =	task [dreg:s6], $0x5FFFF  }
0xac: {  	[dreg:$0x1] =	wrdreg $0xFFFFFFFF  }
0xad: {  	[dreg:$0x0] =	wrdreg $0x60  }
0xae: {  	[dreg:$0x2] =	wrdreg s24  }
0xaf: {  	[dreg:$0x3] =	wrdreg $0x7B200  }
0xb0: {  	[dreg:$0x4] =	wrdreg $0x67200  }
0xb1: {  	[dreg:$0x5] =	wrdreg $0x9  }
0xb2: {  	_ =	task.clear_ibuf [dreg:s6], $0x6FFFF;
	_ =	strace $0x90000049  }
0xb3: {  	s29 =	simm.s32 $0x9;
	_ =	strace $0x8000004B  }
0xb4: {  	_ =	swait.ge [sflag:s29], $0x1  }
0xb5: {  	[sflag:s29] =	ssyncadd.s32 $0xFFFFFFFF  }
0xb6: {  	_ =	strace $0x9000004B  }
0xb7: {  	_ =	sfence  }
0xb8: {  	s30 =	sld [smem:$0x0];
	_ =	sdelay $0x2  }
0xb9: {  	s31 =	sshll.u32 s1, $0xD;
	s1 =	sshrl.u32 s1, $0x2  }
0xba: {  	s3 =	sand.u32 $0x4000, s31;
	s1 =	sadd.s32 s1, s30  }
0xbb: {  	s0 =	sor.u32 s3, s0;
	s1 =	sshll.u32 s1, $0x11  }
0xbc: {  	s0 =	sor.u32 s1, s0  }
0xbd: {  	s0 =	sadd.s32 $0x8F2B, s0  }
0xbe: {  	[sflag:s0] =	ssyncadd.remote.s32 $0x1  }
0xbf: {  	_ =	sfence.sel $0xFFFF  }
0xc0: {  	[dreg:$0x0] =	wrdreg $0xFFFFFFFF;
	(pc) =	sbr.abs _section_cstart, $3  }
0xc1: {  	[dreg:$0x1] =	wrdreg $0xFFFFFFFF  }
0xc2: {  	_ =	task.clear_ibuf [dreg:s6], $0x2FFFF;
	_ =	strace $0x9FFFFFFF  }
0xc3: {  	(tm) =	ssettm $0x7FFFFFFF  }
tec
execute0_lowered:
.L_overlay_start_1:
0x0: {  	(tag) =	ssettag $0x1  }
0x1: {  	s0 =	rddreg [dreg:$0x0]  }
0x2: {  	s9 =	stileid.u32;
	s2 =	rddreg [dreg:$0x1]  }
0x3: {  	s1 =	srdreg.scid;
	s3 =	rddreg [dreg:$0x2]  }
0x4: {  	s28 =	simm.s32 $0x8F20;
	s29 =	simm.s32 $0x91A0;
	s30 =	simm.s32 $0x9420  }
0x5: {  	s31 =	simm.s32 $0x96A0;
	s10 =	simm.s32 $0x9920;
	s5 =	smul.u32 $0x280, s9  }
0x6: {  	s1 =	sand.u32 $0x1, s1;
	s4 =	sshll.u32 s9, $0x1;
	s18 =	smul.u32 $0x1400, s9  }
0x7: {  	s9 =	simm.s32 $0x50;
	s6 =	sor.u32 s1, s4;
	s8 =	smul.u32 $0x14000, s1  }
0x8: {  	s4 =	simm.s32 $0x0;
	s1 =	ssub.s32 $0x2, s1;
	s6 =	smul.u32 $0x2710, s6  }
0x9: {  	[smem:$0x7FF] =	sst s4;
	s7 =	sshrl.u32 s5, $0x3;
	s11 =	sshrl.u32 s1, $0x1  }
0xa: {  	s23 =	sadd.s32 s18, s2;
	_ =	strace $0x8000004A;
	s7 =	sadd.s32 s7, s0  }
0xb: {  	s5 =	sor.u32 s5, s8;
	[dreg:$0xe] =	wrdreg s23;
	s14 =	sadd.s32 $0x18E00, s7  }
0xc: {  	s1 =	ssub.s32 s1, s11;
	s15 =	sadd.s32 $0x19300, s7;
	[dreg:$0x6] =	wrdreg s14  }
0xd: {  	s8 =	simm.s32 $0x3;
	s16 =	sadd.s32 $0x19800, s7;
	[dreg:$0x7] =	wrdreg s15  }
0xe: {  	s11 =	simm.s32 $0x0;
	s17 =	sadd.s32 $0x19D00, s7;
	[dreg:$0x8] =	wrdreg s16  }
0xf: {  	s6 =	sshrl.u32 s6, $0x3;
	s19 =	sadd.s32 $0x1A200, s7;
	[dreg:$0x9] =	wrdreg s17  }
0x10: {  	s5 =	sshrl.u32 s5, $0x3;
	s20 =	sadd.s32 $0x1A700, s7;
	[dreg:$0xa] =	wrdreg s19  }
0x11: {  	s21 =	sadd.s32 $0x1AC00, s7;
	s22 =	sadd.s32 $0x1B100, s7;
	[dreg:$0xb] =	wrdreg s20  }
0x12: {  	s7 =	simm.s32 $0xA320;
	s6 =	sadd.s32 s6, s0;
	[dreg:$0xc] =	wrdreg s21  }
0x13: {  	s0 =	sadd.s32 s5, s0;
	[dreg:$0xd] =	wrdreg s22;
	s16 =	sadd.s32 s18, s3  }
0x14: {  	s5 =	simm.s32 $0x1;
	s12 =	sadd.s32 $0x5400, s6;
	s13 =	sadd.s32 $0xF040, s6  }
0x15: {  	s24 =	sadd.s32 $0x1B600, s0;
	s25 =	sadd.s32 $0x1BB00, s0;
	[dreg:$0x4] =	wrdreg s12  }
0x16: {  	s26 =	sadd.s32 $0x1C000, s0;
	s20 =	sadd.s32 $0x1C500, s0;
	[dreg:$0x5] =	wrdreg s13  }
0x17: {  	s21 =	sadd.s32 $0x1CA00, s0;
	s22 =	sadd.s32 $0x1CF00, s0;
	[dreg:$0xf] =	wrdreg s24  }
0x18: {  	s23 =	sadd.s32 $0x1D400, s0;
	s6 =	simm.s32 $0x2;
	[dreg:$0x10] =	wrdreg s25  }
0x19: {  	v0 =	vlaneseq.u32;
	[dreg:$0x11] =	wrdreg s26;
	s24 =	sadd.s32 $0x1D900, s0;
	s25 =	smax.u32 s1, $0x1  }
0x1a: {  	v0 =	vmul.u32 $0x8, v0;
	s1 =	simm.s32 $0x9BA0;
	s0 =	simm.s32 $0x9E20;
	s26 =	simm.s32 $0xA0A0  }
.LBB2_1:
0x1b: {  	s12 =	rddreg [dreg:$0x4]  }
0x1c: {  	[tilespmem:s4], [sflag:$0x2] =	stream.linear.gather [hbm4b:s12+s4], $0x2710, $0x38;
	[tilespmem:$0xB720] =	vst v63  }
0x1d: {  	s15 =	rddreg [dreg:$0x5];
	s13 =	simm.s32 $0x2710  }
0x1e: {  	[tilespmem:s13], [sflag:$0x2] =	stream.linear.gather [hbm4b:s15+s4], $0x2710, $0x38;
	[tilespmem:$0xB720] =	vst v63  }
0x1f: {  	s17 =	rddreg [dreg:$0x6]  }
0x20: {  	[tilespmem:s28], [sflag:$0x1] =	stream.linear.gather [hbm4b:s17+s4], $0x280, $0x38;
	[tilespmem:$0xB720] =	vst v63  }
0x21: {  	s18 =	rddreg [dreg:$0x7]  }
0x22: {  	[tilespmem:s29], [sflag:$0x1] =	stream.linear.gather [hbm4b:s18+s4], $0x280, $0x38;
	[tilespmem:$0xB720] =	vst v63  }
0x23: {  	s19 =	rddreg [dreg:$0x8]  }
0x24: {  	[tilespmem:s30], [sflag:$0x1] =	stream.linear.gather [hbm4b:s19+s4], $0x280, $0x38;
	[tilespmem:$0xB720] =	vst v63  }
0x25: {  	s13 =	rddreg [dreg:$0x9]  }
0x26: {  	[tilespmem:s31], [sflag:$0x1] =	stream.linear.gather [hbm4b:s13+s4], $0x280, $0x38;
	[tilespmem:$0xB720] =	vst v63  }
0x27: {  	s14 =	rddreg [dreg:$0xa]  }
0x28: {  	[tilespmem:s10], [sflag:$0x1] =	stream.linear.gather [hbm4b:s14+s4], $0x280, $0x38;
	[tilespmem:$0xB720] =	vst v63  }
0x29: {  	s15 =	rddreg [dreg:$0xb]  }
0x2a: {  	[tilespmem:s1], [sflag:$0x1] =	stream.linear.gather [hbm4b:s15+s4], $0x280, $0x38;
	[tilespmem:$0xB720] =	vst v63  }
0x2b: {  	s17 =	rddreg [dreg:$0xc]  }
0x2c: {  	[tilespmem:s0], [sflag:$0x1] =	stream.linear.gather [hbm4b:s17+s4], $0x280, $0x38;
	[tilespmem:$0xB720] =	vst v63  }
0x2d: {  	s18 =	rddreg [dreg:$0xd]  }
0x2e: {  	[tilespmem:s26], [sflag:$0x1] =	stream.linear.gather [hbm4b:s18+s4], $0x280, $0x38;
	[tilespmem:$0xB720] =	vst v63  }
0x2f: {  	_ =	swait.ge [sflag:s5], $0x280  }
0x30: {  	[sflag:s5] =	ssyncset.done $0x0  }
0x31: {  	[sflag:s5] =	ssyncadd.s32 $0xFFFFFD80  }
0x32: {  	_ =	swait.ge [sflag:s5], $0x280  }
0x33: {  	[sflag:s5] =	ssyncset.done $0x0  }
0x34: {  	[sflag:s5] =	ssyncadd.s32 $0xFFFFFD80  }
0x35: {  	_ =	swait.ge [sflag:s5], $0x280  }
0x36: {  	[sflag:s5] =	ssyncset.done $0x0  }
0x37: {  	[sflag:s5] =	ssyncadd.s32 $0xFFFFFD80  }
0x38: {  	_ =	swait.ge [sflag:s5], $0x280  }
0x39: {  	[sflag:s5] =	ssyncset.done $0x0  }
0x3a: {  	[sflag:s5] =	ssyncadd.s32 $0xFFFFFD80  }
0x3b: {  	_ =	swait.ge [sflag:s5], $0x280  }
0x3c: {  	[sflag:s5] =	ssyncset.done $0x0  }
0x3d: {  	[sflag:s5] =	ssyncadd.s32 $0xFFFFFD80  }
0x3e: {  	_ =	swait.ge [sflag:s5], $0x280  }
0x3f: {  	[sflag:s5] =	ssyncset.done $0x0  }
0x40: {  	[sflag:s5] =	ssyncadd.s32 $0xFFFFFD80  }
0x41: {  	_ =	swait.ge [sflag:s5], $0x280  }
0x42: {  	[sflag:s5] =	ssyncset.done $0x0  }
0x43: {  	[sflag:s5] =	ssyncadd.s32 $0xFFFFFD80  }
0x44: {  	_ =	swait.ge [sflag:s5], $0x280  }
0x45: {  	[sflag:s5] =	ssyncset.done $0x0  }
0x46: {  	[sflag:s5] =	ssyncadd.s32 $0xFFFFFD80  }
0x47: {  	_ =	swait.ge [sflag:s6], $0x2710  }
0x48: {  	[sflag:s6] =	ssyncset.done $0x0  }
0x49: {  	[sflag:s6] =	ssyncadd.s32 $0xFFFFD8F0  }
0x4a: {  	_ =	swait.ge [sflag:s6], $0x2710  }
0x4b: {  	v1 =	vmov s4;
	[sflag:s6] =	ssyncset.done $0x0  }
0x4c: {  	v1 =	vshll.u32 v1, $0x3;
	[sflag:s6] =	ssyncadd.s32 $0xFFFFD8F0  }
0x4d: {  	v3 =	vor.u32 v0, v1;
	v2 =	vld [tilespmem:s10+$0xFFFFF600];
	_ =	sdelay $0x4  }
0x4e: {  	[tilespmem:v3+s7+$0x0] =	vst.idx.msk $0xffff, v2  }
0x4f: {  	v2 =	vor.u32 $0x1, v3;
	v1 =	vld [tilespmem:s10+$0xFFFFF880];
	_ =	sdelay $0x4  }
0x50: {  	[tilespmem:v2+s7+$0x0] =	vst.idx.msk $0xffff, v1  }
0x51: {  	v2 =	vor.u32 $0x2, v3;
	v1 =	vld [tilespmem:s10+$0xFFFFFB00];
	_ =	sdelay $0x4  }
0x52: {  	[tilespmem:v2+s7+$0x0] =	vst.idx.msk $0xffff, v1  }
0x53: {  	v2 =	vor.u32 $0x3, v3;
	v1 =	vld [tilespmem:s10+$0xFFFFFD80];
	_ =	sdelay $0x4  }
0x54: {  	[tilespmem:v2+s7+$0x0] =	vst.idx.msk $0xffff, v1  }
0x55: {  	v2 =	vor.u32 $0x4, v3;
	v1 =	vld [tilespmem:s10+$0x0];
	_ =	sdelay $0x4  }
0x56: {  	[tilespmem:v2+s7+$0x0] =	vst.idx.msk $0xffff, v1  }
0x57: {  	v2 =	vor.u32 $0x5, v3;
	v1 =	vld [tilespmem:s10+$0x280];
	_ =	sdelay $0x4  }
0x58: {  	[tilespmem:v2+s7+$0x0] =	vst.idx.msk $0xffff, v1  }
0x59: {  	v2 =	vor.u32 $0x6, v3;
	v1 =	vld [tilespmem:s10+$0x500];
	_ =	sdelay $0x4  }
0x5a: {  	[tilespmem:v2+s7+$0x0] =	vst.idx.msk $0xffff, v1  }
0x5b: {  	v2 =	vor.u32 $0x7, v3;
	v1 =	vld [tilespmem:s10+$0x780];
	_ =	sdelay $0x2  }
0x5c: {  	s19 =	simm.s32 $0x10  }
0x5d: {  	s12 =	simm.s32 $0x9920;
	s13 =	simm.s32 $0x20;
	v3 =	vmov s19  }
.LBB2_2:
0x5e: {  	p0 =	sne.s32 s13, $0x270;
	v3 =	vshll.u32 v3, $0x3;
	[tilespmem:v2+s7+$0x0] =	vst.idx.msk $0xffff, v1;
	s12 =	sadd.s32 $0x10, s12  }
0x5f: {  	v1 =	vld [tilespmem:s12+$0xFFFFF600];
	v2 =	vor.u32 v0, v3;
	_ =	sdelay $0x4  }
0x60: {  	[tilespmem:v2+s7+$0x0] =	vst.idx.msk $0xffff, v1  }
0x61: {  	v3 =	vor.u32 $0x1, v2;
	v1 =	vld [tilespmem:s12+$0xFFFFF880];
	_ =	sdelay $0x4  }
0x62: {  	[tilespmem:v3+s7+$0x0] =	vst.idx.msk $0xffff, v1  }
0x63: {  	v3 =	vor.u32 $0x2, v2;
	v1 =	vld [tilespmem:s12+$0xFFFFFB00];
	_ =	sdelay $0x4  }
0x64: {  	[tilespmem:v3+s7+$0x0] =	vst.idx.msk $0xffff, v1  }
0x65: {  	v3 =	vor.u32 $0x3, v2;
	v1 =	vld [tilespmem:s12+$0xFFFFFD80];
	_ =	sdelay $0x4  }
0x66: {  	[tilespmem:v3+s7+$0x0] =	vst.idx.msk $0xffff, v1  }
0x67: {  	v3 =	vor.u32 $0x4, v2;
	v1 =	vld [tilespmem:s12+$0x0];
	_ =	sdelay $0x4  }
0x68: {  	[tilespmem:v3+s7+$0x0] =	vst.idx.msk $0xffff, v1  }
0x69: {  	v3 =	vor.u32 $0x5, v2;
	v1 =	vld [tilespmem:s12+$0x280];
	_ =	sdelay $0x4  }
0x6a: {  	[tilespmem:v3+s7+$0x0] =	vst.idx.msk $0xffff, v1  }
0x6b: {  	v3 =	vor.u32 $0x6, v2;
	v1 =	vld [tilespmem:s12+$0x500];
	_ =	sdelay $0x4  }
0x6c: {  	[tilespmem:v3+s7+$0x0] =	vst.idx.msk $0xffff, v1  }
.Ltmp0:
0x6d: {  	v2 =	vor.u32 $0x7, v2;
	v1 =	vld [tilespmem:s12+$0x780];
	(pc) =	sbr.rel @p0 .LBB2_2-.Ltmp0, $2  }
0x6e: {  	_ =	sdelay $0x2  }
0x6f: {  	v3 =	vmov s13;
	s13 =	sadd.s32 $0x10, s13  }
0x70: {  	_ =	sdelay $0x3  }
0x71: {  	v3 =	vshll.u32 v3, $0x3;
	[tilespmem:v2+s7+$0x0] =	vst.idx.msk $0xffff, v1;
	s12 =	sadd.s32 $0x10, s12  }
0x72: {  	v1 =	vld [tilespmem:s12+$0xFFFFF600];
	v2 =	vor.u32 v0, v3;
	_ =	sdelay $0x4  }
0x73: {  	[tilespmem:v2+s7+$0x0] =	vst.idx.msk $0xffff, v1  }
0x74: {  	v3 =	vor.u32 $0x1, v2;
	v1 =	vld [tilespmem:s12+$0xFFFFF880];
	_ =	sdelay $0x4  }
0x75: {  	[tilespmem:v3+s7+$0x0] =	vst.idx.msk $0xffff, v1  }
0x76: {  	v3 =	vor.u32 $0x2, v2;
	v1 =	vld [tilespmem:s12+$0xFFFFFB00];
	_ =	sdelay $0x4  }
0x77: {  	[tilespmem:v3+s7+$0x0] =	vst.idx.msk $0xffff, v1  }
0x78: {  	v3 =	vor.u32 $0x3, v2;
	v1 =	vld [tilespmem:s12+$0xFFFFFD80];
	_ =	sdelay $0x4  }
0x79: {  	[tilespmem:v3+s7+$0x0] =	vst.idx.msk $0xffff, v1  }
0x7a: {  	v3 =	vor.u32 $0x4, v2;
	v1 =	vld [tilespmem:s12+$0x0];
	_ =	sdelay $0x4  }
0x7b: {  	[tilespmem:v3+s7+$0x0] =	vst.idx.msk $0xffff, v1  }
0x7c: {  	v3 =	vor.u32 $0x5, v2;
	v1 =	vld [tilespmem:s12+$0x280];
	_ =	sdelay $0x4  }
0x7d: {  	[tilespmem:v3+s7+$0x0] =	vst.idx.msk $0xffff, v1  }
0x7e: {  	v3 =	vor.u32 $0x6, v2;
	v1 =	vld [tilespmem:s12+$0x500];
	_ =	sdelay $0x4  }
0x7f: {  	[tilespmem:v3+s7+$0x0] =	vst.idx.msk $0xffff, v1  }
0x80: {  	v2 =	vor.u32 $0x7, v2;
	v1 =	vld [tilespmem:s12+$0x780];
	_ =	sdelay $0x4  }
0x81: {  	s19 =	rddreg [dreg:$0xe];
	[tilespmem:v2+s7+$0x0] =	vst.idx.msk $0xffff, v1  }
0x82: {  	[spmem:s19] =	stream.linear.scatter [tilespmem:s7], [sflag:$0x3], $0x1400, $0x38;
	[tilespmem:$0xB720] =	vst v63  }
0x83: {  	_ =	swait.ge [sflag:s8], $0x1400  }
0x84: {  	[sflag:s8] =	ssyncset.done $0x0  }
0x85: {  	[sflag:s8] =	ssyncadd.s32 $0xFFFFEC00  }
0x86: {  	[spmem:s16] =	stream.linear.scatter [tilespmem:s7], [sflag:$0x3], $0x1400, $0x38;
	[tilespmem:$0xB720] =	vst v63  }
.Ltmp1:
0x87: {  	_ =	swait.ge [sflag:s8], $0x1400;
	(pc) =	sbr.rel .LBB2_4-.Ltmp1, $4  }
0x88: {  	[sflag:s8] =	ssyncset.done $0x0  }
0x89: {  	[sflag:s8] =	ssyncadd.s32 $0xFFFFEC00  }
0x8a: {  	[bflag:$0x0] =	sbarrier.arrive $0xFFFF  }
0x8b: {  	s13 =	simm.s32 $0x0;
	s12 =	simm.s32 $0x0  }
.LBB2_6:
0x8c: {  	p1 =	seq.s32 s13, $0x0  }
0x8d: {  	p2 =	seq.s32 @!p1 s13, $0x1A  }
0x8e: {  	p0 =	por p2, p1  }
0x8f: {  	s14 =	simm.s32 @!p0 $0x1  }
0x90: {  	_ =	swait.ge @!p0 [sflag:s14], $0x280  }
0x91: {  	[sflag:s14] =	ssyncset.done @!p0 $0x0  }
0x92: {  	[sflag:s14] =	ssyncadd.s32 @!p0 $0xFFFFFD80  }
0x93: {  	_ =	swait.ge @!p0 [sflag:s14], $0x280  }
0x94: {  	[sflag:s14] =	ssyncset.done @!p0 $0x0  }
0x95: {  	[sflag:s14] =	ssyncadd.s32 @!p0 $0xFFFFFD80  }
0x96: {  	_ =	swait.ge @!p0 [sflag:s14], $0x280  }
0x97: {  	[sflag:s14] =	ssyncset.done @!p0 $0x0  }
0x98: {  	[sflag:s14] =	ssyncadd.s32 @!p0 $0xFFFFFD80  }
0x99: {  	s13 =	sadd.s32 $0x1, s13;
	_ =	swait.ge @!p0 [sflag:s14], $0x280  }
0x9a: {  	s15 =	sand.u32 @!p0 $0x1, s13;
	[sflag:s14] =	ssyncset.done @!p0 $0x0  }
0x9b: {  	p3 =	seq.s32 @!p0 s15, $0x1;
	[sflag:s14] =	ssyncadd.s32 @!p0 $0xFFFFFD80  }
0x9c: {  	p2 =	por @!p1 !p3, p2;
	_ =	swait.ge @!p0 [sflag:s14], $0x280  }
0x9d: {  	s15 =	simm.s32 @!p0 $0xC80;
	p1 =	por !p2, p1;
	[sflag:s14] =	ssyncset.done @!p0 $0x0  }
0x9e: {  	s15 =	simm.s32 @!p1 $0x0;
	[sflag:s14] =	ssyncadd.s32 @!p0 $0xFFFFFD80;
	s14 =	sshra.s32 @!p0 s12, $0x2  }
0x9f: {  	s19 =	simm.s32 @!p0 $0x50;
	s17 =	sadd.s32 @!p0 $0x4E20, s15;
	s18 =	sadd.s32 @!p0 $0x2580, s14  }
0xa0: {  	[spmem:s3] =	stream.indirect.scatter.add.f32 @!p0 [tilespmem:s17], [sflag:$0x2], $0x8, s18, s19, $0xb8;
	[tilespmem:$0xB720] =	vst v63  }
0xa1: {  	s17 =	sadd.s32 @!p0 $0x50A0, s15;
	s18 =	sadd.s32 @!p0 $0x25D0, s14  }
0xa2: {  	[spmem:s3] =	stream.indirect.scatter.add.f32 @!p0 [tilespmem:s17], [sflag:$0x2], $0x8, s18, s19, $0xb8;
	[tilespmem:$0xB720] =	vst v63  }
0xa3: {  	s17 =	sor.u32 @!p0 $0x5320, s15;
	s18 =	sadd.s32 @!p0 $0x2620, s14  }
0xa4: {  	[spmem:s3] =	stream.indirect.scatter.add.f32 @!p0 [tilespmem:s17], [sflag:$0x2], $0x8, s18, s19, $0xb8;
	[tilespmem:$0xB720] =	vst v63  }
0xa5: {  	s17 =	sadd.s32 @!p0 $0x55A0, s15;
	s18 =	sadd.s32 @!p0 $0x2670, s14  }
0xa6: {  	[spmem:s3] =	stream.indirect.scatter.add.f32 @!p0 [tilespmem:s17], [sflag:$0x2], $0x8, s18, s19, $0xb8;
	[tilespmem:$0xB720] =	vst v63  }
0xa7: {  	s12 =	sadd.s32 $0x640, s12;
	s15 =	sadd.s32 @!p0 $0x5820, s15;
	s14 =	sadd.s32 @!p0 $0x26C0, s14  }
0xa8: {  	[spmem:s3] =	stream.indirect.scatter.add.f32 @!p0 [tilespmem:s15], [sflag:$0x2], $0x8, s14, s19, $0xb8;
	[tilespmem:$0xB720] =	vst v63  }
0xa9: {  	p0 =	sne.s32 s12, $0xA8C0  }
.Ltmp2:
0xaa: {  	_ = 	snop;
	(pc) =	sbr.rel @!p0 .LBB2_7-.Ltmp2, $1  }
0xab: {  	_ =	sdelay $0x3  }
.LBB2_4:
0xac: {  	p0 =	slt.u32 s13, $0x2  }
0xad: {  	s14 =	simm.s32 @!p0 $0x2  }
0xae: {  	_ =	swait.ge @!p0 [sflag:s14], $0x280  }
0xaf: {  	[sflag:s14] =	ssyncset.done @!p0 $0x0  }
0xb0: {  	[sflag:s14] =	ssyncadd.s32 @!p0 $0xFFFFFD80  }
0xb1: {  	_ =	swait.ge @!p0 [sflag:s14], $0x280  }
0xb2: {  	[sflag:s14] =	ssyncset.done @!p0 $0x0  }
0xb3: {  	[sflag:s14] =	ssyncadd.s32 @!p0 $0xFFFFFD80  }
0xb4: {  	_ =	swait.ge @!p0 [sflag:s14], $0x280  }
0xb5: {  	[sflag:s14] =	ssyncset.done @!p0 $0x0  }
0xb6: {  	p1 =	sgt.u32 @!p0 s13, $0x18;
	[sflag:s14] =	ssyncadd.s32 @!p0 $0xFFFFFD80  }
0xb7: {  	p1 =	por p0, !p1;
	_ =	swait.ge @!p0 [sflag:s14], $0x280  }
.Ltmp3:
0xb8: {  	[sflag:s14] =	ssyncset.done @!p0 $0x0;
	(pc) =	sbr.rel @!p1 .LBB2_6-.Ltmp3, $4  }
0xb9: {  	[sflag:s14] =	ssyncadd.s32 @!p0 $0xFFFFFD80  }
0xba: {  	_ =	swait.ge @!p0 [sflag:s14], $0x280  }
0xbb: {  	[sflag:s14] =	ssyncset.done @!p0 $0x0  }
0xbc: {  	[sflag:s14] =	ssyncadd.s32 @!p0 $0xFFFFFD80  }
0xbd: {  	s14 =	sand.u32 $0x1, s13  }
0xbe: {  	p0 =	seq.s32 s14, $0x1;
	s14 =	simm.s32 $0xC80  }
0xbf: {  	s14 =	simm.s32 @!p0 $0x0  }
0xc0: {  	s17 =	sshra.s32 s12, $0x2;
	s15 =	sadd.s32 $0x4E20, s14  }
0xc1: {  	[tilespmem:s15], [sflag:$0x1] =	stream.indirect.gather [spmem:s2], $0x8, s17, s9, $0xb8;
	[tilespmem:$0xB720] =	vst v63  }
0xc2: {  	s18 =	sadd.s32 $0x50, s17;
	s19 =	sadd.s32 $0x50A0, s14  }
0xc3: {  	[tilespmem:s19], [sflag:$0x1] =	stream.indirect.gather [spmem:s2], $0x8, s18, s9, $0xb8;
	[tilespmem:$0xB720] =	vst v63  }
0xc4: {  	s18 =	sor.u32 $0x5320, s14;
	s19 =	sadd.s32 $0xA0, s17  }
0xc5: {  	[tilespmem:s18], [sflag:$0x1] =	stream.indirect.gather [spmem:s2], $0x8, s19, s9, $0xb8;
	[tilespmem:$0xB720] =	vst v63  }
.Ltmp4:
0xc6: {  	_ = 	snop;
	(pc) =	sbr.rel .LBB2_6-.Ltmp4, $4  }
0xc7: {  	s18 =	sadd.s32 $0x55A0, s14;
	s19 =	sadd.s32 $0xF0, s17  }
0xc8: {  	[tilespmem:s18], [sflag:$0x1] =	stream.indirect.gather [spmem:s2], $0x8, s19, s9, $0xb8;
	[tilespmem:$0xB720] =	vst v63  }
0xc9: {  	s14 =	sadd.s32 $0x5820, s14;
	s19 =	sadd.s32 $0x140, s17  }
0xca: {  	[tilespmem:s14], [sflag:$0x1] =	stream.indirect.gather [spmem:s2], $0x8, s19, s9, $0xb8;
	[tilespmem:$0xB720] =	vst v63  }
.LBB2_7:
0xcb: {  	s12 =	simm.s32 $0x0  }
0xcc: {  	v1 =	vmov s12  }
0xcd: {  	v1 =	vshll.u32 v1, $0x3  }
0xce: {  	[bflag:$0x0] =	sbarrier.arrive $0xFFFF;
	v1 =	vor.u32 v0, v1  }
0xcf: {  	[tilespmem:s7], [sflag:$0x3] =	stream.linear.gather [spmem:s16], $0x1400, $0x38;
	[tilespmem:$0xB720] =	vst v63  }
0xd0: {  	_ =	swait.ge [sflag:s8], $0x1400  }
0xd1: {  	[sflag:s8] =	ssyncset.done $0x0  }
0xd2: {  	[sflag:s8] =	ssyncadd.s32 $0xFFFFEC00  }
0xd3: {  	v2 =	vld.idx.msk [tilespmem:v1+s7+$0x0], $0xffff  }
0xd4: {  	v3 =	vor.u32 $0x1, v1;
	_ =	sdelay $0x2  }
0xd5: {  	s12 =	simm.s32 $0x9920  }
0xd6: {  	[tilespmem:s12+$0xFFFFF600] =	vst v2  }
0xd7: {  	v2 =	vld.idx.msk [tilespmem:v3+s7+$0x0], $0xffff  }
0xd8: {  	v3 =	vor.u32 $0x2, v1;
	_ =	sdelay $0x3  }
0xd9: {  	[tilespmem:s12+$0xFFFFF880] =	vst v2  }
0xda: {  	v2 =	vld.idx.msk [tilespmem:v3+s7+$0x0], $0xffff  }
0xdb: {  	v3 =	vor.u32 $0x3, v1;
	_ =	sdelay $0x3  }
0xdc: {  	[tilespmem:s12+$0xFFFFFB00] =	vst v2  }
0xdd: {  	v2 =	vld.idx.msk [tilespmem:v3+s7+$0x0], $0xffff  }
0xde: {  	v3 =	vor.u32 $0x4, v1;
	_ =	sdelay $0x3  }
0xdf: {  	[tilespmem:s12+$0xFFFFFD80] =	vst v2  }
0xe0: {  	v2 =	vld.idx.msk [tilespmem:v3+s7+$0x0], $0xffff  }
0xe1: {  	v3 =	vor.u32 $0x5, v1;
	_ =	sdelay $0x3  }
0xe2: {  	[tilespmem:s12+$0x0] =	vst v2  }
0xe3: {  	v2 =	vld.idx.msk [tilespmem:v3+s7+$0x0], $0xffff  }
0xe4: {  	v3 =	vor.u32 $0x6, v1;
	_ =	sdelay $0x3  }
0xe5: {  	[tilespmem:s12+$0x280] =	vst v2  }
0xe6: {  	v2 =	vld.idx.msk [tilespmem:v3+s7+$0x0], $0xffff  }
0xe7: {  	v1 =	vor.u32 $0x7, v1;
	_ =	sdelay $0x3  }
0xe8: {  	s13 =	simm.s32 $0x10;
	[tilespmem:s12+$0x500] =	vst v2  }
0xe9: {  	v2 =	vmov s13;
	s13 =	simm.s32 $0x20;
	v1 =	vld.idx.msk [tilespmem:v1+s7+$0x0], $0xffff  }
.LBB2_8:
0xea: {  	p0 =	sne.s32 s13, $0x270;
	v2 =	vshll.u32 v2, $0x3  }
0xeb: {  	v2 =	vor.u32 v0, v2;
	_ =	sdelay $0x3  }
0xec: {  	[tilespmem:s12+$0x780] =	vst v1  }
0xed: {  	v1 =	vld.idx.msk [tilespmem:v2+s7+$0x0], $0xffff;
	_ =	sdelay $0x1  }
0xee: {  	v3 =	vor.u32 $0x1, v2;
	_ =	sdelay $0x2  }
0xef: {  	s12 =	sadd.s32 $0x10, s12  }
0xf0: {  	[tilespmem:s12+$0xFFFFF600] =	vst v1  }
0xf1: {  	v1 =	vld.idx.msk [tilespmem:v3+s7+$0x0], $0xffff;
	_ =	sdelay $0x1  }
0xf2: {  	v3 =	vor.u32 $0x2, v2;
	_ =	sdelay $0x3  }
0xf3: {  	[tilespmem:s12+$0xFFFFF880] =	vst v1  }
0xf4: {  	v1 =	vld.idx.msk [tilespmem:v3+s7+$0x0], $0xffff;
	_ =	sdelay $0x1  }
0xf5: {  	v3 =	vor.u32 $0x3, v2;
	_ =	sdelay $0x3  }
0xf6: {  	[tilespmem:s12+$0xFFFFFB00] =	vst v1  }
0xf7: {  	v1 =	vld.idx.msk [tilespmem:v3+s7+$0x0], $0xffff;
	_ =	sdelay $0x1  }
0xf8: {  	v3 =	vor.u32 $0x4, v2;
	_ =	sdelay $0x3  }
0xf9: {  	[tilespmem:s12+$0xFFFFFD80] =	vst v1  }
0xfa: {  	v1 =	vld.idx.msk [tilespmem:v3+s7+$0x0], $0xffff;
	_ =	sdelay $0x1  }
0xfb: {  	v3 =	vor.u32 $0x5, v2;
	_ =	sdelay $0x3  }
0xfc: {  	[tilespmem:s12+$0x0] =	vst v1  }
0xfd: {  	v1 =	vld.idx.msk [tilespmem:v3+s7+$0x0], $0xffff;
	_ =	sdelay $0x1  }
0xfe: {  	v3 =	vor.u32 $0x6, v2;
	_ =	sdelay $0x3  }
0xff: {  	[tilespmem:s12+$0x280] =	vst v1  }
0x100: {  	v1 =	vld.idx.msk [tilespmem:v3+s7+$0x0], $0xffff;
	_ =	sdelay $0x1  }
0x101: {  	v3 =	vor.u32 $0x7, v2  }
.Ltmp5:
0x102: {  	(pc) =	sbr.rel @p0 .LBB2_8-.Ltmp5, $3  }
0x103: {  	_ =	sdelay $0x1  }
0x104: {  	[tilespmem:s12+$0x500] =	vst v1  }
0x105: {  	v2 =	vmov s13;
	s13 =	sadd.s32 $0x10, s13;
	v1 =	vld.idx.msk [tilespmem:v3+s7+$0x0], $0xffff  }
0x106: {  	v2 =	vshll.u32 v2, $0x3  }
0x107: {  	v2 =	vor.u32 v0, v2;
	_ =	sdelay $0x3  }
0x108: {  	[tilespmem:s12+$0x780] =	vst v1  }
0x109: {  	v1 =	vld.idx.msk [tilespmem:v2+s7+$0x0], $0xffff  }
0x10a: {  	v3 =	vor.u32 $0x1, v2;
	_ =	sdelay $0x2  }
0x10b: {  	s15 =	sadd.s32 $0x10, s12  }
0x10c: {  	[tilespmem:s15+$0xFFFFF600] =	vst v1  }
0x10d: {  	v1 =	vld.idx.msk [tilespmem:v3+s7+$0x0], $0xffff  }
0x10e: {  	v3 =	vor.u32 $0x2, v2;
	_ =	sdelay $0x3  }
0x10f: {  	[tilespmem:s15+$0xFFFFF880] =	vst v1  }
0x110: {  	v1 =	vld.idx.msk [tilespmem:v3+s7+$0x0], $0xffff  }
0x111: {  	v3 =	vor.u32 $0x3, v2;
	_ =	sdelay $0x3  }
0x112: {  	[tilespmem:s15+$0xFFFFFB00] =	vst v1  }
0x113: {  	v1 =	vld.idx.msk [tilespmem:v3+s7+$0x0], $0xffff  }
0x114: {  	v3 =	vor.u32 $0x4, v2;
	_ =	sdelay $0x3  }
0x115: {  	[tilespmem:s15+$0xFFFFFD80] =	vst v1  }
0x116: {  	v1 =	vld.idx.msk [tilespmem:v3+s7+$0x0], $0xffff  }
0x117: {  	v3 =	vor.u32 $0x5, v2;
	_ =	sdelay $0x3  }
0x118: {  	[tilespmem:s15+$0x0] =	vst v1  }
0x119: {  	v1 =	vld.idx.msk [tilespmem:v3+s7+$0x0], $0xffff  }
0x11a: {  	v3 =	vor.u32 $0x6, v2;
	_ =	sdelay $0x3  }
0x11b: {  	[tilespmem:s15+$0x280] =	vst v1  }
0x11c: {  	v1 =	vld.idx.msk [tilespmem:v3+s7+$0x0], $0xffff  }
0x11d: {  	v2 =	vor.u32 $0x7, v2;
	_ =	sdelay $0x3  }
0x11e: {  	[tilespmem:s15+$0x500] =	vst v1  }
0x11f: {  	v1 =	vld.idx.msk [tilespmem:v2+s7+$0x0], $0xffff;
	_ =	sdelay $0x4  }
0x120: {  	s17 =	rddreg [dreg:$0xf];
	[tilespmem:s15+$0x780] =	vst v1  }
0x121: {  	[hbm4b:s17+s4] =	stream.linear.scatter [tilespmem:s28], [sflag:$0x1], $0x280, $0x38;
	[tilespmem:$0xB720] =	vst v63  }
0x122: {  	s18 =	rddreg [dreg:$0x10]  }
0x123: {  	[hbm4b:s18+s4] =	stream.linear.scatter [tilespmem:s29], [sflag:$0x1], $0x280, $0x38;
	[tilespmem:$0xB720] =	vst v63  }
0x124: {  	s19 =	rddreg [dreg:$0x11]  }
0x125: {  	[hbm4b:s19+s4] =	stream.linear.scatter [tilespmem:s30], [sflag:$0x1], $0x280, $0x38;
	[tilespmem:$0xB720] =	vst v63  }
0x126: {  	_ = 	snop  }
0x127: {  	[hbm4b:s20+s4] =	stream.linear.scatter [tilespmem:s31], [sflag:$0x1], $0x280, $0x38;
	[tilespmem:$0xB720] =	vst v63  }
0x128: {  	_ = 	snop  }
0x129: {  	[hbm4b:s21+s4] =	stream.linear.scatter [tilespmem:s10], [sflag:$0x1], $0x280, $0x38;
	[tilespmem:$0xB720] =	vst v63  }
0x12a: {  	_ = 	snop  }
0x12b: {  	[hbm4b:s22+s4] =	stream.linear.scatter [tilespmem:s1], [sflag:$0x1], $0x280, $0x38;
	[tilespmem:$0xB720] =	vst v63  }
0x12c: {  	_ = 	snop  }
0x12d: {  	[hbm4b:s23+s4] =	stream.linear.scatter [tilespmem:s0], [sflag:$0x1], $0x280, $0x38;
	[tilespmem:$0xB720] =	vst v63  }
0x12e: {  	_ = 	snop  }
0x12f: {  	[hbm4b:s24+s4] =	stream.linear.scatter [tilespmem:s26], [sflag:$0x1], $0x280, $0x38;
	[tilespmem:$0xB720] =	vst v63  }
0x130: {  	_ =	swait.ge [sflag:s5], $0x280  }
0x131: {  	[sflag:s5] =	ssyncset.done $0x0  }
0x132: {  	[sflag:s5] =	ssyncadd.s32 $0xFFFFFD80  }
0x133: {  	_ =	swait.ge [sflag:s5], $0x280  }
0x134: {  	[sflag:s5] =	ssyncset.done $0x0  }
0x135: {  	[sflag:s5] =	ssyncadd.s32 $0xFFFFFD80  }
0x136: {  	_ =	swait.ge [sflag:s5], $0x280  }
0x137: {  	[sflag:s5] =	ssyncset.done $0x0  }
0x138: {  	[sflag:s5] =	ssyncadd.s32 $0xFFFFFD80  }
0x139: {  	_ =	swait.ge [sflag:s5], $0x280  }
0x13a: {  	[sflag:s5] =	ssyncset.done $0x0  }
0x13b: {  	[sflag:s5] =	ssyncadd.s32 $0xFFFFFD80  }
0x13c: {  	_ =	swait.ge [sflag:s5], $0x280  }
0x13d: {  	[sflag:s5] =	ssyncset.done $0x0  }
0x13e: {  	[sflag:s5] =	ssyncadd.s32 $0xFFFFFD80  }
0x13f: {  	_ =	swait.ge [sflag:s5], $0x280  }
0x140: {  	[sflag:s5] =	ssyncset.done $0x0  }
0x141: {  	s11 =	sadd.s32 $0x1, s11;
	[sflag:s5] =	ssyncadd.s32 $0xFFFFFD80  }
0x142: {  	p0 =	sne.s32 s11, s25;
	_ =	swait.ge [sflag:s5], $0x280  }
.Ltmp6:
0x143: {  	[sflag:s5] =	ssyncset.done $0x0;
	(pc) =	sbr.rel @p0 .LBB2_1-.Ltmp6, $4  }
0x144: {  	[sflag:s5] =	ssyncadd.s32 $0xFFFFFD80  }
0x145: {  	_ =	swait.ge [sflag:s5], $0x280  }
0x146: {  	[sflag:s5] =	ssyncset.done $0x0  }
0x147: {  	[sflag:s5] =	ssyncadd.s32 $0xFFFFFD80  }
0x148: {  	_ =	sfence.sel $0x180000  }
0x149: {  	[bflag:$0x0] =	sbarrier.arrive $0xFFFF  }
0x14a: {  	_ =	strace $0x9000004A  }
0x14b: {  	s0 =	stileid.u32;
	[bflag:$0x2] =	sbarrier.arrive $0xFFFF  }
0x14c: {  	p0 =	sne.s32 s0, $0x0;
	s0 =	rddreg [dreg:$0x3]  }
0x14d: {  	s0 =	sadd.s32 @!p0 $0x100000, s0  }
0x14e: {  	[sflag:s0] =	ssyncadd.tile.s32 @!p0 $0x1;
	_ =	shalt  }
.Lfunc_end2:
_tile_overlayer_lowered:
.L_overlay_start_2:
0x14f: {  	(tag) =	ssettag $0x2  }
0x150: {  	s0 =	rddreg [dreg:$0x0];
	s2 =	stileid.u32  }
0x151: {  	s1 =	rddreg [dreg:$0x1];
	p0 =	sne.s32 s2, $0x0  }
0x152: {  	s3 =	rddreg [dreg:$0x2];
	[bflag:$0x3] =	sbarrier.arrive $0xFFFF;
	s2 =	simm.s32 @!p0 $0x1C03  }
0x153: {  	[timem:s3], [sflag:s2] =	dma.local @!p0 [hbm:s0], s1  }
0x154: {  	s0 =	simm.s32 @!p0 $0x3  }
0x155: {  	_ =	swait.ge @!p0 [sflag:s0], s1  }
0x156: {  	s1 =	ssub.s32 @!p0 $0x0, s1;
	[sflag:s0] =	ssyncset.done @!p0 $0x0  }
0x157: {  	[sflag:s0] =	ssyncadd.s32 @!p0 s1  }
0x158: {  	[bflag:$0x3] =	sbarrier.arrive $0xFFFF  }
0x159: {  	_ =	shalt  }

// kernel: kernel.15.cloned.1.call-start
scs
__scs_entry_jumppad:
0x0: {  	(pc) =	sbr.rel $0x88, $3  }
0x1: {  	(tag) =	ssettag $0x0;
	lr =	simm.s32 $0x1  }
0x2: {  	[smem:$0x3F83] =	sst lr;
	_ =	strace $0xD0000000  }
0x3: {  	_ = 	snop  }
0x4: {  	_ = 	snop  }
0x5: {  	_ = 	snop  }
0x6: {  	_ = 	snop  }
0x7: {  	_ = 	snop  }
__scs_overlays_trampoline_lowered:
0x8: {  	[smem:$0x3F92] =	sst s0  }
0x9: {  	[smem:$0x3F93] =	sst s1  }
0xa: {  	[smem:$0x3F94] =	sst s2  }
0xb: {  	[smem:$0x3F95] =	sst s3  }
0xc: {  	[smem:$0x3F96] =	sst s4  }
0xd: {  	[smem:$0x3F97] =	sst s5  }
0xe: {  	[smem:$0x3F98] =	sst s6  }
0xf: {  	[smem:$0x3F99] =	sst s7  }
0x10: {  	[smem:$0x3F9A] =	sst s8  }
0x11: {  	[smem:$0x3F9B] =	sst s9;
	s0 =	simm.s32 @!p0 $0x0  }
0x12: {  	s1 =	sld [smem:$0x3F81];
	s0 =	simm.s32 @p0 $0x1  }
0x13: {  	[smem:$0x3F9C] =	sst s0;
	s0 =	simm.s32 @!p1 $0x0  }
0x14: {  	s2 =	sld [smem:$0x3F80];
	s0 =	simm.s32 @p1 $0x1  }
0x15: {  	[smem:$0x3F9D] =	sst s0;
	s0 =	simm.s32 @!p2 $0x0  }
0x16: {  	s3 =	sld [smem:$0x3FDB];
	s0 =	simm.s32 @p2 $0x1  }
0x17: {  	s4 =	simm.s32 $0x1BF5;
	[smem:$0x3F9F] =	sst s0  }
0x18: {  	s0 =	sld [smem:$0x3F82];
	_ =	swait.ge [sflag:s4], $0x0  }
0x19: {  	s7 =	sld [smem:$0x3F83]  }
0x1a: {  	s8 =	sadd.s32 $0xFFFFE003, lr  }
0x1b: {  	s9 =	sadd.s32 $0xFFFFFEF7, lr;
	s5 =	simm.s32 $0xFFFFFFFF;
	p2 =	slt.u32 s8, $0xFFFFF086  }
0x1c: {  	p1 =	slt.u32 s9, $0xF7A;
	s5 =	simm.s32 @!p2 $0x0  }
0x1d: {  	s5 =	simm.s32 @p1 $0x1;
	p0 =	seq.s32 s7, s2  }
0x1e: {  	s7 =	smul.u32 @!p0 $0xF7A, s2;
	p2 =	seq.s32 @!p0 s5, $0x0  }
0x1f: {  	s9 =	smul.u32 $0xF7A, s1;
	s8 =	simm.s32 @!p0 $0x1BF5;
	p2 =	por !p2, p0  }
0x20: {  	[sflag:s8] =	ssyncset.s32 @!p0 $0xFFFFF086;
	s6 =	sadd.s32 @!p0 s3, s7;
	s7 =	simm.s32 @!p0 $0x108  }
0x21: {  	s3 =	sadd.s32 s3, s9;
	s6 =	sadd.s32 @!p0 $0x88, s6;
	s7 =	simm.s32 @p2 $0x1082  }
0x22: {  	[simem:s7], [sflag:s8] =	dma.local @!p0 [hbm:s6], $0xF7A  }
0x23: {  	s9 =	sor.u32 $0xD0000000, s2;
	s6 =	simm.s32 $0x108;
	_ =	swait.ge @!p0 [sflag:s8], $0x0  }
0x24: {  	s3 =	sadd.s32 $0x88, s3;
	s6 =	simm.s32 @!p1 $0x1082;
	[sflag:s4] =	ssyncset.s32 $0xFFFFF086  }
0x25: {  	[simem:s6], [sflag:s4] =	dma.local [hbm:s3], $0xF7A  }
0x26: {  	[smem:$0x3F83] =	sst s1;
	(tag) =	ssettag s2;
	_ =	strace s9  }
0x27: {  	s1 =	sld [smem:$0x3F93]  }
0x28: {  	s2 =	sld [smem:$0x3F94]  }
0x29: {  	s4 =	sld [smem:$0x3F96]  }
0x2a: {  	p0 =	seq.s32 s5, $0x0;
	s5 =	sld [smem:$0x3F97]  }
0x2b: {  	s6 =	sld [smem:$0x3F98]  }
0x2c: {  	s7 =	sld [smem:$0x3F99]  }
0x2d: {  	s3 =	simm.s32 $0x108;
	s8 =	sld [smem:$0x3F9A]  }
0x2e: {  	s3 =	simm.s32 @!p0 $0x1082;
	s9 =	sld [smem:$0x3F9B]  }
0x2f: {  	lr =	sadd.s32 s0, s3;
	s0 =	sld [smem:$0x3F92]  }
0x30: {  	s3 =	sld [smem:$0x3F95]  }
0x31: {  	[smem:$0x3F9E] =	sst s10  }
0x32: {  	s10 =	sld [smem:$0x3F9C];
	_ =	sdelay $0x3  }
0x33: {  	p0 =	seq.s32 s10, $0x1;
	s10 =	sld [smem:$0x3F9E];
	_ =	sdelay $0x3  }
0x34: {  	[smem:$0x3F9E] =	sst s10  }
0x35: {  	s10 =	sld [smem:$0x3F9D];
	_ =	sdelay $0x3  }
0x36: {  	p1 =	seq.s32 s10, $0x1;
	s10 =	sld [smem:$0x3F9E];
	_ =	sdelay $0x3  }
0x37: {  	[smem:$0x3F9E] =	sst s10  }
0x38: {  	s10 =	sld [smem:$0x3F9F]  }
0x39: {  	_ = 	snop;
	(pc) =	sbr.ind lr, $3  }
0x3a: {  	_ = 	snop  }
0x3b: {  	_ = 	snop  }
0x3c: {  	p2 =	seq.s32 s10, $0x1;
	s10 =	sld [smem:$0x3F9E]  }
0x3d: {  	_ =	shalt  }
0x3e: {  	_ =	shalt  }
0x3f: {  	_ =	shalt  }
0x40: {  	_ =	shalt  }
0x41: {  	_ =	shalt  }
0x42: {  	_ =	shalt  }
0x43: {  	_ =	shalt  }
0x44: {  	_ =	shalt  }
0x45: {  	_ =	shalt  }
0x46: {  	_ =	shalt  }
0x47: {  	_ =	shalt  }
0x48: {  	_ =	shalt  }
0x49: {  	_ =	shalt  }
0x4a: {  	_ =	shalt  }
0x4b: {  	_ =	shalt  }
0x4c: {  	_ =	shalt  }
0x4d: {  	_ =	shalt  }
0x4e: {  	_ =	shalt  }
0x4f: {  	_ =	shalt  }
0x50: {  	_ =	shalt  }
0x51: {  	_ =	shalt  }
0x52: {  	_ =	shalt  }
0x53: {  	_ =	shalt  }
0x54: {  	_ =	shalt  }
0x55: {  	_ =	shalt  }
0x56: {  	_ =	shalt  }
0x57: {  	_ =	shalt  }
0x58: {  	_ =	shalt  }
0x59: {  	_ =	shalt  }
0x5a: {  	_ =	shalt  }
0x5b: {  	_ =	shalt  }
0x5c: {  	_ =	shalt  }
0x5d: {  	_ =	shalt  }
0x5e: {  	_ =	shalt  }
0x5f: {  	_ =	shalt  }
0x60: {  	_ =	shalt  }
0x61: {  	_ =	shalt  }
0x62: {  	_ =	shalt  }
0x63: {  	_ =	shalt  }
0x64: {  	_ =	shalt  }
0x65: {  	_ =	shalt  }
0x66: {  	_ =	shalt  }
0x67: {  	_ =	shalt  }
0x68: {  	_ =	shalt  }
0x69: {  	_ =	shalt  }
0x6a: {  	_ =	shalt  }
0x6b: {  	_ =	shalt  }
0x6c: {  	_ =	shalt  }
0x6d: {  	_ =	shalt  }
0x6e: {  	_ =	shalt  }
0x6f: {  	_ =	shalt  }
0x70: {  	_ =	shalt  }
0x71: {  	_ =	shalt  }
0x72: {  	_ =	shalt  }
0x73: {  	_ =	shalt  }
0x74: {  	_ =	shalt  }
0x75: {  	_ =	shalt  }
0x76: {  	_ =	shalt  }
0x77: {  	_ =	shalt  }
0x78: {  	_ =	shalt  }
0x79: {  	_ =	shalt  }
0x7a: {  	_ =	shalt  }
0x7b: {  	_ =	shalt  }
0x7c: {  	_ =	shalt  }
0x7d: {  	_ =	shalt  }
0x7e: {  	_ =	shalt  }
0x7f: {  	_ =	shalt  }
0x80: {  	_ =	shalt  }
0x81: {  	_ =	shalt  }
0x82: {  	_ =	shalt  }
0x83: {  	_ =	shalt  }
0x84: {  	_ =	shalt  }
0x85: {  	_ =	shalt  }
0x86: {  	_ =	shalt  }
0x87: {  	_ =	shalt  }
.Lfunc_end0:
.L_simem_size_0:
called_computation.2_lowered:
.L_overlay_start_0:
0x88: {  	s2 =	sld [smem:$0x3FD9]  }
0x89: {  	s3 =	sld [smem:$0x3FFE];
	_ =	sdelay $0x1  }
0x8a: {  	s1 =	srdreg.scid  }
0x8b: {  	s0 =	sand.u32 $0x1, s1  }
0x8c: {  	s16 =	sshll.u32 s0, $0xA;
	s2 =	sadd.s32 s3, s2  }
0x8d: {  	s2 =	sadd.s32 s2, s16  }
0x8e: {  	[smem:$0x3FAA] =	sst s2  }
0x8f: {  	_ = 	snop  }
0x90: {  	(tm) =	ssettm $0x1  }
0x91: {  	s17 =	sld [smem:$0x3FFB];
	_ =	sdelay $0x3  }
0x92: {  	_ =	strace s17  }
0x93: {  	s2 =	sld [smem:$0x3FFC];
	_ =	sdelay $0x3  }
0x94: {  	_ =	strace s2  }
0x95: {  	s2 =	sld [smem:$0x3FFD];
	_ =	sdelay $0x3  }
0x96: {  	_ =	strace s2  }
0x97: {  	_ =	strace $0x8FFFFFFF  }
0x98: {  	s18 =	sld [smem:$0x3FDB];
	_ =	sdelay $0x1  }
0x99: {  	s19 =	simm.s32 $_scs_section_size  }
0x9a: {  	s4 =	simm.s32 $_size__tile_overlayer_lowered;
	s5 =	simm.s32 $_tile_overlayer_lowered  }
0x9b: {  	s22 =	simm.s32 $0x1BFF;
	s21 =	sshll.u32 s5, $0x1;
	s2 =	sadd.s32 s19, s18  }
0x9c: {  	s6 =	simm.s32 $0x0;
	s20 =	sshll.u32 s4, $0x1;
	s4 =	sadd.s32 s21, s2  }
0x9d: {  	[timem:s6], [sflag:s22] =	dma.local [hbm:s4], s20  }
0x9e: {  	_ =	swait.ge [sflag:s22], s20  }
0x9f: {  	s3 =	ssub.s32 $0x0, s20;
	[sflag:s22] =	ssyncset.done $0x0  }
0xa0: {  	[sflag:s22] =	ssyncadd.s32 s3;
	_ =	sdelay $0x1  }
0xa1: {  	s23 =	simm.s32 $0x1B8B  }
0xa2: {  	_ =	swait.ge [sflag:s23], $0x1  }
0xa3: {  	[sflag:s23] =	ssyncset.done $0x0  }
0xa4: {  	s25 =	simm.s32 $0x1B8E;
	s24 =	sld [smem:$0x3FFE];
	[sflag:s23] =	ssyncadd.s32 $0xFFFFFFFF  }
0xa5: {  	s26 =	simm.s32 $execute0_lowered;
	[smem:$0x3FD2] =	sst s25  }
0xa6: {  	s4 =	sshll.u32 s26, $0x1;
	_ =	strace $0x8000004C;
	[dreg:$0x1] =	wrdreg $0xFFFFFFFF  }
0xa7: {  	s28 =	simm.s32 $_size_execute0_lowered;
	s2 =	sadd.s32 s2, s4;
	[dreg:$0x0] =	wrdreg $0x0  }
0xa8: {  	s4 =	sshll.u32 s28, $0x1;
	[dreg:$0x2] =	wrdreg s2  }
0xa9: {  	[dreg:$0x3] =	wrdreg s4  }
0xaa: {  	[dreg:$0x4] =	wrdreg $0xC0  }
0xab: {  	_ =	task [dreg:s6], $0x5FFFF  }
0xac: {  	[dreg:$0x1] =	wrdreg $0xFFFFFFFF  }
0xad: {  	[dreg:$0x0] =	wrdreg $0x60  }
0xae: {  	[dreg:$0x2] =	wrdreg s24  }
0xaf: {  	[dreg:$0x3] =	wrdreg $0x7B200  }
0xb0: {  	[dreg:$0x4] =	wrdreg $0x67200  }
0xb1: {  	[dreg:$0x5] =	wrdreg $0x9  }
0xb2: {  	_ =	task.clear_ibuf [dreg:s6], $0x6FFFF;
	_ =	strace $0x9000004C  }
0xb3: {  	s29 =	simm.s32 $0x9;
	_ =	strace $0x8000004E  }
0xb4: {  	_ =	swait.ge [sflag:s29], $0x1  }
0xb5: {  	[sflag:s29] =	ssyncadd.s32 $0xFFFFFFFF  }
0xb6: {  	_ =	strace $0x9000004E  }
0xb7: {  	_ =	sfence  }
0xb8: {  	s30 =	sld [smem:$0x0];
	_ =	sdelay $0x2  }
0xb9: {  	s31 =	sshll.u32 s1, $0xD;
	s1 =	sshrl.u32 s1, $0x2  }
0xba: {  	s3 =	sand.u32 $0x4000, s31;
	s1 =	sadd.s32 s1, s30  }
0xbb: {  	s0 =	sor.u32 s3, s0;
	s1 =	sshll.u32 s1, $0x11  }
0xbc: {  	s0 =	sor.u32 s1, s0  }
0xbd: {  	s0 =	sadd.s32 $0x8F2B, s0  }
0xbe: {  	[sflag:s0] =	ssyncadd.remote.s32 $0x1  }
0xbf: {  	_ =	sfence.sel $0xFFFF  }
0xc0: {  	[dreg:$0x0] =	wrdreg $0xFFFFFFFF;
	(pc) =	sbr.abs _section_cstart, $3  }
0xc1: {  	[dreg:$0x1] =	wrdreg $0xFFFFFFFF  }
0xc2: {  	_ =	task.clear_ibuf [dreg:s6], $0x2FFFF;
	_ =	strace $0x9FFFFFFF  }
0xc3: {  	(tm) =	ssettm $0x7FFFFFFF  }
tec
execute0_lowered:
.L_overlay_start_1:
0x0: {  	(tag) =	ssettag $0x1  }
0x1: {  	s0 =	rddreg [dreg:$0x0]  }
0x2: {  	s9 =	stileid.u32;
	s2 =	rddreg [dreg:$0x1]  }
0x3: {  	s1 =	srdreg.scid;
	s3 =	rddreg [dreg:$0x2]  }
0x4: {  	s28 =	simm.s32 $0x8F20;
	s29 =	simm.s32 $0x91A0;
	s30 =	simm.s32 $0x9420  }
0x5: {  	s31 =	simm.s32 $0x96A0;
	s10 =	simm.s32 $0x9920;
	s5 =	smul.u32 $0x280, s9  }
0x6: {  	s1 =	sand.u32 $0x1, s1;
	s4 =	sshll.u32 s9, $0x1;
	s18 =	smul.u32 $0x1400, s9  }
0x7: {  	s9 =	simm.s32 $0x50;
	s6 =	sor.u32 s1, s4;
	s8 =	smul.u32 $0x14000, s1  }
0x8: {  	s4 =	simm.s32 $0x0;
	s1 =	ssub.s32 $0x2, s1;
	s6 =	smul.u32 $0x2710, s6  }
0x9: {  	[smem:$0x7FF] =	sst s4;
	s7 =	sshrl.u32 s5, $0x3;
	s11 =	sshrl.u32 s1, $0x1  }
0xa: {  	s23 =	sadd.s32 s18, s2;
	_ =	strace $0x8000004D;
	s7 =	sadd.s32 s7, s0  }
0xb: {  	s5 =	sor.u32 s5, s8;
	[dreg:$0xe] =	wrdreg s23;
	s14 =	sadd.s32 $0x18E00, s7  }
0xc: {  	s1 =	ssub.s32 s1, s11;
	s15 =	sadd.s32 $0x19300, s7;
	[dreg:$0x6] =	wrdreg s14  }
0xd: {  	s8 =	simm.s32 $0x3;
	s16 =	sadd.s32 $0x19800, s7;
	[dreg:$0x7] =	wrdreg s15  }
0xe: {  	s11 =	simm.s32 $0x0;
	s17 =	sadd.s32 $0x19D00, s7;
	[dreg:$0x8] =	wrdreg s16  }
0xf: {  	s6 =	sshrl.u32 s6, $0x3;
	s19 =	sadd.s32 $0x1A200, s7;
	[dreg:$0x9] =	wrdreg s17  }
0x10: {  	s5 =	sshrl.u32 s5, $0x3;
	s20 =	sadd.s32 $0x1A700, s7;
	[dreg:$0xa] =	wrdreg s19  }
0x11: {  	s21 =	sadd.s32 $0x1AC00, s7;
	s22 =	sadd.s32 $0x1B100, s7;
	[dreg:$0xb] =	wrdreg s20  }
0x12: {  	s7 =	simm.s32 $0xA320;
	s6 =	sadd.s32 s6, s0;
	[dreg:$0xc] =	wrdreg s21  }
0x13: {  	s0 =	sadd.s32 s5, s0;
	[dreg:$0xd] =	wrdreg s22;
	s16 =	sadd.s32 s18, s3  }
0x14: {  	s5 =	simm.s32 $0x1;
	s12 =	sadd.s32 $0x5400, s6;
	s13 =	sadd.s32 $0xF040, s6  }
0x15: {  	s24 =	sadd.s32 $0x1B600, s0;
	s25 =	sadd.s32 $0x1BB00, s0;
	[dreg:$0x4] =	wrdreg s12  }
0x16: {  	s26 =	sadd.s32 $0x1C000, s0;
	s20 =	sadd.s32 $0x1C500, s0;
	[dreg:$0x5] =	wrdreg s13  }
0x17: {  	s21 =	sadd.s32 $0x1CA00, s0;
	s22 =	sadd.s32 $0x1CF00, s0;
	[dreg:$0xf] =	wrdreg s24  }
0x18: {  	s23 =	sadd.s32 $0x1D400, s0;
	s6 =	simm.s32 $0x2;
	[dreg:$0x10] =	wrdreg s25  }
0x19: {  	v0 =	vlaneseq.u32;
	[dreg:$0x11] =	wrdreg s26;
	s24 =	sadd.s32 $0x1D900, s0;
	s25 =	smax.u32 s1, $0x1  }
0x1a: {  	v0 =	vmul.u32 $0x8, v0;
	s1 =	simm.s32 $0x9BA0;
	s0 =	simm.s32 $0x9E20;
	s26 =	simm.s32 $0xA0A0  }
.LBB2_1:
0x1b: {  	s12 =	rddreg [dreg:$0x4]  }
0x1c: {  	[tilespmem:s4], [sflag:$0x2] =	stream.linear.gather [hbm4b:s12+s4], $0x2710, $0x38;
	[tilespmem:$0xB720] =	vst v63  }
0x1d: {  	s15 =	rddreg [dreg:$0x5];
	s13 =	simm.s32 $0x2710  }
0x1e: {  	[tilespmem:s13], [sflag:$0x2] =	stream.linear.gather [hbm4b:s15+s4], $0x2710, $0x38;
	[tilespmem:$0xB720] =	vst v63  }
0x1f: {  	s17 =	rddreg [dreg:$0x6]  }
0x20: {  	[tilespmem:s28], [sflag:$0x1] =	stream.linear.gather [hbm4b:s17+s4], $0x280, $0x38;
	[tilespmem:$0xB720] =	vst v63  }
0x21: {  	s18 =	rddreg [dreg:$0x7]  }
0x22: {  	[tilespmem:s29], [sflag:$0x1] =	stream.linear.gather [hbm4b:s18+s4], $0x280, $0x38;
	[tilespmem:$0xB720] =	vst v63  }
0x23: {  	s19 =	rddreg [dreg:$0x8]  }
0x24: {  	[tilespmem:s30], [sflag:$0x1] =	stream.linear.gather [hbm4b:s19+s4], $0x280, $0x38;
	[tilespmem:$0xB720] =	vst v63  }
0x25: {  	s13 =	rddreg [dreg:$0x9]  }
0x26: {  	[tilespmem:s31], [sflag:$0x1] =	stream.linear.gather [hbm4b:s13+s4], $0x280, $0x38;
	[tilespmem:$0xB720] =	vst v63  }
0x27: {  	s14 =	rddreg [dreg:$0xa]  }
0x28: {  	[tilespmem:s10], [sflag:$0x1] =	stream.linear.gather [hbm4b:s14+s4], $0x280, $0x38;
	[tilespmem:$0xB720] =	vst v63  }
0x29: {  	s15 =	rddreg [dreg:$0xb]  }
0x2a: {  	[tilespmem:s1], [sflag:$0x1] =	stream.linear.gather [hbm4b:s15+s4], $0x280, $0x38;
	[tilespmem:$0xB720] =	vst v63  }
0x2b: {  	s17 =	rddreg [dreg:$0xc]  }
0x2c: {  	[tilespmem:s0], [sflag:$0x1] =	stream.linear.gather [hbm4b:s17+s4], $0x280, $0x38;
	[tilespmem:$0xB720] =	vst v63  }
0x2d: {  	s18 =	rddreg [dreg:$0xd]  }
0x2e: {  	[tilespmem:s26], [sflag:$0x1] =	stream.linear.gather [hbm4b:s18+s4], $0x280, $0x38;
	[tilespmem:$0xB720] =	vst v63  }
0x2f: {  	_ =	swait.ge [sflag:s5], $0x280  }
0x30: {  	[sflag:s5] =	ssyncset.done $0x0  }
0x31: {  	[sflag:s5] =	ssyncadd.s32 $0xFFFFFD80  }
0x32: {  	_ =	swait.ge [sflag:s5], $0x280  }
0x33: {  	[sflag:s5] =	ssyncset.done $0x0  }
0x34: {  	[sflag:s5] =	ssyncadd.s32 $0xFFFFFD80  }
0x35: {  	_ =	swait.ge [sflag:s5], $0x280  }
0x36: {  	[sflag:s5] =	ssyncset.done $0x0  }
0x37: {  	[sflag:s5] =	ssyncadd.s32 $0xFFFFFD80  }
0x38: {  	_ =	swait.ge [sflag:s5], $0x280  }
0x39: {  	[sflag:s5] =	ssyncset.done $0x0  }
0x3a: {  	[sflag:s5] =	ssyncadd.s32 $0xFFFFFD80  }
0x3b: {  	_ =	swait.ge [sflag:s5], $0x280  }
0x3c: {  	[sflag:s5] =	ssyncset.done $0x0  }
0x3d: {  	[sflag:s5] =	ssyncadd.s32 $0xFFFFFD80  }
0x3e: {  	_ =	swait.ge [sflag:s5], $0x280  }
0x3f: {  	[sflag:s5] =	ssyncset.done $0x0  }
0x40: {  	[sflag:s5] =	ssyncadd.s32 $0xFFFFFD80  }
0x41: {  	_ =	swait.ge [sflag:s5], $0x280  }
0x42: {  	[sflag:s5] =	ssyncset.done $0x0  }
0x43: {  	[sflag:s5] =	ssyncadd.s32 $0xFFFFFD80  }
0x44: {  	_ =	swait.ge [sflag:s5], $0x280  }
0x45: {  	[sflag:s5] =	ssyncset.done $0x0  }
0x46: {  	[sflag:s5] =	ssyncadd.s32 $0xFFFFFD80  }
0x47: {  	_ =	swait.ge [sflag:s6], $0x2710  }
0x48: {  	[sflag:s6] =	ssyncset.done $0x0  }
0x49: {  	[sflag:s6] =	ssyncadd.s32 $0xFFFFD8F0  }
0x4a: {  	_ =	swait.ge [sflag:s6], $0x2710  }
0x4b: {  	v1 =	vmov s4;
	[sflag:s6] =	ssyncset.done $0x0  }
0x4c: {  	v1 =	vshll.u32 v1, $0x3;
	[sflag:s6] =	ssyncadd.s32 $0xFFFFD8F0  }
0x4d: {  	v3 =	vor.u32 v0, v1;
	v2 =	vld [tilespmem:s10+$0xFFFFF600];
	_ =	sdelay $0x4  }
0x4e: {  	[tilespmem:v3+s7+$0x0] =	vst.idx.msk $0xffff, v2  }
0x4f: {  	v2 =	vor.u32 $0x1, v3;
	v1 =	vld [tilespmem:s10+$0xFFFFF880];
	_ =	sdelay $0x4  }
0x50: {  	[tilespmem:v2+s7+$0x0] =	vst.idx.msk $0xffff, v1  }
0x51: {  	v2 =	vor.u32 $0x2, v3;
	v1 =	vld [tilespmem:s10+$0xFFFFFB00];
	_ =	sdelay $0x4  }
0x52: {  	[tilespmem:v2+s7+$0x0] =	vst.idx.msk $0xffff, v1  }
0x53: {  	v2 =	vor.u32 $0x3, v3;
	v1 =	vld [tilespmem:s10+$0xFFFFFD80];
	_ =	sdelay $0x4  }
0x54: {  	[tilespmem:v2+s7+$0x0] =	vst.idx.msk $0xffff, v1  }
0x55: {  	v2 =	vor.u32 $0x4, v3;
	v1 =	vld [tilespmem:s10+$0x0];
	_ =	sdelay $0x4  }
0x56: {  	[tilespmem:v2+s7+$0x0] =	vst.idx.msk $0xffff, v1  }
0x57: {  	v2 =	vor.u32 $0x5, v3;
	v1 =	vld [tilespmem:s10+$0x280];
	_ =	sdelay $0x4  }
0x58: {  	[tilespmem:v2+s7+$0x0] =	vst.idx.msk $0xffff, v1  }
0x59: {  	v2 =	vor.u32 $0x6, v3;
	v1 =	vld [tilespmem:s10+$0x500];
	_ =	sdelay $0x4  }
0x5a: {  	[tilespmem:v2+s7+$0x0] =	vst.idx.msk $0xffff, v1  }
0x5b: {  	v2 =	vor.u32 $0x7, v3;
	v1 =	vld [tilespmem:s10+$0x780];
	_ =	sdelay $0x2  }
0x5c: {  	s19 =	simm.s32 $0x10  }
0x5d: {  	s12 =	simm.s32 $0x9920;
	s13 =	simm.s32 $0x20;
	v3 =	vmov s19  }
.LBB2_2:
0x5e: {  	p0 =	sne.s32 s13, $0x270;
	v3 =	vshll.u32 v3, $0x3;
	[tilespmem:v2+s7+$0x0] =	vst.idx.msk $0xffff, v1;
	s12 =	sadd.s32 $0x10, s12  }
0x5f: {  	v1 =	vld [tilespmem:s12+$0xFFFFF600];
	v2 =	vor.u32 v0, v3;
	_ =	sdelay $0x4  }
0x60: {  	[tilespmem:v2+s7+$0x0] =	vst.idx.msk $0xffff, v1  }
0x61: {  	v3 =	vor.u32 $0x1, v2;
	v1 =	vld [tilespmem:s12+$0xFFFFF880];
	_ =	sdelay $0x4  }
0x62: {  	[tilespmem:v3+s7+$0x0] =	vst.idx.msk $0xffff, v1  }
0x63: {  	v3 =	vor.u32 $0x2, v2;
	v1 =	vld [tilespmem:s12+$0xFFFFFB00];
	_ =	sdelay $0x4  }
0x64: {  	[tilespmem:v3+s7+$0x0] =	vst.idx.msk $0xffff, v1  }
0x65: {  	v3 =	vor.u32 $0x3, v2;
	v1 =	vld [tilespmem:s12+$0xFFFFFD80];
	_ =	sdelay $0x4  }
0x66: {  	[tilespmem:v3+s7+$0x0] =	vst.idx.msk $0xffff, v1  }
0x67: {  	v3 =	vor.u32 $0x4, v2;
	v1 =	vld [tilespmem:s12+$0x0];
	_ =	sdelay $0x4  }
0x68: {  	[tilespmem:v3+s7+$0x0] =	vst.idx.msk $0xffff, v1  }
0x69: {  	v3 =	vor.u32 $0x5, v2;
	v1 =	vld [tilespmem:s12+$0x280];
	_ =	sdelay $0x4  }
0x6a: {  	[tilespmem:v3+s7+$0x0] =	vst.idx.msk $0xffff, v1  }
0x6b: {  	v3 =	vor.u32 $0x6, v2;
	v1 =	vld [tilespmem:s12+$0x500];
	_ =	sdelay $0x4  }
0x6c: {  	[tilespmem:v3+s7+$0x0] =	vst.idx.msk $0xffff, v1  }
.Ltmp0:
0x6d: {  	v2 =	vor.u32 $0x7, v2;
	v1 =	vld [tilespmem:s12+$0x780];
	(pc) =	sbr.rel @p0 .LBB2_2-.Ltmp0, $2  }
0x6e: {  	_ =	sdelay $0x2  }
0x6f: {  	v3 =	vmov s13;
	s13 =	sadd.s32 $0x10, s13  }
0x70: {  	_ =	sdelay $0x3  }
0x71: {  	v3 =	vshll.u32 v3, $0x3;
	[tilespmem:v2+s7+$0x0] =	vst.idx.msk $0xffff, v1;
	s12 =	sadd.s32 $0x10, s12  }
0x72: {  	v1 =	vld [tilespmem:s12+$0xFFFFF600];
	v2 =	vor.u32 v0, v3;
	_ =	sdelay $0x4  }
0x73: {  	[tilespmem:v2+s7+$0x0] =	vst.idx.msk $0xffff, v1  }
0x74: {  	v3 =	vor.u32 $0x1, v2;
	v1 =	vld [tilespmem:s12+$0xFFFFF880];
	_ =	sdelay $0x4  }
0x75: {  	[tilespmem:v3+s7+$0x0] =	vst.idx.msk $0xffff, v1  }
0x76: {  	v3 =	vor.u32 $0x2, v2;
	v1 =	vld [tilespmem:s12+$0xFFFFFB00];
	_ =	sdelay $0x4  }
0x77: {  	[tilespmem:v3+s7+$0x0] =	vst.idx.msk $0xffff, v1  }
0x78: {  	v3 =	vor.u32 $0x3, v2;
	v1 =	vld [tilespmem:s12+$0xFFFFFD80];
	_ =	sdelay $0x4  }
0x79: {  	[tilespmem:v3+s7+$0x0] =	vst.idx.msk $0xffff, v1  }
0x7a: {  	v3 =	vor.u32 $0x4, v2;
	v1 =	vld [tilespmem:s12+$0x0];
	_ =	sdelay $0x4  }
0x7b: {  	[tilespmem:v3+s7+$0x0] =	vst.idx.msk $0xffff, v1  }
0x7c: {  	v3 =	vor.u32 $0x5, v2;
	v1 =	vld [tilespmem:s12+$0x280];
	_ =	sdelay $0x4  }
0x7d: {  	[tilespmem:v3+s7+$0x0] =	vst.idx.msk $0xffff, v1  }
0x7e: {  	v3 =	vor.u32 $0x6, v2;
	v1 =	vld [tilespmem:s12+$0x500];
	_ =	sdelay $0x4  }
0x7f: {  	[tilespmem:v3+s7+$0x0] =	vst.idx.msk $0xffff, v1  }
0x80: {  	v2 =	vor.u32 $0x7, v2;
	v1 =	vld [tilespmem:s12+$0x780];
	_ =	sdelay $0x4  }
0x81: {  	s19 =	rddreg [dreg:$0xe];
	[tilespmem:v2+s7+$0x0] =	vst.idx.msk $0xffff, v1  }
0x82: {  	[spmem:s19] =	stream.linear.scatter [tilespmem:s7], [sflag:$0x3], $0x1400, $0x38;
	[tilespmem:$0xB720] =	vst v63  }
0x83: {  	_ =	swait.ge [sflag:s8], $0x1400  }
0x84: {  	[sflag:s8] =	ssyncset.done $0x0  }
0x85: {  	[sflag:s8] =	ssyncadd.s32 $0xFFFFEC00  }
0x86: {  	[spmem:s16] =	stream.linear.scatter [tilespmem:s7], [sflag:$0x3], $0x1400, $0x38;
	[tilespmem:$0xB720] =	vst v63  }
.Ltmp1:
0x87: {  	_ =	swait.ge [sflag:s8], $0x1400;
	(pc) =	sbr.rel .LBB2_4-.Ltmp1, $4  }
0x88: {  	[sflag:s8] =	ssyncset.done $0x0  }
0x89: {  	[sflag:s8] =	ssyncadd.s32 $0xFFFFEC00  }
0x8a: {  	[bflag:$0x0] =	sbarrier.arrive $0xFFFF  }
0x8b: {  	s13 =	simm.s32 $0x0;
	s12 =	simm.s32 $0x0  }
.LBB2_6:
0x8c: {  	p1 =	seq.s32 s13, $0x0  }
0x8d: {  	p2 =	seq.s32 @!p1 s13, $0x1A  }
0x8e: {  	p0 =	por p2, p1  }
0x8f: {  	s14 =	simm.s32 @!p0 $0x1  }
0x90: {  	_ =	swait.ge @!p0 [sflag:s14], $0x280  }
0x91: {  	[sflag:s14] =	ssyncset.done @!p0 $0x0  }
0x92: {  	[sflag:s14] =	ssyncadd.s32 @!p0 $0xFFFFFD80  }
0x93: {  	_ =	swait.ge @!p0 [sflag:s14], $0x280  }
0x94: {  	[sflag:s14] =	ssyncset.done @!p0 $0x0  }
0x95: {  	[sflag:s14] =	ssyncadd.s32 @!p0 $0xFFFFFD80  }
0x96: {  	_ =	swait.ge @!p0 [sflag:s14], $0x280  }
0x97: {  	[sflag:s14] =	ssyncset.done @!p0 $0x0  }
0x98: {  	[sflag:s14] =	ssyncadd.s32 @!p0 $0xFFFFFD80  }
0x99: {  	s13 =	sadd.s32 $0x1, s13;
	_ =	swait.ge @!p0 [sflag:s14], $0x280  }
0x9a: {  	s15 =	sand.u32 @!p0 $0x1, s13;
	[sflag:s14] =	ssyncset.done @!p0 $0x0  }
0x9b: {  	p3 =	seq.s32 @!p0 s15, $0x1;
	[sflag:s14] =	ssyncadd.s32 @!p0 $0xFFFFFD80  }
0x9c: {  	p2 =	por @!p1 !p3, p2;
	_ =	swait.ge @!p0 [sflag:s14], $0x280  }
0x9d: {  	s15 =	simm.s32 @!p0 $0xC80;
	p1 =	por !p2, p1;
	[sflag:s14] =	ssyncset.done @!p0 $0x0  }
0x9e: {  	s15 =	simm.s32 @!p1 $0x0;
	[sflag:s14] =	ssyncadd.s32 @!p0 $0xFFFFFD80;
	s14 =	sshra.s32 @!p0 s12, $0x2  }
0x9f: {  	s19 =	simm.s32 @!p0 $0x50;
	s17 =	sadd.s32 @!p0 $0x4E20, s15;
	s18 =	sadd.s32 @!p0 $0x2580, s14  }
0xa0: {  	[spmem:s3] =	stream.indirect.scatter.add.f32 @!p0 [tilespmem:s17], [sflag:$0x2], $0x8, s18, s19, $0xb8;
	[tilespmem:$0xB720] =	vst v63  }
0xa1: {  	s17 =	sadd.s32 @!p0 $0x50A0, s15;
	s18 =	sadd.s32 @!p0 $0x25D0, s14  }
0xa2: {  	[spmem:s3] =	stream.indirect.scatter.add.f32 @!p0 [tilespmem:s17], [sflag:$0x2], $0x8, s18, s19, $0xb8;
	[tilespmem:$0xB720] =	vst v63  }
0xa3: {  	s17 =	sor.u32 @!p0 $0x5320, s15;
	s18 =	sadd.s32 @!p0 $0x2620, s14  }
0xa4: {  	[spmem:s3] =	stream.indirect.scatter.add.f32 @!p0 [tilespmem:s17], [sflag:$0x2], $0x8, s18, s19, $0xb8;
	[tilespmem:$0xB720] =	vst v63  }
0xa5: {  	s17 =	sadd.s32 @!p0 $0x55A0, s15;
	s18 =	sadd.s32 @!p0 $0x2670, s14  }
0xa6: {  	[spmem:s3] =	stream.indirect.scatter.add.f32 @!p0 [tilespmem:s17], [sflag:$0x2], $0x8, s18, s19, $0xb8;
	[tilespmem:$0xB720] =	vst v63  }
0xa7: {  	s12 =	sadd.s32 $0x640, s12;
	s15 =	sadd.s32 @!p0 $0x5820, s15;
	s14 =	sadd.s32 @!p0 $0x26C0, s14  }
0xa8: {  	[spmem:s3] =	stream.indirect.scatter.add.f32 @!p0 [tilespmem:s15], [sflag:$0x2], $0x8, s14, s19, $0xb8;
	[tilespmem:$0xB720] =	vst v63  }
0xa9: {  	p0 =	sne.s32 s12, $0xA8C0  }
.Ltmp2:
0xaa: {  	_ = 	snop;
	(pc) =	sbr.rel @!p0 .LBB2_7-.Ltmp2, $1  }
0xab: {  	_ =	sdelay $0x3  }
.LBB2_4:
0xac: {  	p0 =	slt.u32 s13, $0x2  }
0xad: {  	s14 =	simm.s32 @!p0 $0x2  }
0xae: {  	_ =	swait.ge @!p0 [sflag:s14], $0x280  }
0xaf: {  	[sflag:s14] =	ssyncset.done @!p0 $0x0  }
0xb0: {  	[sflag:s14] =	ssyncadd.s32 @!p0 $0xFFFFFD80  }
0xb1: {  	_ =	swait.ge @!p0 [sflag:s14], $0x280  }
0xb2: {  	[sflag:s14] =	ssyncset.done @!p0 $0x0  }
0xb3: {  	[sflag:s14] =	ssyncadd.s32 @!p0 $0xFFFFFD80  }
0xb4: {  	_ =	swait.ge @!p0 [sflag:s14], $0x280  }
0xb5: {  	[sflag:s14] =	ssyncset.done @!p0 $0x0  }
0xb6: {  	p1 =	sgt.u32 @!p0 s13, $0x18;
	[sflag:s14] =	ssyncadd.s32 @!p0 $0xFFFFFD80  }
0xb7: {  	p1 =	por p0, !p1;
	_ =	swait.ge @!p0 [sflag:s14], $0x280  }
.Ltmp3:
0xb8: {  	[sflag:s14] =	ssyncset.done @!p0 $0x0;
	(pc) =	sbr.rel @!p1 .LBB2_6-.Ltmp3, $4  }
0xb9: {  	[sflag:s14] =	ssyncadd.s32 @!p0 $0xFFFFFD80  }
0xba: {  	_ =	swait.ge @!p0 [sflag:s14], $0x280  }
0xbb: {  	[sflag:s14] =	ssyncset.done @!p0 $0x0  }
0xbc: {  	[sflag:s14] =	ssyncadd.s32 @!p0 $0xFFFFFD80  }
0xbd: {  	s14 =	sand.u32 $0x1, s13  }
0xbe: {  	p0 =	seq.s32 s14, $0x1;
	s14 =	simm.s32 $0xC80  }
0xbf: {  	s14 =	simm.s32 @!p0 $0x0  }
0xc0: {  	s17 =	sshra.s32 s12, $0x2;
	s15 =	sadd.s32 $0x4E20, s14  }
0xc1: {  	[tilespmem:s15], [sflag:$0x1] =	stream.indirect.gather [spmem:s2], $0x8, s17, s9, $0xb8;
	[tilespmem:$0xB720] =	vst v63  }
0xc2: {  	s18 =	sadd.s32 $0x50, s17;
	s19 =	sadd.s32 $0x50A0, s14  }
0xc3: {  	[tilespmem:s19], [sflag:$0x1] =	stream.indirect.gather [spmem:s2], $0x8, s18, s9, $0xb8;
	[tilespmem:$0xB720] =	vst v63  }
0xc4: {  	s18 =	sor.u32 $0x5320, s14;
	s19 =	sadd.s32 $0xA0, s17  }
0xc5: {  	[tilespmem:s18], [sflag:$0x1] =	stream.indirect.gather [spmem:s2], $0x8, s19, s9, $0xb8;
	[tilespmem:$0xB720] =	vst v63  }
.Ltmp4:
0xc6: {  	_ = 	snop;
	(pc) =	sbr.rel .LBB2_6-.Ltmp4, $4  }
0xc7: {  	s18 =	sadd.s32 $0x55A0, s14;
	s19 =	sadd.s32 $0xF0, s17  }
0xc8: {  	[tilespmem:s18], [sflag:$0x1] =	stream.indirect.gather [spmem:s2], $0x8, s19, s9, $0xb8;
	[tilespmem:$0xB720] =	vst v63  }
0xc9: {  	s14 =	sadd.s32 $0x5820, s14;
	s19 =	sadd.s32 $0x140, s17  }
0xca: {  	[tilespmem:s14], [sflag:$0x1] =	stream.indirect.gather [spmem:s2], $0x8, s19, s9, $0xb8;
	[tilespmem:$0xB720] =	vst v63  }
.LBB2_7:
0xcb: {  	s12 =	simm.s32 $0x0  }
0xcc: {  	v1 =	vmov s12  }
0xcd: {  	v1 =	vshll.u32 v1, $0x3  }
0xce: {  	[bflag:$0x0] =	sbarrier.arrive $0xFFFF;
	v1 =	vor.u32 v0, v1  }
0xcf: {  	[tilespmem:s7], [sflag:$0x3] =	stream.linear.gather [spmem:s16], $0x1400, $0x38;
	[tilespmem:$0xB720] =	vst v63  }
0xd0: {  	_ =	swait.ge [sflag:s8], $0x1400  }
0xd1: {  	[sflag:s8] =	ssyncset.done $0x0  }
0xd2: {  	[sflag:s8] =	ssyncadd.s32 $0xFFFFEC00  }
0xd3: {  	v2 =	vld.idx.msk [tilespmem:v1+s7+$0x0], $0xffff  }
0xd4: {  	v3 =	vor.u32 $0x1, v1;
	_ =	sdelay $0x2  }
0xd5: {  	s12 =	simm.s32 $0x9920  }
0xd6: {  	[tilespmem:s12+$0xFFFFF600] =	vst v2  }
0xd7: {  	v2 =	vld.idx.msk [tilespmem:v3+s7+$0x0], $0xffff  }
0xd8: {  	v3 =	vor.u32 $0x2, v1;
	_ =	sdelay $0x3  }
0xd9: {  	[tilespmem:s12+$0xFFFFF880] =	vst v2  }
0xda: {  	v2 =	vld.idx.msk [tilespmem:v3+s7+$0x0], $0xffff  }
0xdb: {  	v3 =	vor.u32 $0x3, v1;
	_ =	sdelay $0x3  }
0xdc: {  	[tilespmem:s12+$0xFFFFFB00] =	vst v2  }
0xdd: {  	v2 =	vld.idx.msk [tilespmem:v3+s7+$0x0], $0xffff  }
0xde: {  	v3 =	vor.u32 $0x4, v1;
	_ =	sdelay $0x3  }
0xdf: {  	[tilespmem:s12+$0xFFFFFD80] =	vst v2  }
0xe0: {  	v2 =	vld.idx.msk [tilespmem:v3+s7+$0x0], $0xffff  }
0xe1: {  	v3 =	vor.u32 $0x5, v1;
	_ =	sdelay $0x3  }
0xe2: {  	[tilespmem:s12+$0x0] =	vst v2  }
0xe3: {  	v2 =	vld.idx.msk [tilespmem:v3+s7+$0x0], $0xffff  }
0xe4: {  	v3 =	vor.u32 $0x6, v1;
	_ =	sdelay $0x3  }
0xe5: {  	[tilespmem:s12+$0x280] =	vst v2  }
0xe6: {  	v2 =	vld.idx.msk [tilespmem:v3+s7+$0x0], $0xffff  }
0xe7: {  	v1 =	vor.u32 $0x7, v1;
	_ =	sdelay $0x3  }
0xe8: {  	s13 =	simm.s32 $0x10;
	[tilespmem:s12+$0x500] =	vst v2  }
0xe9: {  	v2 =	vmov s13;
	s13 =	simm.s32 $0x20;
	v1 =	vld.idx.msk [tilespmem:v1+s7+$0x0], $0xffff  }
.LBB2_8:
0xea: {  	p0 =	sne.s32 s13, $0x270;
	v2 =	vshll.u32 v2, $0x3  }
0xeb: {  	v2 =	vor.u32 v0, v2;
	_ =	sdelay $0x3  }
0xec: {  	[tilespmem:s12+$0x780] =	vst v1  }
0xed: {  	v1 =	vld.idx.msk [tilespmem:v2+s7+$0x0], $0xffff;
	_ =	sdelay $0x1  }
0xee: {  	v3 =	vor.u32 $0x1, v2;
	_ =	sdelay $0x2  }
0xef: {  	s12 =	sadd.s32 $0x10, s12  }
0xf0: {  	[tilespmem:s12+$0xFFFFF600] =	vst v1  }
0xf1: {  	v1 =	vld.idx.msk [tilespmem:v3+s7+$0x0], $0xffff;
	_ =	sdelay $0x1  }
0xf2: {  	v3 =	vor.u32 $0x2, v2;
	_ =	sdelay $0x3  }
0xf3: {  	[tilespmem:s12+$0xFFFFF880] =	vst v1  }
0xf4: {  	v1 =	vld.idx.msk [tilespmem:v3+s7+$0x0], $0xffff;
	_ =	sdelay $0x1  }
0xf5: {  	v3 =	vor.u32 $0x3, v2;
	_ =	sdelay $0x3  }
0xf6: {  	[tilespmem:s12+$0xFFFFFB00] =	vst v1  }
0xf7: {  	v1 =	vld.idx.msk [tilespmem:v3+s7+$0x0], $0xffff;
	_ =	sdelay $0x1  }
0xf8: {  	v3 =	vor.u32 $0x4, v2;
	_ =	sdelay $0x3  }
0xf9: {  	[tilespmem:s12+$0xFFFFFD80] =	vst v1  }
0xfa: {  	v1 =	vld.idx.msk [tilespmem:v3+s7+$0x0], $0xffff;
	_ =	sdelay $0x1  }
0xfb: {  	v3 =	vor.u32 $0x5, v2;
	_ =	sdelay $0x3  }
0xfc: {  	[tilespmem:s12+$0x0] =	vst v1  }
0xfd: {  	v1 =	vld.idx.msk [tilespmem:v3+s7+$0x0], $0xffff;
	_ =	sdelay $0x1  }
0xfe: {  	v3 =	vor.u32 $0x6, v2;
	_ =	sdelay $0x3  }
0xff: {  	[tilespmem:s12+$0x280] =	vst v1  }
0x100: {  	v1 =	vld.idx.msk [tilespmem:v3+s7+$0x0], $0xffff;
	_ =	sdelay $0x1  }
0x101: {  	v3 =	vor.u32 $0x7, v2  }
.Ltmp5:
0x102: {  	(pc) =	sbr.rel @p0 .LBB2_8-.Ltmp5, $3  }
0x103: {  	_ =	sdelay $0x1  }
0x104: {  	[tilespmem:s12+$0x500] =	vst v1  }
0x105: {  	v2 =	vmov s13;
	s13 =	sadd.s32 $0x10, s13;
	v1 =	vld.idx.msk [tilespmem:v3+s7+$0x0], $0xffff  }
0x106: {  	v2 =	vshll.u32 v2, $0x3  }
0x107: {  	v2 =	vor.u32 v0, v2;
	_ =	sdelay $0x3  }
0x108: {  	[tilespmem:s12+$0x780] =	vst v1  }
0x109: {  	v1 =	vld.idx.msk [tilespmem:v2+s7+$0x0], $0xffff  }
0x10a: {  	v3 =	vor.u32 $0x1, v2;
	_ =	sdelay $0x2  }
0x10b: {  	s15 =	sadd.s32 $0x10, s12  }
0x10c: {  	[tilespmem:s15+$0xFFFFF600] =	vst v1  }
0x10d: {  	v1 =	vld.idx.msk [tilespmem:v3+s7+$0x0], $0xffff  }
0x10e: {  	v3 =	vor.u32 $0x2, v2;
	_ =	sdelay $0x3  }
0x10f: {  	[tilespmem:s15+$0xFFFFF880] =	vst v1  }
0x110: {  	v1 =	vld.idx.msk [tilespmem:v3+s7+$0x0], $0xffff  }
0x111: {  	v3 =	vor.u32 $0x3, v2;
	_ =	sdelay $0x3  }
0x112: {  	[tilespmem:s15+$0xFFFFFB00] =	vst v1  }
0x113: {  	v1 =	vld.idx.msk [tilespmem:v3+s7+$0x0], $0xffff  }
0x114: {  	v3 =	vor.u32 $0x4, v2;
	_ =	sdelay $0x3  }
0x115: {  	[tilespmem:s15+$0xFFFFFD80] =	vst v1  }
0x116: {  	v1 =	vld.idx.msk [tilespmem:v3+s7+$0x0], $0xffff  }
0x117: {  	v3 =	vor.u32 $0x5, v2;
	_ =	sdelay $0x3  }
0x118: {  	[tilespmem:s15+$0x0] =	vst v1  }
0x119: {  	v1 =	vld.idx.msk [tilespmem:v3+s7+$0x0], $0xffff  }
0x11a: {  	v3 =	vor.u32 $0x6, v2;
	_ =	sdelay $0x3  }
0x11b: {  	[tilespmem:s15+$0x280] =	vst v1  }
0x11c: {  	v1 =	vld.idx.msk [tilespmem:v3+s7+$0x0], $0xffff  }
0x11d: {  	v2 =	vor.u32 $0x7, v2;
	_ =	sdelay $0x3  }
0x11e: {  	[tilespmem:s15+$0x500] =	vst v1  }
0x11f: {  	v1 =	vld.idx.msk [tilespmem:v2+s7+$0x0], $0xffff;
	_ =	sdelay $0x4  }
0x120: {  	s17 =	rddreg [dreg:$0xf];
	[tilespmem:s15+$0x780] =	vst v1  }
0x121: {  	[hbm4b:s17+s4] =	stream.linear.scatter [tilespmem:s28], [sflag:$0x1], $0x280, $0x38;
	[tilespmem:$0xB720] =	vst v63  }
0x122: {  	s18 =	rddreg [dreg:$0x10]  }
0x123: {  	[hbm4b:s18+s4] =	stream.linear.scatter [tilespmem:s29], [sflag:$0x1], $0x280, $0x38;
	[tilespmem:$0xB720] =	vst v63  }
0x124: {  	s19 =	rddreg [dreg:$0x11]  }
0x125: {  	[hbm4b:s19+s4] =	stream.linear.scatter [tilespmem:s30], [sflag:$0x1], $0x280, $0x38;
	[tilespmem:$0xB720] =	vst v63  }
0x126: {  	_ = 	snop  }
0x127: {  	[hbm4b:s20+s4] =	stream.linear.scatter [tilespmem:s31], [sflag:$0x1], $0x280, $0x38;
	[tilespmem:$0xB720] =	vst v63  }
0x128: {  	_ = 	snop  }
0x129: {  	[hbm4b:s21+s4] =	stream.linear.scatter [tilespmem:s10], [sflag:$0x1], $0x280, $0x38;
	[tilespmem:$0xB720] =	vst v63  }
0x12a: {  	_ = 	snop  }
0x12b: {  	[hbm4b:s22+s4] =	stream.linear.scatter [tilespmem:s1], [sflag:$0x1], $0x280, $0x38;
	[tilespmem:$0xB720] =	vst v63  }
0x12c: {  	_ = 	snop  }
0x12d: {  	[hbm4b:s23+s4] =	stream.linear.scatter [tilespmem:s0], [sflag:$0x1], $0x280, $0x38;
	[tilespmem:$0xB720] =	vst v63  }
0x12e: {  	_ = 	snop  }
0x12f: {  	[hbm4b:s24+s4] =	stream.linear.scatter [tilespmem:s26], [sflag:$0x1], $0x280, $0x38;
	[tilespmem:$0xB720] =	vst v63  }
0x130: {  	_ =	swait.ge [sflag:s5], $0x280  }
0x131: {  	[sflag:s5] =	ssyncset.done $0x0  }
0x132: {  	[sflag:s5] =	ssyncadd.s32 $0xFFFFFD80  }
0x133: {  	_ =	swait.ge [sflag:s5], $0x280  }
0x134: {  	[sflag:s5] =	ssyncset.done $0x0  }
0x135: {  	[sflag:s5] =	ssyncadd.s32 $0xFFFFFD80  }
0x136: {  	_ =	swait.ge [sflag:s5], $0x280  }
0x137: {  	[sflag:s5] =	ssyncset.done $0x0  }
0x138: {  	[sflag:s5] =	ssyncadd.s32 $0xFFFFFD80  }
0x139: {  	_ =	swait.ge [sflag:s5], $0x280  }
0x13a: {  	[sflag:s5] =	ssyncset.done $0x0  }
0x13b: {  	[sflag:s5] =	ssyncadd.s32 $0xFFFFFD80  }
0x13c: {  	_ =	swait.ge [sflag:s5], $0x280  }
0x13d: {  	[sflag:s5] =	ssyncset.done $0x0  }
0x13e: {  	[sflag:s5] =	ssyncadd.s32 $0xFFFFFD80  }
0x13f: {  	_ =	swait.ge [sflag:s5], $0x280  }
0x140: {  	[sflag:s5] =	ssyncset.done $0x0  }
0x141: {  	s11 =	sadd.s32 $0x1, s11;
	[sflag:s5] =	ssyncadd.s32 $0xFFFFFD80  }
0x142: {  	p0 =	sne.s32 s11, s25;
	_ =	swait.ge [sflag:s5], $0x280  }
.Ltmp6:
0x143: {  	[sflag:s5] =	ssyncset.done $0x0;
	(pc) =	sbr.rel @p0 .LBB2_1-.Ltmp6, $4  }
0x144: {  	[sflag:s5] =	ssyncadd.s32 $0xFFFFFD80  }
0x145: {  	_ =	swait.ge [sflag:s5], $0x280  }
0x146: {  	[sflag:s5] =	ssyncset.done $0x0  }
0x147: {  	[sflag:s5] =	ssyncadd.s32 $0xFFFFFD80  }
0x148: {  	_ =	sfence.sel $0x180000  }
0x149: {  	[bflag:$0x0] =	sbarrier.arrive $0xFFFF  }
0x14a: {  	_ =	strace $0x9000004D  }
0x14b: {  	s0 =	stileid.u32;
	[bflag:$0x2] =	sbarrier.arrive $0xFFFF  }
0x14c: {  	p0 =	sne.s32 s0, $0x0;
	s0 =	rddreg [dreg:$0x3]  }
0x14d: {  	s0 =	sadd.s32 @!p0 $0x100000, s0  }
0x14e: {  	[sflag:s0] =	ssyncadd.tile.s32 @!p0 $0x1;
	_ =	shalt  }
.Lfunc_end2:
_tile_overlayer_lowered:
.L_overlay_start_2:
0x14f: {  	(tag) =	ssettag $0x2  }
0x150: {  	s0 =	rddreg [dreg:$0x0];
	s2 =	stileid.u32  }
0x151: {  	s1 =	rddreg [dreg:$0x1];
	p0 =	sne.s32 s2, $0x0  }
0x152: {  	s3 =	rddreg [dreg:$0x2];
	[bflag:$0x3] =	sbarrier.arrive $0xFFFF;
	s2 =	simm.s32 @!p0 $0x1C03  }
0x153: {  	[timem:s3], [sflag:s2] =	dma.local @!p0 [hbm:s0], s1  }
0x154: {  	s0 =	simm.s32 @!p0 $0x3  }
0x155: {  	_ =	swait.ge @!p0 [sflag:s0], s1  }
0x156: {  	s1 =	ssub.s32 @!p0 $0x0, s1;
	[sflag:s0] =	ssyncset.done @!p0 $0x0  }
0x157: {  	[sflag:s0] =	ssyncadd.s32 @!p0 s1  }
0x158: {  	[bflag:$0x3] =	sbarrier.arrive $0xFFFF  }
0x159: {  	_ =	shalt  }

// kernel: kernel.9.cloned.1.call-start
scs
__scs_entry_jumppad:
0x0: {  	(pc) =	sbr.rel $0x88, $3  }
0x1: {  	(tag) =	ssettag $0x0;
	lr =	simm.s32 $0x1  }
0x2: {  	[smem:$0x3F83] =	sst lr;
	_ =	strace $0xD0000000  }
0x3: {  	_ = 	snop  }
0x4: {  	_ = 	snop  }
0x5: {  	_ = 	snop  }
0x6: {  	_ = 	snop  }
0x7: {  	_ = 	snop  }
__scs_overlays_trampoline_lowered:
0x8: {  	[smem:$0x3F92] =	sst s0  }
0x9: {  	[smem:$0x3F93] =	sst s1  }
0xa: {  	[smem:$0x3F94] =	sst s2  }
0xb: {  	[smem:$0x3F95] =	sst s3  }
0xc: {  	[smem:$0x3F96] =	sst s4  }
0xd: {  	[smem:$0x3F97] =	sst s5  }
0xe: {  	[smem:$0x3F98] =	sst s6  }
0xf: {  	[smem:$0x3F99] =	sst s7  }
0x10: {  	[smem:$0x3F9A] =	sst s8  }
0x11: {  	[smem:$0x3F9B] =	sst s9;
	s0 =	simm.s32 @!p0 $0x0  }
0x12: {  	s1 =	sld [smem:$0x3F81];
	s0 =	simm.s32 @p0 $0x1  }
0x13: {  	[smem:$0x3F9C] =	sst s0;
	s0 =	simm.s32 @!p1 $0x0  }
0x14: {  	s2 =	sld [smem:$0x3F80];
	s0 =	simm.s32 @p1 $0x1  }
0x15: {  	[smem:$0x3F9D] =	sst s0;
	s0 =	simm.s32 @!p2 $0x0  }
0x16: {  	s3 =	sld [smem:$0x3FDB];
	s0 =	simm.s32 @p2 $0x1  }
0x17: {  	s4 =	simm.s32 $0x1BF5;
	[smem:$0x3F9F] =	sst s0  }
0x18: {  	s0 =	sld [smem:$0x3F82];
	_ =	swait.ge [sflag:s4], $0x0  }
0x19: {  	s7 =	sld [smem:$0x3F83]  }
0x1a: {  	s8 =	sadd.s32 $0xFFFFE003, lr  }
0x1b: {  	s9 =	sadd.s32 $0xFFFFFEF7, lr;
	s5 =	simm.s32 $0xFFFFFFFF;
	p2 =	slt.u32 s8, $0xFFFFF086  }
0x1c: {  	p1 =	slt.u32 s9, $0xF7A;
	s5 =	simm.s32 @!p2 $0x0  }
0x1d: {  	s5 =	simm.s32 @p1 $0x1;
	p0 =	seq.s32 s7, s2  }
0x1e: {  	s7 =	smul.u32 @!p0 $0xF7A, s2;
	p2 =	seq.s32 @!p0 s5, $0x0  }
0x1f: {  	s9 =	smul.u32 $0xF7A, s1;
	s8 =	simm.s32 @!p0 $0x1BF5;
	p2 =	por !p2, p0  }
0x20: {  	[sflag:s8] =	ssyncset.s32 @!p0 $0xFFFFF086;
	s6 =	sadd.s32 @!p0 s3, s7;
	s7 =	simm.s32 @!p0 $0x108  }
0x21: {  	s3 =	sadd.s32 s3, s9;
	s6 =	sadd.s32 @!p0 $0x88, s6;
	s7 =	simm.s32 @p2 $0x1082  }
0x22: {  	[simem:s7], [sflag:s8] =	dma.local @!p0 [hbm:s6], $0xF7A  }
0x23: {  	s9 =	sor.u32 $0xD0000000, s2;
	s6 =	simm.s32 $0x108;
	_ =	swait.ge @!p0 [sflag:s8], $0x0  }
0x24: {  	s3 =	sadd.s32 $0x88, s3;
	s6 =	simm.s32 @!p1 $0x1082;
	[sflag:s4] =	ssyncset.s32 $0xFFFFF086  }
0x25: {  	[simem:s6], [sflag:s4] =	dma.local [hbm:s3], $0xF7A  }
0x26: {  	[smem:$0x3F83] =	sst s1;
	(tag) =	ssettag s2;
	_ =	strace s9  }
0x27: {  	s1 =	sld [smem:$0x3F93]  }
0x28: {  	s2 =	sld [smem:$0x3F94]  }
0x29: {  	s4 =	sld [smem:$0x3F96]  }
0x2a: {  	p0 =	seq.s32 s5, $0x0;
	s5 =	sld [smem:$0x3F97]  }
0x2b: {  	s6 =	sld [smem:$0x3F98]  }
0x2c: {  	s7 =	sld [smem:$0x3F99]  }
0x2d: {  	s3 =	simm.s32 $0x108;
	s8 =	sld [smem:$0x3F9A]  }
0x2e: {  	s3 =	simm.s32 @!p0 $0x1082;
	s9 =	sld [smem:$0x3F9B]  }
0x2f: {  	lr =	sadd.s32 s0, s3;
	s0 =	sld [smem:$0x3F92]  }
0x30: {  	s3 =	sld [smem:$0x3F95]  }
0x31: {  	[smem:$0x3F9E] =	sst s10  }
0x32: {  	s10 =	sld [smem:$0x3F9C];
	_ =	sdelay $0x3  }
0x33: {  	p0 =	seq.s32 s10, $0x1;
	s10 =	sld [smem:$0x3F9E];
	_ =	sdelay $0x3  }
0x34: {  	[smem:$0x3F9E] =	sst s10  }
0x35: {  	s10 =	sld [smem:$0x3F9D];
	_ =	sdelay $0x3  }
0x36: {  	p1 =	seq.s32 s10, $0x1;
	s10 =	sld [smem:$0x3F9E];
	_ =	sdelay $0x3  }
0x37: {  	[smem:$0x3F9E] =	sst s10  }
0x38: {  	s10 =	sld [smem:$0x3F9F]  }
0x39: {  	_ = 	snop;
	(pc) =	sbr.ind lr, $3  }
0x3a: {  	_ = 	snop  }
0x3b: {  	_ = 	snop  }
0x3c: {  	p2 =	seq.s32 s10, $0x1;
	s10 =	sld [smem:$0x3F9E]  }
0x3d: {  	_ =	shalt  }
0x3e: {  	_ =	shalt  }
0x3f: {  	_ =	shalt  }
0x40: {  	_ =	shalt  }
0x41: {  	_ =	shalt  }
0x42: {  	_ =	shalt  }
0x43: {  	_ =	shalt  }
0x44: {  	_ =	shalt  }
0x45: {  	_ =	shalt  }
0x46: {  	_ =	shalt  }
0x47: {  	_ =	shalt  }
0x48: {  	_ =	shalt  }
0x49: {  	_ =	shalt  }
0x4a: {  	_ =	shalt  }
0x4b: {  	_ =	shalt  }
0x4c: {  	_ =	shalt  }
0x4d: {  	_ =	shalt  }
0x4e: {  	_ =	shalt  }
0x4f: {  	_ =	shalt  }
0x50: {  	_ =	shalt  }
0x51: {  	_ =	shalt  }
0x52: {  	_ =	shalt  }
0x53: {  	_ =	shalt  }
0x54: {  	_ =	shalt  }
0x55: {  	_ =	shalt  }
0x56: {  	_ =	shalt  }
0x57: {  	_ =	shalt  }
0x58: {  	_ =	shalt  }
0x59: {  	_ =	shalt  }
0x5a: {  	_ =	shalt  }
0x5b: {  	_ =	shalt  }
0x5c: {  	_ =	shalt  }
0x5d: {  	_ =	shalt  }
0x5e: {  	_ =	shalt  }
0x5f: {  	_ =	shalt  }
0x60: {  	_ =	shalt  }
0x61: {  	_ =	shalt  }
0x62: {  	_ =	shalt  }
0x63: {  	_ =	shalt  }
0x64: {  	_ =	shalt  }
0x65: {  	_ =	shalt  }
0x66: {  	_ =	shalt  }
0x67: {  	_ =	shalt  }
0x68: {  	_ =	shalt  }
0x69: {  	_ =	shalt  }
0x6a: {  	_ =	shalt  }
0x6b: {  	_ =	shalt  }
0x6c: {  	_ =	shalt  }
0x6d: {  	_ =	shalt  }
0x6e: {  	_ =	shalt  }
0x6f: {  	_ =	shalt  }
0x70: {  	_ =	shalt  }
0x71: {  	_ =	shalt  }
0x72: {  	_ =	shalt  }
0x73: {  	_ =	shalt  }
0x74: {  	_ =	shalt  }
0x75: {  	_ =	shalt  }
0x76: {  	_ =	shalt  }
0x77: {  	_ =	shalt  }
0x78: {  	_ =	shalt  }
0x79: {  	_ =	shalt  }
0x7a: {  	_ =	shalt  }
0x7b: {  	_ =	shalt  }
0x7c: {  	_ =	shalt  }
0x7d: {  	_ =	shalt  }
0x7e: {  	_ =	shalt  }
0x7f: {  	_ =	shalt  }
0x80: {  	_ =	shalt  }
0x81: {  	_ =	shalt  }
0x82: {  	_ =	shalt  }
0x83: {  	_ =	shalt  }
0x84: {  	_ =	shalt  }
0x85: {  	_ =	shalt  }
0x86: {  	_ =	shalt  }
0x87: {  	_ =	shalt  }
.Lfunc_end0:
.L_simem_size_0:
called_computation_lowered:
.L_overlay_start_0:
0x88: {  	s2 =	sld [smem:$0x3FD9]  }
0x89: {  	s3 =	sld [smem:$0x3FFE];
	_ =	sdelay $0x1  }
0x8a: {  	s1 =	srdreg.scid  }
0x8b: {  	s0 =	sand.u32 $0x1, s1  }
0x8c: {  	s16 =	sshll.u32 s0, $0xA;
	s2 =	sadd.s32 s3, s2  }
0x8d: {  	s2 =	sadd.s32 s2, s16  }
0x8e: {  	[smem:$0x3FAA] =	sst s2  }
0x8f: {  	_ = 	snop  }
0x90: {  	(tm) =	ssettm $0x1  }
0x91: {  	s17 =	sld [smem:$0x3FFB];
	_ =	sdelay $0x3  }
0x92: {  	_ =	strace s17  }
0x93: {  	s2 =	sld [smem:$0x3FFC];
	_ =	sdelay $0x3  }
0x94: {  	_ =	strace s2  }
0x95: {  	s2 =	sld [smem:$0x3FFD];
	_ =	sdelay $0x3  }
0x96: {  	_ =	strace s2  }
0x97: {  	_ =	strace $0x8FFFFFFF  }
0x98: {  	s18 =	sld [smem:$0x3FDB];
	_ =	sdelay $0x1  }
0x99: {  	s19 =	simm.s32 $_scs_section_size  }
0x9a: {  	s4 =	simm.s32 $_size__tile_overlayer_lowered;
	s5 =	simm.s32 $_tile_overlayer_lowered  }
0x9b: {  	s22 =	simm.s32 $0x1BFF;
	s21 =	sshll.u32 s5, $0x1;
	s2 =	sadd.s32 s19, s18  }
0x9c: {  	s6 =	simm.s32 $0x0;
	s20 =	sshll.u32 s4, $0x1;
	s4 =	sadd.s32 s21, s2  }
0x9d: {  	[timem:s6], [sflag:s22] =	dma.local [hbm:s4], s20  }
0x9e: {  	_ =	swait.ge [sflag:s22], s20  }
0x9f: {  	s3 =	ssub.s32 $0x0, s20;
	[sflag:s22] =	ssyncset.done $0x0  }
0xa0: {  	[sflag:s22] =	ssyncadd.s32 s3;
	_ =	sdelay $0x1  }
0xa1: {  	s23 =	simm.s32 $0x1B8B  }
0xa2: {  	_ =	swait.ge [sflag:s23], $0x1  }
0xa3: {  	[sflag:s23] =	ssyncset.done $0x0  }
0xa4: {  	s25 =	simm.s32 $0x1B8E;
	s24 =	sld [smem:$0x3FFE];
	[sflag:s23] =	ssyncadd.s32 $0xFFFFFFFF  }
0xa5: {  	s26 =	simm.s32 $execute0_lowered;
	[smem:$0x3FD2] =	sst s25  }
0xa6: {  	s4 =	sshll.u32 s26, $0x1;
	_ =	strace $0x80000046;
	[dreg:$0x1] =	wrdreg $0xFFFFFFFF  }
0xa7: {  	s28 =	simm.s32 $_size_execute0_lowered;
	s2 =	sadd.s32 s2, s4;
	[dreg:$0x0] =	wrdreg $0x0  }
0xa8: {  	s4 =	sshll.u32 s28, $0x1;
	[dreg:$0x2] =	wrdreg s2  }
0xa9: {  	[dreg:$0x3] =	wrdreg s4  }
0xaa: {  	[dreg:$0x4] =	wrdreg $0xC0  }
0xab: {  	_ =	task [dreg:s6], $0x5FFFF  }
0xac: {  	[dreg:$0x1] =	wrdreg $0xFFFFFFFF  }
0xad: {  	[dreg:$0x0] =	wrdreg $0x60  }
0xae: {  	[dreg:$0x2] =	wrdreg s24  }
0xaf: {  	[dreg:$0x3] =	wrdreg $0x7B200  }
0xb0: {  	[dreg:$0x4] =	wrdreg $0x67200  }
0xb1: {  	[dreg:$0x5] =	wrdreg $0x9  }
0xb2: {  	_ =	task.clear_ibuf [dreg:s6], $0x6FFFF;
	_ =	strace $0x90000046  }
0xb3: {  	s29 =	simm.s32 $0x9;
	_ =	strace $0x80000048  }
0xb4: {  	_ =	swait.ge [sflag:s29], $0x1  }
0xb5: {  	[sflag:s29] =	ssyncadd.s32 $0xFFFFFFFF  }
0xb6: {  	_ =	strace $0x90000048  }
0xb7: {  	_ =	sfence  }
0xb8: {  	s30 =	sld [smem:$0x0];
	_ =	sdelay $0x2  }
0xb9: {  	s31 =	sshll.u32 s1, $0xD;
	s1 =	sshrl.u32 s1, $0x2  }
0xba: {  	s3 =	sand.u32 $0x4000, s31;
	s1 =	sadd.s32 s1, s30  }
0xbb: {  	s0 =	sor.u32 s3, s0;
	s1 =	sshll.u32 s1, $0x11  }
0xbc: {  	s0 =	sor.u32 s1, s0  }
0xbd: {  	s0 =	sadd.s32 $0x8F2B, s0  }
0xbe: {  	[sflag:s0] =	ssyncadd.remote.s32 $0x1  }
0xbf: {  	_ =	sfence.sel $0xFFFF  }
0xc0: {  	[dreg:$0x0] =	wrdreg $0xFFFFFFFF;
	(pc) =	sbr.abs _section_cstart, $3  }
0xc1: {  	[dreg:$0x1] =	wrdreg $0xFFFFFFFF  }
0xc2: {  	_ =	task.clear_ibuf [dreg:s6], $0x2FFFF;
	_ =	strace $0x9FFFFFFF  }
0xc3: {  	(tm) =	ssettm $0x7FFFFFFF  }
tec
execute0_lowered:
.L_overlay_start_1:
0x0: {  	(tag) =	ssettag $0x1  }
0x1: {  	s0 =	rddreg [dreg:$0x0]  }
0x2: {  	s9 =	stileid.u32;
	s2 =	rddreg [dreg:$0x1]  }
0x3: {  	s1 =	srdreg.scid;
	s3 =	rddreg [dreg:$0x2]  }
0x4: {  	s28 =	simm.s32 $0x8F20;
	s29 =	simm.s32 $0x91A0;
	s30 =	simm.s32 $0x9420  }
0x5: {  	s31 =	simm.s32 $0x96A0;
	s10 =	simm.s32 $0x9920;
	s5 =	smul.u32 $0x280, s9  }
0x6: {  	s1 =	sand.u32 $0x1, s1;
	s4 =	sshll.u32 s9, $0x1;
	s18 =	smul.u32 $0x1400, s9  }
0x7: {  	s9 =	simm.s32 $0x50;
	s6 =	sor.u32 s1, s4;
	s8 =	smul.u32 $0x14000, s1  }
0x8: {  	s4 =	simm.s32 $0x0;
	s1 =	ssub.s32 $0x2, s1;
	s6 =	smul.u32 $0x2710, s6  }
0x9: {  	[smem:$0x7FF] =	sst s4;
	s7 =	sshrl.u32 s5, $0x3;
	s11 =	sshrl.u32 s1, $0x1  }
0xa: {  	s23 =	sadd.s32 s18, s2;
	_ =	strace $0x80000047;
	s7 =	sadd.s32 s7, s0  }
0xb: {  	s5 =	sor.u32 s5, s8;
	[dreg:$0xe] =	wrdreg s23;
	s14 =	sadd.s32 $0x18E00, s7  }
0xc: {  	s1 =	ssub.s32 s1, s11;
	s15 =	sadd.s32 $0x19300, s7;
	[dreg:$0x6] =	wrdreg s14  }
0xd: {  	s8 =	simm.s32 $0x3;
	s16 =	sadd.s32 $0x19800, s7;
	[dreg:$0x7] =	wrdreg s15  }
0xe: {  	s11 =	simm.s32 $0x0;
	s17 =	sadd.s32 $0x19D00, s7;
	[dreg:$0x8] =	wrdreg s16  }
0xf: {  	s6 =	sshrl.u32 s6, $0x3;
	s19 =	sadd.s32 $0x1A200, s7;
	[dreg:$0x9] =	wrdreg s17  }
0x10: {  	s5 =	sshrl.u32 s5, $0x3;
	s20 =	sadd.s32 $0x1A700, s7;
	[dreg:$0xa] =	wrdreg s19  }
0x11: {  	s21 =	sadd.s32 $0x1AC00, s7;
	s22 =	sadd.s32 $0x1B100, s7;
	[dreg:$0xb] =	wrdreg s20  }
0x12: {  	s7 =	simm.s32 $0xA320;
	s6 =	sadd.s32 s6, s0;
	[dreg:$0xc] =	wrdreg s21  }
0x13: {  	s0 =	sadd.s32 s5, s0;
	[dreg:$0xd] =	wrdreg s22;
	s16 =	sadd.s32 s18, s3  }
0x14: {  	s5 =	simm.s32 $0x1;
	s12 =	sadd.s32 $0x5400, s6;
	s13 =	sadd.s32 $0xF040, s6  }
0x15: {  	s24 =	sadd.s32 $0x1B600, s0;
	s25 =	sadd.s32 $0x1BB00, s0;
	[dreg:$0x4] =	wrdreg s12  }
0x16: {  	s26 =	sadd.s32 $0x1C000, s0;
	s20 =	sadd.s32 $0x1C500, s0;
	[dreg:$0x5] =	wrdreg s13  }
0x17: {  	s21 =	sadd.s32 $0x1CA00, s0;
	s22 =	sadd.s32 $0x1CF00, s0;
	[dreg:$0xf] =	wrdreg s24  }
0x18: {  	s23 =	sadd.s32 $0x1D400, s0;
	s6 =	simm.s32 $0x2;
	[dreg:$0x10] =	wrdreg s25  }
0x19: {  	v0 =	vlaneseq.u32;
	[dreg:$0x11] =	wrdreg s26;
	s24 =	sadd.s32 $0x1D900, s0;
	s25 =	smax.u32 s1, $0x1  }
0x1a: {  	v0 =	vmul.u32 $0x8, v0;
	s1 =	simm.s32 $0x9BA0;
	s0 =	simm.s32 $0x9E20;
	s26 =	simm.s32 $0xA0A0  }
.LBB2_1:
0x1b: {  	s12 =	rddreg [dreg:$0x4]  }
0x1c: {  	[tilespmem:s4], [sflag:$0x2] =	stream.linear.gather [hbm4b:s12+s4], $0x2710, $0x38;
	[tilespmem:$0xB720] =	vst v63  }
0x1d: {  	s15 =	rddreg [dreg:$0x5];
	s13 =	simm.s32 $0x2710  }
0x1e: {  	[tilespmem:s13], [sflag:$0x2] =	stream.linear.gather [hbm4b:s15+s4], $0x2710, $0x38;
	[tilespmem:$0xB720] =	vst v63  }
0x1f: {  	s17 =	rddreg [dreg:$0x6]  }
0x20: {  	[tilespmem:s28], [sflag:$0x1] =	stream.linear.gather [hbm4b:s17+s4], $0x280, $0x38;
	[tilespmem:$0xB720] =	vst v63  }
0x21: {  	s18 =	rddreg [dreg:$0x7]  }
0x22: {  	[tilespmem:s29], [sflag:$0x1] =	stream.linear.gather [hbm4b:s18+s4], $0x280, $0x38;
	[tilespmem:$0xB720] =	vst v63  }
0x23: {  	s19 =	rddreg [dreg:$0x8]  }
0x24: {  	[tilespmem:s30], [sflag:$0x1] =	stream.linear.gather [hbm4b:s19+s4], $0x280, $0x38;
	[tilespmem:$0xB720] =	vst v63  }
0x25: {  	s13 =	rddreg [dreg:$0x9]  }
0x26: {  	[tilespmem:s31], [sflag:$0x1] =	stream.linear.gather [hbm4b:s13+s4], $0x280, $0x38;
	[tilespmem:$0xB720] =	vst v63  }
0x27: {  	s14 =	rddreg [dreg:$0xa]  }
0x28: {  	[tilespmem:s10], [sflag:$0x1] =	stream.linear.gather [hbm4b:s14+s4], $0x280, $0x38;
	[tilespmem:$0xB720] =	vst v63  }
0x29: {  	s15 =	rddreg [dreg:$0xb]  }
0x2a: {  	[tilespmem:s1], [sflag:$0x1] =	stream.linear.gather [hbm4b:s15+s4], $0x280, $0x38;
	[tilespmem:$0xB720] =	vst v63  }
0x2b: {  	s17 =	rddreg [dreg:$0xc]  }
0x2c: {  	[tilespmem:s0], [sflag:$0x1] =	stream.linear.gather [hbm4b:s17+s4], $0x280, $0x38;
	[tilespmem:$0xB720] =	vst v63  }
0x2d: {  	s18 =	rddreg [dreg:$0xd]  }
0x2e: {  	[tilespmem:s26], [sflag:$0x1] =	stream.linear.gather [hbm4b:s18+s4], $0x280, $0x38;
	[tilespmem:$0xB720] =	vst v63  }
0x2f: {  	_ =	swait.ge [sflag:s5], $0x280  }
0x30: {  	[sflag:s5] =	ssyncset.done $0x0  }
0x31: {  	[sflag:s5] =	ssyncadd.s32 $0xFFFFFD80  }
0x32: {  	_ =	swait.ge [sflag:s5], $0x280  }
0x33: {  	[sflag:s5] =	ssyncset.done $0x0  }
0x34: {  	[sflag:s5] =	ssyncadd.s32 $0xFFFFFD80  }
0x35: {  	_ =	swait.ge [sflag:s5], $0x280  }
0x36: {  	[sflag:s5] =	ssyncset.done $0x0  }
0x37: {  	[sflag:s5] =	ssyncadd.s32 $0xFFFFFD80  }
0x38: {  	_ =	swait.ge [sflag:s5], $0x280  }
0x39: {  	[sflag:s5] =	ssyncset.done $0x0  }
0x3a: {  	[sflag:s5] =	ssyncadd.s32 $0xFFFFFD80  }
0x3b: {  	_ =	swait.ge [sflag:s5], $0x280  }
0x3c: {  	[sflag:s5] =	ssyncset.done $0x0  }
0x3d: {  	[sflag:s5] =	ssyncadd.s32 $0xFFFFFD80  }
0x3e: {  	_ =	swait.ge [sflag:s5], $0x280  }
0x3f: {  	[sflag:s5] =	ssyncset.done $0x0  }
0x40: {  	[sflag:s5] =	ssyncadd.s32 $0xFFFFFD80  }
0x41: {  	_ =	swait.ge [sflag:s5], $0x280  }
0x42: {  	[sflag:s5] =	ssyncset.done $0x0  }
0x43: {  	[sflag:s5] =	ssyncadd.s32 $0xFFFFFD80  }
0x44: {  	_ =	swait.ge [sflag:s5], $0x280  }
0x45: {  	[sflag:s5] =	ssyncset.done $0x0  }
0x46: {  	[sflag:s5] =	ssyncadd.s32 $0xFFFFFD80  }
0x47: {  	_ =	swait.ge [sflag:s6], $0x2710  }
0x48: {  	[sflag:s6] =	ssyncset.done $0x0  }
0x49: {  	[sflag:s6] =	ssyncadd.s32 $0xFFFFD8F0  }
0x4a: {  	_ =	swait.ge [sflag:s6], $0x2710  }
0x4b: {  	v1 =	vmov s4;
	[sflag:s6] =	ssyncset.done $0x0  }
0x4c: {  	v1 =	vshll.u32 v1, $0x3;
	[sflag:s6] =	ssyncadd.s32 $0xFFFFD8F0  }
0x4d: {  	v3 =	vor.u32 v0, v1;
	v2 =	vld [tilespmem:s10+$0xFFFFF600];
	_ =	sdelay $0x4  }
0x4e: {  	[tilespmem:v3+s7+$0x0] =	vst.idx.msk $0xffff, v2  }
0x4f: {  	v2 =	vor.u32 $0x1, v3;
	v1 =	vld [tilespmem:s10+$0xFFFFF880];
	_ =	sdelay $0x4  }
0x50: {  	[tilespmem:v2+s7+$0x0] =	vst.idx.msk $0xffff, v1  }
0x51: {  	v2 =	vor.u32 $0x2, v3;
	v1 =	vld [tilespmem:s10+$0xFFFFFB00];
	_ =	sdelay $0x4  }
0x52: {  	[tilespmem:v2+s7+$0x0] =	vst.idx.msk $0xffff, v1  }
0x53: {  	v2 =	vor.u32 $0x3, v3;
	v1 =	vld [tilespmem:s10+$0xFFFFFD80];
	_ =	sdelay $0x4  }
0x54: {  	[tilespmem:v2+s7+$0x0] =	vst.idx.msk $0xffff, v1  }
0x55: {  	v2 =	vor.u32 $0x4, v3;
	v1 =	vld [tilespmem:s10+$0x0];
	_ =	sdelay $0x4  }
0x56: {  	[tilespmem:v2+s7+$0x0] =	vst.idx.msk $0xffff, v1  }
0x57: {  	v2 =	vor.u32 $0x5, v3;
	v1 =	vld [tilespmem:s10+$0x280];
	_ =	sdelay $0x4  }
0x58: {  	[tilespmem:v2+s7+$0x0] =	vst.idx.msk $0xffff, v1  }
0x59: {  	v2 =	vor.u32 $0x6, v3;
	v1 =	vld [tilespmem:s10+$0x500];
	_ =	sdelay $0x4  }
0x5a: {  	[tilespmem:v2+s7+$0x0] =	vst.idx.msk $0xffff, v1  }
0x5b: {  	v2 =	vor.u32 $0x7, v3;
	v1 =	vld [tilespmem:s10+$0x780];
	_ =	sdelay $0x2  }
0x5c: {  	s19 =	simm.s32 $0x10  }
0x5d: {  	s12 =	simm.s32 $0x9920;
	s13 =	simm.s32 $0x20;
	v3 =	vmov s19  }
.LBB2_2:
0x5e: {  	p0 =	sne.s32 s13, $0x270;
	v3 =	vshll.u32 v3, $0x3;
	[tilespmem:v2+s7+$0x0] =	vst.idx.msk $0xffff, v1;
	s12 =	sadd.s32 $0x10, s12  }
0x5f: {  	v1 =	vld [tilespmem:s12+$0xFFFFF600];
	v2 =	vor.u32 v0, v3;
	_ =	sdelay $0x4  }
0x60: {  	[tilespmem:v2+s7+$0x0] =	vst.idx.msk $0xffff, v1  }
0x61: {  	v3 =	vor.u32 $0x1, v2;
	v1 =	vld [tilespmem:s12+$0xFFFFF880];
	_ =	sdelay $0x4  }
0x62: {  	[tilespmem:v3+s7+$0x0] =	vst.idx.msk $0xffff, v1  }
0x63: {  	v3 =	vor.u32 $0x2, v2;
	v1 =	vld [tilespmem:s12+$0xFFFFFB00];
	_ =	sdelay $0x4  }
0x64: {  	[tilespmem:v3+s7+$0x0] =	vst.idx.msk $0xffff, v1  }
0x65: {  	v3 =	vor.u32 $0x3, v2;
	v1 =	vld [tilespmem:s12+$0xFFFFFD80];
	_ =	sdelay $0x4  }
0x66: {  	[tilespmem:v3+s7+$0x0] =	vst.idx.msk $0xffff, v1  }
0x67: {  	v3 =	vor.u32 $0x4, v2;
	v1 =	vld [tilespmem:s12+$0x0];
	_ =	sdelay $0x4  }
0x68: {  	[tilespmem:v3+s7+$0x0] =	vst.idx.msk $0xffff, v1  }
0x69: {  	v3 =	vor.u32 $0x5, v2;
	v1 =	vld [tilespmem:s12+$0x280];
	_ =	sdelay $0x4  }
0x6a: {  	[tilespmem:v3+s7+$0x0] =	vst.idx.msk $0xffff, v1  }
0x6b: {  	v3 =	vor.u32 $0x6, v2;
	v1 =	vld [tilespmem:s12+$0x500];
	_ =	sdelay $0x4  }
0x6c: {  	[tilespmem:v3+s7+$0x0] =	vst.idx.msk $0xffff, v1  }
.Ltmp0:
0x6d: {  	v2 =	vor.u32 $0x7, v2;
	v1 =	vld [tilespmem:s12+$0x780];
	(pc) =	sbr.rel @p0 .LBB2_2-.Ltmp0, $2  }
0x6e: {  	_ =	sdelay $0x2  }
0x6f: {  	v3 =	vmov s13;
	s13 =	sadd.s32 $0x10, s13  }
0x70: {  	_ =	sdelay $0x3  }
0x71: {  	v3 =	vshll.u32 v3, $0x3;
	[tilespmem:v2+s7+$0x0] =	vst.idx.msk $0xffff, v1;
	s12 =	sadd.s32 $0x10, s12  }
0x72: {  	v1 =	vld [tilespmem:s12+$0xFFFFF600];
	v2 =	vor.u32 v0, v3;
	_ =	sdelay $0x4  }
0x73: {  	[tilespmem:v2+s7+$0x0] =	vst.idx.msk $0xffff, v1  }
0x74: {  	v3 =	vor.u32 $0x1, v2;
	v1 =	vld [tilespmem:s12+$0xFFFFF880];
	_ =	sdelay $0x4  }
0x75: {  	[tilespmem:v3+s7+$0x0] =	vst.idx.msk $0xffff, v1  }
0x76: {  	v3 =	vor.u32 $0x2, v2;
	v1 =	vld [tilespmem:s12+$0xFFFFFB00];
	_ =	sdelay $0x4  }
0x77: {  	[tilespmem:v3+s7+$0x0] =	vst.idx.msk $0xffff, v1  }
0x78: {  	v3 =	vor.u32 $0x3, v2;
	v1 =	vld [tilespmem:s12+$0xFFFFFD80];
	_ =	sdelay $0x4  }
0x79: {  	[tilespmem:v3+s7+$0x0] =	vst.idx.msk $0xffff, v1  }
0x7a: {  	v3 =	vor.u32 $0x4, v2;
	v1 =	vld [tilespmem:s12+$0x0];
	_ =	sdelay $0x4  }
0x7b: {  	[tilespmem:v3+s7+$0x0] =	vst.idx.msk $0xffff, v1  }
0x7c: {  	v3 =	vor.u32 $0x5, v2;
	v1 =	vld [tilespmem:s12+$0x280];
	_ =	sdelay $0x4  }
0x7d: {  	[tilespmem:v3+s7+$0x0] =	vst.idx.msk $0xffff, v1  }
0x7e: {  	v3 =	vor.u32 $0x6, v2;
	v1 =	vld [tilespmem:s12+$0x500];
	_ =	sdelay $0x4  }
0x7f: {  	[tilespmem:v3+s7+$0x0] =	vst.idx.msk $0xffff, v1  }
0x80: {  	v2 =	vor.u32 $0x7, v2;
	v1 =	vld [tilespmem:s12+$0x780];
	_ =	sdelay $0x4  }
0x81: {  	s19 =	rddreg [dreg:$0xe];
	[tilespmem:v2+s7+$0x0] =	vst.idx.msk $0xffff, v1  }
0x82: {  	[spmem:s19] =	stream.linear.scatter [tilespmem:s7], [sflag:$0x3], $0x1400, $0x38;
	[tilespmem:$0xB720] =	vst v63  }
0x83: {  	_ =	swait.ge [sflag:s8], $0x1400  }
0x84: {  	[sflag:s8] =	ssyncset.done $0x0  }
0x85: {  	[sflag:s8] =	ssyncadd.s32 $0xFFFFEC00  }
0x86: {  	[spmem:s16] =	stream.linear.scatter [tilespmem:s7], [sflag:$0x3], $0x1400, $0x38;
	[tilespmem:$0xB720] =	vst v63  }
.Ltmp1:
0x87: {  	_ =	swait.ge [sflag:s8], $0x1400;
	(pc) =	sbr.rel .LBB2_4-.Ltmp1, $4  }
0x88: {  	[sflag:s8] =	ssyncset.done $0x0  }
0x89: {  	[sflag:s8] =	ssyncadd.s32 $0xFFFFEC00  }
0x8a: {  	[bflag:$0x0] =	sbarrier.arrive $0xFFFF  }
0x8b: {  	s13 =	simm.s32 $0x0;
	s12 =	simm.s32 $0x0  }
.LBB2_6:
0x8c: {  	p1 =	seq.s32 s13, $0x0  }
0x8d: {  	p2 =	seq.s32 @!p1 s13, $0x1A  }
0x8e: {  	p0 =	por p2, p1  }
0x8f: {  	s14 =	simm.s32 @!p0 $0x1  }
0x90: {  	_ =	swait.ge @!p0 [sflag:s14], $0x280  }
0x91: {  	[sflag:s14] =	ssyncset.done @!p0 $0x0  }
0x92: {  	[sflag:s14] =	ssyncadd.s32 @!p0 $0xFFFFFD80  }
0x93: {  	_ =	swait.ge @!p0 [sflag:s14], $0x280  }
0x94: {  	[sflag:s14] =	ssyncset.done @!p0 $0x0  }
0x95: {  	[sflag:s14] =	ssyncadd.s32 @!p0 $0xFFFFFD80  }
0x96: {  	_ =	swait.ge @!p0 [sflag:s14], $0x280  }
0x97: {  	[sflag:s14] =	ssyncset.done @!p0 $0x0  }
0x98: {  	[sflag:s14] =	ssyncadd.s32 @!p0 $0xFFFFFD80  }
0x99: {  	s13 =	sadd.s32 $0x1, s13;
	_ =	swait.ge @!p0 [sflag:s14], $0x280  }
0x9a: {  	s15 =	sand.u32 @!p0 $0x1, s13;
	[sflag:s14] =	ssyncset.done @!p0 $0x0  }
0x9b: {  	p3 =	seq.s32 @!p0 s15, $0x1;
	[sflag:s14] =	ssyncadd.s32 @!p0 $0xFFFFFD80  }
0x9c: {  	p2 =	por @!p1 !p3, p2;
	_ =	swait.ge @!p0 [sflag:s14], $0x280  }
0x9d: {  	s15 =	simm.s32 @!p0 $0xC80;
	p1 =	por !p2, p1;
	[sflag:s14] =	ssyncset.done @!p0 $0x0  }
0x9e: {  	s15 =	simm.s32 @!p1 $0x0;
	[sflag:s14] =	ssyncadd.s32 @!p0 $0xFFFFFD80;
	s14 =	sshra.s32 @!p0 s12, $0x2  }
0x9f: {  	s19 =	simm.s32 @!p0 $0x50;
	s17 =	sadd.s32 @!p0 $0x4E20, s15;
	s18 =	sadd.s32 @!p0 $0x2580, s14  }
0xa0: {  	[spmem:s3] =	stream.indirect.scatter.add.f32 @!p0 [tilespmem:s17], [sflag:$0x2], $0x8, s18, s19, $0xb8;
	[tilespmem:$0xB720] =	vst v63  }
0xa1: {  	s17 =	sadd.s32 @!p0 $0x50A0, s15;
	s18 =	sadd.s32 @!p0 $0x25D0, s14  }
0xa2: {  	[spmem:s3] =	stream.indirect.scatter.add.f32 @!p0 [tilespmem:s17], [sflag:$0x2], $0x8, s18, s19, $0xb8;
	[tilespmem:$0xB720] =	vst v63  }
0xa3: {  	s17 =	sor.u32 @!p0 $0x5320, s15;
	s18 =	sadd.s32 @!p0 $0x2620, s14  }
0xa4: {  	[spmem:s3] =	stream.indirect.scatter.add.f32 @!p0 [tilespmem:s17], [sflag:$0x2], $0x8, s18, s19, $0xb8;
	[tilespmem:$0xB720] =	vst v63  }
0xa5: {  	s17 =	sadd.s32 @!p0 $0x55A0, s15;
	s18 =	sadd.s32 @!p0 $0x2670, s14  }
0xa6: {  	[spmem:s3] =	stream.indirect.scatter.add.f32 @!p0 [tilespmem:s17], [sflag:$0x2], $0x8, s18, s19, $0xb8;
	[tilespmem:$0xB720] =	vst v63  }
0xa7: {  	s12 =	sadd.s32 $0x640, s12;
	s15 =	sadd.s32 @!p0 $0x5820, s15;
	s14 =	sadd.s32 @!p0 $0x26C0, s14  }
0xa8: {  	[spmem:s3] =	stream.indirect.scatter.add.f32 @!p0 [tilespmem:s15], [sflag:$0x2], $0x8, s14, s19, $0xb8;
	[tilespmem:$0xB720] =	vst v63  }
0xa9: {  	p0 =	sne.s32 s12, $0xA8C0  }
.Ltmp2:
0xaa: {  	_ = 	snop;
	(pc) =	sbr.rel @!p0 .LBB2_7-.Ltmp2, $1  }
0xab: {  	_ =	sdelay $0x3  }
.LBB2_4:
0xac: {  	p0 =	slt.u32 s13, $0x2  }
0xad: {  	s14 =	simm.s32 @!p0 $0x2  }
0xae: {  	_ =	swait.ge @!p0 [sflag:s14], $0x280  }
0xaf: {  	[sflag:s14] =	ssyncset.done @!p0 $0x0  }
0xb0: {  	[sflag:s14] =	ssyncadd.s32 @!p0 $0xFFFFFD80  }
0xb1: {  	_ =	swait.ge @!p0 [sflag:s14], $0x280  }
0xb2: {  	[sflag:s14] =	ssyncset.done @!p0 $0x0  }
0xb3: {  	[sflag:s14] =	ssyncadd.s32 @!p0 $0xFFFFFD80  }
0xb4: {  	_ =	swait.ge @!p0 [sflag:s14], $0x280  }
0xb5: {  	[sflag:s14] =	ssyncset.done @!p0 $0x0  }
0xb6: {  	p1 =	sgt.u32 @!p0 s13, $0x18;
	[sflag:s14] =	ssyncadd.s32 @!p0 $0xFFFFFD80  }
0xb7: {  	p1 =	por p0, !p1;
	_ =	swait.ge @!p0 [sflag:s14], $0x280  }
.Ltmp3:
0xb8: {  	[sflag:s14] =	ssyncset.done @!p0 $0x0;
	(pc) =	sbr.rel @!p1 .LBB2_6-.Ltmp3, $4  }
0xb9: {  	[sflag:s14] =	ssyncadd.s32 @!p0 $0xFFFFFD80  }
0xba: {  	_ =	swait.ge @!p0 [sflag:s14], $0x280  }
0xbb: {  	[sflag:s14] =	ssyncset.done @!p0 $0x0  }
0xbc: {  	[sflag:s14] =	ssyncadd.s32 @!p0 $0xFFFFFD80  }
0xbd: {  	s14 =	sand.u32 $0x1, s13  }
0xbe: {  	p0 =	seq.s32 s14, $0x1;
	s14 =	simm.s32 $0xC80  }
0xbf: {  	s14 =	simm.s32 @!p0 $0x0  }
0xc0: {  	s17 =	sshra.s32 s12, $0x2;
	s15 =	sadd.s32 $0x4E20, s14  }
0xc1: {  	[tilespmem:s15], [sflag:$0x1] =	stream.indirect.gather [spmem:s2], $0x8, s17, s9, $0xb8;
	[tilespmem:$0xB720] =	vst v63  }
0xc2: {  	s18 =	sadd.s32 $0x50, s17;
	s19 =	sadd.s32 $0x50A0, s14  }
0xc3: {  	[tilespmem:s19], [sflag:$0x1] =	stream.indirect.gather [spmem:s2], $0x8, s18, s9, $0xb8;
	[tilespmem:$0xB720] =	vst v63  }
0xc4: {  	s18 =	sor.u32 $0x5320, s14;
	s19 =	sadd.s32 $0xA0, s17  }
0xc5: {  	[tilespmem:s18], [sflag:$0x1] =	stream.indirect.gather [spmem:s2], $0x8, s19, s9, $0xb8;
	[tilespmem:$0xB720] =	vst v63  }
.Ltmp4:
0xc6: {  	_ = 	snop;
	(pc) =	sbr.rel .LBB2_6-.Ltmp4, $4  }
0xc7: {  	s18 =	sadd.s32 $0x55A0, s14;
	s19 =	sadd.s32 $0xF0, s17  }
0xc8: {  	[tilespmem:s18], [sflag:$0x1] =	stream.indirect.gather [spmem:s2], $0x8, s19, s9, $0xb8;
	[tilespmem:$0xB720] =	vst v63  }
0xc9: {  	s14 =	sadd.s32 $0x5820, s14;
	s19 =	sadd.s32 $0x140, s17  }
0xca: {  	[tilespmem:s14], [sflag:$0x1] =	stream.indirect.gather [spmem:s2], $0x8, s19, s9, $0xb8;
	[tilespmem:$0xB720] =	vst v63  }
.LBB2_7:
0xcb: {  	s12 =	simm.s32 $0x0  }
0xcc: {  	v1 =	vmov s12  }
0xcd: {  	v1 =	vshll.u32 v1, $0x3  }
0xce: {  	[bflag:$0x0] =	sbarrier.arrive $0xFFFF;
	v1 =	vor.u32 v0, v1  }
0xcf: {  	[tilespmem:s7], [sflag:$0x3] =	stream.linear.gather [spmem:s16], $0x1400, $0x38;
	[tilespmem:$0xB720] =	vst v63  }
0xd0: {  	_ =	swait.ge [sflag:s8], $0x1400  }
0xd1: {  	[sflag:s8] =	ssyncset.done $0x0  }
0xd2: {  	[sflag:s8] =	ssyncadd.s32 $0xFFFFEC00  }
0xd3: {  	v2 =	vld.idx.msk [tilespmem:v1+s7+$0x0], $0xffff  }
0xd4: {  	v3 =	vor.u32 $0x1, v1;
	_ =	sdelay $0x2  }
0xd5: {  	s12 =	simm.s32 $0x9920  }
0xd6: {  	[tilespmem:s12+$0xFFFFF600] =	vst v2  }
0xd7: {  	v2 =	vld.idx.msk [tilespmem:v3+s7+$0x0], $0xffff  }
0xd8: {  	v3 =	vor.u32 $0x2, v1;
	_ =	sdelay $0x3  }
0xd9: {  	[tilespmem:s12+$0xFFFFF880] =	vst v2  }
0xda: {  	v2 =	vld.idx.msk [tilespmem:v3+s7+$0x0], $0xffff  }
0xdb: {  	v3 =	vor.u32 $0x3, v1;
	_ =	sdelay $0x3  }
0xdc: {  	[tilespmem:s12+$0xFFFFFB00] =	vst v2  }
0xdd: {  	v2 =	vld.idx.msk [tilespmem:v3+s7+$0x0], $0xffff  }
0xde: {  	v3 =	vor.u32 $0x4, v1;
	_ =	sdelay $0x3  }
0xdf: {  	[tilespmem:s12+$0xFFFFFD80] =	vst v2  }
0xe0: {  	v2 =	vld.idx.msk [tilespmem:v3+s7+$0x0], $0xffff  }
0xe1: {  	v3 =	vor.u32 $0x5, v1;
	_ =	sdelay $0x3  }
0xe2: {  	[tilespmem:s12+$0x0] =	vst v2  }
0xe3: {  	v2 =	vld.idx.msk [tilespmem:v3+s7+$0x0], $0xffff  }
0xe4: {  	v3 =	vor.u32 $0x6, v1;
	_ =	sdelay $0x3  }
0xe5: {  	[tilespmem:s12+$0x280] =	vst v2  }
0xe6: {  	v2 =	vld.idx.msk [tilespmem:v3+s7+$0x0], $0xffff  }
0xe7: {  	v1 =	vor.u32 $0x7, v1;
	_ =	sdelay $0x3  }
0xe8: {  	s13 =	simm.s32 $0x10;
	[tilespmem:s12+$0x500] =	vst v2  }
0xe9: {  	v2 =	vmov s13;
	s13 =	simm.s32 $0x20;
	v1 =	vld.idx.msk [tilespmem:v1+s7+$0x0], $0xffff  }
.LBB2_8:
0xea: {  	p0 =	sne.s32 s13, $0x270;
	v2 =	vshll.u32 v2, $0x3  }
0xeb: {  	v2 =	vor.u32 v0, v2;
	_ =	sdelay $0x3  }
0xec: {  	[tilespmem:s12+$0x780] =	vst v1  }
0xed: {  	v1 =	vld.idx.msk [tilespmem:v2+s7+$0x0], $0xffff;
	_ =	sdelay $0x1  }
0xee: {  	v3 =	vor.u32 $0x1, v2;
	_ =	sdelay $0x2  }
0xef: {  	s12 =	sadd.s32 $0x10, s12  }
0xf0: {  	[tilespmem:s12+$0xFFFFF600] =	vst v1  }
0xf1: {  	v1 =	vld.idx.msk [tilespmem:v3+s7+$0x0], $0xffff;
	_ =	sdelay $0x1  }
0xf2: {  	v3 =	vor.u32 $0x2, v2;
	_ =	sdelay $0x3  }
0xf3: {  	[tilespmem:s12+$0xFFFFF880] =	vst v1  }
0xf4: {  	v1 =	vld.idx.msk [tilespmem:v3+s7+$0x0], $0xffff;
	_ =	sdelay $0x1  }
0xf5: {  	v3 =	vor.u32 $0x3, v2;
	_ =	sdelay $0x3  }
0xf6: {  	[tilespmem:s12+$0xFFFFFB00] =	vst v1  }
0xf7: {  	v1 =	vld.idx.msk [tilespmem:v3+s7+$0x0], $0xffff;
	_ =	sdelay $0x1  }
0xf8: {  	v3 =	vor.u32 $0x4, v2;
	_ =	sdelay $0x3  }
0xf9: {  	[tilespmem:s12+$0xFFFFFD80] =	vst v1  }
0xfa: {  	v1 =	vld.idx.msk [tilespmem:v3+s7+$0x0], $0xffff;
	_ =	sdelay $0x1  }
0xfb: {  	v3 =	vor.u32 $0x5, v2;
	_ =	sdelay $0x3  }
0xfc: {  	[tilespmem:s12+$0x0] =	vst v1  }
0xfd: {  	v1 =	vld.idx.msk [tilespmem:v3+s7+$0x0], $0xffff;
	_ =	sdelay $0x1  }
0xfe: {  	v3 =	vor.u32 $0x6, v2;
	_ =	sdelay $0x3  }
0xff: {  	[tilespmem:s12+$0x280] =	vst v1  }
0x100: {  	v1 =	vld.idx.msk [tilespmem:v3+s7+$0x0], $0xffff;
	_ =	sdelay $0x1  }
0x101: {  	v3 =	vor.u32 $0x7, v2  }
.Ltmp5:
0x102: {  	(pc) =	sbr.rel @p0 .LBB2_8-.Ltmp5, $3  }
0x103: {  	_ =	sdelay $0x1  }
0x104: {  	[tilespmem:s12+$0x500] =	vst v1  }
0x105: {  	v2 =	vmov s13;
	s13 =	sadd.s32 $0x10, s13;
	v1 =	vld.idx.msk [tilespmem:v3+s7+$0x0], $0xffff  }
0x106: {  	v2 =	vshll.u32 v2, $0x3  }
0x107: {  	v2 =	vor.u32 v0, v2;
	_ =	sdelay $0x3  }
0x108: {  	[tilespmem:s12+$0x780] =	vst v1  }
0x109: {  	v1 =	vld.idx.msk [tilespmem:v2+s7+$0x0], $0xffff  }
0x10a: {  	v3 =	vor.u32 $0x1, v2;
	_ =	sdelay $0x2  }
0x10b: {  	s15 =	sadd.s32 $0x10, s12  }
0x10c: {  	[tilespmem:s15+$0xFFFFF600] =	vst v1  }
0x10d: {  	v1 =	vld.idx.msk [tilespmem:v3+s7+$0x0], $0xffff  }
0x10e: {  	v3 =	vor.u32 $0x2, v2;
	_ =	sdelay $0x3  }
0x10f: {  	[tilespmem:s15+$0xFFFFF880] =	vst v1  }
0x110: {  	v1 =	vld.idx.msk [tilespmem:v3+s7+$0x0], $0xffff  }
0x111: {  	v3 =	vor.u32 $0x3, v2;
	_ =	sdelay $0x3  }
0x112: {  	[tilespmem:s15+$0xFFFFFB00] =	vst v1  }
0x113: {  	v1 =	vld.idx.msk [tilespmem:v3+s7+$0x0], $0xffff  }
0x114: {  	v3 =	vor.u32 $0x4, v2;
	_ =	sdelay $0x3  }
0x115: {  	[tilespmem:s15+$0xFFFFFD80] =	vst v1  }
0x116: {  	v1 =	vld.idx.msk [tilespmem:v3+s7+$0x0], $0xffff  }
0x117: {  	v3 =	vor.u32 $0x5, v2;
	_ =	sdelay $0x3  }
0x118: {  	[tilespmem:s15+$0x0] =	vst v1  }
0x119: {  	v1 =	vld.idx.msk [tilespmem:v3+s7+$0x0], $0xffff  }
0x11a: {  	v3 =	vor.u32 $0x6, v2;
	_ =	sdelay $0x3  }
0x11b: {  	[tilespmem:s15+$0x280] =	vst v1  }
0x11c: {  	v1 =	vld.idx.msk [tilespmem:v3+s7+$0x0], $0xffff  }
0x11d: {  	v2 =	vor.u32 $0x7, v2;
	_ =	sdelay $0x3  }
0x11e: {  	[tilespmem:s15+$0x500] =	vst v1  }
0x11f: {  	v1 =	vld.idx.msk [tilespmem:v2+s7+$0x0], $0xffff;
	_ =	sdelay $0x4  }
0x120: {  	s17 =	rddreg [dreg:$0xf];
	[tilespmem:s15+$0x780] =	vst v1  }
0x121: {  	[hbm4b:s17+s4] =	stream.linear.scatter [tilespmem:s28], [sflag:$0x1], $0x280, $0x38;
	[tilespmem:$0xB720] =	vst v63  }
0x122: {  	s18 =	rddreg [dreg:$0x10]  }
0x123: {  	[hbm4b:s18+s4] =	stream.linear.scatter [tilespmem:s29], [sflag:$0x1], $0x280, $0x38;
	[tilespmem:$0xB720] =	vst v63  }
0x124: {  	s19 =	rddreg [dreg:$0x11]  }
0x125: {  	[hbm4b:s19+s4] =	stream.linear.scatter [tilespmem:s30], [sflag:$0x1], $0x280, $0x38;
	[tilespmem:$0xB720] =	vst v63  }
0x126: {  	_ = 	snop  }
0x127: {  	[hbm4b:s20+s4] =	stream.linear.scatter [tilespmem:s31], [sflag:$0x1], $0x280, $0x38;
	[tilespmem:$0xB720] =	vst v63  }
0x128: {  	_ = 	snop  }
0x129: {  	[hbm4b:s21+s4] =	stream.linear.scatter [tilespmem:s10], [sflag:$0x1], $0x280, $0x38;
	[tilespmem:$0xB720] =	vst v63  }
0x12a: {  	_ = 	snop  }
0x12b: {  	[hbm4b:s22+s4] =	stream.linear.scatter [tilespmem:s1], [sflag:$0x1], $0x280, $0x38;
	[tilespmem:$0xB720] =	vst v63  }
0x12c: {  	_ = 	snop  }
0x12d: {  	[hbm4b:s23+s4] =	stream.linear.scatter [tilespmem:s0], [sflag:$0x1], $0x280, $0x38;
	[tilespmem:$0xB720] =	vst v63  }
0x12e: {  	_ = 	snop  }
0x12f: {  	[hbm4b:s24+s4] =	stream.linear.scatter [tilespmem:s26], [sflag:$0x1], $0x280, $0x38;
	[tilespmem:$0xB720] =	vst v63  }
0x130: {  	_ =	swait.ge [sflag:s5], $0x280  }
0x131: {  	[sflag:s5] =	ssyncset.done $0x0  }
0x132: {  	[sflag:s5] =	ssyncadd.s32 $0xFFFFFD80  }
0x133: {  	_ =	swait.ge [sflag:s5], $0x280  }
0x134: {  	[sflag:s5] =	ssyncset.done $0x0  }
0x135: {  	[sflag:s5] =	ssyncadd.s32 $0xFFFFFD80  }
0x136: {  	_ =	swait.ge [sflag:s5], $0x280  }
0x137: {  	[sflag:s5] =	ssyncset.done $0x0  }
0x138: {  	[sflag:s5] =	ssyncadd.s32 $0xFFFFFD80  }
0x139: {  	_ =	swait.ge [sflag:s5], $0x280  }
0x13a: {  	[sflag:s5] =	ssyncset.done $0x0  }
0x13b: {  	[sflag:s5] =	ssyncadd.s32 $0xFFFFFD80  }
0x13c: {  	_ =	swait.ge [sflag:s5], $0x280  }
0x13d: {  	[sflag:s5] =	ssyncset.done $0x0  }
0x13e: {  	[sflag:s5] =	ssyncadd.s32 $0xFFFFFD80  }
0x13f: {  	_ =	swait.ge [sflag:s5], $0x280  }
0x140: {  	[sflag:s5] =	ssyncset.done $0x0  }
0x141: {  	s11 =	sadd.s32 $0x1, s11;
	[sflag:s5] =	ssyncadd.s32 $0xFFFFFD80  }
0x142: {  	p0 =	sne.s32 s11, s25;
	_ =	swait.ge [sflag:s5], $0x280  }
.Ltmp6:
0x143: {  	[sflag:s5] =	ssyncset.done $0x0;
	(pc) =	sbr.rel @p0 .LBB2_1-.Ltmp6, $4  }
0x144: {  	[sflag:s5] =	ssyncadd.s32 $0xFFFFFD80  }
0x145: {  	_ =	swait.ge [sflag:s5], $0x280  }
0x146: {  	[sflag:s5] =	ssyncset.done $0x0  }
0x147: {  	[sflag:s5] =	ssyncadd.s32 $0xFFFFFD80  }
0x148: {  	_ =	sfence.sel $0x180000  }
0x149: {  	[bflag:$0x0] =	sbarrier.arrive $0xFFFF  }
0x14a: {  	_ =	strace $0x90000047  }
0x14b: {  	s0 =	stileid.u32;
	[bflag:$0x2] =	sbarrier.arrive $0xFFFF  }
0x14c: {  	p0 =	sne.s32 s0, $0x0;
	s0 =	rddreg [dreg:$0x3]  }
0x14d: {  	s0 =	sadd.s32 @!p0 $0x100000, s0  }
0x14e: {  	[sflag:s0] =	ssyncadd.tile.s32 @!p0 $0x1;
	_ =	shalt  }
.Lfunc_end2:
_tile_overlayer_lowered:
.L_overlay_start_2:
0x14f: {  	(tag) =	ssettag $0x2  }
0x150: {  	s0 =	rddreg [dreg:$0x0];
	s2 =	stileid.u32  }
0x151: {  	s1 =	rddreg [dreg:$0x1];
	p0 =	sne.s32 s2, $0x0  }
0x152: {  	s3 =	rddreg [dreg:$0x2];
	[bflag:$0x3] =	sbarrier.arrive $0xFFFF;
	s2 =	simm.s32 @!p0 $0x1C03  }
0x153: {  	[timem:s3], [sflag:s2] =	dma.local @!p0 [hbm:s0], s1  }
0x154: {  	s0 =	simm.s32 @!p0 $0x3  }
0x155: {  	_ =	swait.ge @!p0 [sflag:s0], s1  }
0x156: {  	s1 =	ssub.s32 @!p0 $0x0, s1;
	[sflag:s0] =	ssyncset.done @!p0 $0x0  }
0x157: {  	[sflag:s0] =	ssyncadd.s32 @!p0 s1  }
0x158: {  	[bflag:$0x3] =	sbarrier.arrive $0xFFFF  }
0x159: {  	_ =	shalt  }

</sc_bundles>
